<compile_context>
chip_gen: v7x
topology: tpu7x:2x2x1
jax: 0.10.2.dev20260603
libtpu: 0.0.44.dev20260713+nightly
codegen_flags: <defaults>
</compile_context>

<pallas_src>
import jax
import jax.numpy as jnp
from jax import lax
from jax.experimental import pallas as pl
from jax.experimental.pallas import tpu as pltpu
from jax.experimental.pallas import tpu_sc as plsc

_N = 20000
_S = 16
_CH = 1280
_PADN = _S * _CH
_V = _CH // 16
_SCORE_THRESH = 0.2
_NMS_THRESH = 0.5
_BIG = float(2.0 ** 30)
_DNUMS = lax.GatherDimensionNumbers(
    offset_dims=(), collapsed_slice_dims=(0,), start_index_map=(0,))


def _permute(v, perm):
    return lax.gather(v, perm[:, None], _DNUMS, slice_sizes=(1,),
                      mode=lax.GatherScatterMode.PROMISE_IN_BOUNDS)


def _bfly_max(lane, best, idx):
    for d in (8, 4, 2, 1):
        perm = lane ^ d
        ob = _permute(best, perm)
        oi = _permute(idx, perm)
        better = ob > best
        tie = ob == best
        idx = jnp.where(better, oi,
                        jnp.where(tie, jnp.minimum(idx, oi), idx))
        best = jnp.maximum(best, ob)
    return best, idx


def _sc_body(x1h, y1h, x2h, y2h, sh, labh, outh,
             rx1, ry1, rx2, ry2, sv, lv,
             ox1, oy1, ox2, oy2, ar, esh, eso,
             stage, red, outv, shared):
    cid = lax.axis_index("c")
    sid = lax.axis_index("s")
    lane = lax.iota(jnp.int32, 16)

    @pl.when(cid == 0)
    def _main():
        base = sid * _CH
        pltpu.sync_copy(x1h.at[pl.ds(base, _CH)], rx1.at[pl.ds(0, _CH)])
        pltpu.sync_copy(y1h.at[pl.ds(base, _CH)], ry1.at[pl.ds(0, _CH)])
        pltpu.sync_copy(x2h.at[pl.ds(base, _CH)], rx2.at[pl.ds(0, _CH)])
        pltpu.sync_copy(y2h.at[pl.ds(base, _CH)], ry2.at[pl.ds(0, _CH)])
        pltpu.sync_copy(sh.at[pl.ds(base, _CH)], sv.at[pl.ds(0, _CH)])
        pltpu.sync_copy(labh.at[pl.ds(base, _CH)], lv.at[pl.ds(0, _CH)])

        def bmax_step(j, mv):
            sl = pl.ds(j * 16, 16)
            c = jnp.maximum(jnp.maximum(rx1[sl], ry1[sl]),
                            jnp.maximum(rx2[sl], ry2[sl]))
            c = jnp.where(sv[sl] >= _SCORE_THRESH, c, -jnp.inf)
            return jnp.maximum(mv, c)

        mv = lax.fori_loop(0, _V, bmax_step,
                           jnp.full((16,), -jnp.inf, jnp.float32),
                           unroll=4)
        lbv, _ = _bfly_max(lane, mv, lane.astype(jnp.float32))
        stage[...] = jnp.where(lane == 0, lbv, 0.0)
        pltpu.sync_copy(stage, shared.at[pl.ds(sid * 16, 16)])
        plsc.subcore_barrier()
        pltpu.sync_copy(shared.at[pl.ds(0, _S * 16)], red)

        def bred_step(j, m):
            rv = red[pl.ds(j * 16, 16)]
            return jnp.maximum(m, rv[0])

        bmax = lax.fori_loop(0, _S, bred_step, jnp.float32(-jnp.inf))
        plsc.subcore_barrier()

        def init_step(j, _):
            sl = pl.ds(j * 16, 16)
            labc = lv[sl]
            sc = sv[sl]
            off = labc * (bmax + 1.0)
            a1 = rx1[sl] + off
            b1 = ry1[sl] + off
            a2 = rx2[sl] + off
            b2 = ry2[sl] + off
            ox1[sl] = a1
            oy1[sl] = b1
            ox2[sl] = a2
            oy2[sl] = b2
            ar[sl] = (a2 - a1) * (b2 - b1)
            valid = sc >= _SCORE_THRESH
            esh[sl] = jnp.where(valid & (labc == 0.0), sc, -1.0)
            eso[sl] = jnp.where(valid & (labc != 0.0), sc, -1.0)
            return 0

        lax.fori_loop(0, _V, init_step, 0, unroll=4)

        def zero_step(j, _):
            outv[pl.ds(j * 16, 16)] = jnp.zeros((16,), jnp.float32)
            return 0

        lax.fori_loop(0, 32, zero_step, 0)

        def put_stage(buf, best, idx):
            mlocv, ilocv = _bfly_max(lane, best, idx)
            ilt = ilocv.astype(jnp.int32)
            li = ilt[0] - base
            valid_loc = (ilt[0] >= base) & (ilt[0] < base + _CH)
            li = jnp.where(valid_loc, li, 0)
            sl = pl.ds(li, 16)
            stage[...] = jnp.where(lane == 0, mlocv,
                         jnp.where(lane == 1, ilocv,
                         jnp.where(lane == 2, ox1[sl][0],
                         jnp.where(lane == 3, oy1[sl][0],
                         jnp.where(lane == 4, ox2[sl][0],
                         jnp.where(lane == 5, oy2[sl][0],
                         jnp.where(lane == 6, ar[sl][0],
                         jnp.where(lane == 7, rx1[sl][0],
                         jnp.where(lane == 8, ry1[sl][0],
                         jnp.where(lane == 9, rx2[sl][0],
                         jnp.where(lane == 10, ry2[sl][0],
                         jnp.where(lane == 11, sv[sl][0],
                                   0.0))))))))))))
            pltpu.sync_copy(
                stage, shared.at[pl.ds(buf * (_S * 16) + sid * 16, 16)])

        def plain_amax(es):
            def amax_step(j, bi):
                best, idx = bi
                v = es[pl.ds(j * 16, 16)]
                gt = v > best
                gidx = (base + j * 16 + lane).astype(jnp.float32)
                return (jnp.where(gt, v, best), jnp.where(gt, gidx, idx))

            return lax.fori_loop(
                0, _V, amax_step,
                (jnp.full((16,), -1.0, jnp.float32),
                 jnp.full((16,), _BIG, jnp.float32)), unroll=4)

        def phase(es, r0):
            best, idx = plain_amax(es)
            put_stage(0, best, idx)
            plsc.subcore_barrier()

            def body(p, r):
                cur = lax.rem(p, 2)
                nxt = lax.rem(p + 1, 2)
                pltpu.sync_copy(
                    shared.at[pl.ds(cur * (_S * 16), _S * 16)], red)

                def wred_step(j, wmi):
                    wm, wi = wmi
                    rv = red[pl.ds(j * 16, 16)]
                    mj = rv[0]
                    ij = rv[1]
                    better = mj > wm
                    tie = mj == wm
                    wi = jnp.where(better, ij,
                                   jnp.where(tie, jnp.minimum(wi, ij), wi))
                    return jnp.maximum(wm, mj), wi

                wm, wif = lax.fori_loop(0, _S, wred_step,
                                        (jnp.float32(-2.0),
                                         jnp.float32(_BIG)))
                wi = wif.astype(jnp.int32)
                ok = wm >= 0.0
                owner = lax.div(wi, jnp.int32(_CH))
                wrow = red[pl.ds(owner * 16, 16)]
                pox1 = jnp.where(ok, wrow[2], 1.0)
                poy1 = jnp.where(ok, wrow[3], 1.0)
                pox2 = jnp.where(ok, wrow[4], 0.0)
                poy2 = jnp.where(ok, wrow[5], 0.0)
                par = jnp.where(ok, wrow[6], 1.0)

                @pl.when(ok & (sid == 0))
                def _emit():
                    row = jnp.where(lane == 0, wrow[7],
                          jnp.where(lane == 1, wrow[8],
                          jnp.where(lane == 2, wrow[9],
                          jnp.where(lane == 3, wrow[10],
                          jnp.where(lane == 4, wrow[11],
                                    0.0)))))
                    outv[pl.ds(r * 16, 16)] = row

                def step(j, bi):
                    best, idx = bi
                    sl = pl.ds(j * 16, 16)
                    xx1 = jnp.maximum(pox1, ox1[sl])
                    yy1 = jnp.maximum(poy1, oy1[sl])
                    xx2 = jnp.minimum(pox2, ox2[sl])
                    yy2 = jnp.minimum(poy2, oy2[sl])
                    w = jnp.maximum(0.0, xx2 - xx1)
                    h = jnp.maximum(0.0, yy2 - yy1)
                    inter = w * h
                    iou = inter / (par + ar[sl] - inter + 1e-9)
                    v = jnp.where(iou > _NMS_THRESH, -1.0, es[sl])
                    es[sl] = v
                    gt = v > best
                    gidx = (base + j * 16 + lane).astype(jnp.float32)
                    return (jnp.where(gt, v, best),
                            jnp.where(gt, gidx, idx))

                best, idx = lax.fori_loop(
                    0, _V, step,
                    (jnp.full((16,), -1.0, jnp.float32),
                     jnp.full((16,), _BIG, jnp.float32)), unroll=4)
                put_stage(nxt, best, idx)
                plsc.subcore_barrier()
                return r + ok.astype(jnp.int32)

            return lax.fori_loop(0, 15, body, r0)

        r = phase(esh, jnp.int32(0))
        phase(eso, r)

        @pl.when(sid == 0)
        def _out():
            pltpu.sync_copy(outv, outh)


def _sc_call(x1, y1, x2, y2, s, lab):
    mesh = plsc.VectorSubcoreMesh(core_axis_name="c", subcore_axis_name="s")
    f = pl.kernel(
        _sc_body,
        out_type=jax.ShapeDtypeStruct((512,), jnp.float32),
        mesh=mesh,
        scratch_types=[
            pltpu.VMEM((_CH + 16,), jnp.float32) for _ in range(13)
        ] + [
            pltpu.VMEM((16,), jnp.float32),
            pltpu.VMEM((_S * 16,), jnp.float32),
            pltpu.VMEM((512,), jnp.float32),
            pltpu.VMEM_SHARED((2 * _S * 16,), jnp.float32),
        ],
    )
    return f(x1, y1, x2, y2, s, lab)


def kernel(boxes, scores, labels):
    pad = _PADN - _N
    x1 = jnp.pad(boxes[:, 0], (0, pad))
    y1 = jnp.pad(boxes[:, 1], (0, pad))
    x2 = jnp.pad(boxes[:, 2], (0, pad))
    y2 = jnp.pad(boxes[:, 3], (0, pad))
    s = jnp.pad(scores, (0, pad), constant_values=-1.0)
    labf = jnp.pad(labels.astype(jnp.float32), (0, pad), constant_values=-1.0)
    res = _sc_call(x1, y1, x2, y2, s, labf)
    return res.reshape(32, 16)[:30, :5]

# --- scband reference (transcript-rebuilt; emitter-appended) ---
"""Pipeline reference for scband-interaction-head-1322849927525 (READ-ONLY COPY).

The authoritative reference and input builder live on the scoring server;
editing this copy changes nothing except your own understanding.
"""

import jax, jax.numpy as jnp
import numpy as np

HUMAN_IDX = 0
SCORE_THRESH = 0.2
NMS_THRESH = 0.5
MAX_HUMAN = 15
MAX_OBJECT = 15
MAX_KEEP = MAX_HUMAN + MAX_OBJECT


def _nms_numpy(boxes, scores, thresh):
    # greedy NMS, boxes already class-offset for batched (class-aware) NMS
    x1 = boxes[:, 0]; y1 = boxes[:, 1]; x2 = boxes[:, 2]; y2 = boxes[:, 3]
    areas = (x2 - x1) * (y2 - y1)
    order = np.argsort(-scores)
    keep = []
    while order.size > 0:
        i = order[0]
        keep.append(i)
        if order.size == 1:
            break
        rest = order[1:]
        xx1 = np.maximum(x1[i], x1[rest]); yy1 = np.maximum(y1[i], y1[rest])
        xx2 = np.minimum(x2[i], x2[rest]); yy2 = np.minimum(y2[i], y2[rest])
        w = np.maximum(0.0, xx2 - xx1); h = np.maximum(0.0, yy2 - yy1)
        inter = w * h
        iou = inter / (areas[i] + areas[rest] - inter + 1e-9)
        order = rest[iou <= thresh]
    return np.asarray(keep, dtype=np.int64)


def _select_pairs(boxes, scores, labels):
    # faithful translation of InteractionHead.preprocess core:
    # score-threshold filter -> batched_nms -> sort by score -> split into
    # human / object pools capped at max_human / max_object.
    N = boxes.shape[0]
    valid = scores >= SCORE_THRESH
    bmax = jnp.max(jnp.where(valid[:, None], boxes, -jnp.inf))
    offsets = labels.astype(jnp.float32) * (bmax + 1.0)
    ord_ = jnp.argsort(-scores)
    ob = boxes[ord_] + offsets[ord_][:, None]
    x1 = ob[:, 0]; y1 = ob[:, 1]; x2 = ob[:, 2]; y2 = ob[:, 3]
    areas = (x2 - x1) * (y2 - y1)
    idx = jnp.arange(N)
    supp0 = jnp.logical_not(valid[ord_])

    def body(i, supp):
        active = jnp.logical_not(supp[i])
        xx1 = jnp.maximum(x1[i], x1); yy1 = jnp.maximum(y1[i], y1)
        xx2 = jnp.minimum(x2[i], x2); yy2 = jnp.minimum(y2[i], y2)
        w = jnp.maximum(0.0, xx2 - xx1); h = jnp.maximum(0.0, yy2 - yy1)
        inter = w * h
        iou = inter / (areas[i] + areas - inter + 1e-9)
        return supp | (active & (iou > NMS_THRESH) & (idx > i))

    supp = jax.lax.fori_loop(0, N, body, supp0)
    kept = jnp.logical_not(supp)
    lk = labels[ord_]
    human = kept & (lk == HUMAN_IDX)
    obj = kept & (lk != HUMAN_IDX)
    rank_h = jnp.cumsum(human) - 1
    rank_o = jnp.cumsum(obj) - 1
    valid_h = human & (rank_h < MAX_HUMAN)
    valid_o = obj & (rank_o < MAX_OBJECT)
    n_h = jnp.sum(valid_h)
    n_o = jnp.sum(valid_o)
    pos_h = jnp.where(valid_h, rank_h, MAX_KEEP)
    pos_o = jnp.where(valid_o, n_h + rank_o, MAX_KEEP)
    sel_pad = jnp.zeros(MAX_KEEP, dtype=ord_.dtype)
    sel_pad = sel_pad.at[pos_h].set(ord_, mode="drop")
    sel_pad = sel_pad.at[pos_o].set(ord_, mode="drop")
    n = n_h + n_o
    mask = (jnp.arange(MAX_KEEP) < n).astype(jnp.float32)
    return sel_pad, mask


def setup_inputs(seed: int = 0):
    key = jax.random.key(seed)
    k1, k2, k3, k4 = jax.random.split(key, 4)
    N = 20000
    xy = jax.random.uniform(k1, (N, 2), dtype=jnp.float32) * 800.0
    wh = jax.random.uniform(k2, (N, 2), dtype=jnp.float32) * 200.0 + 1.0
    boxes = jnp.concatenate([xy, xy + wh], axis=1)
    scores = jax.random.uniform(k3, (N,), dtype=jnp.float32)
    labels = jax.random.randint(k4, (N,), 0, 80, dtype=jnp.int32)
    return {"boxes": boxes, "scores": scores, "labels": labels}


def reference(boxes, scores, labels):
    sel, mask = _select_pairs(boxes, scores, labels)
    sel = jnp.asarray(sel)
    mask = jnp.asarray(mask)
    out_boxes = jnp.take(boxes, sel, axis=0)
    out_scores = jnp.take(scores, sel, axis=0)
    # fixed-size padded output: [MAX_KEEP, 5] = (x1, y1, x2, y2, score), padded rows zeroed
    out = jnp.concatenate([out_boxes, out_scores[:, None]], axis=1) * mask[:, None]
    return out

if __name__ == "__main__":
    import jax
    _d = setup_inputs()
    print(jax.jit(kernel)(*tuple(_d.values())))

</pallas_src>

<mosaic_0001>
#map = affine_map<(d0, d1) -> (0)>
module attributes {stable_mosaic.version = 14 : i64} {
  func.func @_sc_body(%arg0: i32, %arg1: i32, %arg2: memref<20480xf32, #tpu.memory_space<hbm>>, %arg3: memref<20480xf32, #tpu.memory_space<hbm>>, %arg4: memref<20480xf32, #tpu.memory_space<hbm>>, %arg5: memref<20480xf32, #tpu.memory_space<hbm>>, %arg6: memref<20480xf32, #tpu.memory_space<hbm>>, %arg7: memref<20480xf32, #tpu.memory_space<hbm>>, %arg8: memref<512xf32, #tpu.memory_space<hbm>>, %arg9: memref<1296xf32, #tpu.memory_space<vmem>>, %arg10: memref<1296xf32, #tpu.memory_space<vmem>>, %arg11: memref<1296xf32, #tpu.memory_space<vmem>>, %arg12: memref<1296xf32, #tpu.memory_space<vmem>>, %arg13: memref<1296xf32, #tpu.memory_space<vmem>>, %arg14: memref<1296xf32, #tpu.memory_space<vmem>>, %arg15: memref<1296xf32, #tpu.memory_space<vmem>>, %arg16: memref<1296xf32, #tpu.memory_space<vmem>>, %arg17: memref<1296xf32, #tpu.memory_space<vmem>>, %arg18: memref<1296xf32, #tpu.memory_space<vmem>>, %arg19: memref<1296xf32, #tpu.memory_space<vmem>>, %arg20: memref<1296xf32, #tpu.memory_space<vmem>>, %arg21: memref<1296xf32, #tpu.memory_space<vmem>>, %arg22: memref<16xf32, #tpu.memory_space<vmem>>, %arg23: memref<256xf32, #tpu.memory_space<vmem>>, %arg24: memref<512xf32, #tpu.memory_space<vmem>>, %arg25: memref<512xf32, #tpu.memory_space<vmem_shared>>) attributes {dimension_semantics = [#tpu.dimension_semantics<core_parallel>, #tpu.dimension_semantics<subcore_parallel>], iteration_bounds = array<i64: 2, 16>, scalar_prefetch = 0 : i64, scratch_operands = 17 : i64, tpu.core_type = #tpu.core_type<sc_vector_subcore>, window_params = [{transform_indices = #map}, {transform_indices = #map}, {transform_indices = #map}, {transform_indices = #map}, {transform_indices = #map}, {transform_indices = #map}, {transform_indices = #map}]} {
    %iota3A = tpu.iota {dimensions = array<i32: 0>} : vector<16xi32>
    %eq3A = arith.constant 0 : i32
    %eq3A_0 = arith.cmpi eq, %arg0, %eq3A : i32
    %convert_element_type3A = arith.extui %eq3A_0 : i1 to i32
    %cond3A = arith.constant 0 : i32
    %cond3A_1 = arith.cmpi ne, %convert_element_type3A, %cond3A : i32
    scf.if %cond3A_1 {
      %mul3A = arith.constant 1280 : i32
      %mul3A_2 = arith.muli %arg1, %mul3A : i32
      "tpu.region"() ({
        %run_scoped3A = tpu.sem_alloc : memref<!tpu.dma_semaphore, #tpu.memory_space<semaphore_mem>>
        %dma_start3A = arith.constant 0 : i32
        %dma_start3A_514 = tpu.memref_slice %arg9[%dma_start3A] : memref<1296xf32, #tpu.memory_space<vmem>> -> memref<1280xf32, #tpu.memory_space<vmem>>
        %dma_start3A_515 = tpu.memref_slice %arg2[%mul3A_2] : memref<20480xf32, #tpu.memory_space<hbm>> -> memref<1280xf32, #tpu.memory_space<hbm>>
        %dma_start3A_516 = arith.constant 0 : i32
        %dma_start3A_517 = tpu.memref_slice %arg9[%dma_start3A_516] : memref<1296xf32, #tpu.memory_space<vmem>> -> memref<1280xf32, #tpu.memory_space<vmem>>
        %dma_start3A_518 = tpu.memref_slice %arg2[%mul3A_2] : memref<20480xf32, #tpu.memory_space<hbm>> -> memref<1280xf32, #tpu.memory_space<hbm>>
        tpu.enqueue_dma source(%dma_start3A_518 : memref<1280xf32, #tpu.memory_space<hbm>>) target(%dma_start3A_517 : memref<1280xf32, #tpu.memory_space<vmem>>) target_semaphore(%run_scoped3A : memref<!tpu.dma_semaphore, #tpu.memory_space<semaphore_mem>>)
        %dma_wait3A = arith.constant 0 : i32
        %dma_wait3A_519 = tpu.memref_slice %arg9[%dma_wait3A] : memref<1296xf32, #tpu.memory_space<vmem>> -> memref<1280xf32, #tpu.memory_space<vmem>>
        %dma_wait3A_520 = tpu.memref_slice %arg2[%mul3A_2] : memref<20480xf32, #tpu.memory_space<hbm>> -> memref<1280xf32, #tpu.memory_space<hbm>>
        %dma_wait3A_521 = arith.constant 0 : i32
        %dma_wait3A_522 = tpu.memref_slice %arg9[%dma_wait3A_521] : memref<1296xf32, #tpu.memory_space<vmem>> -> memref<1280xf32, #tpu.memory_space<vmem>>
        %dma_wait3A_523 = tpu.memref_slice %arg2[%mul3A_2] : memref<20480xf32, #tpu.memory_space<hbm>> -> memref<1280xf32, #tpu.memory_space<hbm>>
        tpu.wait_dma2 semaphore(%run_scoped3A : memref<!tpu.dma_semaphore, #tpu.memory_space<semaphore_mem>>) src(%dma_wait3A_523 : memref<1280xf32, #tpu.memory_space<hbm>>) dst(%dma_wait3A_522 : memref<1280xf32, #tpu.memory_space<vmem>>)
        tpu.yield
      }) : () -> ()
      "tpu.region"() ({
        %run_scoped3A = tpu.sem_alloc : memref<!tpu.dma_semaphore, #tpu.memory_space<semaphore_mem>>
        %dma_start3A = arith.constant 0 : i32
        %dma_start3A_514 = tpu.memref_slice %arg10[%dma_start3A] : memref<1296xf32, #tpu.memory_space<vmem>> -> memref<1280xf32, #tpu.memory_space<vmem>>
        %dma_start3A_515 = tpu.memref_slice %arg3[%mul3A_2] : memref<20480xf32, #tpu.memory_space<hbm>> -> memref<1280xf32, #tpu.memory_space<hbm>>
        %dma_start3A_516 = arith.constant 0 : i32
        %dma_start3A_517 = tpu.memref_slice %arg10[%dma_start3A_516] : memref<1296xf32, #tpu.memory_space<vmem>> -> memref<1280xf32, #tpu.memory_space<vmem>>
        %dma_start3A_518 = tpu.memref_slice %arg3[%mul3A_2] : memref<20480xf32, #tpu.memory_space<hbm>> -> memref<1280xf32, #tpu.memory_space<hbm>>
        tpu.enqueue_dma source(%dma_start3A_518 : memref<1280xf32, #tpu.memory_space<hbm>>) target(%dma_start3A_517 : memref<1280xf32, #tpu.memory_space<vmem>>) target_semaphore(%run_scoped3A : memref<!tpu.dma_semaphore, #tpu.memory_space<semaphore_mem>>)
        %dma_wait3A = arith.constant 0 : i32
        %dma_wait3A_519 = tpu.memref_slice %arg10[%dma_wait3A] : memref<1296xf32, #tpu.memory_space<vmem>> -> memref<1280xf32, #tpu.memory_space<vmem>>
        %dma_wait3A_520 = tpu.memref_slice %arg3[%mul3A_2] : memref<20480xf32, #tpu.memory_space<hbm>> -> memref<1280xf32, #tpu.memory_space<hbm>>
        %dma_wait3A_521 = arith.constant 0 : i32
        %dma_wait3A_522 = tpu.memref_slice %arg10[%dma_wait3A_521] : memref<1296xf32, #tpu.memory_space<vmem>> -> memref<1280xf32, #tpu.memory_space<vmem>>
        %dma_wait3A_523 = tpu.memref_slice %arg3[%mul3A_2] : memref<20480xf32, #tpu.memory_space<hbm>> -> memref<1280xf32, #tpu.memory_space<hbm>>
        tpu.wait_dma2 semaphore(%run_scoped3A : memref<!tpu.dma_semaphore, #tpu.memory_space<semaphore_mem>>) src(%dma_wait3A_523 : memref<1280xf32, #tpu.memory_space<hbm>>) dst(%dma_wait3A_522 : memref<1280xf32, #tpu.memory_space<vmem>>)
        tpu.yield
      }) : () -> ()
      "tpu.region"() ({
        %run_scoped3A = tpu.sem_alloc : memref<!tpu.dma_semaphore, #tpu.memory_space<semaphore_mem>>
        %dma_start3A = arith.constant 0 : i32
        %dma_start3A_514 = tpu.memref_slice %arg11[%dma_start3A] : memref<1296xf32, #tpu.memory_space<vmem>> -> memref<1280xf32, #tpu.memory_space<vmem>>
        %dma_start3A_515 = tpu.memref_slice %arg4[%mul3A_2] : memref<20480xf32, #tpu.memory_space<hbm>> -> memref<1280xf32, #tpu.memory_space<hbm>>
        %dma_start3A_516 = arith.constant 0 : i32
        %dma_start3A_517 = tpu.memref_slice %arg11[%dma_start3A_516] : memref<1296xf32, #tpu.memory_space<vmem>> -> memref<1280xf32, #tpu.memory_space<vmem>>
        %dma_start3A_518 = tpu.memref_slice %arg4[%mul3A_2] : memref<20480xf32, #tpu.memory_space<hbm>> -> memref<1280xf32, #tpu.memory_space<hbm>>
        tpu.enqueue_dma source(%dma_start3A_518 : memref<1280xf32, #tpu.memory_space<hbm>>) target(%dma_start3A_517 : memref<1280xf32, #tpu.memory_space<vmem>>) target_semaphore(%run_scoped3A : memref<!tpu.dma_semaphore, #tpu.memory_space<semaphore_mem>>)
        %dma_wait3A = arith.constant 0 : i32
        %dma_wait3A_519 = tpu.memref_slice %arg11[%dma_wait3A] : memref<1296xf32, #tpu.memory_space<vmem>> -> memref<1280xf32, #tpu.memory_space<vmem>>
        %dma_wait3A_520 = tpu.memref_slice %arg4[%mul3A_2] : memref<20480xf32, #tpu.memory_space<hbm>> -> memref<1280xf32, #tpu.memory_space<hbm>>
        %dma_wait3A_521 = arith.constant 0 : i32
        %dma_wait3A_522 = tpu.memref_slice %arg11[%dma_wait3A_521] : memref<1296xf32, #tpu.memory_space<vmem>> -> memref<1280xf32, #tpu.memory_space<vmem>>
        %dma_wait3A_523 = tpu.memref_slice %arg4[%mul3A_2] : memref<20480xf32, #tpu.memory_space<hbm>> -> memref<1280xf32, #tpu.memory_space<hbm>>
        tpu.wait_dma2 semaphore(%run_scoped3A : memref<!tpu.dma_semaphore, #tpu.memory_space<semaphore_mem>>) src(%dma_wait3A_523 : memref<1280xf32, #tpu.memory_space<hbm>>) dst(%dma_wait3A_522 : memref<1280xf32, #tpu.memory_space<vmem>>)
        tpu.yield
      }) : () -> ()
      "tpu.region"() ({
        %run_scoped3A = tpu.sem_alloc : memref<!tpu.dma_semaphore, #tpu.memory_space<semaphore_mem>>
        %dma_start3A = arith.constant 0 : i32
        %dma_start3A_514 = tpu.memref_slice %arg12[%dma_start3A] : memref<1296xf32, #tpu.memory_space<vmem>> -> memref<1280xf32, #tpu.memory_space<vmem>>
        %dma_start3A_515 = tpu.memref_slice %arg5[%mul3A_2] : memref<20480xf32, #tpu.memory_space<hbm>> -> memref<1280xf32, #tpu.memory_space<hbm>>
        %dma_start3A_516 = arith.constant 0 : i32
        %dma_start3A_517 = tpu.memref_slice %arg12[%dma_start3A_516] : memref<1296xf32, #tpu.memory_space<vmem>> -> memref<1280xf32, #tpu.memory_space<vmem>>
        %dma_start3A_518 = tpu.memref_slice %arg5[%mul3A_2] : memref<20480xf32, #tpu.memory_space<hbm>> -> memref<1280xf32, #tpu.memory_space<hbm>>
        tpu.enqueue_dma source(%dma_start3A_518 : memref<1280xf32, #tpu.memory_space<hbm>>) target(%dma_start3A_517 : memref<1280xf32, #tpu.memory_space<vmem>>) target_semaphore(%run_scoped3A : memref<!tpu.dma_semaphore, #tpu.memory_space<semaphore_mem>>)
        %dma_wait3A = arith.constant 0 : i32
        %dma_wait3A_519 = tpu.memref_slice %arg12[%dma_wait3A] : memref<1296xf32, #tpu.memory_space<vmem>> -> memref<1280xf32, #tpu.memory_space<vmem>>
        %dma_wait3A_520 = tpu.memref_slice %arg5[%mul3A_2] : memref<20480xf32, #tpu.memory_space<hbm>> -> memref<1280xf32, #tpu.memory_space<hbm>>
        %dma_wait3A_521 = arith.constant 0 : i32
        %dma_wait3A_522 = tpu.memref_slice %arg12[%dma_wait3A_521] : memref<1296xf32, #tpu.memory_space<vmem>> -> memref<1280xf32, #tpu.memory_space<vmem>>
        %dma_wait3A_523 = tpu.memref_slice %arg5[%mul3A_2] : memref<20480xf32, #tpu.memory_space<hbm>> -> memref<1280xf32, #tpu.memory_space<hbm>>
        tpu.wait_dma2 semaphore(%run_scoped3A : memref<!tpu.dma_semaphore, #tpu.memory_space<semaphore_mem>>) src(%dma_wait3A_523 : memref<1280xf32, #tpu.memory_space<hbm>>) dst(%dma_wait3A_522 : memref<1280xf32, #tpu.memory_space<vmem>>)
        tpu.yield
      }) : () -> ()
      "tpu.region"() ({
        %run_scoped3A = tpu.sem_alloc : memref<!tpu.dma_semaphore, #tpu.memory_space<semaphore_mem>>
        %dma_start3A = arith.constant 0 : i32
        %dma_start3A_514 = tpu.memref_slice %arg13[%dma_start3A] : memref<1296xf32, #tpu.memory_space<vmem>> -> memref<1280xf32, #tpu.memory_space<vmem>>
        %dma_start3A_515 = tpu.memref_slice %arg6[%mul3A_2] : memref<20480xf32, #tpu.memory_space<hbm>> -> memref<1280xf32, #tpu.memory_space<hbm>>
        %dma_start3A_516 = arith.constant 0 : i32
        %dma_start3A_517 = tpu.memref_slice %arg13[%dma_start3A_516] : memref<1296xf32, #tpu.memory_space<vmem>> -> memref<1280xf32, #tpu.memory_space<vmem>>
        %dma_start3A_518 = tpu.memref_slice %arg6[%mul3A_2] : memref<20480xf32, #tpu.memory_space<hbm>> -> memref<1280xf32, #tpu.memory_space<hbm>>
        tpu.enqueue_dma source(%dma_start3A_518 : memref<1280xf32, #tpu.memory_space<hbm>>) target(%dma_start3A_517 : memref<1280xf32, #tpu.memory_space<vmem>>) target_semaphore(%run_scoped3A : memref<!tpu.dma_semaphore, #tpu.memory_space<semaphore_mem>>)
        %dma_wait3A = arith.constant 0 : i32
        %dma_wait3A_519 = tpu.memref_slice %arg13[%dma_wait3A] : memref<1296xf32, #tpu.memory_space<vmem>> -> memref<1280xf32, #tpu.memory_space<vmem>>
        %dma_wait3A_520 = tpu.memref_slice %arg6[%mul3A_2] : memref<20480xf32, #tpu.memory_space<hbm>> -> memref<1280xf32, #tpu.memory_space<hbm>>
        %dma_wait3A_521 = arith.constant 0 : i32
        %dma_wait3A_522 = tpu.memref_slice %arg13[%dma_wait3A_521] : memref<1296xf32, #tpu.memory_space<vmem>> -> memref<1280xf32, #tpu.memory_space<vmem>>
        %dma_wait3A_523 = tpu.memref_slice %arg6[%mul3A_2] : memref<20480xf32, #tpu.memory_space<hbm>> -> memref<1280xf32, #tpu.memory_space<hbm>>
        tpu.wait_dma2 semaphore(%run_scoped3A : memref<!tpu.dma_semaphore, #tpu.memory_space<semaphore_mem>>) src(%dma_wait3A_523 : memref<1280xf32, #tpu.memory_space<hbm>>) dst(%dma_wait3A_522 : memref<1280xf32, #tpu.memory_space<vmem>>)
        tpu.yield
      }) : () -> ()
      "tpu.region"() ({
        %run_scoped3A = tpu.sem_alloc : memref<!tpu.dma_semaphore, #tpu.memory_space<semaphore_mem>>
        %dma_start3A = arith.constant 0 : i32
        %dma_start3A_514 = tpu.memref_slice %arg14[%dma_start3A] : memref<1296xf32, #tpu.memory_space<vmem>> -> memref<1280xf32, #tpu.memory_space<vmem>>
        %dma_start3A_515 = tpu.memref_slice %arg7[%mul3A_2] : memref<20480xf32, #tpu.memory_space<hbm>> -> memref<1280xf32, #tpu.memory_space<hbm>>
        %dma_start3A_516 = arith.constant 0 : i32
        %dma_start3A_517 = tpu.memref_slice %arg14[%dma_start3A_516] : memref<1296xf32, #tpu.memory_space<vmem>> -> memref<1280xf32, #tpu.memory_space<vmem>>
        %dma_start3A_518 = tpu.memref_slice %arg7[%mul3A_2] : memref<20480xf32, #tpu.memory_space<hbm>> -> memref<1280xf32, #tpu.memory_space<hbm>>
        tpu.enqueue_dma source(%dma_start3A_518 : memref<1280xf32, #tpu.memory_space<hbm>>) target(%dma_start3A_517 : memref<1280xf32, #tpu.memory_space<vmem>>) target_semaphore(%run_scoped3A : memref<!tpu.dma_semaphore, #tpu.memory_space<semaphore_mem>>)
        %dma_wait3A = arith.constant 0 : i32
        %dma_wait3A_519 = tpu.memref_slice %arg14[%dma_wait3A] : memref<1296xf32, #tpu.memory_space<vmem>> -> memref<1280xf32, #tpu.memory_space<vmem>>
        %dma_wait3A_520 = tpu.memref_slice %arg7[%mul3A_2] : memref<20480xf32, #tpu.memory_space<hbm>> -> memref<1280xf32, #tpu.memory_space<hbm>>
        %dma_wait3A_521 = arith.constant 0 : i32
        %dma_wait3A_522 = tpu.memref_slice %arg14[%dma_wait3A_521] : memref<1296xf32, #tpu.memory_space<vmem>> -> memref<1280xf32, #tpu.memory_space<vmem>>
        %dma_wait3A_523 = tpu.memref_slice %arg7[%mul3A_2] : memref<20480xf32, #tpu.memory_space<hbm>> -> memref<1280xf32, #tpu.memory_space<hbm>>
        tpu.wait_dma2 semaphore(%run_scoped3A : memref<!tpu.dma_semaphore, #tpu.memory_space<semaphore_mem>>) src(%dma_wait3A_523 : memref<1280xf32, #tpu.memory_space<hbm>>) dst(%dma_wait3A_522 : memref<1280xf32, #tpu.memory_space<vmem>>)
        tpu.yield
      }) : () -> ()
      %broadcast_in_dim3A = arith.constant 0xFF800000 : f32
      %broadcast_in_dim3A_3 = vector.broadcast %broadcast_in_dim3A : f32 to vector<16xf32>
      %scan3A = arith.constant 0 : i32
      %scan3A_4 = arith.constant 80 : i32
      %scan3A_5 = arith.addi %scan3A, %scan3A_4 : i32
      %scan3A_6 = arith.constant 4 : i32
      %scan3A_7 = scf.for %scan3A_514 = %scan3A to %scan3A_5 step %scan3A_6 iter_args(%scan3A_515 = %broadcast_in_dim3A_3) -> (vector<16xf32>)  : i32 {
        %mul3A_516 = arith.constant 16 : i32
        %mul3A_517 = arith.muli %scan3A_514, %mul3A_516 : i32
        %get3A_518 = arith.index_cast %mul3A_517 : i32 to index
        %get3A_519 = tpu.vector_load %arg9[%get3A_518] {strides = array<i32>} : memref<1296xf32, #tpu.memory_space<vmem>>, vector<16xf32>,
        %get3A_520 = vector.shape_cast %get3A_519 : vector<16xf32> to vector<16xf32>
        %get3A_521 = arith.index_cast %mul3A_517 : i32 to index
        %get3A_522 = tpu.vector_load %arg10[%get3A_521] {strides = array<i32>} : memref<1296xf32, #tpu.memory_space<vmem>>, vector<16xf32>,
        %get3A_523 = vector.shape_cast %get3A_522 : vector<16xf32> to vector<16xf32>
        %max3A_524 = arith.maximumf %get3A_520, %get3A_523 : vector<16xf32>
        %get3A_525 = arith.index_cast %mul3A_517 : i32 to index
        %get3A_526 = tpu.vector_load %arg11[%get3A_525] {strides = array<i32>} : memref<1296xf32, #tpu.memory_space<vmem>>, vector<16xf32>,
        %get3A_527 = vector.shape_cast %get3A_526 : vector<16xf32> to vector<16xf32>
        %get3A_528 = arith.index_cast %mul3A_517 : i32 to index
        %get3A_529 = tpu.vector_load %arg12[%get3A_528] {strides = array<i32>} : memref<1296xf32, #tpu.memory_space<vmem>>, vector<16xf32>,
        %get3A_530 = vector.shape_cast %get3A_529 : vector<16xf32> to vector<16xf32>
        %max3A_531 = arith.maximumf %get3A_527, %get3A_530 : vector<16xf32>
        %max3A_532 = arith.maximumf %max3A_524, %max3A_531 : vector<16xf32>
        %get3A_533 = arith.index_cast %mul3A_517 : i32 to index
        %get3A_534 = tpu.vector_load %arg13[%get3A_533] {strides = array<i32>} : memref<1296xf32, #tpu.memory_space<vmem>>, vector<16xf32>,
        %get3A_535 = vector.shape_cast %get3A_534 : vector<16xf32> to vector<16xf32>
        %ge3A_536 = arith.constant 2.000000e-01 : f32
        %ge3A_537 = vector.broadcast %ge3A_536 : f32 to vector<16xf32>
        %ge3A_538 = arith.cmpf oge, %get3A_535, %ge3A_537 : vector<16xf32>
        %jit3A_539 = arith.constant 0xFF800000 : f32
        %broadcast_in_dim3A_540 = vector.broadcast %jit3A_539 : f32 to vector<16xf32>
        %select_n3A_541 = arith.select %ge3A_538, %max3A_532, %broadcast_in_dim3A_540 : vector<16xi1>, vector<16xf32>
        %max3A_542 = arith.maximumf %scan3A_515, %select_n3A_541 : vector<16xf32>
        %scan3A_543 = arith.constant 1 : i32
        %scan3A_544 = arith.addi %scan3A_514, %scan3A_543 : i32
        %mul3A_545 = arith.constant 16 : i32
        %mul3A_546 = arith.muli %scan3A_544, %mul3A_545 : i32
        %get3A_547 = arith.index_cast %mul3A_546 : i32 to index
        %get3A_548 = tpu.vector_load %arg9[%get3A_547] {strides = array<i32>} : memref<1296xf32, #tpu.memory_space<vmem>>, vector<16xf32>,
        %get3A_549 = vector.shape_cast %get3A_548 : vector<16xf32> to vector<16xf32>
        %get3A_550 = arith.index_cast %mul3A_546 : i32 to index
        %get3A_551 = tpu.vector_load %arg10[%get3A_550] {strides = array<i32>} : memref<1296xf32, #tpu.memory_space<vmem>>, vector<16xf32>,
        %get3A_552 = vector.shape_cast %get3A_551 : vector<16xf32> to vector<16xf32>
        %max3A_553 = arith.maximumf %get3A_549, %get3A_552 : vector<16xf32>
        %get3A_554 = arith.index_cast %mul3A_546 : i32 to index
        %get3A_555 = tpu.vector_load %arg11[%get3A_554] {strides = array<i32>} : memref<1296xf32, #tpu.memory_space<vmem>>, vector<16xf32>,
        %get3A_556 = vector.shape_cast %get3A_555 : vector<16xf32> to vector<16xf32>
        %get3A_557 = arith.index_cast %mul3A_546 : i32 to index
        %get3A_558 = tpu.vector_load %arg12[%get3A_557] {strides = array<i32>} : memref<1296xf32, #tpu.memory_space<vmem>>, vector<16xf32>,
        %get3A_559 = vector.shape_cast %get3A_558 : vector<16xf32> to vector<16xf32>
        %max3A_560 = arith.maximumf %get3A_556, %get3A_559 : vector<16xf32>
        %max3A_561 = arith.maximumf %max3A_553, %max3A_560 : vector<16xf32>
        %get3A_562 = arith.index_cast %mul3A_546 : i32 to index
        %get3A_563 = tpu.vector_load %arg13[%get3A_562] {strides = array<i32>} : memref<1296xf32, #tpu.memory_space<vmem>>, vector<16xf32>,
        %get3A_564 = vector.shape_cast %get3A_563 : vector<16xf32> to vector<16xf32>
        %ge3A_565 = arith.constant 2.000000e-01 : f32
        %ge3A_566 = vector.broadcast %ge3A_565 : f32 to vector<16xf32>
        %ge3A_567 = arith.cmpf oge, %get3A_564, %ge3A_566 : vector<16xf32>
        %jit3A_568 = arith.constant 0xFF800000 : f32
        %broadcast_in_dim3A_569 = vector.broadcast %jit3A_568 : f32 to vector<16xf32>
        %select_n3A_570 = arith.select %ge3A_567, %max3A_561, %broadcast_in_dim3A_569 : vector<16xi1>, vector<16xf32>
        %max3A_571 = arith.maximumf %max3A_542, %select_n3A_570 : vector<16xf32>
        %scan3A_572 = arith.constant 2 : i32
        %scan3A_573 = arith.addi %scan3A_514, %scan3A_572 : i32
        %mul3A_574 = arith.constant 16 : i32
        %mul3A_575 = arith.muli %scan3A_573, %mul3A_574 : i32
        %get3A_576 = arith.index_cast %mul3A_575 : i32 to index
        %get3A_577 = tpu.vector_load %arg9[%get3A_576] {strides = array<i32>} : memref<1296xf32, #tpu.memory_space<vmem>>, vector<16xf32>,
        %get3A_578 = vector.shape_cast %get3A_577 : vector<16xf32> to vector<16xf32>
        %get3A_579 = arith.index_cast %mul3A_575 : i32 to index
        %get3A_580 = tpu.vector_load %arg10[%get3A_579] {strides = array<i32>} : memref<1296xf32, #tpu.memory_space<vmem>>, vector<16xf32>,
        %get3A_581 = vector.shape_cast %get3A_580 : vector<16xf32> to vector<16xf32>
        %max3A_582 = arith.maximumf %get3A_578, %get3A_581 : vector<16xf32>
        %get3A_583 = arith.index_cast %mul3A_575 : i32 to index
        %get3A_584 = tpu.vector_load %arg11[%get3A_583] {strides = array<i32>} : memref<1296xf32, #tpu.memory_space<vmem>>, vector<16xf32>,
        %get3A_585 = vector.shape_cast %get3A_584 : vector<16xf32> to vector<16xf32>
        %get3A_586 = arith.index_cast %mul3A_575 : i32 to index
        %get3A_587 = tpu.vector_load %arg12[%get3A_586] {strides = array<i32>} : memref<1296xf32, #tpu.memory_space<vmem>>, vector<16xf32>,
        %get3A_588 = vector.shape_cast %get3A_587 : vector<16xf32> to vector<16xf32>
        %max3A_589 = arith.maximumf %get3A_585, %get3A_588 : vector<16xf32>
        %max3A_590 = arith.maximumf %max3A_582, %max3A_589 : vector<16xf32>
        %get3A_591 = arith.index_cast %mul3A_575 : i32 to index
        %get3A_592 = tpu.vector_load %arg13[%get3A_591] {strides = array<i32>} : memref<1296xf32, #tpu.memory_space<vmem>>, vector<16xf32>,
        %get3A_593 = vector.shape_cast %get3A_592 : vector<16xf32> to vector<16xf32>
        %ge3A_594 = arith.constant 2.000000e-01 : f32
        %ge3A_595 = vector.broadcast %ge3A_594 : f32 to vector<16xf32>
        %ge3A_596 = arith.cmpf oge, %get3A_593, %ge3A_595 : vector<16xf32>
        %jit3A_597 = arith.constant 0xFF800000 : f32
        %broadcast_in_dim3A_598 = vector.broadcast %jit3A_597 : f32 to vector<16xf32>
        %select_n3A_599 = arith.select %ge3A_596, %max3A_590, %broadcast_in_dim3A_598 : vector<16xi1>, vector<16xf32>
        %max3A_600 = arith.maximumf %max3A_571, %select_n3A_599 : vector<16xf32>
        %scan3A_601 = arith.constant 3 : i32
        %scan3A_602 = arith.addi %scan3A_514, %scan3A_601 : i32
        %mul3A_603 = arith.constant 16 : i32
        %mul3A_604 = arith.muli %scan3A_602, %mul3A_603 : i32
        %get3A_605 = arith.index_cast %mul3A_604 : i32 to index
        %get3A_606 = tpu.vector_load %arg9[%get3A_605] {strides = array<i32>} : memref<1296xf32, #tpu.memory_space<vmem>>, vector<16xf32>,
        %get3A_607 = vector.shape_cast %get3A_606 : vector<16xf32> to vector<16xf32>
        %get3A_608 = arith.index_cast %mul3A_604 : i32 to index
        %get3A_609 = tpu.vector_load %arg10[%get3A_608] {strides = array<i32>} : memref<1296xf32, #tpu.memory_space<vmem>>, vector<16xf32>,
        %get3A_610 = vector.shape_cast %get3A_609 : vector<16xf32> to vector<16xf32>
        %max3A_611 = arith.maximumf %get3A_607, %get3A_610 : vector<16xf32>
        %get3A_612 = arith.index_cast %mul3A_604 : i32 to index
        %get3A_613 = tpu.vector_load %arg11[%get3A_612] {strides = array<i32>} : memref<1296xf32, #tpu.memory_space<vmem>>, vector<16xf32>,
        %get3A_614 = vector.shape_cast %get3A_613 : vector<16xf32> to vector<16xf32>
        %get3A_615 = arith.index_cast %mul3A_604 : i32 to index
        %get3A_616 = tpu.vector_load %arg12[%get3A_615] {strides = array<i32>} : memref<1296xf32, #tpu.memory_space<vmem>>, vector<16xf32>,
        %get3A_617 = vector.shape_cast %get3A_616 : vector<16xf32> to vector<16xf32>
        %max3A_618 = arith.maximumf %get3A_614, %get3A_617 : vector<16xf32>
        %max3A_619 = arith.maximumf %max3A_611, %max3A_618 : vector<16xf32>
        %get3A_620 = arith.index_cast %mul3A_604 : i32 to index
        %get3A_621 = tpu.vector_load %arg13[%get3A_620] {strides = array<i32>} : memref<1296xf32, #tpu.memory_space<vmem>>, vector<16xf32>,
        %get3A_622 = vector.shape_cast %get3A_621 : vector<16xf32> to vector<16xf32>
        %ge3A_623 = arith.constant 2.000000e-01 : f32
        %ge3A_624 = vector.broadcast %ge3A_623 : f32 to vector<16xf32>
        %ge3A_625 = arith.cmpf oge, %get3A_622, %ge3A_624 : vector<16xf32>
        %jit3A_626 = arith.constant 0xFF800000 : f32
        %broadcast_in_dim3A_627 = vector.broadcast %jit3A_626 : f32 to vector<16xf32>
        %select_n3A_628 = arith.select %ge3A_625, %max3A_619, %broadcast_in_dim3A_627 : vector<16xi1>, vector<16xf32>
        %max3A_629 = arith.maximumf %max3A_600, %select_n3A_628 : vector<16xf32>
        scf.yield %max3A_629 : vector<16xf32>
      }
      %scan3A_8 = arith.constant 80 : i32
      %convert_element_type3A_9 = arith.sitofp %iota3A : vector<16xi32> to vector<16xf32>
      %xor3A = arith.constant 8 : i32
      %xor3A_10 = vector.broadcast %xor3A : i32 to vector<16xi32>
      %xor3A_11 = arith.xori %iota3A, %xor3A_10 : vector<16xi32>
      %broadcast_in_dim3A_12 = vector.shape_cast %xor3A_11 : vector<16xi32> to vector<16x1xi32>
      %gather3A = vector.shape_cast %broadcast_in_dim3A_12 : vector<16x1xi32> to vector<16xi32>
      %gather3A_13 = tpu.dynamic_gather %scan3A_7[%gather3A] in [0] : vector<16xf32>, vector<16xi32> -> vector<16xf32>
      %broadcast_in_dim3A_14 = vector.shape_cast %xor3A_11 : vector<16xi32> to vector<16x1xi32>
      %gather3A_15 = vector.shape_cast %broadcast_in_dim3A_14 : vector<16x1xi32> to vector<16xi32>
      %gather3A_16 = tpu.dynamic_gather %convert_element_type3A_9[%gather3A_15] in [0] : vector<16xf32>, vector<16xi32> -> vector<16xf32>
      %gt3A = arith.cmpf ogt, %gather3A_13, %scan3A_7 : vector<16xf32>
      %eq3A_17 = arith.cmpf oeq, %gather3A_13, %scan3A_7 : vector<16xf32>
      %min3A = arith.minimumf %convert_element_type3A_9, %gather3A_16 : vector<16xf32>
      %select_n3A = arith.select %eq3A_17, %min3A, %convert_element_type3A_9 : vector<16xi1>, vector<16xf32>
      %select_n3A_18 = arith.select %gt3A, %gather3A_16, %select_n3A : vector<16xi1>, vector<16xf32>
      %max3A = arith.maximumf %scan3A_7, %gather3A_13 : vector<16xf32>
      %xor3A_19 = arith.constant 4 : i32
      %xor3A_20 = vector.broadcast %xor3A_19 : i32 to vector<16xi32>
      %xor3A_21 = arith.xori %iota3A, %xor3A_20 : vector<16xi32>
      %broadcast_in_dim3A_22 = vector.shape_cast %xor3A_21 : vector<16xi32> to vector<16x1xi32>
      %gather3A_23 = vector.shape_cast %broadcast_in_dim3A_22 : vector<16x1xi32> to vector<16xi32>
      %gather3A_24 = tpu.dynamic_gather %max3A[%gather3A_23] in [0] : vector<16xf32>, vector<16xi32> -> vector<16xf32>
      %broadcast_in_dim3A_25 = vector.shape_cast %xor3A_21 : vector<16xi32> to vector<16x1xi32>
      %gather3A_26 = vector.shape_cast %broadcast_in_dim3A_25 : vector<16x1xi32> to vector<16xi32>
      %gather3A_27 = tpu.dynamic_gather %select_n3A_18[%gather3A_26] in [0] : vector<16xf32>, vector<16xi32> -> vector<16xf32>
      %gt3A_28 = arith.cmpf ogt, %gather3A_24, %max3A : vector<16xf32>
      %eq3A_29 = arith.cmpf oeq, %gather3A_24, %max3A : vector<16xf32>
      %min3A_30 = arith.minimumf %select_n3A_18, %gather3A_27 : vector<16xf32>
      %select_n3A_31 = arith.select %eq3A_29, %min3A_30, %select_n3A_18 : vector<16xi1>, vector<16xf32>
      %select_n3A_32 = arith.select %gt3A_28, %gather3A_27, %select_n3A_31 : vector<16xi1>, vector<16xf32>
      %max3A_33 = arith.maximumf %max3A, %gather3A_24 : vector<16xf32>
      %xor3A_34 = arith.constant 2 : i32
      %xor3A_35 = vector.broadcast %xor3A_34 : i32 to vector<16xi32>
      %xor3A_36 = arith.xori %iota3A, %xor3A_35 : vector<16xi32>
      %broadcast_in_dim3A_37 = vector.shape_cast %xor3A_36 : vector<16xi32> to vector<16x1xi32>
      %gather3A_38 = vector.shape_cast %broadcast_in_dim3A_37 : vector<16x1xi32> to vector<16xi32>
      %gather3A_39 = tpu.dynamic_gather %max3A_33[%gather3A_38] in [0] : vector<16xf32>, vector<16xi32> -> vector<16xf32>
      %broadcast_in_dim3A_40 = vector.shape_cast %xor3A_36 : vector<16xi32> to vector<16x1xi32>
      %gather3A_41 = vector.shape_cast %broadcast_in_dim3A_40 : vector<16x1xi32> to vector<16xi32>
      %gather3A_42 = tpu.dynamic_gather %select_n3A_32[%gather3A_41] in [0] : vector<16xf32>, vector<16xi32> -> vector<16xf32>
      %gt3A_43 = arith.cmpf ogt, %gather3A_39, %max3A_33 : vector<16xf32>
      %eq3A_44 = arith.cmpf oeq, %gather3A_39, %max3A_33 : vector<16xf32>
      %min3A_45 = arith.minimumf %select_n3A_32, %gather3A_42 : vector<16xf32>
      %select_n3A_46 = arith.select %eq3A_44, %min3A_45, %select_n3A_32 : vector<16xi1>, vector<16xf32>
      %select_n3A_47 = arith.select %gt3A_43, %gather3A_42, %select_n3A_46 : vector<16xi1>, vector<16xf32>
      %max3A_48 = arith.maximumf %max3A_33, %gather3A_39 : vector<16xf32>
      %xor3A_49 = arith.constant 1 : i32
      %xor3A_50 = vector.broadcast %xor3A_49 : i32 to vector<16xi32>
      %xor3A_51 = arith.xori %iota3A, %xor3A_50 : vector<16xi32>
      %broadcast_in_dim3A_52 = vector.shape_cast %xor3A_51 : vector<16xi32> to vector<16x1xi32>
      %gather3A_53 = vector.shape_cast %broadcast_in_dim3A_52 : vector<16x1xi32> to vector<16xi32>
      %gather3A_54 = tpu.dynamic_gather %max3A_48[%gather3A_53] in [0] : vector<16xf32>, vector<16xi32> -> vector<16xf32>
      %broadcast_in_dim3A_55 = vector.shape_cast %xor3A_51 : vector<16xi32> to vector<16x1xi32>
      %gather3A_56 = vector.shape_cast %broadcast_in_dim3A_55 : vector<16x1xi32> to vector<16xi32>
      %gather3A_57 = tpu.dynamic_gather %select_n3A_47[%gather3A_56] in [0] : vector<16xf32>, vector<16xi32> -> vector<16xf32>
      %gt3A_58 = arith.cmpf ogt, %gather3A_54, %max3A_48 : vector<16xf32>
      %eq3A_59 = arith.cmpf oeq, %gather3A_54, %max3A_48 : vector<16xf32>
      %min3A_60 = arith.minimumf %select_n3A_47, %gather3A_57 : vector<16xf32>
      %select_n3A_61 = arith.select %eq3A_59, %min3A_60, %select_n3A_47 : vector<16xi1>, vector<16xf32>
      %select_n3A_62 = arith.select %gt3A_58, %gather3A_57, %select_n3A_61 : vector<16xi1>, vector<16xf32>
      %max3A_63 = arith.maximumf %max3A_48, %gather3A_54 : vector<16xf32>
      %eq3A_64 = arith.constant 0 : i32
      %eq3A_65 = vector.broadcast %eq3A_64 : i32 to vector<16xi32>
      %eq3A_66 = arith.cmpi eq, %iota3A, %eq3A_65 : vector<16xi32>
      %jit3A = arith.constant 0.000000e+00 : f32
      %broadcast_in_dim3A_67 = vector.broadcast %jit3A : f32 to vector<16xf32>
      %select_n3A_68 = arith.select %eq3A_66, %max3A_63, %broadcast_in_dim3A_67 : vector<16xi1>, vector<16xf32>
      %swap3A = arith.constant 0 : index
      %swap3A_69 = tpu.vector_load %arg22[%swap3A] {strides = array<i32>} : memref<16xf32, #tpu.memory_space<vmem>>, vector<16xf32>,
      %swap3A_70 = vector.shape_cast %swap3A_69 : vector<16xf32> to vector<16xf32>
      %swap3A_71 = vector.shape_cast %select_n3A_68 : vector<16xf32> to vector<16xf32>
      tpu.vector_store %arg22[%swap3A], %swap3A_71 {strides = array<i32>} : memref<16xf32, #tpu.memory_space<vmem>>, vector<16xf32>,
      %mul3A_72 = arith.constant 16 : i32
      %mul3A_73 = arith.muli %arg1, %mul3A_72 : i32
      "tpu.region"() ({
        %run_scoped3A = tpu.sem_alloc : memref<!tpu.dma_semaphore, #tpu.memory_space<semaphore_mem>>
        %dma_start3A = tpu.memref_slice %arg25[%mul3A_73] : memref<512xf32, #tpu.memory_space<vmem_shared>> -> memref<16xf32, #tpu.memory_space<vmem_shared>>
        %dma_start3A_514 = tpu.memref_slice %arg25[%mul3A_73] : memref<512xf32, #tpu.memory_space<vmem_shared>> -> memref<16xf32, #tpu.memory_space<vmem_shared>>
        tpu.enqueue_dma source(%arg22 : memref<16xf32, #tpu.memory_space<vmem>>) target(%dma_start3A_514 : memref<16xf32, #tpu.memory_space<vmem_shared>>) target_semaphore(%run_scoped3A : memref<!tpu.dma_semaphore, #tpu.memory_space<semaphore_mem>>)
        %dma_wait3A = tpu.memref_slice %arg25[%mul3A_73] : memref<512xf32, #tpu.memory_space<vmem_shared>> -> memref<16xf32, #tpu.memory_space<vmem_shared>>
        %dma_wait3A_515 = tpu.memref_slice %arg25[%mul3A_73] : memref<512xf32, #tpu.memory_space<vmem_shared>> -> memref<16xf32, #tpu.memory_space<vmem_shared>>
        tpu.wait_dma2 semaphore(%run_scoped3A : memref<!tpu.dma_semaphore, #tpu.memory_space<semaphore_mem>>) src(%arg22 : memref<16xf32, #tpu.memory_space<vmem>>) dst(%dma_wait3A_515 : memref<16xf32, #tpu.memory_space<vmem_shared>>)
        tpu.yield
      }) : () -> ()
      %barrier3A = arith.constant 0 : index
      tpu.barrier barrier_id(%barrier3A)
      "tpu.region"() ({
        %run_scoped3A = tpu.sem_alloc : memref<!tpu.dma_semaphore, #tpu.memory_space<semaphore_mem>>
        %dma_start3A = arith.constant 0 : i32
        %dma_start3A_514 = tpu.memref_slice %arg25[%dma_start3A] : memref<512xf32, #tpu.memory_space<vmem_shared>> -> memref<256xf32, #tpu.memory_space<vmem_shared>>
        %dma_start3A_515 = arith.constant 0 : i32
        %dma_start3A_516 = tpu.memref_slice %arg25[%dma_start3A_515] : memref<512xf32, #tpu.memory_space<vmem_shared>> -> memref<256xf32, #tpu.memory_space<vmem_shared>>
        tpu.enqueue_dma source(%dma_start3A_516 : memref<256xf32, #tpu.memory_space<vmem_shared>>) target(%arg23 : memref<256xf32, #tpu.memory_space<vmem>>) target_semaphore(%run_scoped3A : memref<!tpu.dma_semaphore, #tpu.memory_space<semaphore_mem>>)
        %dma_wait3A = arith.constant 0 : i32
        %dma_wait3A_517 = tpu.memref_slice %arg25[%dma_wait3A] : memref<512xf32, #tpu.memory_space<vmem_shared>> -> memref<256xf32, #tpu.memory_space<vmem_shared>>
        %dma_wait3A_518 = arith.constant 0 : i32
        %dma_wait3A_519 = tpu.memref_slice %arg25[%dma_wait3A_518] : memref<512xf32, #tpu.memory_space<vmem_shared>> -> memref<256xf32, #tpu.memory_space<vmem_shared>>
        tpu.wait_dma2 semaphore(%run_scoped3A : memref<!tpu.dma_semaphore, #tpu.memory_space<semaphore_mem>>) src(%dma_wait3A_519 : memref<256xf32, #tpu.memory_space<vmem_shared>>) dst(%arg23 : memref<256xf32, #tpu.memory_space<vmem>>)
        tpu.yield
      }) : () -> ()
      %scan3A_74 = arith.constant 0xFF800000 : f32
      %scan3A_75 = arith.constant 0 : i32
      %scan3A_76 = arith.constant 16 : i32
      %scan3A_77 = arith.addi %scan3A_75, %scan3A_76 : i32
      %scan3A_78 = arith.constant 1 : i32
      %scan3A_79 = scf.for %scan3A_514 = %scan3A_75 to %scan3A_77 step %scan3A_78 iter_args(%scan3A_515 = %scan3A_74) -> (f32)  : i32 {
        %mul3A_516 = arith.constant 16 : i32
        %mul3A_517 = arith.muli %scan3A_514, %mul3A_516 : i32
        %get3A_518 = arith.index_cast %mul3A_517 : i32 to index
        %get3A_519 = tpu.vector_load %arg23[%get3A_518] {strides = array<i32>} : memref<256xf32, #tpu.memory_space<vmem>>, vector<16xf32>,
        %get3A_520 = vector.shape_cast %get3A_519 : vector<16xf32> to vector<16xf32>
        %slice3A_521 = vector.extract_strided_slice %get3A_520 {offsets = [0], sizes = [1], strides = [1]} : vector<16xf32> to vector<1xf32>
        %squeeze3A_522 = vector.extract %slice3A_521[0] : f32 from vector<1xf32>
        %max3A_523 = arith.maximumf %scan3A_515, %squeeze3A_522 : f32
        scf.yield %max3A_523 : f32
      }
      %scan3A_80 = arith.constant 16 : i32
      %barrier3A_81 = arith.constant 0 : index
      tpu.barrier barrier_id(%barrier3A_81)
      %scan3A_82 = arith.constant 0 : i32
      %scan3A_83 = arith.constant 0 : i32
      %scan3A_84 = arith.constant 80 : i32
      %scan3A_85 = arith.addi %scan3A_83, %scan3A_84 : i32
      %scan3A_86 = arith.constant 4 : i32
      %scan3A_87 = scf.for %scan3A_514 = %scan3A_83 to %scan3A_85 step %scan3A_86 iter_args(%scan3A_515 = %scan3A_82) -> (i32)  : i32 {
        %mul3A_516 = arith.constant 16 : i32
        %mul3A_517 = arith.muli %scan3A_514, %mul3A_516 : i32
        %get3A_518 = arith.index_cast %mul3A_517 : i32 to index
        %get3A_519 = tpu.vector_load %arg14[%get3A_518] {strides = array<i32>} : memref<1296xf32, #tpu.memory_space<vmem>>, vector<16xf32>,
        %get3A_520 = vector.shape_cast %get3A_519 : vector<16xf32> to vector<16xf32>
        %get3A_521 = arith.index_cast %mul3A_517 : i32 to index
        %get3A_522 = tpu.vector_load %arg13[%get3A_521] {strides = array<i32>} : memref<1296xf32, #tpu.memory_space<vmem>>, vector<16xf32>,
        %get3A_523 = vector.shape_cast %get3A_522 : vector<16xf32> to vector<16xf32>
        %add3A_524 = arith.constant 1.000000e+00 : f32
        %add3A_525 = arith.addf %scan3A_79, %add3A_524 : f32
        %mul3A_526 = vector.broadcast %add3A_525 : f32 to vector<16xf32>
        %mul3A_527 = arith.mulf %get3A_520, %mul3A_526 : vector<16xf32>
        %get3A_528 = arith.index_cast %mul3A_517 : i32 to index
        %get3A_529 = tpu.vector_load %arg9[%get3A_528] {strides = array<i32>} : memref<1296xf32, #tpu.memory_space<vmem>>, vector<16xf32>,
        %get3A_530 = vector.shape_cast %get3A_529 : vector<16xf32> to vector<16xf32>
        %add3A_531 = arith.addf %get3A_530, %mul3A_527 : vector<16xf32>
        %get3A_532 = arith.index_cast %mul3A_517 : i32 to index
        %get3A_533 = tpu.vector_load %arg10[%get3A_532] {strides = array<i32>} : memref<1296xf32, #tpu.memory_space<vmem>>, vector<16xf32>,
        %get3A_534 = vector.shape_cast %get3A_533 : vector<16xf32> to vector<16xf32>
        %add3A_535 = arith.addf %get3A_534, %mul3A_527 : vector<16xf32>
        %get3A_536 = arith.index_cast %mul3A_517 : i32 to index
        %get3A_537 = tpu.vector_load %arg11[%get3A_536] {strides = array<i32>} : memref<1296xf32, #tpu.memory_space<vmem>>, vector<16xf32>,
        %get3A_538 = vector.shape_cast %get3A_537 : vector<16xf32> to vector<16xf32>
        %add3A_539 = arith.addf %get3A_538, %mul3A_527 : vector<16xf32>
        %get3A_540 = arith.index_cast %mul3A_517 : i32 to index
        %get3A_541 = tpu.vector_load %arg12[%get3A_540] {strides = array<i32>} : memref<1296xf32, #tpu.memory_space<vmem>>, vector<16xf32>,
        %get3A_542 = vector.shape_cast %get3A_541 : vector<16xf32> to vector<16xf32>
        %add3A_543 = arith.addf %get3A_542, %mul3A_527 : vector<16xf32>
        %swap3A_544 = arith.index_cast %mul3A_517 : i32 to index
        %swap3A_545 = tpu.vector_load %arg15[%swap3A_544] {strides = array<i32>} : memref<1296xf32, #tpu.memory_space<vmem>>, vector<16xf32>,
        %swap3A_546 = vector.shape_cast %swap3A_545 : vector<16xf32> to vector<16xf32>
        %swap3A_547 = vector.shape_cast %add3A_531 : vector<16xf32> to vector<16xf32>
        tpu.vector_store %arg15[%swap3A_544], %swap3A_547 {strides = array<i32>} : memref<1296xf32, #tpu.memory_space<vmem>>, vector<16xf32>,
        %swap3A_548 = arith.index_cast %mul3A_517 : i32 to index
        %swap3A_549 = tpu.vector_load %arg16[%swap3A_548] {strides = array<i32>} : memref<1296xf32, #tpu.memory_space<vmem>>, vector<16xf32>,
        %swap3A_550 = vector.shape_cast %swap3A_549 : vector<16xf32> to vector<16xf32>
        %swap3A_551 = vector.shape_cast %add3A_535 : vector<16xf32> to vector<16xf32>
        tpu.vector_store %arg16[%swap3A_548], %swap3A_551 {strides = array<i32>} : memref<1296xf32, #tpu.memory_space<vmem>>, vector<16xf32>,
        %swap3A_552 = arith.index_cast %mul3A_517 : i32 to index
        %swap3A_553 = tpu.vector_load %arg17[%swap3A_552] {strides = array<i32>} : memref<1296xf32, #tpu.memory_space<vmem>>, vector<16xf32>,
        %swap3A_554 = vector.shape_cast %swap3A_553 : vector<16xf32> to vector<16xf32>
        %swap3A_555 = vector.shape_cast %add3A_539 : vector<16xf32> to vector<16xf32>
        tpu.vector_store %arg17[%swap3A_552], %swap3A_555 {strides = array<i32>} : memref<1296xf32, #tpu.memory_space<vmem>>, vector<16xf32>,
        %swap3A_556 = arith.index_cast %mul3A_517 : i32 to index
        %swap3A_557 = tpu.vector_load %arg18[%swap3A_556] {strides = array<i32>} : memref<1296xf32, #tpu.memory_space<vmem>>, vector<16xf32>,
        %swap3A_558 = vector.shape_cast %swap3A_557 : vector<16xf32> to vector<16xf32>
        %swap3A_559 = vector.shape_cast %add3A_543 : vector<16xf32> to vector<16xf32>
        tpu.vector_store %arg18[%swap3A_556], %swap3A_559 {strides = array<i32>} : memref<1296xf32, #tpu.memory_space<vmem>>, vector<16xf32>,
        %sub3A_560 = arith.subf %add3A_539, %add3A_531 : vector<16xf32>
        %sub3A_561 = arith.subf %add3A_543, %add3A_535 : vector<16xf32>
        %mul3A_562 = arith.mulf %sub3A_560, %sub3A_561 : vector<16xf32>
        %swap3A_563 = arith.index_cast %mul3A_517 : i32 to index
        %swap3A_564 = tpu.vector_load %arg19[%swap3A_563] {strides = array<i32>} : memref<1296xf32, #tpu.memory_space<vmem>>, vector<16xf32>,
        %swap3A_565 = vector.shape_cast %swap3A_564 : vector<16xf32> to vector<16xf32>
        %swap3A_566 = vector.shape_cast %mul3A_562 : vector<16xf32> to vector<16xf32>
        tpu.vector_store %arg19[%swap3A_563], %swap3A_566 {strides = array<i32>} : memref<1296xf32, #tpu.memory_space<vmem>>, vector<16xf32>,
        %ge3A_567 = arith.constant 2.000000e-01 : f32
        %ge3A_568 = vector.broadcast %ge3A_567 : f32 to vector<16xf32>
        %ge3A_569 = arith.cmpf oge, %get3A_523, %ge3A_568 : vector<16xf32>
        %eq3A_570 = arith.constant 0.000000e+00 : f32
        %eq3A_571 = vector.broadcast %eq3A_570 : f32 to vector<16xf32>
        %eq3A_572 = arith.cmpf oeq, %get3A_520, %eq3A_571 : vector<16xf32>
        %and3A_573 = arith.andi %ge3A_569, %eq3A_572 : vector<16xi1>
        %jit3A_574 = arith.constant -1.000000e+00 : f32
        %broadcast_in_dim3A_575 = vector.broadcast %jit3A_574 : f32 to vector<16xf32>
        %select_n3A_576 = arith.select %and3A_573, %get3A_523, %broadcast_in_dim3A_575 : vector<16xi1>, vector<16xf32>
        %swap3A_577 = arith.index_cast %mul3A_517 : i32 to index
        %swap3A_578 = tpu.vector_load %arg20[%swap3A_577] {strides = array<i32>} : memref<1296xf32, #tpu.memory_space<vmem>>, vector<16xf32>,
        %swap3A_579 = vector.shape_cast %swap3A_578 : vector<16xf32> to vector<16xf32>
        %swap3A_580 = vector.shape_cast %select_n3A_576 : vector<16xf32> to vector<16xf32>
        tpu.vector_store %arg20[%swap3A_577], %swap3A_580 {strides = array<i32>} : memref<1296xf32, #tpu.memory_space<vmem>>, vector<16xf32>,
        %ne3A = arith.constant 0.000000e+00 : f32
        %ne3A_581 = vector.broadcast %ne3A : f32 to vector<16xf32>
        %ne3A_582 = arith.cmpf one, %get3A_520, %ne3A_581 : vector<16xf32>
        %and3A_583 = arith.andi %ge3A_569, %ne3A_582 : vector<16xi1>
        %jit3A_584 = arith.constant -1.000000e+00 : f32
        %broadcast_in_dim3A_585 = vector.broadcast %jit3A_584 : f32 to vector<16xf32>
        %select_n3A_586 = arith.select %and3A_583, %get3A_523, %broadcast_in_dim3A_585 : vector<16xi1>, vector<16xf32>
        %swap3A_587 = arith.index_cast %mul3A_517 : i32 to index
        %swap3A_588 = tpu.vector_load %arg21[%swap3A_587] {strides = array<i32>} : memref<1296xf32, #tpu.memory_space<vmem>>, vector<16xf32>,
        %swap3A_589 = vector.shape_cast %swap3A_588 : vector<16xf32> to vector<16xf32>
        %swap3A_590 = vector.shape_cast %select_n3A_586 : vector<16xf32> to vector<16xf32>
        tpu.vector_store %arg21[%swap3A_587], %swap3A_590 {strides = array<i32>} : memref<1296xf32, #tpu.memory_space<vmem>>, vector<16xf32>,
        %scan3A_591 = arith.constant 0 : i32
        %scan3A_592 = arith.constant 1 : i32
        %scan3A_593 = arith.addi %scan3A_514, %scan3A_592 : i32
        %mul3A_594 = arith.constant 16 : i32
        %mul3A_595 = arith.muli %scan3A_593, %mul3A_594 : i32
        %get3A_596 = arith.index_cast %mul3A_595 : i32 to index
        %get3A_597 = tpu.vector_load %arg14[%get3A_596] {strides = array<i32>} : memref<1296xf32, #tpu.memory_space<vmem>>, vector<16xf32>,
        %get3A_598 = vector.shape_cast %get3A_597 : vector<16xf32> to vector<16xf32>
        %get3A_599 = arith.index_cast %mul3A_595 : i32 to index
        %get3A_600 = tpu.vector_load %arg13[%get3A_599] {strides = array<i32>} : memref<1296xf32, #tpu.memory_space<vmem>>, vector<16xf32>,
        %get3A_601 = vector.shape_cast %get3A_600 : vector<16xf32> to vector<16xf32>
        %add3A_602 = arith.constant 1.000000e+00 : f32
        %add3A_603 = arith.addf %scan3A_79, %add3A_602 : f32
        %mul3A_604 = vector.broadcast %add3A_603 : f32 to vector<16xf32>
        %mul3A_605 = arith.mulf %get3A_598, %mul3A_604 : vector<16xf32>
        %get3A_606 = arith.index_cast %mul3A_595 : i32 to index
        %get3A_607 = tpu.vector_load %arg9[%get3A_606] {strides = array<i32>} : memref<1296xf32, #tpu.memory_space<vmem>>, vector<16xf32>,
        %get3A_608 = vector.shape_cast %get3A_607 : vector<16xf32> to vector<16xf32>
        %add3A_609 = arith.addf %get3A_608, %mul3A_605 : vector<16xf32>
        %get3A_610 = arith.index_cast %mul3A_595 : i32 to index
        %get3A_611 = tpu.vector_load %arg10[%get3A_610] {strides = array<i32>} : memref<1296xf32, #tpu.memory_space<vmem>>, vector<16xf32>,
        %get3A_612 = vector.shape_cast %get3A_611 : vector<16xf32> to vector<16xf32>
        %add3A_613 = arith.addf %get3A_612, %mul3A_605 : vector<16xf32>
        %get3A_614 = arith.index_cast %mul3A_595 : i32 to index
        %get3A_615 = tpu.vector_load %arg11[%get3A_614] {strides = array<i32>} : memref<1296xf32, #tpu.memory_space<vmem>>, vector<16xf32>,
        %get3A_616 = vector.shape_cast %get3A_615 : vector<16xf32> to vector<16xf32>
        %add3A_617 = arith.addf %get3A_616, %mul3A_605 : vector<16xf32>
        %get3A_618 = arith.index_cast %mul3A_595 : i32 to index
        %get3A_619 = tpu.vector_load %arg12[%get3A_618] {strides = array<i32>} : memref<1296xf32, #tpu.memory_space<vmem>>, vector<16xf32>,
        %get3A_620 = vector.shape_cast %get3A_619 : vector<16xf32> to vector<16xf32>
        %add3A_621 = arith.addf %get3A_620, %mul3A_605 : vector<16xf32>
        %swap3A_622 = arith.index_cast %mul3A_595 : i32 to index
        %swap3A_623 = tpu.vector_load %arg15[%swap3A_622] {strides = array<i32>} : memref<1296xf32, #tpu.memory_space<vmem>>, vector<16xf32>,
        %swap3A_624 = vector.shape_cast %swap3A_623 : vector<16xf32> to vector<16xf32>
        %swap3A_625 = vector.shape_cast %add3A_609 : vector<16xf32> to vector<16xf32>
        tpu.vector_store %arg15[%swap3A_622], %swap3A_625 {strides = array<i32>} : memref<1296xf32, #tpu.memory_space<vmem>>, vector<16xf32>,
        %swap3A_626 = arith.index_cast %mul3A_595 : i32 to index
        %swap3A_627 = tpu.vector_load %arg16[%swap3A_626] {strides = array<i32>} : memref<1296xf32, #tpu.memory_space<vmem>>, vector<16xf32>,
        %swap3A_628 = vector.shape_cast %swap3A_627 : vector<16xf32> to vector<16xf32>
        %swap3A_629 = vector.shape_cast %add3A_613 : vector<16xf32> to vector<16xf32>
        tpu.vector_store %arg16[%swap3A_626], %swap3A_629 {strides = array<i32>} : memref<1296xf32, #tpu.memory_space<vmem>>, vector<16xf32>,
        %swap3A_630 = arith.index_cast %mul3A_595 : i32 to index
        %swap3A_631 = tpu.vector_load %arg17[%swap3A_630] {strides = array<i32>} : memref<1296xf32, #tpu.memory_space<vmem>>, vector<16xf32>,
        %swap3A_632 = vector.shape_cast %swap3A_631 : vector<16xf32> to vector<16xf32>
        %swap3A_633 = vector.shape_cast %add3A_617 : vector<16xf32> to vector<16xf32>
        tpu.vector_store %arg17[%swap3A_630], %swap3A_633 {strides = array<i32>} : memref<1296xf32, #tpu.memory_space<vmem>>, vector<16xf32>,
        %swap3A_634 = arith.index_cast %mul3A_595 : i32 to index
        %swap3A_635 = tpu.vector_load %arg18[%swap3A_634] {strides = array<i32>} : memref<1296xf32, #tpu.memory_space<vmem>>, vector<16xf32>,
        %swap3A_636 = vector.shape_cast %swap3A_635 : vector<16xf32> to vector<16xf32>
        %swap3A_637 = vector.shape_cast %add3A_621 : vector<16xf32> to vector<16xf32>
        tpu.vector_store %arg18[%swap3A_634], %swap3A_637 {strides = array<i32>} : memref<1296xf32, #tpu.memory_space<vmem>>, vector<16xf32>,
        %sub3A_638 = arith.subf %add3A_617, %add3A_609 : vector<16xf32>
        %sub3A_639 = arith.subf %add3A_621, %add3A_613 : vector<16xf32>
        %mul3A_640 = arith.mulf %sub3A_638, %sub3A_639 : vector<16xf32>
        %swap3A_641 = arith.index_cast %mul3A_595 : i32 to index
        %swap3A_642 = tpu.vector_load %arg19[%swap3A_641] {strides = array<i32>} : memref<1296xf32, #tpu.memory_space<vmem>>, vector<16xf32>,
        %swap3A_643 = vector.shape_cast %swap3A_642 : vector<16xf32> to vector<16xf32>
        %swap3A_644 = vector.shape_cast %mul3A_640 : vector<16xf32> to vector<16xf32>
        tpu.vector_store %arg19[%swap3A_641], %swap3A_644 {strides = array<i32>} : memref<1296xf32, #tpu.memory_space<vmem>>, vector<16xf32>,
        %ge3A_645 = arith.constant 2.000000e-01 : f32
        %ge3A_646 = vector.broadcast %ge3A_645 : f32 to vector<16xf32>
        %ge3A_647 = arith.cmpf oge, %get3A_601, %ge3A_646 : vector<16xf32>
        %eq3A_648 = arith.constant 0.000000e+00 : f32
        %eq3A_649 = vector.broadcast %eq3A_648 : f32 to vector<16xf32>
        %eq3A_650 = arith.cmpf oeq, %get3A_598, %eq3A_649 : vector<16xf32>
        %and3A_651 = arith.andi %ge3A_647, %eq3A_650 : vector<16xi1>
        %jit3A_652 = arith.constant -1.000000e+00 : f32
        %broadcast_in_dim3A_653 = vector.broadcast %jit3A_652 : f32 to vector<16xf32>
        %select_n3A_654 = arith.select %and3A_651, %get3A_601, %broadcast_in_dim3A_653 : vector<16xi1>, vector<16xf32>
        %swap3A_655 = arith.index_cast %mul3A_595 : i32 to index
        %swap3A_656 = tpu.vector_load %arg20[%swap3A_655] {strides = array<i32>} : memref<1296xf32, #tpu.memory_space<vmem>>, vector<16xf32>,
        %swap3A_657 = vector.shape_cast %swap3A_656 : vector<16xf32> to vector<16xf32>
        %swap3A_658 = vector.shape_cast %select_n3A_654 : vector<16xf32> to vector<16xf32>
        tpu.vector_store %arg20[%swap3A_655], %swap3A_658 {strides = array<i32>} : memref<1296xf32, #tpu.memory_space<vmem>>, vector<16xf32>,
        %ne3A_659 = arith.constant 0.000000e+00 : f32
        %ne3A_660 = vector.broadcast %ne3A_659 : f32 to vector<16xf32>
        %ne3A_661 = arith.cmpf one, %get3A_598, %ne3A_660 : vector<16xf32>
        %and3A_662 = arith.andi %ge3A_647, %ne3A_661 : vector<16xi1>
        %jit3A_663 = arith.constant -1.000000e+00 : f32
        %broadcast_in_dim3A_664 = vector.broadcast %jit3A_663 : f32 to vector<16xf32>
        %select_n3A_665 = arith.select %and3A_662, %get3A_601, %broadcast_in_dim3A_664 : vector<16xi1>, vector<16xf32>
        %swap3A_666 = arith.index_cast %mul3A_595 : i32 to index
        %swap3A_667 = tpu.vector_load %arg21[%swap3A_666] {strides = array<i32>} : memref<1296xf32, #tpu.memory_space<vmem>>, vector<16xf32>,
        %swap3A_668 = vector.shape_cast %swap3A_667 : vector<16xf32> to vector<16xf32>
        %swap3A_669 = vector.shape_cast %select_n3A_665 : vector<16xf32> to vector<16xf32>
        tpu.vector_store %arg21[%swap3A_666], %swap3A_669 {strides = array<i32>} : memref<1296xf32, #tpu.memory_space<vmem>>, vector<16xf32>,
        %scan3A_670 = arith.constant 0 : i32
        %scan3A_671 = arith.constant 2 : i32
        %scan3A_672 = arith.addi %scan3A_514, %scan3A_671 : i32
        %mul3A_673 = arith.constant 16 : i32
        %mul3A_674 = arith.muli %scan3A_672, %mul3A_673 : i32
        %get3A_675 = arith.index_cast %mul3A_674 : i32 to index
        %get3A_676 = tpu.vector_load %arg14[%get3A_675] {strides = array<i32>} : memref<1296xf32, #tpu.memory_space<vmem>>, vector<16xf32>,
        %get3A_677 = vector.shape_cast %get3A_676 : vector<16xf32> to vector<16xf32>
        %get3A_678 = arith.index_cast %mul3A_674 : i32 to index
        %get3A_679 = tpu.vector_load %arg13[%get3A_678] {strides = array<i32>} : memref<1296xf32, #tpu.memory_space<vmem>>, vector<16xf32>,
        %get3A_680 = vector.shape_cast %get3A_679 : vector<16xf32> to vector<16xf32>
        %add3A_681 = arith.constant 1.000000e+00 : f32
        %add3A_682 = arith.addf %scan3A_79, %add3A_681 : f32
        %mul3A_683 = vector.broadcast %add3A_682 : f32 to vector<16xf32>
        %mul3A_684 = arith.mulf %get3A_677, %mul3A_683 : vector<16xf32>
        %get3A_685 = arith.index_cast %mul3A_674 : i32 to index
        %get3A_686 = tpu.vector_load %arg9[%get3A_685] {strides = array<i32>} : memref<1296xf32, #tpu.memory_space<vmem>>, vector<16xf32>,
        %get3A_687 = vector.shape_cast %get3A_686 : vector<16xf32> to vector<16xf32>
        %add3A_688 = arith.addf %get3A_687, %mul3A_684 : vector<16xf32>
        %get3A_689 = arith.index_cast %mul3A_674 : i32 to index
        %get3A_690 = tpu.vector_load %arg10[%get3A_689] {strides = array<i32>} : memref<1296xf32, #tpu.memory_space<vmem>>, vector<16xf32>,
        %get3A_691 = vector.shape_cast %get3A_690 : vector<16xf32> to vector<16xf32>
        %add3A_692 = arith.addf %get3A_691, %mul3A_684 : vector<16xf32>
        %get3A_693 = arith.index_cast %mul3A_674 : i32 to index
        %get3A_694 = tpu.vector_load %arg11[%get3A_693] {strides = array<i32>} : memref<1296xf32, #tpu.memory_space<vmem>>, vector<16xf32>,
        %get3A_695 = vector.shape_cast %get3A_694 : vector<16xf32> to vector<16xf32>
        %add3A_696 = arith.addf %get3A_695, %mul3A_684 : vector<16xf32>
        %get3A_697 = arith.index_cast %mul3A_674 : i32 to index
        %get3A_698 = tpu.vector_load %arg12[%get3A_697] {strides = array<i32>} : memref<1296xf32, #tpu.memory_space<vmem>>, vector<16xf32>,
        %get3A_699 = vector.shape_cast %get3A_698 : vector<16xf32> to vector<16xf32>
        %add3A_700 = arith.addf %get3A_699, %mul3A_684 : vector<16xf32>
        %swap3A_701 = arith.index_cast %mul3A_674 : i32 to index
        %swap3A_702 = tpu.vector_load %arg15[%swap3A_701] {strides = array<i32>} : memref<1296xf32, #tpu.memory_space<vmem>>, vector<16xf32>,
        %swap3A_703 = vector.shape_cast %swap3A_702 : vector<16xf32> to vector<16xf32>
        %swap3A_704 = vector.shape_cast %add3A_688 : vector<16xf32> to vector<16xf32>
        tpu.vector_store %arg15[%swap3A_701], %swap3A_704 {strides = array<i32>} : memref<1296xf32, #tpu.memory_space<vmem>>, vector<16xf32>,
        %swap3A_705 = arith.index_cast %mul3A_674 : i32 to index
        %swap3A_706 = tpu.vector_load %arg16[%swap3A_705] {strides = array<i32>} : memref<1296xf32, #tpu.memory_space<vmem>>, vector<16xf32>,
        %swap3A_707 = vector.shape_cast %swap3A_706 : vector<16xf32> to vector<16xf32>
        %swap3A_708 = vector.shape_cast %add3A_692 : vector<16xf32> to vector<16xf32>
        tpu.vector_store %arg16[%swap3A_705], %swap3A_708 {strides = array<i32>} : memref<1296xf32, #tpu.memory_space<vmem>>, vector<16xf32>,
        %swap3A_709 = arith.index_cast %mul3A_674 : i32 to index
        %swap3A_710 = tpu.vector_load %arg17[%swap3A_709] {strides = array<i32>} : memref<1296xf32, #tpu.memory_space<vmem>>, vector<16xf32>,
        %swap3A_711 = vector.shape_cast %swap3A_710 : vector<16xf32> to vector<16xf32>
        %swap3A_712 = vector.shape_cast %add3A_696 : vector<16xf32> to vector<16xf32>
        tpu.vector_store %arg17[%swap3A_709], %swap3A_712 {strides = array<i32>} : memref<1296xf32, #tpu.memory_space<vmem>>, vector<16xf32>,
        %swap3A_713 = arith.index_cast %mul3A_674 : i32 to index
        %swap3A_714 = tpu.vector_load %arg18[%swap3A_713] {strides = array<i32>} : memref<1296xf32, #tpu.memory_space<vmem>>, vector<16xf32>,
        %swap3A_715 = vector.shape_cast %swap3A_714 : vector<16xf32> to vector<16xf32>
        %swap3A_716 = vector.shape_cast %add3A_700 : vector<16xf32> to vector<16xf32>
        tpu.vector_store %arg18[%swap3A_713], %swap3A_716 {strides = array<i32>} : memref<1296xf32, #tpu.memory_space<vmem>>, vector<16xf32>,
        %sub3A_717 = arith.subf %add3A_696, %add3A_688 : vector<16xf32>
        %sub3A_718 = arith.subf %add3A_700, %add3A_692 : vector<16xf32>
        %mul3A_719 = arith.mulf %sub3A_717, %sub3A_718 : vector<16xf32>
        %swap3A_720 = arith.index_cast %mul3A_674 : i32 to index
        %swap3A_721 = tpu.vector_load %arg19[%swap3A_720] {strides = array<i32>} : memref<1296xf32, #tpu.memory_space<vmem>>, vector<16xf32>,
        %swap3A_722 = vector.shape_cast %swap3A_721 : vector<16xf32> to vector<16xf32>
        %swap3A_723 = vector.shape_cast %mul3A_719 : vector<16xf32> to vector<16xf32>
        tpu.vector_store %arg19[%swap3A_720], %swap3A_723 {strides = array<i32>} : memref<1296xf32, #tpu.memory_space<vmem>>, vector<16xf32>,
        %ge3A_724 = arith.constant 2.000000e-01 : f32
        %ge3A_725 = vector.broadcast %ge3A_724 : f32 to vector<16xf32>
        %ge3A_726 = arith.cmpf oge, %get3A_680, %ge3A_725 : vector<16xf32>
        %eq3A_727 = arith.constant 0.000000e+00 : f32
        %eq3A_728 = vector.broadcast %eq3A_727 : f32 to vector<16xf32>
        %eq3A_729 = arith.cmpf oeq, %get3A_677, %eq3A_728 : vector<16xf32>
        %and3A_730 = arith.andi %ge3A_726, %eq3A_729 : vector<16xi1>
        %jit3A_731 = arith.constant -1.000000e+00 : f32
        %broadcast_in_dim3A_732 = vector.broadcast %jit3A_731 : f32 to vector<16xf32>
        %select_n3A_733 = arith.select %and3A_730, %get3A_680, %broadcast_in_dim3A_732 : vector<16xi1>, vector<16xf32>
        %swap3A_734 = arith.index_cast %mul3A_674 : i32 to index
        %swap3A_735 = tpu.vector_load %arg20[%swap3A_734] {strides = array<i32>} : memref<1296xf32, #tpu.memory_space<vmem>>, vector<16xf32>,
        %swap3A_736 = vector.shape_cast %swap3A_735 : vector<16xf32> to vector<16xf32>
        %swap3A_737 = vector.shape_cast %select_n3A_733 : vector<16xf32> to vector<16xf32>
        tpu.vector_store %arg20[%swap3A_734], %swap3A_737 {strides = array<i32>} : memref<1296xf32, #tpu.memory_space<vmem>>, vector<16xf32>,
        %ne3A_738 = arith.constant 0.000000e+00 : f32
        %ne3A_739 = vector.broadcast %ne3A_738 : f32 to vector<16xf32>
        %ne3A_740 = arith.cmpf one, %get3A_677, %ne3A_739 : vector<16xf32>
        %and3A_741 = arith.andi %ge3A_726, %ne3A_740 : vector<16xi1>
        %jit3A_742 = arith.constant -1.000000e+00 : f32
        %broadcast_in_dim3A_743 = vector.broadcast %jit3A_742 : f32 to vector<16xf32>
        %select_n3A_744 = arith.select %and3A_741, %get3A_680, %broadcast_in_dim3A_743 : vector<16xi1>, vector<16xf32>
        %swap3A_745 = arith.index_cast %mul3A_674 : i32 to index
        %swap3A_746 = tpu.vector_load %arg21[%swap3A_745] {strides = array<i32>} : memref<1296xf32, #tpu.memory_space<vmem>>, vector<16xf32>,
        %swap3A_747 = vector.shape_cast %swap3A_746 : vector<16xf32> to vector<16xf32>
        %swap3A_748 = vector.shape_cast %select_n3A_744 : vector<16xf32> to vector<16xf32>
        tpu.vector_store %arg21[%swap3A_745], %swap3A_748 {strides = array<i32>} : memref<1296xf32, #tpu.memory_space<vmem>>, vector<16xf32>,
        %scan3A_749 = arith.constant 0 : i32
        %scan3A_750 = arith.constant 3 : i32
        %scan3A_751 = arith.addi %scan3A_514, %scan3A_750 : i32
        %mul3A_752 = arith.constant 16 : i32
        %mul3A_753 = arith.muli %scan3A_751, %mul3A_752 : i32
        %get3A_754 = arith.index_cast %mul3A_753 : i32 to index
        %get3A_755 = tpu.vector_load %arg14[%get3A_754] {strides = array<i32>} : memref<1296xf32, #tpu.memory_space<vmem>>, vector<16xf32>,
        %get3A_756 = vector.shape_cast %get3A_755 : vector<16xf32> to vector<16xf32>
        %get3A_757 = arith.index_cast %mul3A_753 : i32 to index
        %get3A_758 = tpu.vector_load %arg13[%get3A_757] {strides = array<i32>} : memref<1296xf32, #tpu.memory_space<vmem>>, vector<16xf32>,
        %get3A_759 = vector.shape_cast %get3A_758 : vector<16xf32> to vector<16xf32>
        %add3A_760 = arith.constant 1.000000e+00 : f32
        %add3A_761 = arith.addf %scan3A_79, %add3A_760 : f32
        %mul3A_762 = vector.broadcast %add3A_761 : f32 to vector<16xf32>
        %mul3A_763 = arith.mulf %get3A_756, %mul3A_762 : vector<16xf32>
        %get3A_764 = arith.index_cast %mul3A_753 : i32 to index
        %get3A_765 = tpu.vector_load %arg9[%get3A_764] {strides = array<i32>} : memref<1296xf32, #tpu.memory_space<vmem>>, vector<16xf32>,
        %get3A_766 = vector.shape_cast %get3A_765 : vector<16xf32> to vector<16xf32>
        %add3A_767 = arith.addf %get3A_766, %mul3A_763 : vector<16xf32>
        %get3A_768 = arith.index_cast %mul3A_753 : i32 to index
        %get3A_769 = tpu.vector_load %arg10[%get3A_768] {strides = array<i32>} : memref<1296xf32, #tpu.memory_space<vmem>>, vector<16xf32>,
        %get3A_770 = vector.shape_cast %get3A_769 : vector<16xf32> to vector<16xf32>
        %add3A_771 = arith.addf %get3A_770, %mul3A_763 : vector<16xf32>
        %get3A_772 = arith.index_cast %mul3A_753 : i32 to index
        %get3A_773 = tpu.vector_load %arg11[%get3A_772] {strides = array<i32>} : memref<1296xf32, #tpu.memory_space<vmem>>, vector<16xf32>,
        %get3A_774 = vector.shape_cast %get3A_773 : vector<16xf32> to vector<16xf32>
        %add3A_775 = arith.addf %get3A_774, %mul3A_763 : vector<16xf32>
        %get3A_776 = arith.index_cast %mul3A_753 : i32 to index
        %get3A_777 = tpu.vector_load %arg12[%get3A_776] {strides = array<i32>} : memref<1296xf32, #tpu.memory_space<vmem>>, vector<16xf32>,
        %get3A_778 = vector.shape_cast %get3A_777 : vector<16xf32> to vector<16xf32>
        %add3A_779 = arith.addf %get3A_778, %mul3A_763 : vector<16xf32>
        %swap3A_780 = arith.index_cast %mul3A_753 : i32 to index
        %swap3A_781 = tpu.vector_load %arg15[%swap3A_780] {strides = array<i32>} : memref<1296xf32, #tpu.memory_space<vmem>>, vector<16xf32>,
        %swap3A_782 = vector.shape_cast %swap3A_781 : vector<16xf32> to vector<16xf32>
        %swap3A_783 = vector.shape_cast %add3A_767 : vector<16xf32> to vector<16xf32>
        tpu.vector_store %arg15[%swap3A_780], %swap3A_783 {strides = array<i32>} : memref<1296xf32, #tpu.memory_space<vmem>>, vector<16xf32>,
        %swap3A_784 = arith.index_cast %mul3A_753 : i32 to index
        %swap3A_785 = tpu.vector_load %arg16[%swap3A_784] {strides = array<i32>} : memref<1296xf32, #tpu.memory_space<vmem>>, vector<16xf32>,
        %swap3A_786 = vector.shape_cast %swap3A_785 : vector<16xf32> to vector<16xf32>
        %swap3A_787 = vector.shape_cast %add3A_771 : vector<16xf32> to vector<16xf32>
        tpu.vector_store %arg16[%swap3A_784], %swap3A_787 {strides = array<i32>} : memref<1296xf32, #tpu.memory_space<vmem>>, vector<16xf32>,
        %swap3A_788 = arith.index_cast %mul3A_753 : i32 to index
        %swap3A_789 = tpu.vector_load %arg17[%swap3A_788] {strides = array<i32>} : memref<1296xf32, #tpu.memory_space<vmem>>, vector<16xf32>,
        %swap3A_790 = vector.shape_cast %swap3A_789 : vector<16xf32> to vector<16xf32>
        %swap3A_791 = vector.shape_cast %add3A_775 : vector<16xf32> to vector<16xf32>
        tpu.vector_store %arg17[%swap3A_788], %swap3A_791 {strides = array<i32>} : memref<1296xf32, #tpu.memory_space<vmem>>, vector<16xf32>,
        %swap3A_792 = arith.index_cast %mul3A_753 : i32 to index
        %swap3A_793 = tpu.vector_load %arg18[%swap3A_792] {strides = array<i32>} : memref<1296xf32, #tpu.memory_space<vmem>>, vector<16xf32>,
        %swap3A_794 = vector.shape_cast %swap3A_793 : vector<16xf32> to vector<16xf32>
        %swap3A_795 = vector.shape_cast %add3A_779 : vector<16xf32> to vector<16xf32>
        tpu.vector_store %arg18[%swap3A_792], %swap3A_795 {strides = array<i32>} : memref<1296xf32, #tpu.memory_space<vmem>>, vector<16xf32>,
        %sub3A_796 = arith.subf %add3A_775, %add3A_767 : vector<16xf32>
        %sub3A_797 = arith.subf %add3A_779, %add3A_771 : vector<16xf32>
        %mul3A_798 = arith.mulf %sub3A_796, %sub3A_797 : vector<16xf32>
        %swap3A_799 = arith.index_cast %mul3A_753 : i32 to index
        %swap3A_800 = tpu.vector_load %arg19[%swap3A_799] {strides = array<i32>} : memref<1296xf32, #tpu.memory_space<vmem>>, vector<16xf32>,
        %swap3A_801 = vector.shape_cast %swap3A_800 : vector<16xf32> to vector<16xf32>
        %swap3A_802 = vector.shape_cast %mul3A_798 : vector<16xf32> to vector<16xf32>
        tpu.vector_store %arg19[%swap3A_799], %swap3A_802 {strides = array<i32>} : memref<1296xf32, #tpu.memory_space<vmem>>, vector<16xf32>,
        %ge3A_803 = arith.constant 2.000000e-01 : f32
        %ge3A_804 = vector.broadcast %ge3A_803 : f32 to vector<16xf32>
        %ge3A_805 = arith.cmpf oge, %get3A_759, %ge3A_804 : vector<16xf32>
        %eq3A_806 = arith.constant 0.000000e+00 : f32
        %eq3A_807 = vector.broadcast %eq3A_806 : f32 to vector<16xf32>
        %eq3A_808 = arith.cmpf oeq, %get3A_756, %eq3A_807 : vector<16xf32>
        %and3A_809 = arith.andi %ge3A_805, %eq3A_808 : vector<16xi1>
        %jit3A_810 = arith.constant -1.000000e+00 : f32
        %broadcast_in_dim3A_811 = vector.broadcast %jit3A_810 : f32 to vector<16xf32>
        %select_n3A_812 = arith.select %and3A_809, %get3A_759, %broadcast_in_dim3A_811 : vector<16xi1>, vector<16xf32>
        %swap3A_813 = arith.index_cast %mul3A_753 : i32 to index
        %swap3A_814 = tpu.vector_load %arg20[%swap3A_813] {strides = array<i32>} : memref<1296xf32, #tpu.memory_space<vmem>>, vector<16xf32>,
        %swap3A_815 = vector.shape_cast %swap3A_814 : vector<16xf32> to vector<16xf32>
        %swap3A_816 = vector.shape_cast %select_n3A_812 : vector<16xf32> to vector<16xf32>
        tpu.vector_store %arg20[%swap3A_813], %swap3A_816 {strides = array<i32>} : memref<1296xf32, #tpu.memory_space<vmem>>, vector<16xf32>,
        %ne3A_817 = arith.constant 0.000000e+00 : f32
        %ne3A_818 = vector.broadcast %ne3A_817 : f32 to vector<16xf32>
        %ne3A_819 = arith.cmpf one, %get3A_756, %ne3A_818 : vector<16xf32>
        %and3A_820 = arith.andi %ge3A_805, %ne3A_819 : vector<16xi1>
        %jit3A_821 = arith.constant -1.000000e+00 : f32
        %broadcast_in_dim3A_822 = vector.broadcast %jit3A_821 : f32 to vector<16xf32>
        %select_n3A_823 = arith.select %and3A_820, %get3A_759, %broadcast_in_dim3A_822 : vector<16xi1>, vector<16xf32>
        %swap3A_824 = arith.index_cast %mul3A_753 : i32 to index
        %swap3A_825 = tpu.vector_load %arg21[%swap3A_824] {strides = array<i32>} : memref<1296xf32, #tpu.memory_space<vmem>>, vector<16xf32>,
        %swap3A_826 = vector.shape_cast %swap3A_825 : vector<16xf32> to vector<16xf32>
        %swap3A_827 = vector.shape_cast %select_n3A_823 : vector<16xf32> to vector<16xf32>
        tpu.vector_store %arg21[%swap3A_824], %swap3A_827 {strides = array<i32>} : memref<1296xf32, #tpu.memory_space<vmem>>, vector<16xf32>,
        %scan3A_828 = arith.constant 0 : i32
        scf.yield %scan3A_828 : i32
      }
      %scan3A_88 = arith.constant 80 : i32
      %scan3A_89 = arith.constant 0 : i32
      %scan3A_90 = arith.constant 0 : i32
      %scan3A_91 = arith.constant 32 : i32
      %scan3A_92 = arith.addi %scan3A_90, %scan3A_91 : i32
      %scan3A_93 = arith.constant 1 : i32
      %scan3A_94 = scf.for %scan3A_514 = %scan3A_90 to %scan3A_92 step %scan3A_93 iter_args(%scan3A_515 = %scan3A_89) -> (i32)  : i32 {
        %broadcast_in_dim3A_516 = arith.constant 0.000000e+00 : f32
        %broadcast_in_dim3A_517 = vector.broadcast %broadcast_in_dim3A_516 : f32 to vector<16xf32>
        %mul3A_518 = arith.constant 16 : i32
        %mul3A_519 = arith.muli %scan3A_514, %mul3A_518 : i32
        %swap3A_520 = arith.index_cast %mul3A_519 : i32 to index
        %swap3A_521 = tpu.vector_load %arg24[%swap3A_520] {strides = array<i32>} : memref<512xf32, #tpu.memory_space<vmem>>, vector<16xf32>,
        %swap3A_522 = vector.shape_cast %swap3A_521 : vector<16xf32> to vector<16xf32>
        %swap3A_523 = vector.shape_cast %broadcast_in_dim3A_517 : vector<16xf32> to vector<16xf32>
        tpu.vector_store %arg24[%swap3A_520], %swap3A_523 {strides = array<i32>} : memref<512xf32, #tpu.memory_space<vmem>>, vector<16xf32>,
        %scan3A_524 = arith.constant 0 : i32
        scf.yield %scan3A_524 : i32
      }
      %scan3A_95 = arith.constant 32 : i32
      %broadcast_in_dim3A_96 = arith.constant -1.000000e+00 : f32
      %broadcast_in_dim3A_97 = vector.broadcast %broadcast_in_dim3A_96 : f32 to vector<16xf32>
      %broadcast_in_dim3A_98 = arith.constant 1.07374182E+9 : f32
      %broadcast_in_dim3A_99 = vector.broadcast %broadcast_in_dim3A_98 : f32 to vector<16xf32>
      %scan3A_100 = arith.constant 0 : i32
      %scan3A_101 = arith.constant 80 : i32
      %scan3A_102 = arith.addi %scan3A_100, %scan3A_101 : i32
      %scan3A_103 = arith.constant 4 : i32
      %scan3A_104:2 = scf.for %scan3A_514 = %scan3A_100 to %scan3A_102 step %scan3A_103 iter_args(%scan3A_515 = %broadcast_in_dim3A_97, %scan3A_516 = %broadcast_in_dim3A_99) -> (vector<16xf32>, vector<16xf32>)  : i32 {
        %mul3A_517 = arith.constant 16 : i32
        %mul3A_518 = arith.muli %scan3A_514, %mul3A_517 : i32
        %get3A_519 = arith.index_cast %mul3A_518 : i32 to index
        %get3A_520 = tpu.vector_load %arg20[%get3A_519] {strides = array<i32>} : memref<1296xf32, #tpu.memory_space<vmem>>, vector<16xf32>,
        %get3A_521 = vector.shape_cast %get3A_520 : vector<16xf32> to vector<16xf32>
        %gt3A_522 = arith.cmpf ogt, %get3A_521, %scan3A_515 : vector<16xf32>
        %mul3A_523 = arith.constant 16 : i32
        %mul3A_524 = arith.muli %scan3A_514, %mul3A_523 : i32
        %add3A_525 = arith.addi %mul3A_2, %mul3A_524 : i32
        %add3A_526 = vector.broadcast %add3A_525 : i32 to vector<16xi32>
        %add3A_527 = arith.addi %add3A_526, %iota3A : vector<16xi32>
        %convert_element_type3A_528 = arith.sitofp %add3A_527 : vector<16xi32> to vector<16xf32>
        %select_n3A_529 = arith.select %gt3A_522, %get3A_521, %scan3A_515 : vector<16xi1>, vector<16xf32>
        %select_n3A_530 = arith.select %gt3A_522, %convert_element_type3A_528, %scan3A_516 : vector<16xi1>, vector<16xf32>
        %scan3A_531 = arith.constant 1 : i32
        %scan3A_532 = arith.addi %scan3A_514, %scan3A_531 : i32
        %mul3A_533 = arith.constant 16 : i32
        %mul3A_534 = arith.muli %scan3A_532, %mul3A_533 : i32
        %get3A_535 = arith.index_cast %mul3A_534 : i32 to index
        %get3A_536 = tpu.vector_load %arg20[%get3A_535] {strides = array<i32>} : memref<1296xf32, #tpu.memory_space<vmem>>, vector<16xf32>,
        %get3A_537 = vector.shape_cast %get3A_536 : vector<16xf32> to vector<16xf32>
        %gt3A_538 = arith.cmpf ogt, %get3A_537, %select_n3A_529 : vector<16xf32>
        %mul3A_539 = arith.constant 16 : i32
        %mul3A_540 = arith.muli %scan3A_532, %mul3A_539 : i32
        %add3A_541 = arith.addi %mul3A_2, %mul3A_540 : i32
        %add3A_542 = vector.broadcast %add3A_541 : i32 to vector<16xi32>
        %add3A_543 = arith.addi %add3A_542, %iota3A : vector<16xi32>
        %convert_element_type3A_544 = arith.sitofp %add3A_543 : vector<16xi32> to vector<16xf32>
        %select_n3A_545 = arith.select %gt3A_538, %get3A_537, %select_n3A_529 : vector<16xi1>, vector<16xf32>
        %select_n3A_546 = arith.select %gt3A_538, %convert_element_type3A_544, %select_n3A_530 : vector<16xi1>, vector<16xf32>
        %scan3A_547 = arith.constant 2 : i32
        %scan3A_548 = arith.addi %scan3A_514, %scan3A_547 : i32
        %mul3A_549 = arith.constant 16 : i32
        %mul3A_550 = arith.muli %scan3A_548, %mul3A_549 : i32
        %get3A_551 = arith.index_cast %mul3A_550 : i32 to index
        %get3A_552 = tpu.vector_load %arg20[%get3A_551] {strides = array<i32>} : memref<1296xf32, #tpu.memory_space<vmem>>, vector<16xf32>,
        %get3A_553 = vector.shape_cast %get3A_552 : vector<16xf32> to vector<16xf32>
        %gt3A_554 = arith.cmpf ogt, %get3A_553, %select_n3A_545 : vector<16xf32>
        %mul3A_555 = arith.constant 16 : i32
        %mul3A_556 = arith.muli %scan3A_548, %mul3A_555 : i32
        %add3A_557 = arith.addi %mul3A_2, %mul3A_556 : i32
        %add3A_558 = vector.broadcast %add3A_557 : i32 to vector<16xi32>
        %add3A_559 = arith.addi %add3A_558, %iota3A : vector<16xi32>
        %convert_element_type3A_560 = arith.sitofp %add3A_559 : vector<16xi32> to vector<16xf32>
        %select_n3A_561 = arith.select %gt3A_554, %get3A_553, %select_n3A_545 : vector<16xi1>, vector<16xf32>
        %select_n3A_562 = arith.select %gt3A_554, %convert_element_type3A_560, %select_n3A_546 : vector<16xi1>, vector<16xf32>
        %scan3A_563 = arith.constant 3 : i32
        %scan3A_564 = arith.addi %scan3A_514, %scan3A_563 : i32
        %mul3A_565 = arith.constant 16 : i32
        %mul3A_566 = arith.muli %scan3A_564, %mul3A_565 : i32
        %get3A_567 = arith.index_cast %mul3A_566 : i32 to index
        %get3A_568 = tpu.vector_load %arg20[%get3A_567] {strides = array<i32>} : memref<1296xf32, #tpu.memory_space<vmem>>, vector<16xf32>,
        %get3A_569 = vector.shape_cast %get3A_568 : vector<16xf32> to vector<16xf32>
        %gt3A_570 = arith.cmpf ogt, %get3A_569, %select_n3A_561 : vector<16xf32>
        %mul3A_571 = arith.constant 16 : i32
        %mul3A_572 = arith.muli %scan3A_564, %mul3A_571 : i32
        %add3A_573 = arith.addi %mul3A_2, %mul3A_572 : i32
        %add3A_574 = vector.broadcast %add3A_573 : i32 to vector<16xi32>
        %add3A_575 = arith.addi %add3A_574, %iota3A : vector<16xi32>
        %convert_element_type3A_576 = arith.sitofp %add3A_575 : vector<16xi32> to vector<16xf32>
        %select_n3A_577 = arith.select %gt3A_570, %get3A_569, %select_n3A_561 : vector<16xi1>, vector<16xf32>
        %select_n3A_578 = arith.select %gt3A_570, %convert_element_type3A_576, %select_n3A_562 : vector<16xi1>, vector<16xf32>
        scf.yield %select_n3A_577, %select_n3A_578 : vector<16xf32>, vector<16xf32>
      }
      %scan3A_105 = arith.constant 80 : i32
      %xor3A_106 = arith.constant 8 : i32
      %xor3A_107 = vector.broadcast %xor3A_106 : i32 to vector<16xi32>
      %xor3A_108 = arith.xori %iota3A, %xor3A_107 : vector<16xi32>
      %broadcast_in_dim3A_109 = vector.shape_cast %xor3A_108 : vector<16xi32> to vector<16x1xi32>
      %gather3A_110 = vector.shape_cast %broadcast_in_dim3A_109 : vector<16x1xi32> to vector<16xi32>
      %gather3A_111 = tpu.dynamic_gather %scan3A_104#0[%gather3A_110] in [0] : vector<16xf32>, vector<16xi32> -> vector<16xf32>
      %broadcast_in_dim3A_112 = vector.shape_cast %xor3A_108 : vector<16xi32> to vector<16x1xi32>
      %gather3A_113 = vector.shape_cast %broadcast_in_dim3A_112 : vector<16x1xi32> to vector<16xi32>
      %gather3A_114 = tpu.dynamic_gather %scan3A_104#1[%gather3A_113] in [0] : vector<16xf32>, vector<16xi32> -> vector<16xf32>
      %gt3A_115 = arith.cmpf ogt, %gather3A_111, %scan3A_104#0 : vector<16xf32>
      %eq3A_116 = arith.cmpf oeq, %gather3A_111, %scan3A_104#0 : vector<16xf32>
      %min3A_117 = arith.minimumf %scan3A_104#1, %gather3A_114 : vector<16xf32>
      %select_n3A_118 = arith.select %eq3A_116, %min3A_117, %scan3A_104#1 : vector<16xi1>, vector<16xf32>
      %select_n3A_119 = arith.select %gt3A_115, %gather3A_114, %select_n3A_118 : vector<16xi1>, vector<16xf32>
      %max3A_120 = arith.maximumf %scan3A_104#0, %gather3A_111 : vector<16xf32>
      %xor3A_121 = arith.constant 4 : i32
      %xor3A_122 = vector.broadcast %xor3A_121 : i32 to vector<16xi32>
      %xor3A_123 = arith.xori %iota3A, %xor3A_122 : vector<16xi32>
      %broadcast_in_dim3A_124 = vector.shape_cast %xor3A_123 : vector<16xi32> to vector<16x1xi32>
      %gather3A_125 = vector.shape_cast %broadcast_in_dim3A_124 : vector<16x1xi32> to vector<16xi32>
      %gather3A_126 = tpu.dynamic_gather %max3A_120[%gather3A_125] in [0] : vector<16xf32>, vector<16xi32> -> vector<16xf32>
      %broadcast_in_dim3A_127 = vector.shape_cast %xor3A_123 : vector<16xi32> to vector<16x1xi32>
      %gather3A_128 = vector.shape_cast %broadcast_in_dim3A_127 : vector<16x1xi32> to vector<16xi32>
      %gather3A_129 = tpu.dynamic_gather %select_n3A_119[%gather3A_128] in [0] : vector<16xf32>, vector<16xi32> -> vector<16xf32>
      %gt3A_130 = arith.cmpf ogt, %gather3A_126, %max3A_120 : vector<16xf32>
      %eq3A_131 = arith.cmpf oeq, %gather3A_126, %max3A_120 : vector<16xf32>
      %min3A_132 = arith.minimumf %select_n3A_119, %gather3A_129 : vector<16xf32>
      %select_n3A_133 = arith.select %eq3A_131, %min3A_132, %select_n3A_119 : vector<16xi1>, vector<16xf32>
      %select_n3A_134 = arith.select %gt3A_130, %gather3A_129, %select_n3A_133 : vector<16xi1>, vector<16xf32>
      %max3A_135 = arith.maximumf %max3A_120, %gather3A_126 : vector<16xf32>
      %xor3A_136 = arith.constant 2 : i32
      %xor3A_137 = vector.broadcast %xor3A_136 : i32 to vector<16xi32>
      %xor3A_138 = arith.xori %iota3A, %xor3A_137 : vector<16xi32>
      %broadcast_in_dim3A_139 = vector.shape_cast %xor3A_138 : vector<16xi32> to vector<16x1xi32>
      %gather3A_140 = vector.shape_cast %broadcast_in_dim3A_139 : vector<16x1xi32> to vector<16xi32>
      %gather3A_141 = tpu.dynamic_gather %max3A_135[%gather3A_140] in [0] : vector<16xf32>, vector<16xi32> -> vector<16xf32>
      %broadcast_in_dim3A_142 = vector.shape_cast %xor3A_138 : vector<16xi32> to vector<16x1xi32>
      %gather3A_143 = vector.shape_cast %broadcast_in_dim3A_142 : vector<16x1xi32> to vector<16xi32>
      %gather3A_144 = tpu.dynamic_gather %select_n3A_134[%gather3A_143] in [0] : vector<16xf32>, vector<16xi32> -> vector<16xf32>
      %gt3A_145 = arith.cmpf ogt, %gather3A_141, %max3A_135 : vector<16xf32>
      %eq3A_146 = arith.cmpf oeq, %gather3A_141, %max3A_135 : vector<16xf32>
      %min3A_147 = arith.minimumf %select_n3A_134, %gather3A_144 : vector<16xf32>
      %select_n3A_148 = arith.select %eq3A_146, %min3A_147, %select_n3A_134 : vector<16xi1>, vector<16xf32>
      %select_n3A_149 = arith.select %gt3A_145, %gather3A_144, %select_n3A_148 : vector<16xi1>, vector<16xf32>
      %max3A_150 = arith.maximumf %max3A_135, %gather3A_141 : vector<16xf32>
      %xor3A_151 = arith.constant 1 : i32
      %xor3A_152 = vector.broadcast %xor3A_151 : i32 to vector<16xi32>
      %xor3A_153 = arith.xori %iota3A, %xor3A_152 : vector<16xi32>
      %broadcast_in_dim3A_154 = vector.shape_cast %xor3A_153 : vector<16xi32> to vector<16x1xi32>
      %gather3A_155 = vector.shape_cast %broadcast_in_dim3A_154 : vector<16x1xi32> to vector<16xi32>
      %gather3A_156 = tpu.dynamic_gather %max3A_150[%gather3A_155] in [0] : vector<16xf32>, vector<16xi32> -> vector<16xf32>
      %broadcast_in_dim3A_157 = vector.shape_cast %xor3A_153 : vector<16xi32> to vector<16x1xi32>
      %gather3A_158 = vector.shape_cast %broadcast_in_dim3A_157 : vector<16x1xi32> to vector<16xi32>
      %gather3A_159 = tpu.dynamic_gather %select_n3A_149[%gather3A_158] in [0] : vector<16xf32>, vector<16xi32> -> vector<16xf32>
      %gt3A_160 = arith.cmpf ogt, %gather3A_156, %max3A_150 : vector<16xf32>
      %eq3A_161 = arith.cmpf oeq, %gather3A_156, %max3A_150 : vector<16xf32>
      %min3A_162 = arith.minimumf %select_n3A_149, %gather3A_159 : vector<16xf32>
      %select_n3A_163 = arith.select %eq3A_161, %min3A_162, %select_n3A_149 : vector<16xi1>, vector<16xf32>
      %select_n3A_164 = arith.select %gt3A_160, %gather3A_159, %select_n3A_163 : vector<16xi1>, vector<16xf32>
      %max3A_165 = arith.maximumf %max3A_150, %gather3A_156 : vector<16xf32>
      %convert_element_type3A_166 = arith.fptosi %select_n3A_164 : vector<16xf32> to vector<16xi32>
      %slice3A = vector.extract_strided_slice %convert_element_type3A_166 {offsets = [0], sizes = [1], strides = [1]} : vector<16xi32> to vector<1xi32>
      %squeeze3A = vector.extract %slice3A[0] : i32 from vector<1xi32>
      %sub3A = arith.subi %squeeze3A, %mul3A_2 : i32
      %slice3A_167 = vector.extract_strided_slice %convert_element_type3A_166 {offsets = [0], sizes = [1], strides = [1]} : vector<16xi32> to vector<1xi32>
      %squeeze3A_168 = vector.extract %slice3A_167[0] : i32 from vector<1xi32>
      %ge3A = arith.cmpi sge, %squeeze3A_168, %mul3A_2 : i32
      %slice3A_169 = vector.extract_strided_slice %convert_element_type3A_166 {offsets = [0], sizes = [1], strides = [1]} : vector<16xi32> to vector<1xi32>
      %squeeze3A_170 = vector.extract %slice3A_169[0] : i32 from vector<1xi32>
      %add3A = arith.constant 1280 : i32
      %add3A_171 = arith.addi %mul3A_2, %add3A : i32
      %lt3A = arith.cmpi slt, %squeeze3A_170, %add3A_171 : i32
      %and3A = arith.andi %ge3A, %lt3A : i1
      %jit3A_172 = arith.constant 0 : i32
      %select_n3A_173 = arith.select %and3A, %sub3A, %jit3A_172 : i32
      %eq3A_174 = arith.constant 0 : i32
      %eq3A_175 = vector.broadcast %eq3A_174 : i32 to vector<16xi32>
      %eq3A_176 = arith.cmpi eq, %iota3A, %eq3A_175 : vector<16xi32>
      %eq3A_177 = arith.constant 1 : i32
      %eq3A_178 = vector.broadcast %eq3A_177 : i32 to vector<16xi32>
      %eq3A_179 = arith.cmpi eq, %iota3A, %eq3A_178 : vector<16xi32>
      %eq3A_180 = arith.constant 2 : i32
      %eq3A_181 = vector.broadcast %eq3A_180 : i32 to vector<16xi32>
      %eq3A_182 = arith.cmpi eq, %iota3A, %eq3A_181 : vector<16xi32>
      %get3A = arith.index_cast %select_n3A_173 : i32 to index
      %get3A_183 = tpu.vector_load %arg15[%get3A] {strides = array<i32>} : memref<1296xf32, #tpu.memory_space<vmem>>, vector<16xf32>,
      %get3A_184 = vector.shape_cast %get3A_183 : vector<16xf32> to vector<16xf32>
      %slice3A_185 = vector.extract_strided_slice %get3A_184 {offsets = [0], sizes = [1], strides = [1]} : vector<16xf32> to vector<1xf32>
      %squeeze3A_186 = vector.extract %slice3A_185[0] : f32 from vector<1xf32>
      %eq3A_187 = arith.constant 3 : i32
      %eq3A_188 = vector.broadcast %eq3A_187 : i32 to vector<16xi32>
      %eq3A_189 = arith.cmpi eq, %iota3A, %eq3A_188 : vector<16xi32>
      %get3A_190 = arith.index_cast %select_n3A_173 : i32 to index
      %get3A_191 = tpu.vector_load %arg16[%get3A_190] {strides = array<i32>} : memref<1296xf32, #tpu.memory_space<vmem>>, vector<16xf32>,
      %get3A_192 = vector.shape_cast %get3A_191 : vector<16xf32> to vector<16xf32>
      %slice3A_193 = vector.extract_strided_slice %get3A_192 {offsets = [0], sizes = [1], strides = [1]} : vector<16xf32> to vector<1xf32>
      %squeeze3A_194 = vector.extract %slice3A_193[0] : f32 from vector<1xf32>
      %eq3A_195 = arith.constant 4 : i32
      %eq3A_196 = vector.broadcast %eq3A_195 : i32 to vector<16xi32>
      %eq3A_197 = arith.cmpi eq, %iota3A, %eq3A_196 : vector<16xi32>
      %get3A_198 = arith.index_cast %select_n3A_173 : i32 to index
      %get3A_199 = tpu.vector_load %arg17[%get3A_198] {strides = array<i32>} : memref<1296xf32, #tpu.memory_space<vmem>>, vector<16xf32>,
      %get3A_200 = vector.shape_cast %get3A_199 : vector<16xf32> to vector<16xf32>
      %slice3A_201 = vector.extract_strided_slice %get3A_200 {offsets = [0], sizes = [1], strides = [1]} : vector<16xf32> to vector<1xf32>
      %squeeze3A_202 = vector.extract %slice3A_201[0] : f32 from vector<1xf32>
      %eq3A_203 = arith.constant 5 : i32
      %eq3A_204 = vector.broadcast %eq3A_203 : i32 to vector<16xi32>
      %eq3A_205 = arith.cmpi eq, %iota3A, %eq3A_204 : vector<16xi32>
      %get3A_206 = arith.index_cast %select_n3A_173 : i32 to index
      %get3A_207 = tpu.vector_load %arg18[%get3A_206] {strides = array<i32>} : memref<1296xf32, #tpu.memory_space<vmem>>, vector<16xf32>,
      %get3A_208 = vector.shape_cast %get3A_207 : vector<16xf32> to vector<16xf32>
      %slice3A_209 = vector.extract_strided_slice %get3A_208 {offsets = [0], sizes = [1], strides = [1]} : vector<16xf32> to vector<1xf32>
      %squeeze3A_210 = vector.extract %slice3A_209[0] : f32 from vector<1xf32>
      %eq3A_211 = arith.constant 6 : i32
      %eq3A_212 = vector.broadcast %eq3A_211 : i32 to vector<16xi32>
      %eq3A_213 = arith.cmpi eq, %iota3A, %eq3A_212 : vector<16xi32>
      %get3A_214 = arith.index_cast %select_n3A_173 : i32 to index
      %get3A_215 = tpu.vector_load %arg19[%get3A_214] {strides = array<i32>} : memref<1296xf32, #tpu.memory_space<vmem>>, vector<16xf32>,
      %get3A_216 = vector.shape_cast %get3A_215 : vector<16xf32> to vector<16xf32>
      %slice3A_217 = vector.extract_strided_slice %get3A_216 {offsets = [0], sizes = [1], strides = [1]} : vector<16xf32> to vector<1xf32>
      %squeeze3A_218 = vector.extract %slice3A_217[0] : f32 from vector<1xf32>
      %eq3A_219 = arith.constant 7 : i32
      %eq3A_220 = vector.broadcast %eq3A_219 : i32 to vector<16xi32>
      %eq3A_221 = arith.cmpi eq, %iota3A, %eq3A_220 : vector<16xi32>
      %get3A_222 = arith.index_cast %select_n3A_173 : i32 to index
      %get3A_223 = tpu.vector_load %arg9[%get3A_222] {strides = array<i32>} : memref<1296xf32, #tpu.memory_space<vmem>>, vector<16xf32>,
      %get3A_224 = vector.shape_cast %get3A_223 : vector<16xf32> to vector<16xf32>
      %slice3A_225 = vector.extract_strided_slice %get3A_224 {offsets = [0], sizes = [1], strides = [1]} : vector<16xf32> to vector<1xf32>
      %squeeze3A_226 = vector.extract %slice3A_225[0] : f32 from vector<1xf32>
      %eq3A_227 = arith.constant 8 : i32
      %eq3A_228 = vector.broadcast %eq3A_227 : i32 to vector<16xi32>
      %eq3A_229 = arith.cmpi eq, %iota3A, %eq3A_228 : vector<16xi32>
      %get3A_230 = arith.index_cast %select_n3A_173 : i32 to index
      %get3A_231 = tpu.vector_load %arg10[%get3A_230] {strides = array<i32>} : memref<1296xf32, #tpu.memory_space<vmem>>, vector<16xf32>,
      %get3A_232 = vector.shape_cast %get3A_231 : vector<16xf32> to vector<16xf32>
      %slice3A_233 = vector.extract_strided_slice %get3A_232 {offsets = [0], sizes = [1], strides = [1]} : vector<16xf32> to vector<1xf32>
      %squeeze3A_234 = vector.extract %slice3A_233[0] : f32 from vector<1xf32>
      %eq3A_235 = arith.constant 9 : i32
      %eq3A_236 = vector.broadcast %eq3A_235 : i32 to vector<16xi32>
      %eq3A_237 = arith.cmpi eq, %iota3A, %eq3A_236 : vector<16xi32>
      %get3A_238 = arith.index_cast %select_n3A_173 : i32 to index
      %get3A_239 = tpu.vector_load %arg11[%get3A_238] {strides = array<i32>} : memref<1296xf32, #tpu.memory_space<vmem>>, vector<16xf32>,
      %get3A_240 = vector.shape_cast %get3A_239 : vector<16xf32> to vector<16xf32>
      %slice3A_241 = vector.extract_strided_slice %get3A_240 {offsets = [0], sizes = [1], strides = [1]} : vector<16xf32> to vector<1xf32>
      %squeeze3A_242 = vector.extract %slice3A_241[0] : f32 from vector<1xf32>
      %eq3A_243 = arith.constant 10 : i32
      %eq3A_244 = vector.broadcast %eq3A_243 : i32 to vector<16xi32>
      %eq3A_245 = arith.cmpi eq, %iota3A, %eq3A_244 : vector<16xi32>
      %get3A_246 = arith.index_cast %select_n3A_173 : i32 to index
      %get3A_247 = tpu.vector_load %arg12[%get3A_246] {strides = array<i32>} : memref<1296xf32, #tpu.memory_space<vmem>>, vector<16xf32>,
      %get3A_248 = vector.shape_cast %get3A_247 : vector<16xf32> to vector<16xf32>
      %slice3A_249 = vector.extract_strided_slice %get3A_248 {offsets = [0], sizes = [1], strides = [1]} : vector<16xf32> to vector<1xf32>
      %squeeze3A_250 = vector.extract %slice3A_249[0] : f32 from vector<1xf32>
      %eq3A_251 = arith.constant 11 : i32
      %eq3A_252 = vector.broadcast %eq3A_251 : i32 to vector<16xi32>
      %eq3A_253 = arith.cmpi eq, %iota3A, %eq3A_252 : vector<16xi32>
      %get3A_254 = arith.index_cast %select_n3A_173 : i32 to index
      %get3A_255 = tpu.vector_load %arg13[%get3A_254] {strides = array<i32>} : memref<1296xf32, #tpu.memory_space<vmem>>, vector<16xf32>,
      %get3A_256 = vector.shape_cast %get3A_255 : vector<16xf32> to vector<16xf32>
      %slice3A_257 = vector.extract_strided_slice %get3A_256 {offsets = [0], sizes = [1], strides = [1]} : vector<16xf32> to vector<1xf32>
      %squeeze3A_258 = vector.extract %slice3A_257[0] : f32 from vector<1xf32>
      %jit3A_259 = arith.constant 0.000000e+00 : f32
      %broadcast_in_dim3A_260 = vector.broadcast %squeeze3A_258 : f32 to vector<16xf32>
      %broadcast_in_dim3A_261 = vector.broadcast %jit3A_259 : f32 to vector<16xf32>
      %select_n3A_262 = arith.select %eq3A_253, %broadcast_in_dim3A_260, %broadcast_in_dim3A_261 : vector<16xi1>, vector<16xf32>
      %broadcast_in_dim3A_263 = vector.broadcast %squeeze3A_250 : f32 to vector<16xf32>
      %select_n3A_264 = arith.select %eq3A_245, %broadcast_in_dim3A_263, %select_n3A_262 : vector<16xi1>, vector<16xf32>
      %broadcast_in_dim3A_265 = vector.broadcast %squeeze3A_242 : f32 to vector<16xf32>
      %select_n3A_266 = arith.select %eq3A_237, %broadcast_in_dim3A_265, %select_n3A_264 : vector<16xi1>, vector<16xf32>
      %broadcast_in_dim3A_267 = vector.broadcast %squeeze3A_234 : f32 to vector<16xf32>
      %select_n3A_268 = arith.select %eq3A_229, %broadcast_in_dim3A_267, %select_n3A_266 : vector<16xi1>, vector<16xf32>
      %broadcast_in_dim3A_269 = vector.broadcast %squeeze3A_226 : f32 to vector<16xf32>
      %select_n3A_270 = arith.select %eq3A_221, %broadcast_in_dim3A_269, %select_n3A_268 : vector<16xi1>, vector<16xf32>
      %broadcast_in_dim3A_271 = vector.broadcast %squeeze3A_218 : f32 to vector<16xf32>
      %select_n3A_272 = arith.select %eq3A_213, %broadcast_in_dim3A_271, %select_n3A_270 : vector<16xi1>, vector<16xf32>
      %broadcast_in_dim3A_273 = vector.broadcast %squeeze3A_210 : f32 to vector<16xf32>
      %select_n3A_274 = arith.select %eq3A_205, %broadcast_in_dim3A_273, %select_n3A_272 : vector<16xi1>, vector<16xf32>
      %broadcast_in_dim3A_275 = vector.broadcast %squeeze3A_202 : f32 to vector<16xf32>
      %select_n3A_276 = arith.select %eq3A_197, %broadcast_in_dim3A_275, %select_n3A_274 : vector<16xi1>, vector<16xf32>
      %broadcast_in_dim3A_277 = vector.broadcast %squeeze3A_194 : f32 to vector<16xf32>
      %select_n3A_278 = arith.select %eq3A_189, %broadcast_in_dim3A_277, %select_n3A_276 : vector<16xi1>, vector<16xf32>
      %broadcast_in_dim3A_279 = vector.broadcast %squeeze3A_186 : f32 to vector<16xf32>
      %select_n3A_280 = arith.select %eq3A_182, %broadcast_in_dim3A_279, %select_n3A_278 : vector<16xi1>, vector<16xf32>
      %select_n3A_281 = arith.select %eq3A_179, %select_n3A_164, %select_n3A_280 : vector<16xi1>, vector<16xf32>
      %select_n3A_282 = arith.select %eq3A_176, %max3A_165, %select_n3A_281 : vector<16xi1>, vector<16xf32>
      %swap3A_283 = arith.constant 0 : index
      %swap3A_284 = tpu.vector_load %arg22[%swap3A_283] {strides = array<i32>} : memref<16xf32, #tpu.memory_space<vmem>>, vector<16xf32>,
      %swap3A_285 = vector.shape_cast %swap3A_284 : vector<16xf32> to vector<16xf32>
      %swap3A_286 = vector.shape_cast %select_n3A_282 : vector<16xf32> to vector<16xf32>
      tpu.vector_store %arg22[%swap3A_283], %swap3A_286 {strides = array<i32>} : memref<16xf32, #tpu.memory_space<vmem>>, vector<16xf32>,
      %mul3A_287 = arith.constant 16 : i32
      %mul3A_288 = arith.muli %arg1, %mul3A_287 : i32
      %add3A_289 = arith.constant 0 : i32
      %add3A_290 = arith.addi %add3A_289, %mul3A_288 : i32
      "tpu.region"() ({
        %run_scoped3A = tpu.sem_alloc : memref<!tpu.dma_semaphore, #tpu.memory_space<semaphore_mem>>
        %dma_start3A = tpu.memref_slice %arg25[%add3A_290] : memref<512xf32, #tpu.memory_space<vmem_shared>> -> memref<16xf32, #tpu.memory_space<vmem_shared>>
        %dma_start3A_514 = tpu.memref_slice %arg25[%add3A_290] : memref<512xf32, #tpu.memory_space<vmem_shared>> -> memref<16xf32, #tpu.memory_space<vmem_shared>>
        tpu.enqueue_dma source(%arg22 : memref<16xf32, #tpu.memory_space<vmem>>) target(%dma_start3A_514 : memref<16xf32, #tpu.memory_space<vmem_shared>>) target_semaphore(%run_scoped3A : memref<!tpu.dma_semaphore, #tpu.memory_space<semaphore_mem>>)
        %dma_wait3A = tpu.memref_slice %arg25[%add3A_290] : memref<512xf32, #tpu.memory_space<vmem_shared>> -> memref<16xf32, #tpu.memory_space<vmem_shared>>
        %dma_wait3A_515 = tpu.memref_slice %arg25[%add3A_290] : memref<512xf32, #tpu.memory_space<vmem_shared>> -> memref<16xf32, #tpu.memory_space<vmem_shared>>
        tpu.wait_dma2 semaphore(%run_scoped3A : memref<!tpu.dma_semaphore, #tpu.memory_space<semaphore_mem>>) src(%arg22 : memref<16xf32, #tpu.memory_space<vmem>>) dst(%dma_wait3A_515 : memref<16xf32, #tpu.memory_space<vmem_shared>>)
        tpu.yield
      }) : () -> ()
      %barrier3A_291 = arith.constant 0 : index
      tpu.barrier barrier_id(%barrier3A_291)
      %scan3A_292 = arith.constant 0 : i32
      %scan3A_293 = arith.constant 0 : i32
      %scan3A_294 = arith.constant 15 : i32
      %scan3A_295 = arith.addi %scan3A_293, %scan3A_294 : i32
      %scan3A_296 = arith.constant 1 : i32
      %scan3A_297 = scf.for %scan3A_514 = %scan3A_293 to %scan3A_295 step %scan3A_296 iter_args(%scan3A_515 = %scan3A_292) -> (i32)  : i32 {
        %rem3A = arith.constant 2 : i32
        %rem3A_516 = arith.remsi %scan3A_514, %rem3A : i32
        %add3A_517 = arith.constant 1 : i32
        %add3A_518 = arith.addi %scan3A_514, %add3A_517 : i32
        %rem3A_519 = arith.constant 2 : i32
        %rem3A_520 = arith.remsi %add3A_518, %rem3A_519 : i32
        %mul3A_521 = arith.constant 256 : i32
        %mul3A_522 = arith.muli %rem3A_516, %mul3A_521 : i32
        "tpu.region"() ({
          %run_scoped3A = tpu.sem_alloc : memref<!tpu.dma_semaphore, #tpu.memory_space<semaphore_mem>>
          %dma_start3A = tpu.memref_slice %arg25[%mul3A_522] : memref<512xf32, #tpu.memory_space<vmem_shared>> -> memref<256xf32, #tpu.memory_space<vmem_shared>>
          %dma_start3A_773 = tpu.memref_slice %arg25[%mul3A_522] : memref<512xf32, #tpu.memory_space<vmem_shared>> -> memref<256xf32, #tpu.memory_space<vmem_shared>>
          tpu.enqueue_dma source(%dma_start3A_773 : memref<256xf32, #tpu.memory_space<vmem_shared>>) target(%arg23 : memref<256xf32, #tpu.memory_space<vmem>>) target_semaphore(%run_scoped3A : memref<!tpu.dma_semaphore, #tpu.memory_space<semaphore_mem>>)
          %dma_wait3A = tpu.memref_slice %arg25[%mul3A_522] : memref<512xf32, #tpu.memory_space<vmem_shared>> -> memref<256xf32, #tpu.memory_space<vmem_shared>>
          %dma_wait3A_774 = tpu.memref_slice %arg25[%mul3A_522] : memref<512xf32, #tpu.memory_space<vmem_shared>> -> memref<256xf32, #tpu.memory_space<vmem_shared>>
          tpu.wait_dma2 semaphore(%run_scoped3A : memref<!tpu.dma_semaphore, #tpu.memory_space<semaphore_mem>>) src(%dma_wait3A_774 : memref<256xf32, #tpu.memory_space<vmem_shared>>) dst(%arg23 : memref<256xf32, #tpu.memory_space<vmem>>)
          tpu.yield
        }) : () -> ()
        %scan3A_523 = arith.constant -2.000000e+00 : f32
        %scan3A_524 = arith.constant 1.07374182E+9 : f32
        %scan3A_525 = arith.constant 0 : i32
        %scan3A_526 = arith.constant 16 : i32
        %scan3A_527 = arith.addi %scan3A_525, %scan3A_526 : i32
        %scan3A_528 = arith.constant 1 : i32
        %scan3A_529:2 = scf.for %scan3A_773 = %scan3A_525 to %scan3A_527 step %scan3A_528 iter_args(%scan3A_774 = %scan3A_523, %scan3A_775 = %scan3A_524) -> (f32, f32)  : i32 {
          %mul3A_776 = arith.constant 16 : i32
          %mul3A_777 = arith.muli %scan3A_773, %mul3A_776 : i32
          %get3A_778 = arith.index_cast %mul3A_777 : i32 to index
          %get3A_779 = tpu.vector_load %arg23[%get3A_778] {strides = array<i32>} : memref<256xf32, #tpu.memory_space<vmem>>, vector<16xf32>,
          %get3A_780 = vector.shape_cast %get3A_779 : vector<16xf32> to vector<16xf32>
          %slice3A_781 = vector.extract_strided_slice %get3A_780 {offsets = [0], sizes = [1], strides = [1]} : vector<16xf32> to vector<1xf32>
          %squeeze3A_782 = vector.extract %slice3A_781[0] : f32 from vector<1xf32>
          %slice3A_783 = vector.extract_strided_slice %get3A_780 {offsets = [1], sizes = [1], strides = [1]} : vector<16xf32> to vector<1xf32>
          %squeeze3A_784 = vector.extract %slice3A_783[0] : f32 from vector<1xf32>
          %gt3A_785 = arith.cmpf ogt, %squeeze3A_782, %scan3A_774 : f32
          %eq3A_786 = arith.cmpf oeq, %squeeze3A_782, %scan3A_774 : f32
          %min3A_787 = arith.minimumf %scan3A_775, %squeeze3A_784 : f32
          %select_n3A_788 = arith.select %eq3A_786, %min3A_787, %scan3A_775 : f32
          %select_n3A_789 = arith.select %gt3A_785, %squeeze3A_784, %select_n3A_788 : f32
          %max3A_790 = arith.maximumf %scan3A_774, %squeeze3A_782 : f32
          scf.yield %max3A_790, %select_n3A_789 : f32, f32
        }
        %scan3A_530 = arith.constant 16 : i32
        %convert_element_type3A_531 = arith.fptosi %scan3A_529#1 : f32 to i32
        %ge3A_532 = arith.constant 0.000000e+00 : f32
        %ge3A_533 = arith.cmpf oge, %scan3A_529#0, %ge3A_532 : f32
        %div3A = arith.constant 1280 : i32
        %div3A_534 = arith.divsi %convert_element_type3A_531, %div3A : i32
        %mul3A_535 = arith.constant 16 : i32
        %mul3A_536 = arith.muli %div3A_534, %mul3A_535 : i32
        %get3A_537 = arith.index_cast %mul3A_536 : i32 to index
        %get3A_538 = tpu.vector_load %arg23[%get3A_537] {strides = array<i32>} : memref<256xf32, #tpu.memory_space<vmem>>, vector<16xf32>,
        %get3A_539 = vector.shape_cast %get3A_538 : vector<16xf32> to vector<16xf32>
        %slice3A_540 = vector.extract_strided_slice %get3A_539 {offsets = [2], sizes = [1], strides = [1]} : vector<16xf32> to vector<1xf32>
        %squeeze3A_541 = vector.extract %slice3A_540[0] : f32 from vector<1xf32>
        %jit3A_542 = arith.constant 1.000000e+00 : f32
        %select_n3A_543 = arith.select %ge3A_533, %squeeze3A_541, %jit3A_542 : f32
        %slice3A_544 = vector.extract_strided_slice %get3A_539 {offsets = [3], sizes = [1], strides = [1]} : vector<16xf32> to vector<1xf32>
        %squeeze3A_545 = vector.extract %slice3A_544[0] : f32 from vector<1xf32>
        %jit3A_546 = arith.constant 1.000000e+00 : f32
        %select_n3A_547 = arith.select %ge3A_533, %squeeze3A_545, %jit3A_546 : f32
        %slice3A_548 = vector.extract_strided_slice %get3A_539 {offsets = [4], sizes = [1], strides = [1]} : vector<16xf32> to vector<1xf32>
        %squeeze3A_549 = vector.extract %slice3A_548[0] : f32 from vector<1xf32>
        %jit3A_550 = arith.constant 0.000000e+00 : f32
        %select_n3A_551 = arith.select %ge3A_533, %squeeze3A_549, %jit3A_550 : f32
        %slice3A_552 = vector.extract_strided_slice %get3A_539 {offsets = [5], sizes = [1], strides = [1]} : vector<16xf32> to vector<1xf32>
        %squeeze3A_553 = vector.extract %slice3A_552[0] : f32 from vector<1xf32>
        %jit3A_554 = arith.constant 0.000000e+00 : f32
        %select_n3A_555 = arith.select %ge3A_533, %squeeze3A_553, %jit3A_554 : f32
        %slice3A_556 = vector.extract_strided_slice %get3A_539 {offsets = [6], sizes = [1], strides = [1]} : vector<16xf32> to vector<1xf32>
        %squeeze3A_557 = vector.extract %slice3A_556[0] : f32 from vector<1xf32>
        %jit3A_558 = arith.constant 1.000000e+00 : f32
        %select_n3A_559 = arith.select %ge3A_533, %squeeze3A_557, %jit3A_558 : f32
        %eq3A_560 = arith.constant 0 : i32
        %eq3A_561 = arith.cmpi eq, %arg1, %eq3A_560 : i32
        %and3A_562 = arith.andi %ge3A_533, %eq3A_561 : i1
        %convert_element_type3A_563 = arith.extui %and3A_562 : i1 to i32
        %cond3A_564 = arith.constant 0 : i32
        %cond3A_565 = arith.cmpi ne, %convert_element_type3A_563, %cond3A_564 : i32
        scf.if %cond3A_565 {
          %eq3A_773 = arith.constant 0 : i32
          %eq3A_774 = vector.broadcast %eq3A_773 : i32 to vector<16xi32>
          %eq3A_775 = arith.cmpi eq, %iota3A, %eq3A_774 : vector<16xi32>
          %slice3A_776 = vector.extract_strided_slice %get3A_539 {offsets = [7], sizes = [1], strides = [1]} : vector<16xf32> to vector<1xf32>
          %squeeze3A_777 = vector.extract %slice3A_776[0] : f32 from vector<1xf32>
          %eq3A_778 = arith.constant 1 : i32
          %eq3A_779 = vector.broadcast %eq3A_778 : i32 to vector<16xi32>
          %eq3A_780 = arith.cmpi eq, %iota3A, %eq3A_779 : vector<16xi32>
          %slice3A_781 = vector.extract_strided_slice %get3A_539 {offsets = [8], sizes = [1], strides = [1]} : vector<16xf32> to vector<1xf32>
          %squeeze3A_782 = vector.extract %slice3A_781[0] : f32 from vector<1xf32>
          %eq3A_783 = arith.constant 2 : i32
          %eq3A_784 = vector.broadcast %eq3A_783 : i32 to vector<16xi32>
          %eq3A_785 = arith.cmpi eq, %iota3A, %eq3A_784 : vector<16xi32>
          %slice3A_786 = vector.extract_strided_slice %get3A_539 {offsets = [9], sizes = [1], strides = [1]} : vector<16xf32> to vector<1xf32>
          %squeeze3A_787 = vector.extract %slice3A_786[0] : f32 from vector<1xf32>
          %eq3A_788 = arith.constant 3 : i32
          %eq3A_789 = vector.broadcast %eq3A_788 : i32 to vector<16xi32>
          %eq3A_790 = arith.cmpi eq, %iota3A, %eq3A_789 : vector<16xi32>
          %slice3A_791 = vector.extract_strided_slice %get3A_539 {offsets = [10], sizes = [1], strides = [1]} : vector<16xf32> to vector<1xf32>
          %squeeze3A_792 = vector.extract %slice3A_791[0] : f32 from vector<1xf32>
          %eq3A_793 = arith.constant 4 : i32
          %eq3A_794 = vector.broadcast %eq3A_793 : i32 to vector<16xi32>
          %eq3A_795 = arith.cmpi eq, %iota3A, %eq3A_794 : vector<16xi32>
          %slice3A_796 = vector.extract_strided_slice %get3A_539 {offsets = [11], sizes = [1], strides = [1]} : vector<16xf32> to vector<1xf32>
          %squeeze3A_797 = vector.extract %slice3A_796[0] : f32 from vector<1xf32>
          %jit3A_798 = arith.constant 0.000000e+00 : f32
          %broadcast_in_dim3A_799 = vector.broadcast %squeeze3A_797 : f32 to vector<16xf32>
          %broadcast_in_dim3A_800 = vector.broadcast %jit3A_798 : f32 to vector<16xf32>
          %select_n3A_801 = arith.select %eq3A_795, %broadcast_in_dim3A_799, %broadcast_in_dim3A_800 : vector<16xi1>, vector<16xf32>
          %broadcast_in_dim3A_802 = vector.broadcast %squeeze3A_792 : f32 to vector<16xf32>
          %select_n3A_803 = arith.select %eq3A_790, %broadcast_in_dim3A_802, %select_n3A_801 : vector<16xi1>, vector<16xf32>
          %broadcast_in_dim3A_804 = vector.broadcast %squeeze3A_787 : f32 to vector<16xf32>
          %select_n3A_805 = arith.select %eq3A_785, %broadcast_in_dim3A_804, %select_n3A_803 : vector<16xi1>, vector<16xf32>
          %broadcast_in_dim3A_806 = vector.broadcast %squeeze3A_782 : f32 to vector<16xf32>
          %select_n3A_807 = arith.select %eq3A_780, %broadcast_in_dim3A_806, %select_n3A_805 : vector<16xi1>, vector<16xf32>
          %broadcast_in_dim3A_808 = vector.broadcast %squeeze3A_777 : f32 to vector<16xf32>
          %select_n3A_809 = arith.select %eq3A_775, %broadcast_in_dim3A_808, %select_n3A_807 : vector<16xi1>, vector<16xf32>
          %mul3A_810 = arith.constant 16 : i32
          %mul3A_811 = arith.muli %scan3A_515, %mul3A_810 : i32
          %swap3A_812 = arith.index_cast %mul3A_811 : i32 to index
          %swap3A_813 = tpu.vector_load %arg24[%swap3A_812] {strides = array<i32>} : memref<512xf32, #tpu.memory_space<vmem>>, vector<16xf32>,
          %swap3A_814 = vector.shape_cast %swap3A_813 : vector<16xf32> to vector<16xf32>
          %swap3A_815 = vector.shape_cast %select_n3A_809 : vector<16xf32> to vector<16xf32>
          tpu.vector_store %arg24[%swap3A_812], %swap3A_815 {strides = array<i32>} : memref<512xf32, #tpu.memory_space<vmem>>, vector<16xf32>,
        } else {
        }
        %broadcast_in_dim3A_566 = arith.constant -1.000000e+00 : f32
        %broadcast_in_dim3A_567 = vector.broadcast %broadcast_in_dim3A_566 : f32 to vector<16xf32>
        %broadcast_in_dim3A_568 = arith.constant 1.07374182E+9 : f32
        %broadcast_in_dim3A_569 = vector.broadcast %broadcast_in_dim3A_568 : f32 to vector<16xf32>
        %scan3A_570 = arith.constant 0 : i32
        %scan3A_571 = arith.constant 80 : i32
        %scan3A_572 = arith.addi %scan3A_570, %scan3A_571 : i32
        %scan3A_573 = arith.constant 4 : i32
        %scan3A_574:2 = scf.for %scan3A_773 = %scan3A_570 to %scan3A_572 step %scan3A_573 iter_args(%scan3A_774 = %broadcast_in_dim3A_567, %scan3A_775 = %broadcast_in_dim3A_569) -> (vector<16xf32>, vector<16xf32>)  : i32 {
          %mul3A_776 = arith.constant 16 : i32
          %mul3A_777 = arith.muli %scan3A_773, %mul3A_776 : i32
          %get3A_778 = arith.index_cast %mul3A_777 : i32 to index
          %get3A_779 = tpu.vector_load %arg15[%get3A_778] {strides = array<i32>} : memref<1296xf32, #tpu.memory_space<vmem>>, vector<16xf32>,
          %get3A_780 = vector.shape_cast %get3A_779 : vector<16xf32> to vector<16xf32>
          %max3A_781 = vector.broadcast %select_n3A_543 : f32 to vector<16xf32>
          %max3A_782 = arith.maximumf %max3A_781, %get3A_780 : vector<16xf32>
          %get3A_783 = arith.index_cast %mul3A_777 : i32 to index
          %get3A_784 = tpu.vector_load %arg16[%get3A_783] {strides = array<i32>} : memref<1296xf32, #tpu.memory_space<vmem>>, vector<16xf32>,
          %get3A_785 = vector.shape_cast %get3A_784 : vector<16xf32> to vector<16xf32>
          %max3A_786 = vector.broadcast %select_n3A_547 : f32 to vector<16xf32>
          %max3A_787 = arith.maximumf %max3A_786, %get3A_785 : vector<16xf32>
          %get3A_788 = arith.index_cast %mul3A_777 : i32 to index
          %get3A_789 = tpu.vector_load %arg17[%get3A_788] {strides = array<i32>} : memref<1296xf32, #tpu.memory_space<vmem>>, vector<16xf32>,
          %get3A_790 = vector.shape_cast %get3A_789 : vector<16xf32> to vector<16xf32>
          %min3A_791 = vector.broadcast %select_n3A_551 : f32 to vector<16xf32>
          %min3A_792 = arith.minimumf %min3A_791, %get3A_790 : vector<16xf32>
          %get3A_793 = arith.index_cast %mul3A_777 : i32 to index
          %get3A_794 = tpu.vector_load %arg18[%get3A_793] {strides = array<i32>} : memref<1296xf32, #tpu.memory_space<vmem>>, vector<16xf32>,
          %get3A_795 = vector.shape_cast %get3A_794 : vector<16xf32> to vector<16xf32>
          %min3A_796 = vector.broadcast %select_n3A_555 : f32 to vector<16xf32>
          %min3A_797 = arith.minimumf %min3A_796, %get3A_795 : vector<16xf32>
          %sub3A_798 = arith.subf %min3A_792, %max3A_782 : vector<16xf32>
          %max3A_799 = arith.constant 0.000000e+00 : f32
          %max3A_800 = vector.broadcast %max3A_799 : f32 to vector<16xf32>
          %max3A_801 = arith.maximumf %max3A_800, %sub3A_798 : vector<16xf32>
          %sub3A_802 = arith.subf %min3A_797, %max3A_787 : vector<16xf32>
          %max3A_803 = arith.constant 0.000000e+00 : f32
          %max3A_804 = vector.broadcast %max3A_803 : f32 to vector<16xf32>
          %max3A_805 = arith.maximumf %max3A_804, %sub3A_802 : vector<16xf32>
          %mul3A_806 = arith.mulf %max3A_801, %max3A_805 : vector<16xf32>
          %get3A_807 = arith.index_cast %mul3A_777 : i32 to index
          %get3A_808 = tpu.vector_load %arg19[%get3A_807] {strides = array<i32>} : memref<1296xf32, #tpu.memory_space<vmem>>, vector<16xf32>,
          %get3A_809 = vector.shape_cast %get3A_808 : vector<16xf32> to vector<16xf32>
          %add3A_810 = vector.broadcast %select_n3A_559 : f32 to vector<16xf32>
          %add3A_811 = arith.addf %add3A_810, %get3A_809 : vector<16xf32>
          %sub3A_812 = arith.subf %add3A_811, %mul3A_806 : vector<16xf32>
          %add3A_813 = arith.constant 9.99999971E-10 : f32
          %add3A_814 = vector.broadcast %add3A_813 : f32 to vector<16xf32>
          %add3A_815 = arith.addf %sub3A_812, %add3A_814 : vector<16xf32>
          %div3A_816 = arith.divf %mul3A_806, %add3A_815 : vector<16xf32>
          %gt3A_817 = arith.constant 5.000000e-01 : f32
          %gt3A_818 = vector.broadcast %gt3A_817 : f32 to vector<16xf32>
          %gt3A_819 = arith.cmpf ogt, %div3A_816, %gt3A_818 : vector<16xf32>
          %get3A_820 = arith.index_cast %mul3A_777 : i32 to index
          %get3A_821 = tpu.vector_load %arg20[%get3A_820] {strides = array<i32>} : memref<1296xf32, #tpu.memory_space<vmem>>, vector<16xf32>,
          %get3A_822 = vector.shape_cast %get3A_821 : vector<16xf32> to vector<16xf32>
          %jit3A_823 = arith.constant -1.000000e+00 : f32
          %broadcast_in_dim3A_824 = vector.broadcast %jit3A_823 : f32 to vector<16xf32>
          %select_n3A_825 = arith.select %gt3A_819, %broadcast_in_dim3A_824, %get3A_822 : vector<16xi1>, vector<16xf32>
          %swap3A_826 = arith.index_cast %mul3A_777 : i32 to index
          %swap3A_827 = tpu.vector_load %arg20[%swap3A_826] {strides = array<i32>} : memref<1296xf32, #tpu.memory_space<vmem>>, vector<16xf32>,
          %swap3A_828 = vector.shape_cast %swap3A_827 : vector<16xf32> to vector<16xf32>
          %swap3A_829 = vector.shape_cast %select_n3A_825 : vector<16xf32> to vector<16xf32>
          tpu.vector_store %arg20[%swap3A_826], %swap3A_829 {strides = array<i32>} : memref<1296xf32, #tpu.memory_space<vmem>>, vector<16xf32>,
          %gt3A_830 = arith.cmpf ogt, %select_n3A_825, %scan3A_774 : vector<16xf32>
          %mul3A_831 = arith.constant 16 : i32
          %mul3A_832 = arith.muli %scan3A_773, %mul3A_831 : i32
          %add3A_833 = arith.addi %mul3A_2, %mul3A_832 : i32
          %add3A_834 = vector.broadcast %add3A_833 : i32 to vector<16xi32>
          %add3A_835 = arith.addi %add3A_834, %iota3A : vector<16xi32>
          %convert_element_type3A_836 = arith.sitofp %add3A_835 : vector<16xi32> to vector<16xf32>
          %select_n3A_837 = arith.select %gt3A_830, %select_n3A_825, %scan3A_774 : vector<16xi1>, vector<16xf32>
          %select_n3A_838 = arith.select %gt3A_830, %convert_element_type3A_836, %scan3A_775 : vector<16xi1>, vector<16xf32>
          %scan3A_839 = arith.constant 1 : i32
          %scan3A_840 = arith.addi %scan3A_773, %scan3A_839 : i32
          %mul3A_841 = arith.constant 16 : i32
          %mul3A_842 = arith.muli %scan3A_840, %mul3A_841 : i32
          %get3A_843 = arith.index_cast %mul3A_842 : i32 to index
          %get3A_844 = tpu.vector_load %arg15[%get3A_843] {strides = array<i32>} : memref<1296xf32, #tpu.memory_space<vmem>>, vector<16xf32>,
          %get3A_845 = vector.shape_cast %get3A_844 : vector<16xf32> to vector<16xf32>
          %max3A_846 = vector.broadcast %select_n3A_543 : f32 to vector<16xf32>
          %max3A_847 = arith.maximumf %max3A_846, %get3A_845 : vector<16xf32>
          %get3A_848 = arith.index_cast %mul3A_842 : i32 to index
          %get3A_849 = tpu.vector_load %arg16[%get3A_848] {strides = array<i32>} : memref<1296xf32, #tpu.memory_space<vmem>>, vector<16xf32>,
          %get3A_850 = vector.shape_cast %get3A_849 : vector<16xf32> to vector<16xf32>
          %max3A_851 = vector.broadcast %select_n3A_547 : f32 to vector<16xf32>
          %max3A_852 = arith.maximumf %max3A_851, %get3A_850 : vector<16xf32>
          %get3A_853 = arith.index_cast %mul3A_842 : i32 to index
          %get3A_854 = tpu.vector_load %arg17[%get3A_853] {strides = array<i32>} : memref<1296xf32, #tpu.memory_space<vmem>>, vector<16xf32>,
          %get3A_855 = vector.shape_cast %get3A_854 : vector<16xf32> to vector<16xf32>
          %min3A_856 = vector.broadcast %select_n3A_551 : f32 to vector<16xf32>
          %min3A_857 = arith.minimumf %min3A_856, %get3A_855 : vector<16xf32>
          %get3A_858 = arith.index_cast %mul3A_842 : i32 to index
          %get3A_859 = tpu.vector_load %arg18[%get3A_858] {strides = array<i32>} : memref<1296xf32, #tpu.memory_space<vmem>>, vector<16xf32>,
          %get3A_860 = vector.shape_cast %get3A_859 : vector<16xf32> to vector<16xf32>
          %min3A_861 = vector.broadcast %select_n3A_555 : f32 to vector<16xf32>
          %min3A_862 = arith.minimumf %min3A_861, %get3A_860 : vector<16xf32>
          %sub3A_863 = arith.subf %min3A_857, %max3A_847 : vector<16xf32>
          %max3A_864 = arith.constant 0.000000e+00 : f32
          %max3A_865 = vector.broadcast %max3A_864 : f32 to vector<16xf32>
          %max3A_866 = arith.maximumf %max3A_865, %sub3A_863 : vector<16xf32>
          %sub3A_867 = arith.subf %min3A_862, %max3A_852 : vector<16xf32>
          %max3A_868 = arith.constant 0.000000e+00 : f32
          %max3A_869 = vector.broadcast %max3A_868 : f32 to vector<16xf32>
          %max3A_870 = arith.maximumf %max3A_869, %sub3A_867 : vector<16xf32>
          %mul3A_871 = arith.mulf %max3A_866, %max3A_870 : vector<16xf32>
          %get3A_872 = arith.index_cast %mul3A_842 : i32 to index
          %get3A_873 = tpu.vector_load %arg19[%get3A_872] {strides = array<i32>} : memref<1296xf32, #tpu.memory_space<vmem>>, vector<16xf32>,
          %get3A_874 = vector.shape_cast %get3A_873 : vector<16xf32> to vector<16xf32>
          %add3A_875 = vector.broadcast %select_n3A_559 : f32 to vector<16xf32>
          %add3A_876 = arith.addf %add3A_875, %get3A_874 : vector<16xf32>
          %sub3A_877 = arith.subf %add3A_876, %mul3A_871 : vector<16xf32>
          %add3A_878 = arith.constant 9.99999971E-10 : f32
          %add3A_879 = vector.broadcast %add3A_878 : f32 to vector<16xf32>
          %add3A_880 = arith.addf %sub3A_877, %add3A_879 : vector<16xf32>
          %div3A_881 = arith.divf %mul3A_871, %add3A_880 : vector<16xf32>
          %gt3A_882 = arith.constant 5.000000e-01 : f32
          %gt3A_883 = vector.broadcast %gt3A_882 : f32 to vector<16xf32>
          %gt3A_884 = arith.cmpf ogt, %div3A_881, %gt3A_883 : vector<16xf32>
          %get3A_885 = arith.index_cast %mul3A_842 : i32 to index
          %get3A_886 = tpu.vector_load %arg20[%get3A_885] {strides = array<i32>} : memref<1296xf32, #tpu.memory_space<vmem>>, vector<16xf32>,
          %get3A_887 = vector.shape_cast %get3A_886 : vector<16xf32> to vector<16xf32>
          %jit3A_888 = arith.constant -1.000000e+00 : f32
          %broadcast_in_dim3A_889 = vector.broadcast %jit3A_888 : f32 to vector<16xf32>
          %select_n3A_890 = arith.select %gt3A_884, %broadcast_in_dim3A_889, %get3A_887 : vector<16xi1>, vector<16xf32>
          %swap3A_891 = arith.index_cast %mul3A_842 : i32 to index
          %swap3A_892 = tpu.vector_load %arg20[%swap3A_891] {strides = array<i32>} : memref<1296xf32, #tpu.memory_space<vmem>>, vector<16xf32>,
          %swap3A_893 = vector.shape_cast %swap3A_892 : vector<16xf32> to vector<16xf32>
          %swap3A_894 = vector.shape_cast %select_n3A_890 : vector<16xf32> to vector<16xf32>
          tpu.vector_store %arg20[%swap3A_891], %swap3A_894 {strides = array<i32>} : memref<1296xf32, #tpu.memory_space<vmem>>, vector<16xf32>,
          %gt3A_895 = arith.cmpf ogt, %select_n3A_890, %select_n3A_837 : vector<16xf32>
          %mul3A_896 = arith.constant 16 : i32
          %mul3A_897 = arith.muli %scan3A_840, %mul3A_896 : i32
          %add3A_898 = arith.addi %mul3A_2, %mul3A_897 : i32
          %add3A_899 = vector.broadcast %add3A_898 : i32 to vector<16xi32>
          %add3A_900 = arith.addi %add3A_899, %iota3A : vector<16xi32>
          %convert_element_type3A_901 = arith.sitofp %add3A_900 : vector<16xi32> to vector<16xf32>
          %select_n3A_902 = arith.select %gt3A_895, %select_n3A_890, %select_n3A_837 : vector<16xi1>, vector<16xf32>
          %select_n3A_903 = arith.select %gt3A_895, %convert_element_type3A_901, %select_n3A_838 : vector<16xi1>, vector<16xf32>
          %scan3A_904 = arith.constant 2 : i32
          %scan3A_905 = arith.addi %scan3A_773, %scan3A_904 : i32
          %mul3A_906 = arith.constant 16 : i32
          %mul3A_907 = arith.muli %scan3A_905, %mul3A_906 : i32
          %get3A_908 = arith.index_cast %mul3A_907 : i32 to index
          %get3A_909 = tpu.vector_load %arg15[%get3A_908] {strides = array<i32>} : memref<1296xf32, #tpu.memory_space<vmem>>, vector<16xf32>,
          %get3A_910 = vector.shape_cast %get3A_909 : vector<16xf32> to vector<16xf32>
          %max3A_911 = vector.broadcast %select_n3A_543 : f32 to vector<16xf32>
          %max3A_912 = arith.maximumf %max3A_911, %get3A_910 : vector<16xf32>
          %get3A_913 = arith.index_cast %mul3A_907 : i32 to index
          %get3A_914 = tpu.vector_load %arg16[%get3A_913] {strides = array<i32>} : memref<1296xf32, #tpu.memory_space<vmem>>, vector<16xf32>,
          %get3A_915 = vector.shape_cast %get3A_914 : vector<16xf32> to vector<16xf32>
          %max3A_916 = vector.broadcast %select_n3A_547 : f32 to vector<16xf32>
          %max3A_917 = arith.maximumf %max3A_916, %get3A_915 : vector<16xf32>
          %get3A_918 = arith.index_cast %mul3A_907 : i32 to index
          %get3A_919 = tpu.vector_load %arg17[%get3A_918] {strides = array<i32>} : memref<1296xf32, #tpu.memory_space<vmem>>, vector<16xf32>,
          %get3A_920 = vector.shape_cast %get3A_919 : vector<16xf32> to vector<16xf32>
          %min3A_921 = vector.broadcast %select_n3A_551 : f32 to vector<16xf32>
          %min3A_922 = arith.minimumf %min3A_921, %get3A_920 : vector<16xf32>
          %get3A_923 = arith.index_cast %mul3A_907 : i32 to index
          %get3A_924 = tpu.vector_load %arg18[%get3A_923] {strides = array<i32>} : memref<1296xf32, #tpu.memory_space<vmem>>, vector<16xf32>,
          %get3A_925 = vector.shape_cast %get3A_924 : vector<16xf32> to vector<16xf32>
          %min3A_926 = vector.broadcast %select_n3A_555 : f32 to vector<16xf32>
          %min3A_927 = arith.minimumf %min3A_926, %get3A_925 : vector<16xf32>
          %sub3A_928 = arith.subf %min3A_922, %max3A_912 : vector<16xf32>
          %max3A_929 = arith.constant 0.000000e+00 : f32
          %max3A_930 = vector.broadcast %max3A_929 : f32 to vector<16xf32>
          %max3A_931 = arith.maximumf %max3A_930, %sub3A_928 : vector<16xf32>
          %sub3A_932 = arith.subf %min3A_927, %max3A_917 : vector<16xf32>
          %max3A_933 = arith.constant 0.000000e+00 : f32
          %max3A_934 = vector.broadcast %max3A_933 : f32 to vector<16xf32>
          %max3A_935 = arith.maximumf %max3A_934, %sub3A_932 : vector<16xf32>
          %mul3A_936 = arith.mulf %max3A_931, %max3A_935 : vector<16xf32>
          %get3A_937 = arith.index_cast %mul3A_907 : i32 to index
          %get3A_938 = tpu.vector_load %arg19[%get3A_937] {strides = array<i32>} : memref<1296xf32, #tpu.memory_space<vmem>>, vector<16xf32>,
          %get3A_939 = vector.shape_cast %get3A_938 : vector<16xf32> to vector<16xf32>
          %add3A_940 = vector.broadcast %select_n3A_559 : f32 to vector<16xf32>
          %add3A_941 = arith.addf %add3A_940, %get3A_939 : vector<16xf32>
          %sub3A_942 = arith.subf %add3A_941, %mul3A_936 : vector<16xf32>
          %add3A_943 = arith.constant 9.99999971E-10 : f32
          %add3A_944 = vector.broadcast %add3A_943 : f32 to vector<16xf32>
          %add3A_945 = arith.addf %sub3A_942, %add3A_944 : vector<16xf32>
          %div3A_946 = arith.divf %mul3A_936, %add3A_945 : vector<16xf32>
          %gt3A_947 = arith.constant 5.000000e-01 : f32
          %gt3A_948 = vector.broadcast %gt3A_947 : f32 to vector<16xf32>
          %gt3A_949 = arith.cmpf ogt, %div3A_946, %gt3A_948 : vector<16xf32>
          %get3A_950 = arith.index_cast %mul3A_907 : i32 to index
          %get3A_951 = tpu.vector_load %arg20[%get3A_950] {strides = array<i32>} : memref<1296xf32, #tpu.memory_space<vmem>>, vector<16xf32>,
          %get3A_952 = vector.shape_cast %get3A_951 : vector<16xf32> to vector<16xf32>
          %jit3A_953 = arith.constant -1.000000e+00 : f32
          %broadcast_in_dim3A_954 = vector.broadcast %jit3A_953 : f32 to vector<16xf32>
          %select_n3A_955 = arith.select %gt3A_949, %broadcast_in_dim3A_954, %get3A_952 : vector<16xi1>, vector<16xf32>
          %swap3A_956 = arith.index_cast %mul3A_907 : i32 to index
          %swap3A_957 = tpu.vector_load %arg20[%swap3A_956] {strides = array<i32>} : memref<1296xf32, #tpu.memory_space<vmem>>, vector<16xf32>,
          %swap3A_958 = vector.shape_cast %swap3A_957 : vector<16xf32> to vector<16xf32>
          %swap3A_959 = vector.shape_cast %select_n3A_955 : vector<16xf32> to vector<16xf32>
          tpu.vector_store %arg20[%swap3A_956], %swap3A_959 {strides = array<i32>} : memref<1296xf32, #tpu.memory_space<vmem>>, vector<16xf32>,
          %gt3A_960 = arith.cmpf ogt, %select_n3A_955, %select_n3A_902 : vector<16xf32>
          %mul3A_961 = arith.constant 16 : i32
          %mul3A_962 = arith.muli %scan3A_905, %mul3A_961 : i32
          %add3A_963 = arith.addi %mul3A_2, %mul3A_962 : i32
          %add3A_964 = vector.broadcast %add3A_963 : i32 to vector<16xi32>
          %add3A_965 = arith.addi %add3A_964, %iota3A : vector<16xi32>
          %convert_element_type3A_966 = arith.sitofp %add3A_965 : vector<16xi32> to vector<16xf32>
          %select_n3A_967 = arith.select %gt3A_960, %select_n3A_955, %select_n3A_902 : vector<16xi1>, vector<16xf32>
          %select_n3A_968 = arith.select %gt3A_960, %convert_element_type3A_966, %select_n3A_903 : vector<16xi1>, vector<16xf32>
          %scan3A_969 = arith.constant 3 : i32
          %scan3A_970 = arith.addi %scan3A_773, %scan3A_969 : i32
          %mul3A_971 = arith.constant 16 : i32
          %mul3A_972 = arith.muli %scan3A_970, %mul3A_971 : i32
          %get3A_973 = arith.index_cast %mul3A_972 : i32 to index
          %get3A_974 = tpu.vector_load %arg15[%get3A_973] {strides = array<i32>} : memref<1296xf32, #tpu.memory_space<vmem>>, vector<16xf32>,
          %get3A_975 = vector.shape_cast %get3A_974 : vector<16xf32> to vector<16xf32>
          %max3A_976 = vector.broadcast %select_n3A_543 : f32 to vector<16xf32>
          %max3A_977 = arith.maximumf %max3A_976, %get3A_975 : vector<16xf32>
          %get3A_978 = arith.index_cast %mul3A_972 : i32 to index
          %get3A_979 = tpu.vector_load %arg16[%get3A_978] {strides = array<i32>} : memref<1296xf32, #tpu.memory_space<vmem>>, vector<16xf32>,
          %get3A_980 = vector.shape_cast %get3A_979 : vector<16xf32> to vector<16xf32>
          %max3A_981 = vector.broadcast %select_n3A_547 : f32 to vector<16xf32>
          %max3A_982 = arith.maximumf %max3A_981, %get3A_980 : vector<16xf32>
          %get3A_983 = arith.index_cast %mul3A_972 : i32 to index
          %get3A_984 = tpu.vector_load %arg17[%get3A_983] {strides = array<i32>} : memref<1296xf32, #tpu.memory_space<vmem>>, vector<16xf32>,
          %get3A_985 = vector.shape_cast %get3A_984 : vector<16xf32> to vector<16xf32>
          %min3A_986 = vector.broadcast %select_n3A_551 : f32 to vector<16xf32>
          %min3A_987 = arith.minimumf %min3A_986, %get3A_985 : vector<16xf32>
          %get3A_988 = arith.index_cast %mul3A_972 : i32 to index
          %get3A_989 = tpu.vector_load %arg18[%get3A_988] {strides = array<i32>} : memref<1296xf32, #tpu.memory_space<vmem>>, vector<16xf32>,
          %get3A_990 = vector.shape_cast %get3A_989 : vector<16xf32> to vector<16xf32>
          %min3A_991 = vector.broadcast %select_n3A_555 : f32 to vector<16xf32>
          %min3A_992 = arith.minimumf %min3A_991, %get3A_990 : vector<16xf32>
          %sub3A_993 = arith.subf %min3A_987, %max3A_977 : vector<16xf32>
          %max3A_994 = arith.constant 0.000000e+00 : f32
          %max3A_995 = vector.broadcast %max3A_994 : f32 to vector<16xf32>
          %max3A_996 = arith.maximumf %max3A_995, %sub3A_993 : vector<16xf32>
          %sub3A_997 = arith.subf %min3A_992, %max3A_982 : vector<16xf32>
          %max3A_998 = arith.constant 0.000000e+00 : f32
          %max3A_999 = vector.broadcast %max3A_998 : f32 to vector<16xf32>
          %max3A_1000 = arith.maximumf %max3A_999, %sub3A_997 : vector<16xf32>
          %mul3A_1001 = arith.mulf %max3A_996, %max3A_1000 : vector<16xf32>
          %get3A_1002 = arith.index_cast %mul3A_972 : i32 to index
          %get3A_1003 = tpu.vector_load %arg19[%get3A_1002] {strides = array<i32>} : memref<1296xf32, #tpu.memory_space<vmem>>, vector<16xf32>,
          %get3A_1004 = vector.shape_cast %get3A_1003 : vector<16xf32> to vector<16xf32>
          %add3A_1005 = vector.broadcast %select_n3A_559 : f32 to vector<16xf32>
          %add3A_1006 = arith.addf %add3A_1005, %get3A_1004 : vector<16xf32>
          %sub3A_1007 = arith.subf %add3A_1006, %mul3A_1001 : vector<16xf32>
          %add3A_1008 = arith.constant 9.99999971E-10 : f32
          %add3A_1009 = vector.broadcast %add3A_1008 : f32 to vector<16xf32>
          %add3A_1010 = arith.addf %sub3A_1007, %add3A_1009 : vector<16xf32>
          %div3A_1011 = arith.divf %mul3A_1001, %add3A_1010 : vector<16xf32>
          %gt3A_1012 = arith.constant 5.000000e-01 : f32
          %gt3A_1013 = vector.broadcast %gt3A_1012 : f32 to vector<16xf32>
          %gt3A_1014 = arith.cmpf ogt, %div3A_1011, %gt3A_1013 : vector<16xf32>
          %get3A_1015 = arith.index_cast %mul3A_972 : i32 to index
          %get3A_1016 = tpu.vector_load %arg20[%get3A_1015] {strides = array<i32>} : memref<1296xf32, #tpu.memory_space<vmem>>, vector<16xf32>,
          %get3A_1017 = vector.shape_cast %get3A_1016 : vector<16xf32> to vector<16xf32>
          %jit3A_1018 = arith.constant -1.000000e+00 : f32
          %broadcast_in_dim3A_1019 = vector.broadcast %jit3A_1018 : f32 to vector<16xf32>
          %select_n3A_1020 = arith.select %gt3A_1014, %broadcast_in_dim3A_1019, %get3A_1017 : vector<16xi1>, vector<16xf32>
          %swap3A_1021 = arith.index_cast %mul3A_972 : i32 to index
          %swap3A_1022 = tpu.vector_load %arg20[%swap3A_1021] {strides = array<i32>} : memref<1296xf32, #tpu.memory_space<vmem>>, vector<16xf32>,
          %swap3A_1023 = vector.shape_cast %swap3A_1022 : vector<16xf32> to vector<16xf32>
          %swap3A_1024 = vector.shape_cast %select_n3A_1020 : vector<16xf32> to vector<16xf32>
          tpu.vector_store %arg20[%swap3A_1021], %swap3A_1024 {strides = array<i32>} : memref<1296xf32, #tpu.memory_space<vmem>>, vector<16xf32>,
          %gt3A_1025 = arith.cmpf ogt, %select_n3A_1020, %select_n3A_967 : vector<16xf32>
          %mul3A_1026 = arith.constant 16 : i32
          %mul3A_1027 = arith.muli %scan3A_970, %mul3A_1026 : i32
          %add3A_1028 = arith.addi %mul3A_2, %mul3A_1027 : i32
          %add3A_1029 = vector.broadcast %add3A_1028 : i32 to vector<16xi32>
          %add3A_1030 = arith.addi %add3A_1029, %iota3A : vector<16xi32>
          %convert_element_type3A_1031 = arith.sitofp %add3A_1030 : vector<16xi32> to vector<16xf32>
          %select_n3A_1032 = arith.select %gt3A_1025, %select_n3A_1020, %select_n3A_967 : vector<16xi1>, vector<16xf32>
          %select_n3A_1033 = arith.select %gt3A_1025, %convert_element_type3A_1031, %select_n3A_968 : vector<16xi1>, vector<16xf32>
          scf.yield %select_n3A_1032, %select_n3A_1033 : vector<16xf32>, vector<16xf32>
        }
        %scan3A_575 = arith.constant 80 : i32
        %xor3A_576 = arith.constant 8 : i32
        %xor3A_577 = vector.broadcast %xor3A_576 : i32 to vector<16xi32>
        %xor3A_578 = arith.xori %iota3A, %xor3A_577 : vector<16xi32>
        %broadcast_in_dim3A_579 = vector.shape_cast %xor3A_578 : vector<16xi32> to vector<16x1xi32>
        %gather3A_580 = vector.shape_cast %broadcast_in_dim3A_579 : vector<16x1xi32> to vector<16xi32>
        %gather3A_581 = tpu.dynamic_gather %scan3A_574#0[%gather3A_580] in [0] : vector<16xf32>, vector<16xi32> -> vector<16xf32>
        %broadcast_in_dim3A_582 = vector.shape_cast %xor3A_578 : vector<16xi32> to vector<16x1xi32>
        %gather3A_583 = vector.shape_cast %broadcast_in_dim3A_582 : vector<16x1xi32> to vector<16xi32>
        %gather3A_584 = tpu.dynamic_gather %scan3A_574#1[%gather3A_583] in [0] : vector<16xf32>, vector<16xi32> -> vector<16xf32>
        %gt3A_585 = arith.cmpf ogt, %gather3A_581, %scan3A_574#0 : vector<16xf32>
        %eq3A_586 = arith.cmpf oeq, %gather3A_581, %scan3A_574#0 : vector<16xf32>
        %min3A_587 = arith.minimumf %scan3A_574#1, %gather3A_584 : vector<16xf32>
        %select_n3A_588 = arith.select %eq3A_586, %min3A_587, %scan3A_574#1 : vector<16xi1>, vector<16xf32>
        %select_n3A_589 = arith.select %gt3A_585, %gather3A_584, %select_n3A_588 : vector<16xi1>, vector<16xf32>
        %max3A_590 = arith.maximumf %scan3A_574#0, %gather3A_581 : vector<16xf32>
        %xor3A_591 = arith.constant 4 : i32
        %xor3A_592 = vector.broadcast %xor3A_591 : i32 to vector<16xi32>
        %xor3A_593 = arith.xori %iota3A, %xor3A_592 : vector<16xi32>
        %broadcast_in_dim3A_594 = vector.shape_cast %xor3A_593 : vector<16xi32> to vector<16x1xi32>
        %gather3A_595 = vector.shape_cast %broadcast_in_dim3A_594 : vector<16x1xi32> to vector<16xi32>
        %gather3A_596 = tpu.dynamic_gather %max3A_590[%gather3A_595] in [0] : vector<16xf32>, vector<16xi32> -> vector<16xf32>
        %broadcast_in_dim3A_597 = vector.shape_cast %xor3A_593 : vector<16xi32> to vector<16x1xi32>
        %gather3A_598 = vector.shape_cast %broadcast_in_dim3A_597 : vector<16x1xi32> to vector<16xi32>
        %gather3A_599 = tpu.dynamic_gather %select_n3A_589[%gather3A_598] in [0] : vector<16xf32>, vector<16xi32> -> vector<16xf32>
        %gt3A_600 = arith.cmpf ogt, %gather3A_596, %max3A_590 : vector<16xf32>
        %eq3A_601 = arith.cmpf oeq, %gather3A_596, %max3A_590 : vector<16xf32>
        %min3A_602 = arith.minimumf %select_n3A_589, %gather3A_599 : vector<16xf32>
        %select_n3A_603 = arith.select %eq3A_601, %min3A_602, %select_n3A_589 : vector<16xi1>, vector<16xf32>
        %select_n3A_604 = arith.select %gt3A_600, %gather3A_599, %select_n3A_603 : vector<16xi1>, vector<16xf32>
        %max3A_605 = arith.maximumf %max3A_590, %gather3A_596 : vector<16xf32>
        %xor3A_606 = arith.constant 2 : i32
        %xor3A_607 = vector.broadcast %xor3A_606 : i32 to vector<16xi32>
        %xor3A_608 = arith.xori %iota3A, %xor3A_607 : vector<16xi32>
        %broadcast_in_dim3A_609 = vector.shape_cast %xor3A_608 : vector<16xi32> to vector<16x1xi32>
        %gather3A_610 = vector.shape_cast %broadcast_in_dim3A_609 : vector<16x1xi32> to vector<16xi32>
        %gather3A_611 = tpu.dynamic_gather %max3A_605[%gather3A_610] in [0] : vector<16xf32>, vector<16xi32> -> vector<16xf32>
        %broadcast_in_dim3A_612 = vector.shape_cast %xor3A_608 : vector<16xi32> to vector<16x1xi32>
        %gather3A_613 = vector.shape_cast %broadcast_in_dim3A_612 : vector<16x1xi32> to vector<16xi32>
        %gather3A_614 = tpu.dynamic_gather %select_n3A_604[%gather3A_613] in [0] : vector<16xf32>, vector<16xi32> -> vector<16xf32>
        %gt3A_615 = arith.cmpf ogt, %gather3A_611, %max3A_605 : vector<16xf32>
        %eq3A_616 = arith.cmpf oeq, %gather3A_611, %max3A_605 : vector<16xf32>
        %min3A_617 = arith.minimumf %select_n3A_604, %gather3A_614 : vector<16xf32>
        %select_n3A_618 = arith.select %eq3A_616, %min3A_617, %select_n3A_604 : vector<16xi1>, vector<16xf32>
        %select_n3A_619 = arith.select %gt3A_615, %gather3A_614, %select_n3A_618 : vector<16xi1>, vector<16xf32>
        %max3A_620 = arith.maximumf %max3A_605, %gather3A_611 : vector<16xf32>
        %xor3A_621 = arith.constant 1 : i32
        %xor3A_622 = vector.broadcast %xor3A_621 : i32 to vector<16xi32>
        %xor3A_623 = arith.xori %iota3A, %xor3A_622 : vector<16xi32>
        %broadcast_in_dim3A_624 = vector.shape_cast %xor3A_623 : vector<16xi32> to vector<16x1xi32>
        %gather3A_625 = vector.shape_cast %broadcast_in_dim3A_624 : vector<16x1xi32> to vector<16xi32>
        %gather3A_626 = tpu.dynamic_gather %max3A_620[%gather3A_625] in [0] : vector<16xf32>, vector<16xi32> -> vector<16xf32>
        %broadcast_in_dim3A_627 = vector.shape_cast %xor3A_623 : vector<16xi32> to vector<16x1xi32>
        %gather3A_628 = vector.shape_cast %broadcast_in_dim3A_627 : vector<16x1xi32> to vector<16xi32>
        %gather3A_629 = tpu.dynamic_gather %select_n3A_619[%gather3A_628] in [0] : vector<16xf32>, vector<16xi32> -> vector<16xf32>
        %gt3A_630 = arith.cmpf ogt, %gather3A_626, %max3A_620 : vector<16xf32>
        %eq3A_631 = arith.cmpf oeq, %gather3A_626, %max3A_620 : vector<16xf32>
        %min3A_632 = arith.minimumf %select_n3A_619, %gather3A_629 : vector<16xf32>
        %select_n3A_633 = arith.select %eq3A_631, %min3A_632, %select_n3A_619 : vector<16xi1>, vector<16xf32>
        %select_n3A_634 = arith.select %gt3A_630, %gather3A_629, %select_n3A_633 : vector<16xi1>, vector<16xf32>
        %max3A_635 = arith.maximumf %max3A_620, %gather3A_626 : vector<16xf32>
        %convert_element_type3A_636 = arith.fptosi %select_n3A_634 : vector<16xf32> to vector<16xi32>
        %slice3A_637 = vector.extract_strided_slice %convert_element_type3A_636 {offsets = [0], sizes = [1], strides = [1]} : vector<16xi32> to vector<1xi32>
        %squeeze3A_638 = vector.extract %slice3A_637[0] : i32 from vector<1xi32>
        %sub3A_639 = arith.subi %squeeze3A_638, %mul3A_2 : i32
        %slice3A_640 = vector.extract_strided_slice %convert_element_type3A_636 {offsets = [0], sizes = [1], strides = [1]} : vector<16xi32> to vector<1xi32>
        %squeeze3A_641 = vector.extract %slice3A_640[0] : i32 from vector<1xi32>
        %ge3A_642 = arith.cmpi sge, %squeeze3A_641, %mul3A_2 : i32
        %slice3A_643 = vector.extract_strided_slice %convert_element_type3A_636 {offsets = [0], sizes = [1], strides = [1]} : vector<16xi32> to vector<1xi32>
        %squeeze3A_644 = vector.extract %slice3A_643[0] : i32 from vector<1xi32>
        %add3A_645 = arith.constant 1280 : i32
        %add3A_646 = arith.addi %mul3A_2, %add3A_645 : i32
        %lt3A_647 = arith.cmpi slt, %squeeze3A_644, %add3A_646 : i32
        %and3A_648 = arith.andi %ge3A_642, %lt3A_647 : i1
        %jit3A_649 = arith.constant 0 : i32
        %select_n3A_650 = arith.select %and3A_648, %sub3A_639, %jit3A_649 : i32
        %eq3A_651 = arith.constant 0 : i32
        %eq3A_652 = vector.broadcast %eq3A_651 : i32 to vector<16xi32>
        %eq3A_653 = arith.cmpi eq, %iota3A, %eq3A_652 : vector<16xi32>
        %eq3A_654 = arith.constant 1 : i32
        %eq3A_655 = vector.broadcast %eq3A_654 : i32 to vector<16xi32>
        %eq3A_656 = arith.cmpi eq, %iota3A, %eq3A_655 : vector<16xi32>
        %eq3A_657 = arith.constant 2 : i32
        %eq3A_658 = vector.broadcast %eq3A_657 : i32 to vector<16xi32>
        %eq3A_659 = arith.cmpi eq, %iota3A, %eq3A_658 : vector<16xi32>
        %get3A_660 = arith.index_cast %select_n3A_650 : i32 to index
        %get3A_661 = tpu.vector_load %arg15[%get3A_660] {strides = array<i32>} : memref<1296xf32, #tpu.memory_space<vmem>>, vector<16xf32>,
        %get3A_662 = vector.shape_cast %get3A_661 : vector<16xf32> to vector<16xf32>
        %slice3A_663 = vector.extract_strided_slice %get3A_662 {offsets = [0], sizes = [1], strides = [1]} : vector<16xf32> to vector<1xf32>
        %squeeze3A_664 = vector.extract %slice3A_663[0] : f32 from vector<1xf32>
        %eq3A_665 = arith.constant 3 : i32
        %eq3A_666 = vector.broadcast %eq3A_665 : i32 to vector<16xi32>
        %eq3A_667 = arith.cmpi eq, %iota3A, %eq3A_666 : vector<16xi32>
        %get3A_668 = arith.index_cast %select_n3A_650 : i32 to index
        %get3A_669 = tpu.vector_load %arg16[%get3A_668] {strides = array<i32>} : memref<1296xf32, #tpu.memory_space<vmem>>, vector<16xf32>,
        %get3A_670 = vector.shape_cast %get3A_669 : vector<16xf32> to vector<16xf32>
        %slice3A_671 = vector.extract_strided_slice %get3A_670 {offsets = [0], sizes = [1], strides = [1]} : vector<16xf32> to vector<1xf32>
        %squeeze3A_672 = vector.extract %slice3A_671[0] : f32 from vector<1xf32>
        %eq3A_673 = arith.constant 4 : i32
        %eq3A_674 = vector.broadcast %eq3A_673 : i32 to vector<16xi32>
        %eq3A_675 = arith.cmpi eq, %iota3A, %eq3A_674 : vector<16xi32>
        %get3A_676 = arith.index_cast %select_n3A_650 : i32 to index
        %get3A_677 = tpu.vector_load %arg17[%get3A_676] {strides = array<i32>} : memref<1296xf32, #tpu.memory_space<vmem>>, vector<16xf32>,
        %get3A_678 = vector.shape_cast %get3A_677 : vector<16xf32> to vector<16xf32>
        %slice3A_679 = vector.extract_strided_slice %get3A_678 {offsets = [0], sizes = [1], strides = [1]} : vector<16xf32> to vector<1xf32>
        %squeeze3A_680 = vector.extract %slice3A_679[0] : f32 from vector<1xf32>
        %eq3A_681 = arith.constant 5 : i32
        %eq3A_682 = vector.broadcast %eq3A_681 : i32 to vector<16xi32>
        %eq3A_683 = arith.cmpi eq, %iota3A, %eq3A_682 : vector<16xi32>
        %get3A_684 = arith.index_cast %select_n3A_650 : i32 to index
        %get3A_685 = tpu.vector_load %arg18[%get3A_684] {strides = array<i32>} : memref<1296xf32, #tpu.memory_space<vmem>>, vector<16xf32>,
        %get3A_686 = vector.shape_cast %get3A_685 : vector<16xf32> to vector<16xf32>
        %slice3A_687 = vector.extract_strided_slice %get3A_686 {offsets = [0], sizes = [1], strides = [1]} : vector<16xf32> to vector<1xf32>
        %squeeze3A_688 = vector.extract %slice3A_687[0] : f32 from vector<1xf32>
        %eq3A_689 = arith.constant 6 : i32
        %eq3A_690 = vector.broadcast %eq3A_689 : i32 to vector<16xi32>
        %eq3A_691 = arith.cmpi eq, %iota3A, %eq3A_690 : vector<16xi32>
        %get3A_692 = arith.index_cast %select_n3A_650 : i32 to index
        %get3A_693 = tpu.vector_load %arg19[%get3A_692] {strides = array<i32>} : memref<1296xf32, #tpu.memory_space<vmem>>, vector<16xf32>,
        %get3A_694 = vector.shape_cast %get3A_693 : vector<16xf32> to vector<16xf32>
        %slice3A_695 = vector.extract_strided_slice %get3A_694 {offsets = [0], sizes = [1], strides = [1]} : vector<16xf32> to vector<1xf32>
        %squeeze3A_696 = vector.extract %slice3A_695[0] : f32 from vector<1xf32>
        %eq3A_697 = arith.constant 7 : i32
        %eq3A_698 = vector.broadcast %eq3A_697 : i32 to vector<16xi32>
        %eq3A_699 = arith.cmpi eq, %iota3A, %eq3A_698 : vector<16xi32>
        %get3A_700 = arith.index_cast %select_n3A_650 : i32 to index
        %get3A_701 = tpu.vector_load %arg9[%get3A_700] {strides = array<i32>} : memref<1296xf32, #tpu.memory_space<vmem>>, vector<16xf32>,
        %get3A_702 = vector.shape_cast %get3A_701 : vector<16xf32> to vector<16xf32>
        %slice3A_703 = vector.extract_strided_slice %get3A_702 {offsets = [0], sizes = [1], strides = [1]} : vector<16xf32> to vector<1xf32>
        %squeeze3A_704 = vector.extract %slice3A_703[0] : f32 from vector<1xf32>
        %eq3A_705 = arith.constant 8 : i32
        %eq3A_706 = vector.broadcast %eq3A_705 : i32 to vector<16xi32>
        %eq3A_707 = arith.cmpi eq, %iota3A, %eq3A_706 : vector<16xi32>
        %get3A_708 = arith.index_cast %select_n3A_650 : i32 to index
        %get3A_709 = tpu.vector_load %arg10[%get3A_708] {strides = array<i32>} : memref<1296xf32, #tpu.memory_space<vmem>>, vector<16xf32>,
        %get3A_710 = vector.shape_cast %get3A_709 : vector<16xf32> to vector<16xf32>
        %slice3A_711 = vector.extract_strided_slice %get3A_710 {offsets = [0], sizes = [1], strides = [1]} : vector<16xf32> to vector<1xf32>
        %squeeze3A_712 = vector.extract %slice3A_711[0] : f32 from vector<1xf32>
        %eq3A_713 = arith.constant 9 : i32
        %eq3A_714 = vector.broadcast %eq3A_713 : i32 to vector<16xi32>
        %eq3A_715 = arith.cmpi eq, %iota3A, %eq3A_714 : vector<16xi32>
        %get3A_716 = arith.index_cast %select_n3A_650 : i32 to index
        %get3A_717 = tpu.vector_load %arg11[%get3A_716] {strides = array<i32>} : memref<1296xf32, #tpu.memory_space<vmem>>, vector<16xf32>,
        %get3A_718 = vector.shape_cast %get3A_717 : vector<16xf32> to vector<16xf32>
        %slice3A_719 = vector.extract_strided_slice %get3A_718 {offsets = [0], sizes = [1], strides = [1]} : vector<16xf32> to vector<1xf32>
        %squeeze3A_720 = vector.extract %slice3A_719[0] : f32 from vector<1xf32>
        %eq3A_721 = arith.constant 10 : i32
        %eq3A_722 = vector.broadcast %eq3A_721 : i32 to vector<16xi32>
        %eq3A_723 = arith.cmpi eq, %iota3A, %eq3A_722 : vector<16xi32>
        %get3A_724 = arith.index_cast %select_n3A_650 : i32 to index
        %get3A_725 = tpu.vector_load %arg12[%get3A_724] {strides = array<i32>} : memref<1296xf32, #tpu.memory_space<vmem>>, vector<16xf32>,
        %get3A_726 = vector.shape_cast %get3A_725 : vector<16xf32> to vector<16xf32>
        %slice3A_727 = vector.extract_strided_slice %get3A_726 {offsets = [0], sizes = [1], strides = [1]} : vector<16xf32> to vector<1xf32>
        %squeeze3A_728 = vector.extract %slice3A_727[0] : f32 from vector<1xf32>
        %eq3A_729 = arith.constant 11 : i32
        %eq3A_730 = vector.broadcast %eq3A_729 : i32 to vector<16xi32>
        %eq3A_731 = arith.cmpi eq, %iota3A, %eq3A_730 : vector<16xi32>
        %get3A_732 = arith.index_cast %select_n3A_650 : i32 to index
        %get3A_733 = tpu.vector_load %arg13[%get3A_732] {strides = array<i32>} : memref<1296xf32, #tpu.memory_space<vmem>>, vector<16xf32>,
        %get3A_734 = vector.shape_cast %get3A_733 : vector<16xf32> to vector<16xf32>
        %slice3A_735 = vector.extract_strided_slice %get3A_734 {offsets = [0], sizes = [1], strides = [1]} : vector<16xf32> to vector<1xf32>
        %squeeze3A_736 = vector.extract %slice3A_735[0] : f32 from vector<1xf32>
        %jit3A_737 = arith.constant 0.000000e+00 : f32
        %broadcast_in_dim3A_738 = vector.broadcast %squeeze3A_736 : f32 to vector<16xf32>
        %broadcast_in_dim3A_739 = vector.broadcast %jit3A_737 : f32 to vector<16xf32>
        %select_n3A_740 = arith.select %eq3A_731, %broadcast_in_dim3A_738, %broadcast_in_dim3A_739 : vector<16xi1>, vector<16xf32>
        %broadcast_in_dim3A_741 = vector.broadcast %squeeze3A_728 : f32 to vector<16xf32>
        %select_n3A_742 = arith.select %eq3A_723, %broadcast_in_dim3A_741, %select_n3A_740 : vector<16xi1>, vector<16xf32>
        %broadcast_in_dim3A_743 = vector.broadcast %squeeze3A_720 : f32 to vector<16xf32>
        %select_n3A_744 = arith.select %eq3A_715, %broadcast_in_dim3A_743, %select_n3A_742 : vector<16xi1>, vector<16xf32>
        %broadcast_in_dim3A_745 = vector.broadcast %squeeze3A_712 : f32 to vector<16xf32>
        %select_n3A_746 = arith.select %eq3A_707, %broadcast_in_dim3A_745, %select_n3A_744 : vector<16xi1>, vector<16xf32>
        %broadcast_in_dim3A_747 = vector.broadcast %squeeze3A_704 : f32 to vector<16xf32>
        %select_n3A_748 = arith.select %eq3A_699, %broadcast_in_dim3A_747, %select_n3A_746 : vector<16xi1>, vector<16xf32>
        %broadcast_in_dim3A_749 = vector.broadcast %squeeze3A_696 : f32 to vector<16xf32>
        %select_n3A_750 = arith.select %eq3A_691, %broadcast_in_dim3A_749, %select_n3A_748 : vector<16xi1>, vector<16xf32>
        %broadcast_in_dim3A_751 = vector.broadcast %squeeze3A_688 : f32 to vector<16xf32>
        %select_n3A_752 = arith.select %eq3A_683, %broadcast_in_dim3A_751, %select_n3A_750 : vector<16xi1>, vector<16xf32>
        %broadcast_in_dim3A_753 = vector.broadcast %squeeze3A_680 : f32 to vector<16xf32>
        %select_n3A_754 = arith.select %eq3A_675, %broadcast_in_dim3A_753, %select_n3A_752 : vector<16xi1>, vector<16xf32>
        %broadcast_in_dim3A_755 = vector.broadcast %squeeze3A_672 : f32 to vector<16xf32>
        %select_n3A_756 = arith.select %eq3A_667, %broadcast_in_dim3A_755, %select_n3A_754 : vector<16xi1>, vector<16xf32>
        %broadcast_in_dim3A_757 = vector.broadcast %squeeze3A_664 : f32 to vector<16xf32>
        %select_n3A_758 = arith.select %eq3A_659, %broadcast_in_dim3A_757, %select_n3A_756 : vector<16xi1>, vector<16xf32>
        %select_n3A_759 = arith.select %eq3A_656, %select_n3A_634, %select_n3A_758 : vector<16xi1>, vector<16xf32>
        %select_n3A_760 = arith.select %eq3A_653, %max3A_635, %select_n3A_759 : vector<16xi1>, vector<16xf32>
        %swap3A_761 = arith.constant 0 : index
        %swap3A_762 = tpu.vector_load %arg22[%swap3A_761] {strides = array<i32>} : memref<16xf32, #tpu.memory_space<vmem>>, vector<16xf32>,
        %swap3A_763 = vector.shape_cast %swap3A_762 : vector<16xf32> to vector<16xf32>
        %swap3A_764 = vector.shape_cast %select_n3A_760 : vector<16xf32> to vector<16xf32>
        tpu.vector_store %arg22[%swap3A_761], %swap3A_764 {strides = array<i32>} : memref<16xf32, #tpu.memory_space<vmem>>, vector<16xf32>,
        %mul3A_765 = arith.constant 256 : i32
        %mul3A_766 = arith.muli %rem3A_520, %mul3A_765 : i32
        %mul3A_767 = arith.constant 16 : i32
        %mul3A_768 = arith.muli %arg1, %mul3A_767 : i32
        %add3A_769 = arith.addi %mul3A_766, %mul3A_768 : i32
        "tpu.region"() ({
          %run_scoped3A = tpu.sem_alloc : memref<!tpu.dma_semaphore, #tpu.memory_space<semaphore_mem>>
          %dma_start3A = tpu.memref_slice %arg25[%add3A_769] : memref<512xf32, #tpu.memory_space<vmem_shared>> -> memref<16xf32, #tpu.memory_space<vmem_shared>>
          %dma_start3A_773 = tpu.memref_slice %arg25[%add3A_769] : memref<512xf32, #tpu.memory_space<vmem_shared>> -> memref<16xf32, #tpu.memory_space<vmem_shared>>
          tpu.enqueue_dma source(%arg22 : memref<16xf32, #tpu.memory_space<vmem>>) target(%dma_start3A_773 : memref<16xf32, #tpu.memory_space<vmem_shared>>) target_semaphore(%run_scoped3A : memref<!tpu.dma_semaphore, #tpu.memory_space<semaphore_mem>>)
          %dma_wait3A = tpu.memref_slice %arg25[%add3A_769] : memref<512xf32, #tpu.memory_space<vmem_shared>> -> memref<16xf32, #tpu.memory_space<vmem_shared>>
          %dma_wait3A_774 = tpu.memref_slice %arg25[%add3A_769] : memref<512xf32, #tpu.memory_space<vmem_shared>> -> memref<16xf32, #tpu.memory_space<vmem_shared>>
          tpu.wait_dma2 semaphore(%run_scoped3A : memref<!tpu.dma_semaphore, #tpu.memory_space<semaphore_mem>>) src(%arg22 : memref<16xf32, #tpu.memory_space<vmem>>) dst(%dma_wait3A_774 : memref<16xf32, #tpu.memory_space<vmem_shared>>)
          tpu.yield
        }) : () -> ()
        %barrier3A_770 = arith.constant 0 : index
        tpu.barrier barrier_id(%barrier3A_770)
        %convert_element_type3A_771 = arith.extui %ge3A_533 : i1 to i32
        %add3A_772 = arith.addi %scan3A_515, %convert_element_type3A_771 : i32
        scf.yield %add3A_772 : i32
      }
      %scan3A_298 = arith.constant 15 : i32
      %broadcast_in_dim3A_299 = arith.constant -1.000000e+00 : f32
      %broadcast_in_dim3A_300 = vector.broadcast %broadcast_in_dim3A_299 : f32 to vector<16xf32>
      %broadcast_in_dim3A_301 = arith.constant 1.07374182E+9 : f32
      %broadcast_in_dim3A_302 = vector.broadcast %broadcast_in_dim3A_301 : f32 to vector<16xf32>
      %scan3A_303 = arith.constant 0 : i32
      %scan3A_304 = arith.constant 80 : i32
      %scan3A_305 = arith.addi %scan3A_303, %scan3A_304 : i32
      %scan3A_306 = arith.constant 4 : i32
      %scan3A_307:2 = scf.for %scan3A_514 = %scan3A_303 to %scan3A_305 step %scan3A_306 iter_args(%scan3A_515 = %broadcast_in_dim3A_300, %scan3A_516 = %broadcast_in_dim3A_302) -> (vector<16xf32>, vector<16xf32>)  : i32 {
        %mul3A_517 = arith.constant 16 : i32
        %mul3A_518 = arith.muli %scan3A_514, %mul3A_517 : i32
        %get3A_519 = arith.index_cast %mul3A_518 : i32 to index
        %get3A_520 = tpu.vector_load %arg21[%get3A_519] {strides = array<i32>} : memref<1296xf32, #tpu.memory_space<vmem>>, vector<16xf32>,
        %get3A_521 = vector.shape_cast %get3A_520 : vector<16xf32> to vector<16xf32>
        %gt3A_522 = arith.cmpf ogt, %get3A_521, %scan3A_515 : vector<16xf32>
        %mul3A_523 = arith.constant 16 : i32
        %mul3A_524 = arith.muli %scan3A_514, %mul3A_523 : i32
        %add3A_525 = arith.addi %mul3A_2, %mul3A_524 : i32
        %add3A_526 = vector.broadcast %add3A_525 : i32 to vector<16xi32>
        %add3A_527 = arith.addi %add3A_526, %iota3A : vector<16xi32>
        %convert_element_type3A_528 = arith.sitofp %add3A_527 : vector<16xi32> to vector<16xf32>
        %select_n3A_529 = arith.select %gt3A_522, %get3A_521, %scan3A_515 : vector<16xi1>, vector<16xf32>
        %select_n3A_530 = arith.select %gt3A_522, %convert_element_type3A_528, %scan3A_516 : vector<16xi1>, vector<16xf32>
        %scan3A_531 = arith.constant 1 : i32
        %scan3A_532 = arith.addi %scan3A_514, %scan3A_531 : i32
        %mul3A_533 = arith.constant 16 : i32
        %mul3A_534 = arith.muli %scan3A_532, %mul3A_533 : i32
        %get3A_535 = arith.index_cast %mul3A_534 : i32 to index
        %get3A_536 = tpu.vector_load %arg21[%get3A_535] {strides = array<i32>} : memref<1296xf32, #tpu.memory_space<vmem>>, vector<16xf32>,
        %get3A_537 = vector.shape_cast %get3A_536 : vector<16xf32> to vector<16xf32>
        %gt3A_538 = arith.cmpf ogt, %get3A_537, %select_n3A_529 : vector<16xf32>
        %mul3A_539 = arith.constant 16 : i32
        %mul3A_540 = arith.muli %scan3A_532, %mul3A_539 : i32
        %add3A_541 = arith.addi %mul3A_2, %mul3A_540 : i32
        %add3A_542 = vector.broadcast %add3A_541 : i32 to vector<16xi32>
        %add3A_543 = arith.addi %add3A_542, %iota3A : vector<16xi32>
        %convert_element_type3A_544 = arith.sitofp %add3A_543 : vector<16xi32> to vector<16xf32>
        %select_n3A_545 = arith.select %gt3A_538, %get3A_537, %select_n3A_529 : vector<16xi1>, vector<16xf32>
        %select_n3A_546 = arith.select %gt3A_538, %convert_element_type3A_544, %select_n3A_530 : vector<16xi1>, vector<16xf32>
        %scan3A_547 = arith.constant 2 : i32
        %scan3A_548 = arith.addi %scan3A_514, %scan3A_547 : i32
        %mul3A_549 = arith.constant 16 : i32
        %mul3A_550 = arith.muli %scan3A_548, %mul3A_549 : i32
        %get3A_551 = arith.index_cast %mul3A_550 : i32 to index
        %get3A_552 = tpu.vector_load %arg21[%get3A_551] {strides = array<i32>} : memref<1296xf32, #tpu.memory_space<vmem>>, vector<16xf32>,
        %get3A_553 = vector.shape_cast %get3A_552 : vector<16xf32> to vector<16xf32>
        %gt3A_554 = arith.cmpf ogt, %get3A_553, %select_n3A_545 : vector<16xf32>
        %mul3A_555 = arith.constant 16 : i32
        %mul3A_556 = arith.muli %scan3A_548, %mul3A_555 : i32
        %add3A_557 = arith.addi %mul3A_2, %mul3A_556 : i32
        %add3A_558 = vector.broadcast %add3A_557 : i32 to vector<16xi32>
        %add3A_559 = arith.addi %add3A_558, %iota3A : vector<16xi32>
        %convert_element_type3A_560 = arith.sitofp %add3A_559 : vector<16xi32> to vector<16xf32>
        %select_n3A_561 = arith.select %gt3A_554, %get3A_553, %select_n3A_545 : vector<16xi1>, vector<16xf32>
        %select_n3A_562 = arith.select %gt3A_554, %convert_element_type3A_560, %select_n3A_546 : vector<16xi1>, vector<16xf32>
        %scan3A_563 = arith.constant 3 : i32
        %scan3A_564 = arith.addi %scan3A_514, %scan3A_563 : i32
        %mul3A_565 = arith.constant 16 : i32
        %mul3A_566 = arith.muli %scan3A_564, %mul3A_565 : i32
        %get3A_567 = arith.index_cast %mul3A_566 : i32 to index
        %get3A_568 = tpu.vector_load %arg21[%get3A_567] {strides = array<i32>} : memref<1296xf32, #tpu.memory_space<vmem>>, vector<16xf32>,
        %get3A_569 = vector.shape_cast %get3A_568 : vector<16xf32> to vector<16xf32>
        %gt3A_570 = arith.cmpf ogt, %get3A_569, %select_n3A_561 : vector<16xf32>
        %mul3A_571 = arith.constant 16 : i32
        %mul3A_572 = arith.muli %scan3A_564, %mul3A_571 : i32
        %add3A_573 = arith.addi %mul3A_2, %mul3A_572 : i32
        %add3A_574 = vector.broadcast %add3A_573 : i32 to vector<16xi32>
        %add3A_575 = arith.addi %add3A_574, %iota3A : vector<16xi32>
        %convert_element_type3A_576 = arith.sitofp %add3A_575 : vector<16xi32> to vector<16xf32>
        %select_n3A_577 = arith.select %gt3A_570, %get3A_569, %select_n3A_561 : vector<16xi1>, vector<16xf32>
        %select_n3A_578 = arith.select %gt3A_570, %convert_element_type3A_576, %select_n3A_562 : vector<16xi1>, vector<16xf32>
        scf.yield %select_n3A_577, %select_n3A_578 : vector<16xf32>, vector<16xf32>
      }
      %scan3A_308 = arith.constant 80 : i32
      %xor3A_309 = arith.constant 8 : i32
      %xor3A_310 = vector.broadcast %xor3A_309 : i32 to vector<16xi32>
      %xor3A_311 = arith.xori %iota3A, %xor3A_310 : vector<16xi32>
      %broadcast_in_dim3A_312 = vector.shape_cast %xor3A_311 : vector<16xi32> to vector<16x1xi32>
      %gather3A_313 = vector.shape_cast %broadcast_in_dim3A_312 : vector<16x1xi32> to vector<16xi32>
      %gather3A_314 = tpu.dynamic_gather %scan3A_307#0[%gather3A_313] in [0] : vector<16xf32>, vector<16xi32> -> vector<16xf32>
      %broadcast_in_dim3A_315 = vector.shape_cast %xor3A_311 : vector<16xi32> to vector<16x1xi32>
      %gather3A_316 = vector.shape_cast %broadcast_in_dim3A_315 : vector<16x1xi32> to vector<16xi32>
      %gather3A_317 = tpu.dynamic_gather %scan3A_307#1[%gather3A_316] in [0] : vector<16xf32>, vector<16xi32> -> vector<16xf32>
      %gt3A_318 = arith.cmpf ogt, %gather3A_314, %scan3A_307#0 : vector<16xf32>
      %eq3A_319 = arith.cmpf oeq, %gather3A_314, %scan3A_307#0 : vector<16xf32>
      %min3A_320 = arith.minimumf %scan3A_307#1, %gather3A_317 : vector<16xf32>
      %select_n3A_321 = arith.select %eq3A_319, %min3A_320, %scan3A_307#1 : vector<16xi1>, vector<16xf32>
      %select_n3A_322 = arith.select %gt3A_318, %gather3A_317, %select_n3A_321 : vector<16xi1>, vector<16xf32>
      %max3A_323 = arith.maximumf %scan3A_307#0, %gather3A_314 : vector<16xf32>
      %xor3A_324 = arith.constant 4 : i32
      %xor3A_325 = vector.broadcast %xor3A_324 : i32 to vector<16xi32>
      %xor3A_326 = arith.xori %iota3A, %xor3A_325 : vector<16xi32>
      %broadcast_in_dim3A_327 = vector.shape_cast %xor3A_326 : vector<16xi32> to vector<16x1xi32>
      %gather3A_328 = vector.shape_cast %broadcast_in_dim3A_327 : vector<16x1xi32> to vector<16xi32>
      %gather3A_329 = tpu.dynamic_gather %max3A_323[%gather3A_328] in [0] : vector<16xf32>, vector<16xi32> -> vector<16xf32>
      %broadcast_in_dim3A_330 = vector.shape_cast %xor3A_326 : vector<16xi32> to vector<16x1xi32>
      %gather3A_331 = vector.shape_cast %broadcast_in_dim3A_330 : vector<16x1xi32> to vector<16xi32>
      %gather3A_332 = tpu.dynamic_gather %select_n3A_322[%gather3A_331] in [0] : vector<16xf32>, vector<16xi32> -> vector<16xf32>
      %gt3A_333 = arith.cmpf ogt, %gather3A_329, %max3A_323 : vector<16xf32>
      %eq3A_334 = arith.cmpf oeq, %gather3A_329, %max3A_323 : vector<16xf32>
      %min3A_335 = arith.minimumf %select_n3A_322, %gather3A_332 : vector<16xf32>
      %select_n3A_336 = arith.select %eq3A_334, %min3A_335, %select_n3A_322 : vector<16xi1>, vector<16xf32>
      %select_n3A_337 = arith.select %gt3A_333, %gather3A_332, %select_n3A_336 : vector<16xi1>, vector<16xf32>
      %max3A_338 = arith.maximumf %max3A_323, %gather3A_329 : vector<16xf32>
      %xor3A_339 = arith.constant 2 : i32
      %xor3A_340 = vector.broadcast %xor3A_339 : i32 to vector<16xi32>
      %xor3A_341 = arith.xori %iota3A, %xor3A_340 : vector<16xi32>
      %broadcast_in_dim3A_342 = vector.shape_cast %xor3A_341 : vector<16xi32> to vector<16x1xi32>
      %gather3A_343 = vector.shape_cast %broadcast_in_dim3A_342 : vector<16x1xi32> to vector<16xi32>
      %gather3A_344 = tpu.dynamic_gather %max3A_338[%gather3A_343] in [0] : vector<16xf32>, vector<16xi32> -> vector<16xf32>
      %broadcast_in_dim3A_345 = vector.shape_cast %xor3A_341 : vector<16xi32> to vector<16x1xi32>
      %gather3A_346 = vector.shape_cast %broadcast_in_dim3A_345 : vector<16x1xi32> to vector<16xi32>
      %gather3A_347 = tpu.dynamic_gather %select_n3A_337[%gather3A_346] in [0] : vector<16xf32>, vector<16xi32> -> vector<16xf32>
      %gt3A_348 = arith.cmpf ogt, %gather3A_344, %max3A_338 : vector<16xf32>
      %eq3A_349 = arith.cmpf oeq, %gather3A_344, %max3A_338 : vector<16xf32>
      %min3A_350 = arith.minimumf %select_n3A_337, %gather3A_347 : vector<16xf32>
      %select_n3A_351 = arith.select %eq3A_349, %min3A_350, %select_n3A_337 : vector<16xi1>, vector<16xf32>
      %select_n3A_352 = arith.select %gt3A_348, %gather3A_347, %select_n3A_351 : vector<16xi1>, vector<16xf32>
      %max3A_353 = arith.maximumf %max3A_338, %gather3A_344 : vector<16xf32>
      %xor3A_354 = arith.constant 1 : i32
      %xor3A_355 = vector.broadcast %xor3A_354 : i32 to vector<16xi32>
      %xor3A_356 = arith.xori %iota3A, %xor3A_355 : vector<16xi32>
      %broadcast_in_dim3A_357 = vector.shape_cast %xor3A_356 : vector<16xi32> to vector<16x1xi32>
      %gather3A_358 = vector.shape_cast %broadcast_in_dim3A_357 : vector<16x1xi32> to vector<16xi32>
      %gather3A_359 = tpu.dynamic_gather %max3A_353[%gather3A_358] in [0] : vector<16xf32>, vector<16xi32> -> vector<16xf32>
      %broadcast_in_dim3A_360 = vector.shape_cast %xor3A_356 : vector<16xi32> to vector<16x1xi32>
      %gather3A_361 = vector.shape_cast %broadcast_in_dim3A_360 : vector<16x1xi32> to vector<16xi32>
      %gather3A_362 = tpu.dynamic_gather %select_n3A_352[%gather3A_361] in [0] : vector<16xf32>, vector<16xi32> -> vector<16xf32>
      %gt3A_363 = arith.cmpf ogt, %gather3A_359, %max3A_353 : vector<16xf32>
      %eq3A_364 = arith.cmpf oeq, %gather3A_359, %max3A_353 : vector<16xf32>
      %min3A_365 = arith.minimumf %select_n3A_352, %gather3A_362 : vector<16xf32>
      %select_n3A_366 = arith.select %eq3A_364, %min3A_365, %select_n3A_352 : vector<16xi1>, vector<16xf32>
      %select_n3A_367 = arith.select %gt3A_363, %gather3A_362, %select_n3A_366 : vector<16xi1>, vector<16xf32>
      %max3A_368 = arith.maximumf %max3A_353, %gather3A_359 : vector<16xf32>
      %convert_element_type3A_369 = arith.fptosi %select_n3A_367 : vector<16xf32> to vector<16xi32>
      %slice3A_370 = vector.extract_strided_slice %convert_element_type3A_369 {offsets = [0], sizes = [1], strides = [1]} : vector<16xi32> to vector<1xi32>
      %squeeze3A_371 = vector.extract %slice3A_370[0] : i32 from vector<1xi32>
      %sub3A_372 = arith.subi %squeeze3A_371, %mul3A_2 : i32
      %slice3A_373 = vector.extract_strided_slice %convert_element_type3A_369 {offsets = [0], sizes = [1], strides = [1]} : vector<16xi32> to vector<1xi32>
      %squeeze3A_374 = vector.extract %slice3A_373[0] : i32 from vector<1xi32>
      %ge3A_375 = arith.cmpi sge, %squeeze3A_374, %mul3A_2 : i32
      %slice3A_376 = vector.extract_strided_slice %convert_element_type3A_369 {offsets = [0], sizes = [1], strides = [1]} : vector<16xi32> to vector<1xi32>
      %squeeze3A_377 = vector.extract %slice3A_376[0] : i32 from vector<1xi32>
      %add3A_378 = arith.constant 1280 : i32
      %add3A_379 = arith.addi %mul3A_2, %add3A_378 : i32
      %lt3A_380 = arith.cmpi slt, %squeeze3A_377, %add3A_379 : i32
      %and3A_381 = arith.andi %ge3A_375, %lt3A_380 : i1
      %jit3A_382 = arith.constant 0 : i32
      %select_n3A_383 = arith.select %and3A_381, %sub3A_372, %jit3A_382 : i32
      %eq3A_384 = arith.constant 0 : i32
      %eq3A_385 = vector.broadcast %eq3A_384 : i32 to vector<16xi32>
      %eq3A_386 = arith.cmpi eq, %iota3A, %eq3A_385 : vector<16xi32>
      %eq3A_387 = arith.constant 1 : i32
      %eq3A_388 = vector.broadcast %eq3A_387 : i32 to vector<16xi32>
      %eq3A_389 = arith.cmpi eq, %iota3A, %eq3A_388 : vector<16xi32>
      %eq3A_390 = arith.constant 2 : i32
      %eq3A_391 = vector.broadcast %eq3A_390 : i32 to vector<16xi32>
      %eq3A_392 = arith.cmpi eq, %iota3A, %eq3A_391 : vector<16xi32>
      %get3A_393 = arith.index_cast %select_n3A_383 : i32 to index
      %get3A_394 = tpu.vector_load %arg15[%get3A_393] {strides = array<i32>} : memref<1296xf32, #tpu.memory_space<vmem>>, vector<16xf32>,
      %get3A_395 = vector.shape_cast %get3A_394 : vector<16xf32> to vector<16xf32>
      %slice3A_396 = vector.extract_strided_slice %get3A_395 {offsets = [0], sizes = [1], strides = [1]} : vector<16xf32> to vector<1xf32>
      %squeeze3A_397 = vector.extract %slice3A_396[0] : f32 from vector<1xf32>
      %eq3A_398 = arith.constant 3 : i32
      %eq3A_399 = vector.broadcast %eq3A_398 : i32 to vector<16xi32>
      %eq3A_400 = arith.cmpi eq, %iota3A, %eq3A_399 : vector<16xi32>
      %get3A_401 = arith.index_cast %select_n3A_383 : i32 to index
      %get3A_402 = tpu.vector_load %arg16[%get3A_401] {strides = array<i32>} : memref<1296xf32, #tpu.memory_space<vmem>>, vector<16xf32>,
      %get3A_403 = vector.shape_cast %get3A_402 : vector<16xf32> to vector<16xf32>
      %slice3A_404 = vector.extract_strided_slice %get3A_403 {offsets = [0], sizes = [1], strides = [1]} : vector<16xf32> to vector<1xf32>
      %squeeze3A_405 = vector.extract %slice3A_404[0] : f32 from vector<1xf32>
      %eq3A_406 = arith.constant 4 : i32
      %eq3A_407 = vector.broadcast %eq3A_406 : i32 to vector<16xi32>
      %eq3A_408 = arith.cmpi eq, %iota3A, %eq3A_407 : vector<16xi32>
      %get3A_409 = arith.index_cast %select_n3A_383 : i32 to index
      %get3A_410 = tpu.vector_load %arg17[%get3A_409] {strides = array<i32>} : memref<1296xf32, #tpu.memory_space<vmem>>, vector<16xf32>,
      %get3A_411 = vector.shape_cast %get3A_410 : vector<16xf32> to vector<16xf32>
      %slice3A_412 = vector.extract_strided_slice %get3A_411 {offsets = [0], sizes = [1], strides = [1]} : vector<16xf32> to vector<1xf32>
      %squeeze3A_413 = vector.extract %slice3A_412[0] : f32 from vector<1xf32>
      %eq3A_414 = arith.constant 5 : i32
      %eq3A_415 = vector.broadcast %eq3A_414 : i32 to vector<16xi32>
      %eq3A_416 = arith.cmpi eq, %iota3A, %eq3A_415 : vector<16xi32>
      %get3A_417 = arith.index_cast %select_n3A_383 : i32 to index
      %get3A_418 = tpu.vector_load %arg18[%get3A_417] {strides = array<i32>} : memref<1296xf32, #tpu.memory_space<vmem>>, vector<16xf32>,
      %get3A_419 = vector.shape_cast %get3A_418 : vector<16xf32> to vector<16xf32>
      %slice3A_420 = vector.extract_strided_slice %get3A_419 {offsets = [0], sizes = [1], strides = [1]} : vector<16xf32> to vector<1xf32>
      %squeeze3A_421 = vector.extract %slice3A_420[0] : f32 from vector<1xf32>
      %eq3A_422 = arith.constant 6 : i32
      %eq3A_423 = vector.broadcast %eq3A_422 : i32 to vector<16xi32>
      %eq3A_424 = arith.cmpi eq, %iota3A, %eq3A_423 : vector<16xi32>
      %get3A_425 = arith.index_cast %select_n3A_383 : i32 to index
      %get3A_426 = tpu.vector_load %arg19[%get3A_425] {strides = array<i32>} : memref<1296xf32, #tpu.memory_space<vmem>>, vector<16xf32>,
      %get3A_427 = vector.shape_cast %get3A_426 : vector<16xf32> to vector<16xf32>
      %slice3A_428 = vector.extract_strided_slice %get3A_427 {offsets = [0], sizes = [1], strides = [1]} : vector<16xf32> to vector<1xf32>
      %squeeze3A_429 = vector.extract %slice3A_428[0] : f32 from vector<1xf32>
      %eq3A_430 = arith.constant 7 : i32
      %eq3A_431 = vector.broadcast %eq3A_430 : i32 to vector<16xi32>
      %eq3A_432 = arith.cmpi eq, %iota3A, %eq3A_431 : vector<16xi32>
      %get3A_433 = arith.index_cast %select_n3A_383 : i32 to index
      %get3A_434 = tpu.vector_load %arg9[%get3A_433] {strides = array<i32>} : memref<1296xf32, #tpu.memory_space<vmem>>, vector<16xf32>,
      %get3A_435 = vector.shape_cast %get3A_434 : vector<16xf32> to vector<16xf32>
      %slice3A_436 = vector.extract_strided_slice %get3A_435 {offsets = [0], sizes = [1], strides = [1]} : vector<16xf32> to vector<1xf32>
      %squeeze3A_437 = vector.extract %slice3A_436[0] : f32 from vector<1xf32>
      %eq3A_438 = arith.constant 8 : i32
      %eq3A_439 = vector.broadcast %eq3A_438 : i32 to vector<16xi32>
      %eq3A_440 = arith.cmpi eq, %iota3A, %eq3A_439 : vector<16xi32>
      %get3A_441 = arith.index_cast %select_n3A_383 : i32 to index
      %get3A_442 = tpu.vector_load %arg10[%get3A_441] {strides = array<i32>} : memref<1296xf32, #tpu.memory_space<vmem>>, vector<16xf32>,
      %get3A_443 = vector.shape_cast %get3A_442 : vector<16xf32> to vector<16xf32>
      %slice3A_444 = vector.extract_strided_slice %get3A_443 {offsets = [0], sizes = [1], strides = [1]} : vector<16xf32> to vector<1xf32>
      %squeeze3A_445 = vector.extract %slice3A_444[0] : f32 from vector<1xf32>
      %eq3A_446 = arith.constant 9 : i32
      %eq3A_447 = vector.broadcast %eq3A_446 : i32 to vector<16xi32>
      %eq3A_448 = arith.cmpi eq, %iota3A, %eq3A_447 : vector<16xi32>
      %get3A_449 = arith.index_cast %select_n3A_383 : i32 to index
      %get3A_450 = tpu.vector_load %arg11[%get3A_449] {strides = array<i32>} : memref<1296xf32, #tpu.memory_space<vmem>>, vector<16xf32>,
      %get3A_451 = vector.shape_cast %get3A_450 : vector<16xf32> to vector<16xf32>
      %slice3A_452 = vector.extract_strided_slice %get3A_451 {offsets = [0], sizes = [1], strides = [1]} : vector<16xf32> to vector<1xf32>
      %squeeze3A_453 = vector.extract %slice3A_452[0] : f32 from vector<1xf32>
      %eq3A_454 = arith.constant 10 : i32
      %eq3A_455 = vector.broadcast %eq3A_454 : i32 to vector<16xi32>
      %eq3A_456 = arith.cmpi eq, %iota3A, %eq3A_455 : vector<16xi32>
      %get3A_457 = arith.index_cast %select_n3A_383 : i32 to index
      %get3A_458 = tpu.vector_load %arg12[%get3A_457] {strides = array<i32>} : memref<1296xf32, #tpu.memory_space<vmem>>, vector<16xf32>,
      %get3A_459 = vector.shape_cast %get3A_458 : vector<16xf32> to vector<16xf32>
      %slice3A_460 = vector.extract_strided_slice %get3A_459 {offsets = [0], sizes = [1], strides = [1]} : vector<16xf32> to vector<1xf32>
      %squeeze3A_461 = vector.extract %slice3A_460[0] : f32 from vector<1xf32>
      %eq3A_462 = arith.constant 11 : i32
      %eq3A_463 = vector.broadcast %eq3A_462 : i32 to vector<16xi32>
      %eq3A_464 = arith.cmpi eq, %iota3A, %eq3A_463 : vector<16xi32>
      %get3A_465 = arith.index_cast %select_n3A_383 : i32 to index
      %get3A_466 = tpu.vector_load %arg13[%get3A_465] {strides = array<i32>} : memref<1296xf32, #tpu.memory_space<vmem>>, vector<16xf32>,
      %get3A_467 = vector.shape_cast %get3A_466 : vector<16xf32> to vector<16xf32>
      %slice3A_468 = vector.extract_strided_slice %get3A_467 {offsets = [0], sizes = [1], strides = [1]} : vector<16xf32> to vector<1xf32>
      %squeeze3A_469 = vector.extract %slice3A_468[0] : f32 from vector<1xf32>
      %jit3A_470 = arith.constant 0.000000e+00 : f32
      %broadcast_in_dim3A_471 = vector.broadcast %squeeze3A_469 : f32 to vector<16xf32>
      %broadcast_in_dim3A_472 = vector.broadcast %jit3A_470 : f32 to vector<16xf32>
      %select_n3A_473 = arith.select %eq3A_464, %broadcast_in_dim3A_471, %broadcast_in_dim3A_472 : vector<16xi1>, vector<16xf32>
      %broadcast_in_dim3A_474 = vector.broadcast %squeeze3A_461 : f32 to vector<16xf32>
      %select_n3A_475 = arith.select %eq3A_456, %broadcast_in_dim3A_474, %select_n3A_473 : vector<16xi1>, vector<16xf32>
      %broadcast_in_dim3A_476 = vector.broadcast %squeeze3A_453 : f32 to vector<16xf32>
      %select_n3A_477 = arith.select %eq3A_448, %broadcast_in_dim3A_476, %select_n3A_475 : vector<16xi1>, vector<16xf32>
      %broadcast_in_dim3A_478 = vector.broadcast %squeeze3A_445 : f32 to vector<16xf32>
      %select_n3A_479 = arith.select %eq3A_440, %broadcast_in_dim3A_478, %select_n3A_477 : vector<16xi1>, vector<16xf32>
      %broadcast_in_dim3A_480 = vector.broadcast %squeeze3A_437 : f32 to vector<16xf32>
      %select_n3A_481 = arith.select %eq3A_432, %broadcast_in_dim3A_480, %select_n3A_479 : vector<16xi1>, vector<16xf32>
      %broadcast_in_dim3A_482 = vector.broadcast %squeeze3A_429 : f32 to vector<16xf32>
      %select_n3A_483 = arith.select %eq3A_424, %broadcast_in_dim3A_482, %select_n3A_481 : vector<16xi1>, vector<16xf32>
      %broadcast_in_dim3A_484 = vector.broadcast %squeeze3A_421 : f32 to vector<16xf32>
      %select_n3A_485 = arith.select %eq3A_416, %broadcast_in_dim3A_484, %select_n3A_483 : vector<16xi1>, vector<16xf32>
      %broadcast_in_dim3A_486 = vector.broadcast %squeeze3A_413 : f32 to vector<16xf32>
      %select_n3A_487 = arith.select %eq3A_408, %broadcast_in_dim3A_486, %select_n3A_485 : vector<16xi1>, vector<16xf32>
      %broadcast_in_dim3A_488 = vector.broadcast %squeeze3A_405 : f32 to vector<16xf32>
      %select_n3A_489 = arith.select %eq3A_400, %broadcast_in_dim3A_488, %select_n3A_487 : vector<16xi1>, vector<16xf32>
      %broadcast_in_dim3A_490 = vector.broadcast %squeeze3A_397 : f32 to vector<16xf32>
      %select_n3A_491 = arith.select %eq3A_392, %broadcast_in_dim3A_490, %select_n3A_489 : vector<16xi1>, vector<16xf32>
      %select_n3A_492 = arith.select %eq3A_389, %select_n3A_367, %select_n3A_491 : vector<16xi1>, vector<16xf32>
      %select_n3A_493 = arith.select %eq3A_386, %max3A_368, %select_n3A_492 : vector<16xi1>, vector<16xf32>
      %swap3A_494 = arith.constant 0 : index
      %swap3A_495 = tpu.vector_load %arg22[%swap3A_494] {strides = array<i32>} : memref<16xf32, #tpu.memory_space<vmem>>, vector<16xf32>,
      %swap3A_496 = vector.shape_cast %swap3A_495 : vector<16xf32> to vector<16xf32>
      %swap3A_497 = vector.shape_cast %select_n3A_493 : vector<16xf32> to vector<16xf32>
      tpu.vector_store %arg22[%swap3A_494], %swap3A_497 {strides = array<i32>} : memref<16xf32, #tpu.memory_space<vmem>>, vector<16xf32>,
      %mul3A_498 = arith.constant 16 : i32
      %mul3A_499 = arith.muli %arg1, %mul3A_498 : i32
      %add3A_500 = arith.constant 0 : i32
      %add3A_501 = arith.addi %add3A_500, %mul3A_499 : i32
      "tpu.region"() ({
        %run_scoped3A = tpu.sem_alloc : memref<!tpu.dma_semaphore, #tpu.memory_space<semaphore_mem>>
        %dma_start3A = tpu.memref_slice %arg25[%add3A_501] : memref<512xf32, #tpu.memory_space<vmem_shared>> -> memref<16xf32, #tpu.memory_space<vmem_shared>>
        %dma_start3A_514 = tpu.memref_slice %arg25[%add3A_501] : memref<512xf32, #tpu.memory_space<vmem_shared>> -> memref<16xf32, #tpu.memory_space<vmem_shared>>
        tpu.enqueue_dma source(%arg22 : memref<16xf32, #tpu.memory_space<vmem>>) target(%dma_start3A_514 : memref<16xf32, #tpu.memory_space<vmem_shared>>) target_semaphore(%run_scoped3A : memref<!tpu.dma_semaphore, #tpu.memory_space<semaphore_mem>>)
        %dma_wait3A = tpu.memref_slice %arg25[%add3A_501] : memref<512xf32, #tpu.memory_space<vmem_shared>> -> memref<16xf32, #tpu.memory_space<vmem_shared>>
        %dma_wait3A_515 = tpu.memref_slice %arg25[%add3A_501] : memref<512xf32, #tpu.memory_space<vmem_shared>> -> memref<16xf32, #tpu.memory_space<vmem_shared>>
        tpu.wait_dma2 semaphore(%run_scoped3A : memref<!tpu.dma_semaphore, #tpu.memory_space<semaphore_mem>>) src(%arg22 : memref<16xf32, #tpu.memory_space<vmem>>) dst(%dma_wait3A_515 : memref<16xf32, #tpu.memory_space<vmem_shared>>)
        tpu.yield
      }) : () -> ()
      %barrier3A_502 = arith.constant 0 : index
      tpu.barrier barrier_id(%barrier3A_502)
      %scan3A_503 = arith.constant 0 : i32
      %scan3A_504 = arith.constant 15 : i32
      %scan3A_505 = arith.addi %scan3A_503, %scan3A_504 : i32
      %scan3A_506 = arith.constant 1 : i32
      %scan3A_507 = scf.for %scan3A_514 = %scan3A_503 to %scan3A_505 step %scan3A_506 iter_args(%scan3A_515 = %scan3A_297) -> (i32)  : i32 {
        %rem3A = arith.constant 2 : i32
        %rem3A_516 = arith.remsi %scan3A_514, %rem3A : i32
        %add3A_517 = arith.constant 1 : i32
        %add3A_518 = arith.addi %scan3A_514, %add3A_517 : i32
        %rem3A_519 = arith.constant 2 : i32
        %rem3A_520 = arith.remsi %add3A_518, %rem3A_519 : i32
        %mul3A_521 = arith.constant 256 : i32
        %mul3A_522 = arith.muli %rem3A_516, %mul3A_521 : i32
        "tpu.region"() ({
          %run_scoped3A = tpu.sem_alloc : memref<!tpu.dma_semaphore, #tpu.memory_space<semaphore_mem>>
          %dma_start3A = tpu.memref_slice %arg25[%mul3A_522] : memref<512xf32, #tpu.memory_space<vmem_shared>> -> memref<256xf32, #tpu.memory_space<vmem_shared>>
          %dma_start3A_773 = tpu.memref_slice %arg25[%mul3A_522] : memref<512xf32, #tpu.memory_space<vmem_shared>> -> memref<256xf32, #tpu.memory_space<vmem_shared>>
          tpu.enqueue_dma source(%dma_start3A_773 : memref<256xf32, #tpu.memory_space<vmem_shared>>) target(%arg23 : memref<256xf32, #tpu.memory_space<vmem>>) target_semaphore(%run_scoped3A : memref<!tpu.dma_semaphore, #tpu.memory_space<semaphore_mem>>)
          %dma_wait3A = tpu.memref_slice %arg25[%mul3A_522] : memref<512xf32, #tpu.memory_space<vmem_shared>> -> memref<256xf32, #tpu.memory_space<vmem_shared>>
          %dma_wait3A_774 = tpu.memref_slice %arg25[%mul3A_522] : memref<512xf32, #tpu.memory_space<vmem_shared>> -> memref<256xf32, #tpu.memory_space<vmem_shared>>
          tpu.wait_dma2 semaphore(%run_scoped3A : memref<!tpu.dma_semaphore, #tpu.memory_space<semaphore_mem>>) src(%dma_wait3A_774 : memref<256xf32, #tpu.memory_space<vmem_shared>>) dst(%arg23 : memref<256xf32, #tpu.memory_space<vmem>>)
          tpu.yield
        }) : () -> ()
        %scan3A_523 = arith.constant -2.000000e+00 : f32
        %scan3A_524 = arith.constant 1.07374182E+9 : f32
        %scan3A_525 = arith.constant 0 : i32
        %scan3A_526 = arith.constant 16 : i32
        %scan3A_527 = arith.addi %scan3A_525, %scan3A_526 : i32
        %scan3A_528 = arith.constant 1 : i32
        %scan3A_529:2 = scf.for %scan3A_773 = %scan3A_525 to %scan3A_527 step %scan3A_528 iter_args(%scan3A_774 = %scan3A_523, %scan3A_775 = %scan3A_524) -> (f32, f32)  : i32 {
          %mul3A_776 = arith.constant 16 : i32
          %mul3A_777 = arith.muli %scan3A_773, %mul3A_776 : i32
          %get3A_778 = arith.index_cast %mul3A_777 : i32 to index
          %get3A_779 = tpu.vector_load %arg23[%get3A_778] {strides = array<i32>} : memref<256xf32, #tpu.memory_space<vmem>>, vector<16xf32>,
          %get3A_780 = vector.shape_cast %get3A_779 : vector<16xf32> to vector<16xf32>
          %slice3A_781 = vector.extract_strided_slice %get3A_780 {offsets = [0], sizes = [1], strides = [1]} : vector<16xf32> to vector<1xf32>
          %squeeze3A_782 = vector.extract %slice3A_781[0] : f32 from vector<1xf32>
          %slice3A_783 = vector.extract_strided_slice %get3A_780 {offsets = [1], sizes = [1], strides = [1]} : vector<16xf32> to vector<1xf32>
          %squeeze3A_784 = vector.extract %slice3A_783[0] : f32 from vector<1xf32>
          %gt3A_785 = arith.cmpf ogt, %squeeze3A_782, %scan3A_774 : f32
          %eq3A_786 = arith.cmpf oeq, %squeeze3A_782, %scan3A_774 : f32
          %min3A_787 = arith.minimumf %scan3A_775, %squeeze3A_784 : f32
          %select_n3A_788 = arith.select %eq3A_786, %min3A_787, %scan3A_775 : f32
          %select_n3A_789 = arith.select %gt3A_785, %squeeze3A_784, %select_n3A_788 : f32
          %max3A_790 = arith.maximumf %scan3A_774, %squeeze3A_782 : f32
          scf.yield %max3A_790, %select_n3A_789 : f32, f32
        }
        %scan3A_530 = arith.constant 16 : i32
        %convert_element_type3A_531 = arith.fptosi %scan3A_529#1 : f32 to i32
        %ge3A_532 = arith.constant 0.000000e+00 : f32
        %ge3A_533 = arith.cmpf oge, %scan3A_529#0, %ge3A_532 : f32
        %div3A = arith.constant 1280 : i32
        %div3A_534 = arith.divsi %convert_element_type3A_531, %div3A : i32
        %mul3A_535 = arith.constant 16 : i32
        %mul3A_536 = arith.muli %div3A_534, %mul3A_535 : i32
        %get3A_537 = arith.index_cast %mul3A_536 : i32 to index
        %get3A_538 = tpu.vector_load %arg23[%get3A_537] {strides = array<i32>} : memref<256xf32, #tpu.memory_space<vmem>>, vector<16xf32>,
        %get3A_539 = vector.shape_cast %get3A_538 : vector<16xf32> to vector<16xf32>
        %slice3A_540 = vector.extract_strided_slice %get3A_539 {offsets = [2], sizes = [1], strides = [1]} : vector<16xf32> to vector<1xf32>
        %squeeze3A_541 = vector.extract %slice3A_540[0] : f32 from vector<1xf32>
        %jit3A_542 = arith.constant 1.000000e+00 : f32
        %select_n3A_543 = arith.select %ge3A_533, %squeeze3A_541, %jit3A_542 : f32
        %slice3A_544 = vector.extract_strided_slice %get3A_539 {offsets = [3], sizes = [1], strides = [1]} : vector<16xf32> to vector<1xf32>
        %squeeze3A_545 = vector.extract %slice3A_544[0] : f32 from vector<1xf32>
        %jit3A_546 = arith.constant 1.000000e+00 : f32
        %select_n3A_547 = arith.select %ge3A_533, %squeeze3A_545, %jit3A_546 : f32
        %slice3A_548 = vector.extract_strided_slice %get3A_539 {offsets = [4], sizes = [1], strides = [1]} : vector<16xf32> to vector<1xf32>
        %squeeze3A_549 = vector.extract %slice3A_548[0] : f32 from vector<1xf32>
        %jit3A_550 = arith.constant 0.000000e+00 : f32
        %select_n3A_551 = arith.select %ge3A_533, %squeeze3A_549, %jit3A_550 : f32
        %slice3A_552 = vector.extract_strided_slice %get3A_539 {offsets = [5], sizes = [1], strides = [1]} : vector<16xf32> to vector<1xf32>
        %squeeze3A_553 = vector.extract %slice3A_552[0] : f32 from vector<1xf32>
        %jit3A_554 = arith.constant 0.000000e+00 : f32
        %select_n3A_555 = arith.select %ge3A_533, %squeeze3A_553, %jit3A_554 : f32
        %slice3A_556 = vector.extract_strided_slice %get3A_539 {offsets = [6], sizes = [1], strides = [1]} : vector<16xf32> to vector<1xf32>
        %squeeze3A_557 = vector.extract %slice3A_556[0] : f32 from vector<1xf32>
        %jit3A_558 = arith.constant 1.000000e+00 : f32
        %select_n3A_559 = arith.select %ge3A_533, %squeeze3A_557, %jit3A_558 : f32
        %eq3A_560 = arith.constant 0 : i32
        %eq3A_561 = arith.cmpi eq, %arg1, %eq3A_560 : i32
        %and3A_562 = arith.andi %ge3A_533, %eq3A_561 : i1
        %convert_element_type3A_563 = arith.extui %and3A_562 : i1 to i32
        %cond3A_564 = arith.constant 0 : i32
        %cond3A_565 = arith.cmpi ne, %convert_element_type3A_563, %cond3A_564 : i32
        scf.if %cond3A_565 {
          %eq3A_773 = arith.constant 0 : i32
          %eq3A_774 = vector.broadcast %eq3A_773 : i32 to vector<16xi32>
          %eq3A_775 = arith.cmpi eq, %iota3A, %eq3A_774 : vector<16xi32>
          %slice3A_776 = vector.extract_strided_slice %get3A_539 {offsets = [7], sizes = [1], strides = [1]} : vector<16xf32> to vector<1xf32>
          %squeeze3A_777 = vector.extract %slice3A_776[0] : f32 from vector<1xf32>
          %eq3A_778 = arith.constant 1 : i32
          %eq3A_779 = vector.broadcast %eq3A_778 : i32 to vector<16xi32>
          %eq3A_780 = arith.cmpi eq, %iota3A, %eq3A_779 : vector<16xi32>
          %slice3A_781 = vector.extract_strided_slice %get3A_539 {offsets = [8], sizes = [1], strides = [1]} : vector<16xf32> to vector<1xf32>
          %squeeze3A_782 = vector.extract %slice3A_781[0] : f32 from vector<1xf32>
          %eq3A_783 = arith.constant 2 : i32
          %eq3A_784 = vector.broadcast %eq3A_783 : i32 to vector<16xi32>
          %eq3A_785 = arith.cmpi eq, %iota3A, %eq3A_784 : vector<16xi32>
          %slice3A_786 = vector.extract_strided_slice %get3A_539 {offsets = [9], sizes = [1], strides = [1]} : vector<16xf32> to vector<1xf32>
          %squeeze3A_787 = vector.extract %slice3A_786[0] : f32 from vector<1xf32>
          %eq3A_788 = arith.constant 3 : i32
          %eq3A_789 = vector.broadcast %eq3A_788 : i32 to vector<16xi32>
          %eq3A_790 = arith.cmpi eq, %iota3A, %eq3A_789 : vector<16xi32>
          %slice3A_791 = vector.extract_strided_slice %get3A_539 {offsets = [10], sizes = [1], strides = [1]} : vector<16xf32> to vector<1xf32>
          %squeeze3A_792 = vector.extract %slice3A_791[0] : f32 from vector<1xf32>
          %eq3A_793 = arith.constant 4 : i32
          %eq3A_794 = vector.broadcast %eq3A_793 : i32 to vector<16xi32>
          %eq3A_795 = arith.cmpi eq, %iota3A, %eq3A_794 : vector<16xi32>
          %slice3A_796 = vector.extract_strided_slice %get3A_539 {offsets = [11], sizes = [1], strides = [1]} : vector<16xf32> to vector<1xf32>
          %squeeze3A_797 = vector.extract %slice3A_796[0] : f32 from vector<1xf32>
          %jit3A_798 = arith.constant 0.000000e+00 : f32
          %broadcast_in_dim3A_799 = vector.broadcast %squeeze3A_797 : f32 to vector<16xf32>
          %broadcast_in_dim3A_800 = vector.broadcast %jit3A_798 : f32 to vector<16xf32>
          %select_n3A_801 = arith.select %eq3A_795, %broadcast_in_dim3A_799, %broadcast_in_dim3A_800 : vector<16xi1>, vector<16xf32>
          %broadcast_in_dim3A_802 = vector.broadcast %squeeze3A_792 : f32 to vector<16xf32>
          %select_n3A_803 = arith.select %eq3A_790, %broadcast_in_dim3A_802, %select_n3A_801 : vector<16xi1>, vector<16xf32>
          %broadcast_in_dim3A_804 = vector.broadcast %squeeze3A_787 : f32 to vector<16xf32>
          %select_n3A_805 = arith.select %eq3A_785, %broadcast_in_dim3A_804, %select_n3A_803 : vector<16xi1>, vector<16xf32>
          %broadcast_in_dim3A_806 = vector.broadcast %squeeze3A_782 : f32 to vector<16xf32>
          %select_n3A_807 = arith.select %eq3A_780, %broadcast_in_dim3A_806, %select_n3A_805 : vector<16xi1>, vector<16xf32>
          %broadcast_in_dim3A_808 = vector.broadcast %squeeze3A_777 : f32 to vector<16xf32>
          %select_n3A_809 = arith.select %eq3A_775, %broadcast_in_dim3A_808, %select_n3A_807 : vector<16xi1>, vector<16xf32>
          %mul3A_810 = arith.constant 16 : i32
          %mul3A_811 = arith.muli %scan3A_515, %mul3A_810 : i32
          %swap3A_812 = arith.index_cast %mul3A_811 : i32 to index
          %swap3A_813 = tpu.vector_load %arg24[%swap3A_812] {strides = array<i32>} : memref<512xf32, #tpu.memory_space<vmem>>, vector<16xf32>,
          %swap3A_814 = vector.shape_cast %swap3A_813 : vector<16xf32> to vector<16xf32>
          %swap3A_815 = vector.shape_cast %select_n3A_809 : vector<16xf32> to vector<16xf32>
          tpu.vector_store %arg24[%swap3A_812], %swap3A_815 {strides = array<i32>} : memref<512xf32, #tpu.memory_space<vmem>>, vector<16xf32>,
        } else {
        }
        %broadcast_in_dim3A_566 = arith.constant -1.000000e+00 : f32
        %broadcast_in_dim3A_567 = vector.broadcast %broadcast_in_dim3A_566 : f32 to vector<16xf32>
        %broadcast_in_dim3A_568 = arith.constant 1.07374182E+9 : f32
        %broadcast_in_dim3A_569 = vector.broadcast %broadcast_in_dim3A_568 : f32 to vector<16xf32>
        %scan3A_570 = arith.constant 0 : i32
        %scan3A_571 = arith.constant 80 : i32
        %scan3A_572 = arith.addi %scan3A_570, %scan3A_571 : i32
        %scan3A_573 = arith.constant 4 : i32
        %scan3A_574:2 = scf.for %scan3A_773 = %scan3A_570 to %scan3A_572 step %scan3A_573 iter_args(%scan3A_774 = %broadcast_in_dim3A_567, %scan3A_775 = %broadcast_in_dim3A_569) -> (vector<16xf32>, vector<16xf32>)  : i32 {
          %mul3A_776 = arith.constant 16 : i32
          %mul3A_777 = arith.muli %scan3A_773, %mul3A_776 : i32
          %get3A_778 = arith.index_cast %mul3A_777 : i32 to index
          %get3A_779 = tpu.vector_load %arg15[%get3A_778] {strides = array<i32>} : memref<1296xf32, #tpu.memory_space<vmem>>, vector<16xf32>,
          %get3A_780 = vector.shape_cast %get3A_779 : vector<16xf32> to vector<16xf32>
          %max3A_781 = vector.broadcast %select_n3A_543 : f32 to vector<16xf32>
          %max3A_782 = arith.maximumf %max3A_781, %get3A_780 : vector<16xf32>
          %get3A_783 = arith.index_cast %mul3A_777 : i32 to index
          %get3A_784 = tpu.vector_load %arg16[%get3A_783] {strides = array<i32>} : memref<1296xf32, #tpu.memory_space<vmem>>, vector<16xf32>,
          %get3A_785 = vector.shape_cast %get3A_784 : vector<16xf32> to vector<16xf32>
          %max3A_786 = vector.broadcast %select_n3A_547 : f32 to vector<16xf32>
          %max3A_787 = arith.maximumf %max3A_786, %get3A_785 : vector<16xf32>
          %get3A_788 = arith.index_cast %mul3A_777 : i32 to index
          %get3A_789 = tpu.vector_load %arg17[%get3A_788] {strides = array<i32>} : memref<1296xf32, #tpu.memory_space<vmem>>, vector<16xf32>,
          %get3A_790 = vector.shape_cast %get3A_789 : vector<16xf32> to vector<16xf32>
          %min3A_791 = vector.broadcast %select_n3A_551 : f32 to vector<16xf32>
          %min3A_792 = arith.minimumf %min3A_791, %get3A_790 : vector<16xf32>
          %get3A_793 = arith.index_cast %mul3A_777 : i32 to index
          %get3A_794 = tpu.vector_load %arg18[%get3A_793] {strides = array<i32>} : memref<1296xf32, #tpu.memory_space<vmem>>, vector<16xf32>,
          %get3A_795 = vector.shape_cast %get3A_794 : vector<16xf32> to vector<16xf32>
          %min3A_796 = vector.broadcast %select_n3A_555 : f32 to vector<16xf32>
          %min3A_797 = arith.minimumf %min3A_796, %get3A_795 : vector<16xf32>
          %sub3A_798 = arith.subf %min3A_792, %max3A_782 : vector<16xf32>
          %max3A_799 = arith.constant 0.000000e+00 : f32
          %max3A_800 = vector.broadcast %max3A_799 : f32 to vector<16xf32>
          %max3A_801 = arith.maximumf %max3A_800, %sub3A_798 : vector<16xf32>
          %sub3A_802 = arith.subf %min3A_797, %max3A_787 : vector<16xf32>
          %max3A_803 = arith.constant 0.000000e+00 : f32
          %max3A_804 = vector.broadcast %max3A_803 : f32 to vector<16xf32>
          %max3A_805 = arith.maximumf %max3A_804, %sub3A_802 : vector<16xf32>
          %mul3A_806 = arith.mulf %max3A_801, %max3A_805 : vector<16xf32>
          %get3A_807 = arith.index_cast %mul3A_777 : i32 to index
          %get3A_808 = tpu.vector_load %arg19[%get3A_807] {strides = array<i32>} : memref<1296xf32, #tpu.memory_space<vmem>>, vector<16xf32>,
          %get3A_809 = vector.shape_cast %get3A_808 : vector<16xf32> to vector<16xf32>
          %add3A_810 = vector.broadcast %select_n3A_559 : f32 to vector<16xf32>
          %add3A_811 = arith.addf %add3A_810, %get3A_809 : vector<16xf32>
          %sub3A_812 = arith.subf %add3A_811, %mul3A_806 : vector<16xf32>
          %add3A_813 = arith.constant 9.99999971E-10 : f32
          %add3A_814 = vector.broadcast %add3A_813 : f32 to vector<16xf32>
          %add3A_815 = arith.addf %sub3A_812, %add3A_814 : vector<16xf32>
          %div3A_816 = arith.divf %mul3A_806, %add3A_815 : vector<16xf32>
          %gt3A_817 = arith.constant 5.000000e-01 : f32
          %gt3A_818 = vector.broadcast %gt3A_817 : f32 to vector<16xf32>
          %gt3A_819 = arith.cmpf ogt, %div3A_816, %gt3A_818 : vector<16xf32>
          %get3A_820 = arith.index_cast %mul3A_777 : i32 to index
          %get3A_821 = tpu.vector_load %arg21[%get3A_820] {strides = array<i32>} : memref<1296xf32, #tpu.memory_space<vmem>>, vector<16xf32>,
          %get3A_822 = vector.shape_cast %get3A_821 : vector<16xf32> to vector<16xf32>
          %jit3A_823 = arith.constant -1.000000e+00 : f32
          %broadcast_in_dim3A_824 = vector.broadcast %jit3A_823 : f32 to vector<16xf32>
          %select_n3A_825 = arith.select %gt3A_819, %broadcast_in_dim3A_824, %get3A_822 : vector<16xi1>, vector<16xf32>
          %swap3A_826 = arith.index_cast %mul3A_777 : i32 to index
          %swap3A_827 = tpu.vector_load %arg21[%swap3A_826] {strides = array<i32>} : memref<1296xf32, #tpu.memory_space<vmem>>, vector<16xf32>,
          %swap3A_828 = vector.shape_cast %swap3A_827 : vector<16xf32> to vector<16xf32>
          %swap3A_829 = vector.shape_cast %select_n3A_825 : vector<16xf32> to vector<16xf32>
          tpu.vector_store %arg21[%swap3A_826], %swap3A_829 {strides = array<i32>} : memref<1296xf32, #tpu.memory_space<vmem>>, vector<16xf32>,
          %gt3A_830 = arith.cmpf ogt, %select_n3A_825, %scan3A_774 : vector<16xf32>
          %mul3A_831 = arith.constant 16 : i32
          %mul3A_832 = arith.muli %scan3A_773, %mul3A_831 : i32
          %add3A_833 = arith.addi %mul3A_2, %mul3A_832 : i32
          %add3A_834 = vector.broadcast %add3A_833 : i32 to vector<16xi32>
          %add3A_835 = arith.addi %add3A_834, %iota3A : vector<16xi32>
          %convert_element_type3A_836 = arith.sitofp %add3A_835 : vector<16xi32> to vector<16xf32>
          %select_n3A_837 = arith.select %gt3A_830, %select_n3A_825, %scan3A_774 : vector<16xi1>, vector<16xf32>
          %select_n3A_838 = arith.select %gt3A_830, %convert_element_type3A_836, %scan3A_775 : vector<16xi1>, vector<16xf32>
          %scan3A_839 = arith.constant 1 : i32
          %scan3A_840 = arith.addi %scan3A_773, %scan3A_839 : i32
          %mul3A_841 = arith.constant 16 : i32
          %mul3A_842 = arith.muli %scan3A_840, %mul3A_841 : i32
          %get3A_843 = arith.index_cast %mul3A_842 : i32 to index
          %get3A_844 = tpu.vector_load %arg15[%get3A_843] {strides = array<i32>} : memref<1296xf32, #tpu.memory_space<vmem>>, vector<16xf32>,
          %get3A_845 = vector.shape_cast %get3A_844 : vector<16xf32> to vector<16xf32>
          %max3A_846 = vector.broadcast %select_n3A_543 : f32 to vector<16xf32>
          %max3A_847 = arith.maximumf %max3A_846, %get3A_845 : vector<16xf32>
          %get3A_848 = arith.index_cast %mul3A_842 : i32 to index
          %get3A_849 = tpu.vector_load %arg16[%get3A_848] {strides = array<i32>} : memref<1296xf32, #tpu.memory_space<vmem>>, vector<16xf32>,
          %get3A_850 = vector.shape_cast %get3A_849 : vector<16xf32> to vector<16xf32>
          %max3A_851 = vector.broadcast %select_n3A_547 : f32 to vector<16xf32>
          %max3A_852 = arith.maximumf %max3A_851, %get3A_850 : vector<16xf32>
          %get3A_853 = arith.index_cast %mul3A_842 : i32 to index
          %get3A_854 = tpu.vector_load %arg17[%get3A_853] {strides = array<i32>} : memref<1296xf32, #tpu.memory_space<vmem>>, vector<16xf32>,
          %get3A_855 = vector.shape_cast %get3A_854 : vector<16xf32> to vector<16xf32>
          %min3A_856 = vector.broadcast %select_n3A_551 : f32 to vector<16xf32>
          %min3A_857 = arith.minimumf %min3A_856, %get3A_855 : vector<16xf32>
          %get3A_858 = arith.index_cast %mul3A_842 : i32 to index
          %get3A_859 = tpu.vector_load %arg18[%get3A_858] {strides = array<i32>} : memref<1296xf32, #tpu.memory_space<vmem>>, vector<16xf32>,
          %get3A_860 = vector.shape_cast %get3A_859 : vector<16xf32> to vector<16xf32>
          %min3A_861 = vector.broadcast %select_n3A_555 : f32 to vector<16xf32>
          %min3A_862 = arith.minimumf %min3A_861, %get3A_860 : vector<16xf32>
          %sub3A_863 = arith.subf %min3A_857, %max3A_847 : vector<16xf32>
          %max3A_864 = arith.constant 0.000000e+00 : f32
          %max3A_865 = vector.broadcast %max3A_864 : f32 to vector<16xf32>
          %max3A_866 = arith.maximumf %max3A_865, %sub3A_863 : vector<16xf32>
          %sub3A_867 = arith.subf %min3A_862, %max3A_852 : vector<16xf32>
          %max3A_868 = arith.constant 0.000000e+00 : f32
          %max3A_869 = vector.broadcast %max3A_868 : f32 to vector<16xf32>
          %max3A_870 = arith.maximumf %max3A_869, %sub3A_867 : vector<16xf32>
          %mul3A_871 = arith.mulf %max3A_866, %max3A_870 : vector<16xf32>
          %get3A_872 = arith.index_cast %mul3A_842 : i32 to index
          %get3A_873 = tpu.vector_load %arg19[%get3A_872] {strides = array<i32>} : memref<1296xf32, #tpu.memory_space<vmem>>, vector<16xf32>,
          %get3A_874 = vector.shape_cast %get3A_873 : vector<16xf32> to vector<16xf32>
          %add3A_875 = vector.broadcast %select_n3A_559 : f32 to vector<16xf32>
          %add3A_876 = arith.addf %add3A_875, %get3A_874 : vector<16xf32>
          %sub3A_877 = arith.subf %add3A_876, %mul3A_871 : vector<16xf32>
          %add3A_878 = arith.constant 9.99999971E-10 : f32
          %add3A_879 = vector.broadcast %add3A_878 : f32 to vector<16xf32>
          %add3A_880 = arith.addf %sub3A_877, %add3A_879 : vector<16xf32>
          %div3A_881 = arith.divf %mul3A_871, %add3A_880 : vector<16xf32>
          %gt3A_882 = arith.constant 5.000000e-01 : f32
          %gt3A_883 = vector.broadcast %gt3A_882 : f32 to vector<16xf32>
          %gt3A_884 = arith.cmpf ogt, %div3A_881, %gt3A_883 : vector<16xf32>
          %get3A_885 = arith.index_cast %mul3A_842 : i32 to index
          %get3A_886 = tpu.vector_load %arg21[%get3A_885] {strides = array<i32>} : memref<1296xf32, #tpu.memory_space<vmem>>, vector<16xf32>,
          %get3A_887 = vector.shape_cast %get3A_886 : vector<16xf32> to vector<16xf32>
          %jit3A_888 = arith.constant -1.000000e+00 : f32
          %broadcast_in_dim3A_889 = vector.broadcast %jit3A_888 : f32 to vector<16xf32>
          %select_n3A_890 = arith.select %gt3A_884, %broadcast_in_dim3A_889, %get3A_887 : vector<16xi1>, vector<16xf32>
          %swap3A_891 = arith.index_cast %mul3A_842 : i32 to index
          %swap3A_892 = tpu.vector_load %arg21[%swap3A_891] {strides = array<i32>} : memref<1296xf32, #tpu.memory_space<vmem>>, vector<16xf32>,
          %swap3A_893 = vector.shape_cast %swap3A_892 : vector<16xf32> to vector<16xf32>
          %swap3A_894 = vector.shape_cast %select_n3A_890 : vector<16xf32> to vector<16xf32>
          tpu.vector_store %arg21[%swap3A_891], %swap3A_894 {strides = array<i32>} : memref<1296xf32, #tpu.memory_space<vmem>>, vector<16xf32>,
          %gt3A_895 = arith.cmpf ogt, %select_n3A_890, %select_n3A_837 : vector<16xf32>
          %mul3A_896 = arith.constant 16 : i32
          %mul3A_897 = arith.muli %scan3A_840, %mul3A_896 : i32
          %add3A_898 = arith.addi %mul3A_2, %mul3A_897 : i32
          %add3A_899 = vector.broadcast %add3A_898 : i32 to vector<16xi32>
          %add3A_900 = arith.addi %add3A_899, %iota3A : vector<16xi32>
          %convert_element_type3A_901 = arith.sitofp %add3A_900 : vector<16xi32> to vector<16xf32>
          %select_n3A_902 = arith.select %gt3A_895, %select_n3A_890, %select_n3A_837 : vector<16xi1>, vector<16xf32>
          %select_n3A_903 = arith.select %gt3A_895, %convert_element_type3A_901, %select_n3A_838 : vector<16xi1>, vector<16xf32>
          %scan3A_904 = arith.constant 2 : i32
          %scan3A_905 = arith.addi %scan3A_773, %scan3A_904 : i32
          %mul3A_906 = arith.constant 16 : i32
          %mul3A_907 = arith.muli %scan3A_905, %mul3A_906 : i32
          %get3A_908 = arith.index_cast %mul3A_907 : i32 to index
          %get3A_909 = tpu.vector_load %arg15[%get3A_908] {strides = array<i32>} : memref<1296xf32, #tpu.memory_space<vmem>>, vector<16xf32>,
          %get3A_910 = vector.shape_cast %get3A_909 : vector<16xf32> to vector<16xf32>
          %max3A_911 = vector.broadcast %select_n3A_543 : f32 to vector<16xf32>
          %max3A_912 = arith.maximumf %max3A_911, %get3A_910 : vector<16xf32>
          %get3A_913 = arith.index_cast %mul3A_907 : i32 to index
          %get3A_914 = tpu.vector_load %arg16[%get3A_913] {strides = array<i32>} : memref<1296xf32, #tpu.memory_space<vmem>>, vector<16xf32>,
          %get3A_915 = vector.shape_cast %get3A_914 : vector<16xf32> to vector<16xf32>
          %max3A_916 = vector.broadcast %select_n3A_547 : f32 to vector<16xf32>
          %max3A_917 = arith.maximumf %max3A_916, %get3A_915 : vector<16xf32>
          %get3A_918 = arith.index_cast %mul3A_907 : i32 to index
          %get3A_919 = tpu.vector_load %arg17[%get3A_918] {strides = array<i32>} : memref<1296xf32, #tpu.memory_space<vmem>>, vector<16xf32>,
          %get3A_920 = vector.shape_cast %get3A_919 : vector<16xf32> to vector<16xf32>
          %min3A_921 = vector.broadcast %select_n3A_551 : f32 to vector<16xf32>
          %min3A_922 = arith.minimumf %min3A_921, %get3A_920 : vector<16xf32>
          %get3A_923 = arith.index_cast %mul3A_907 : i32 to index
          %get3A_924 = tpu.vector_load %arg18[%get3A_923] {strides = array<i32>} : memref<1296xf32, #tpu.memory_space<vmem>>, vector<16xf32>,
          %get3A_925 = vector.shape_cast %get3A_924 : vector<16xf32> to vector<16xf32>
          %min3A_926 = vector.broadcast %select_n3A_555 : f32 to vector<16xf32>
          %min3A_927 = arith.minimumf %min3A_926, %get3A_925 : vector<16xf32>
          %sub3A_928 = arith.subf %min3A_922, %max3A_912 : vector<16xf32>
          %max3A_929 = arith.constant 0.000000e+00 : f32
          %max3A_930 = vector.broadcast %max3A_929 : f32 to vector<16xf32>
          %max3A_931 = arith.maximumf %max3A_930, %sub3A_928 : vector<16xf32>
          %sub3A_932 = arith.subf %min3A_927, %max3A_917 : vector<16xf32>
          %max3A_933 = arith.constant 0.000000e+00 : f32
          %max3A_934 = vector.broadcast %max3A_933 : f32 to vector<16xf32>
          %max3A_935 = arith.maximumf %max3A_934, %sub3A_932 : vector<16xf32>
          %mul3A_936 = arith.mulf %max3A_931, %max3A_935 : vector<16xf32>
          %get3A_937 = arith.index_cast %mul3A_907 : i32 to index
          %get3A_938 = tpu.vector_load %arg19[%get3A_937] {strides = array<i32>} : memref<1296xf32, #tpu.memory_space<vmem>>, vector<16xf32>,
          %get3A_939 = vector.shape_cast %get3A_938 : vector<16xf32> to vector<16xf32>
          %add3A_940 = vector.broadcast %select_n3A_559 : f32 to vector<16xf32>
          %add3A_941 = arith.addf %add3A_940, %get3A_939 : vector<16xf32>
          %sub3A_942 = arith.subf %add3A_941, %mul3A_936 : vector<16xf32>
          %add3A_943 = arith.constant 9.99999971E-10 : f32
          %add3A_944 = vector.broadcast %add3A_943 : f32 to vector<16xf32>
          %add3A_945 = arith.addf %sub3A_942, %add3A_944 : vector<16xf32>
          %div3A_946 = arith.divf %mul3A_936, %add3A_945 : vector<16xf32>
          %gt3A_947 = arith.constant 5.000000e-01 : f32
          %gt3A_948 = vector.broadcast %gt3A_947 : f32 to vector<16xf32>
          %gt3A_949 = arith.cmpf ogt, %div3A_946, %gt3A_948 : vector<16xf32>
          %get3A_950 = arith.index_cast %mul3A_907 : i32 to index
          %get3A_951 = tpu.vector_load %arg21[%get3A_950] {strides = array<i32>} : memref<1296xf32, #tpu.memory_space<vmem>>, vector<16xf32>,
          %get3A_952 = vector.shape_cast %get3A_951 : vector<16xf32> to vector<16xf32>
          %jit3A_953 = arith.constant -1.000000e+00 : f32
          %broadcast_in_dim3A_954 = vector.broadcast %jit3A_953 : f32 to vector<16xf32>
          %select_n3A_955 = arith.select %gt3A_949, %broadcast_in_dim3A_954, %get3A_952 : vector<16xi1>, vector<16xf32>
          %swap3A_956 = arith.index_cast %mul3A_907 : i32 to index
          %swap3A_957 = tpu.vector_load %arg21[%swap3A_956] {strides = array<i32>} : memref<1296xf32, #tpu.memory_space<vmem>>, vector<16xf32>,
          %swap3A_958 = vector.shape_cast %swap3A_957 : vector<16xf32> to vector<16xf32>
          %swap3A_959 = vector.shape_cast %select_n3A_955 : vector<16xf32> to vector<16xf32>
          tpu.vector_store %arg21[%swap3A_956], %swap3A_959 {strides = array<i32>} : memref<1296xf32, #tpu.memory_space<vmem>>, vector<16xf32>,
          %gt3A_960 = arith.cmpf ogt, %select_n3A_955, %select_n3A_902 : vector<16xf32>
          %mul3A_961 = arith.constant 16 : i32
          %mul3A_962 = arith.muli %scan3A_905, %mul3A_961 : i32
          %add3A_963 = arith.addi %mul3A_2, %mul3A_962 : i32
          %add3A_964 = vector.broadcast %add3A_963 : i32 to vector<16xi32>
          %add3A_965 = arith.addi %add3A_964, %iota3A : vector<16xi32>
          %convert_element_type3A_966 = arith.sitofp %add3A_965 : vector<16xi32> to vector<16xf32>
          %select_n3A_967 = arith.select %gt3A_960, %select_n3A_955, %select_n3A_902 : vector<16xi1>, vector<16xf32>
          %select_n3A_968 = arith.select %gt3A_960, %convert_element_type3A_966, %select_n3A_903 : vector<16xi1>, vector<16xf32>
          %scan3A_969 = arith.constant 3 : i32
          %scan3A_970 = arith.addi %scan3A_773, %scan3A_969 : i32
          %mul3A_971 = arith.constant 16 : i32
          %mul3A_972 = arith.muli %scan3A_970, %mul3A_971 : i32
          %get3A_973 = arith.index_cast %mul3A_972 : i32 to index
          %get3A_974 = tpu.vector_load %arg15[%get3A_973] {strides = array<i32>} : memref<1296xf32, #tpu.memory_space<vmem>>, vector<16xf32>,
          %get3A_975 = vector.shape_cast %get3A_974 : vector<16xf32> to vector<16xf32>
          %max3A_976 = vector.broadcast %select_n3A_543 : f32 to vector<16xf32>
          %max3A_977 = arith.maximumf %max3A_976, %get3A_975 : vector<16xf32>
          %get3A_978 = arith.index_cast %mul3A_972 : i32 to index
          %get3A_979 = tpu.vector_load %arg16[%get3A_978] {strides = array<i32>} : memref<1296xf32, #tpu.memory_space<vmem>>, vector<16xf32>,
          %get3A_980 = vector.shape_cast %get3A_979 : vector<16xf32> to vector<16xf32>
          %max3A_981 = vector.broadcast %select_n3A_547 : f32 to vector<16xf32>
          %max3A_982 = arith.maximumf %max3A_981, %get3A_980 : vector<16xf32>
          %get3A_983 = arith.index_cast %mul3A_972 : i32 to index
          %get3A_984 = tpu.vector_load %arg17[%get3A_983] {strides = array<i32>} : memref<1296xf32, #tpu.memory_space<vmem>>, vector<16xf32>,
          %get3A_985 = vector.shape_cast %get3A_984 : vector<16xf32> to vector<16xf32>
          %min3A_986 = vector.broadcast %select_n3A_551 : f32 to vector<16xf32>
          %min3A_987 = arith.minimumf %min3A_986, %get3A_985 : vector<16xf32>
          %get3A_988 = arith.index_cast %mul3A_972 : i32 to index
          %get3A_989 = tpu.vector_load %arg18[%get3A_988] {strides = array<i32>} : memref<1296xf32, #tpu.memory_space<vmem>>, vector<16xf32>,
          %get3A_990 = vector.shape_cast %get3A_989 : vector<16xf32> to vector<16xf32>
          %min3A_991 = vector.broadcast %select_n3A_555 : f32 to vector<16xf32>
          %min3A_992 = arith.minimumf %min3A_991, %get3A_990 : vector<16xf32>
          %sub3A_993 = arith.subf %min3A_987, %max3A_977 : vector<16xf32>
          %max3A_994 = arith.constant 0.000000e+00 : f32
          %max3A_995 = vector.broadcast %max3A_994 : f32 to vector<16xf32>
          %max3A_996 = arith.maximumf %max3A_995, %sub3A_993 : vector<16xf32>
          %sub3A_997 = arith.subf %min3A_992, %max3A_982 : vector<16xf32>
          %max3A_998 = arith.constant 0.000000e+00 : f32
          %max3A_999 = vector.broadcast %max3A_998 : f32 to vector<16xf32>
          %max3A_1000 = arith.maximumf %max3A_999, %sub3A_997 : vector<16xf32>
          %mul3A_1001 = arith.mulf %max3A_996, %max3A_1000 : vector<16xf32>
          %get3A_1002 = arith.index_cast %mul3A_972 : i32 to index
          %get3A_1003 = tpu.vector_load %arg19[%get3A_1002] {strides = array<i32>} : memref<1296xf32, #tpu.memory_space<vmem>>, vector<16xf32>,
          %get3A_1004 = vector.shape_cast %get3A_1003 : vector<16xf32> to vector<16xf32>
          %add3A_1005 = vector.broadcast %select_n3A_559 : f32 to vector<16xf32>
          %add3A_1006 = arith.addf %add3A_1005, %get3A_1004 : vector<16xf32>
          %sub3A_1007 = arith.subf %add3A_1006, %mul3A_1001 : vector<16xf32>
          %add3A_1008 = arith.constant 9.99999971E-10 : f32
          %add3A_1009 = vector.broadcast %add3A_1008 : f32 to vector<16xf32>
          %add3A_1010 = arith.addf %sub3A_1007, %add3A_1009 : vector<16xf32>
          %div3A_1011 = arith.divf %mul3A_1001, %add3A_1010 : vector<16xf32>
          %gt3A_1012 = arith.constant 5.000000e-01 : f32
          %gt3A_1013 = vector.broadcast %gt3A_1012 : f32 to vector<16xf32>
          %gt3A_1014 = arith.cmpf ogt, %div3A_1011, %gt3A_1013 : vector<16xf32>
          %get3A_1015 = arith.index_cast %mul3A_972 : i32 to index
          %get3A_1016 = tpu.vector_load %arg21[%get3A_1015] {strides = array<i32>} : memref<1296xf32, #tpu.memory_space<vmem>>, vector<16xf32>,
          %get3A_1017 = vector.shape_cast %get3A_1016 : vector<16xf32> to vector<16xf32>
          %jit3A_1018 = arith.constant -1.000000e+00 : f32
          %broadcast_in_dim3A_1019 = vector.broadcast %jit3A_1018 : f32 to vector<16xf32>
          %select_n3A_1020 = arith.select %gt3A_1014, %broadcast_in_dim3A_1019, %get3A_1017 : vector<16xi1>, vector<16xf32>
          %swap3A_1021 = arith.index_cast %mul3A_972 : i32 to index
          %swap3A_1022 = tpu.vector_load %arg21[%swap3A_1021] {strides = array<i32>} : memref<1296xf32, #tpu.memory_space<vmem>>, vector<16xf32>,
          %swap3A_1023 = vector.shape_cast %swap3A_1022 : vector<16xf32> to vector<16xf32>
          %swap3A_1024 = vector.shape_cast %select_n3A_1020 : vector<16xf32> to vector<16xf32>
          tpu.vector_store %arg21[%swap3A_1021], %swap3A_1024 {strides = array<i32>} : memref<1296xf32, #tpu.memory_space<vmem>>, vector<16xf32>,
          %gt3A_1025 = arith.cmpf ogt, %select_n3A_1020, %select_n3A_967 : vector<16xf32>
          %mul3A_1026 = arith.constant 16 : i32
          %mul3A_1027 = arith.muli %scan3A_970, %mul3A_1026 : i32
          %add3A_1028 = arith.addi %mul3A_2, %mul3A_1027 : i32
          %add3A_1029 = vector.broadcast %add3A_1028 : i32 to vector<16xi32>
          %add3A_1030 = arith.addi %add3A_1029, %iota3A : vector<16xi32>
          %convert_element_type3A_1031 = arith.sitofp %add3A_1030 : vector<16xi32> to vector<16xf32>
          %select_n3A_1032 = arith.select %gt3A_1025, %select_n3A_1020, %select_n3A_967 : vector<16xi1>, vector<16xf32>
          %select_n3A_1033 = arith.select %gt3A_1025, %convert_element_type3A_1031, %select_n3A_968 : vector<16xi1>, vector<16xf32>
          scf.yield %select_n3A_1032, %select_n3A_1033 : vector<16xf32>, vector<16xf32>
        }
        %scan3A_575 = arith.constant 80 : i32
        %xor3A_576 = arith.constant 8 : i32
        %xor3A_577 = vector.broadcast %xor3A_576 : i32 to vector<16xi32>
        %xor3A_578 = arith.xori %iota3A, %xor3A_577 : vector<16xi32>
        %broadcast_in_dim3A_579 = vector.shape_cast %xor3A_578 : vector<16xi32> to vector<16x1xi32>
        %gather3A_580 = vector.shape_cast %broadcast_in_dim3A_579 : vector<16x1xi32> to vector<16xi32>
        %gather3A_581 = tpu.dynamic_gather %scan3A_574#0[%gather3A_580] in [0] : vector<16xf32>, vector<16xi32> -> vector<16xf32>
        %broadcast_in_dim3A_582 = vector.shape_cast %xor3A_578 : vector<16xi32> to vector<16x1xi32>
        %gather3A_583 = vector.shape_cast %broadcast_in_dim3A_582 : vector<16x1xi32> to vector<16xi32>
        %gather3A_584 = tpu.dynamic_gather %scan3A_574#1[%gather3A_583] in [0] : vector<16xf32>, vector<16xi32> -> vector<16xf32>
        %gt3A_585 = arith.cmpf ogt, %gather3A_581, %scan3A_574#0 : vector<16xf32>
        %eq3A_586 = arith.cmpf oeq, %gather3A_581, %scan3A_574#0 : vector<16xf32>
        %min3A_587 = arith.minimumf %scan3A_574#1, %gather3A_584 : vector<16xf32>
        %select_n3A_588 = arith.select %eq3A_586, %min3A_587, %scan3A_574#1 : vector<16xi1>, vector<16xf32>
        %select_n3A_589 = arith.select %gt3A_585, %gather3A_584, %select_n3A_588 : vector<16xi1>, vector<16xf32>
        %max3A_590 = arith.maximumf %scan3A_574#0, %gather3A_581 : vector<16xf32>
        %xor3A_591 = arith.constant 4 : i32
        %xor3A_592 = vector.broadcast %xor3A_591 : i32 to vector<16xi32>
        %xor3A_593 = arith.xori %iota3A, %xor3A_592 : vector<16xi32>
        %broadcast_in_dim3A_594 = vector.shape_cast %xor3A_593 : vector<16xi32> to vector<16x1xi32>
        %gather3A_595 = vector.shape_cast %broadcast_in_dim3A_594 : vector<16x1xi32> to vector<16xi32>
        %gather3A_596 = tpu.dynamic_gather %max3A_590[%gather3A_595] in [0] : vector<16xf32>, vector<16xi32> -> vector<16xf32>
        %broadcast_in_dim3A_597 = vector.shape_cast %xor3A_593 : vector<16xi32> to vector<16x1xi32>
        %gather3A_598 = vector.shape_cast %broadcast_in_dim3A_597 : vector<16x1xi32> to vector<16xi32>
        %gather3A_599 = tpu.dynamic_gather %select_n3A_589[%gather3A_598] in [0] : vector<16xf32>, vector<16xi32> -> vector<16xf32>
        %gt3A_600 = arith.cmpf ogt, %gather3A_596, %max3A_590 : vector<16xf32>
        %eq3A_601 = arith.cmpf oeq, %gather3A_596, %max3A_590 : vector<16xf32>
        %min3A_602 = arith.minimumf %select_n3A_589, %gather3A_599 : vector<16xf32>
        %select_n3A_603 = arith.select %eq3A_601, %min3A_602, %select_n3A_589 : vector<16xi1>, vector<16xf32>
        %select_n3A_604 = arith.select %gt3A_600, %gather3A_599, %select_n3A_603 : vector<16xi1>, vector<16xf32>
        %max3A_605 = arith.maximumf %max3A_590, %gather3A_596 : vector<16xf32>
        %xor3A_606 = arith.constant 2 : i32
        %xor3A_607 = vector.broadcast %xor3A_606 : i32 to vector<16xi32>
        %xor3A_608 = arith.xori %iota3A, %xor3A_607 : vector<16xi32>
        %broadcast_in_dim3A_609 = vector.shape_cast %xor3A_608 : vector<16xi32> to vector<16x1xi32>
        %gather3A_610 = vector.shape_cast %broadcast_in_dim3A_609 : vector<16x1xi32> to vector<16xi32>
        %gather3A_611 = tpu.dynamic_gather %max3A_605[%gather3A_610] in [0] : vector<16xf32>, vector<16xi32> -> vector<16xf32>
        %broadcast_in_dim3A_612 = vector.shape_cast %xor3A_608 : vector<16xi32> to vector<16x1xi32>
        %gather3A_613 = vector.shape_cast %broadcast_in_dim3A_612 : vector<16x1xi32> to vector<16xi32>
        %gather3A_614 = tpu.dynamic_gather %select_n3A_604[%gather3A_613] in [0] : vector<16xf32>, vector<16xi32> -> vector<16xf32>
        %gt3A_615 = arith.cmpf ogt, %gather3A_611, %max3A_605 : vector<16xf32>
        %eq3A_616 = arith.cmpf oeq, %gather3A_611, %max3A_605 : vector<16xf32>
        %min3A_617 = arith.minimumf %select_n3A_604, %gather3A_614 : vector<16xf32>
        %select_n3A_618 = arith.select %eq3A_616, %min3A_617, %select_n3A_604 : vector<16xi1>, vector<16xf32>
        %select_n3A_619 = arith.select %gt3A_615, %gather3A_614, %select_n3A_618 : vector<16xi1>, vector<16xf32>
        %max3A_620 = arith.maximumf %max3A_605, %gather3A_611 : vector<16xf32>
        %xor3A_621 = arith.constant 1 : i32
        %xor3A_622 = vector.broadcast %xor3A_621 : i32 to vector<16xi32>
        %xor3A_623 = arith.xori %iota3A, %xor3A_622 : vector<16xi32>
        %broadcast_in_dim3A_624 = vector.shape_cast %xor3A_623 : vector<16xi32> to vector<16x1xi32>
        %gather3A_625 = vector.shape_cast %broadcast_in_dim3A_624 : vector<16x1xi32> to vector<16xi32>
        %gather3A_626 = tpu.dynamic_gather %max3A_620[%gather3A_625] in [0] : vector<16xf32>, vector<16xi32> -> vector<16xf32>
        %broadcast_in_dim3A_627 = vector.shape_cast %xor3A_623 : vector<16xi32> to vector<16x1xi32>
        %gather3A_628 = vector.shape_cast %broadcast_in_dim3A_627 : vector<16x1xi32> to vector<16xi32>
        %gather3A_629 = tpu.dynamic_gather %select_n3A_619[%gather3A_628] in [0] : vector<16xf32>, vector<16xi32> -> vector<16xf32>
        %gt3A_630 = arith.cmpf ogt, %gather3A_626, %max3A_620 : vector<16xf32>
        %eq3A_631 = arith.cmpf oeq, %gather3A_626, %max3A_620 : vector<16xf32>
        %min3A_632 = arith.minimumf %select_n3A_619, %gather3A_629 : vector<16xf32>
        %select_n3A_633 = arith.select %eq3A_631, %min3A_632, %select_n3A_619 : vector<16xi1>, vector<16xf32>
        %select_n3A_634 = arith.select %gt3A_630, %gather3A_629, %select_n3A_633 : vector<16xi1>, vector<16xf32>
        %max3A_635 = arith.maximumf %max3A_620, %gather3A_626 : vector<16xf32>
        %convert_element_type3A_636 = arith.fptosi %select_n3A_634 : vector<16xf32> to vector<16xi32>
        %slice3A_637 = vector.extract_strided_slice %convert_element_type3A_636 {offsets = [0], sizes = [1], strides = [1]} : vector<16xi32> to vector<1xi32>
        %squeeze3A_638 = vector.extract %slice3A_637[0] : i32 from vector<1xi32>
        %sub3A_639 = arith.subi %squeeze3A_638, %mul3A_2 : i32
        %slice3A_640 = vector.extract_strided_slice %convert_element_type3A_636 {offsets = [0], sizes = [1], strides = [1]} : vector<16xi32> to vector<1xi32>
        %squeeze3A_641 = vector.extract %slice3A_640[0] : i32 from vector<1xi32>
        %ge3A_642 = arith.cmpi sge, %squeeze3A_641, %mul3A_2 : i32
        %slice3A_643 = vector.extract_strided_slice %convert_element_type3A_636 {offsets = [0], sizes = [1], strides = [1]} : vector<16xi32> to vector<1xi32>
        %squeeze3A_644 = vector.extract %slice3A_643[0] : i32 from vector<1xi32>
        %add3A_645 = arith.constant 1280 : i32
        %add3A_646 = arith.addi %mul3A_2, %add3A_645 : i32
        %lt3A_647 = arith.cmpi slt, %squeeze3A_644, %add3A_646 : i32
        %and3A_648 = arith.andi %ge3A_642, %lt3A_647 : i1
        %jit3A_649 = arith.constant 0 : i32
        %select_n3A_650 = arith.select %and3A_648, %sub3A_639, %jit3A_649 : i32
        %eq3A_651 = arith.constant 0 : i32
        %eq3A_652 = vector.broadcast %eq3A_651 : i32 to vector<16xi32>
        %eq3A_653 = arith.cmpi eq, %iota3A, %eq3A_652 : vector<16xi32>
        %eq3A_654 = arith.constant 1 : i32
        %eq3A_655 = vector.broadcast %eq3A_654 : i32 to vector<16xi32>
        %eq3A_656 = arith.cmpi eq, %iota3A, %eq3A_655 : vector<16xi32>
        %eq3A_657 = arith.constant 2 : i32
        %eq3A_658 = vector.broadcast %eq3A_657 : i32 to vector<16xi32>
        %eq3A_659 = arith.cmpi eq, %iota3A, %eq3A_658 : vector<16xi32>
        %get3A_660 = arith.index_cast %select_n3A_650 : i32 to index
        %get3A_661 = tpu.vector_load %arg15[%get3A_660] {strides = array<i32>} : memref<1296xf32, #tpu.memory_space<vmem>>, vector<16xf32>,
        %get3A_662 = vector.shape_cast %get3A_661 : vector<16xf32> to vector<16xf32>
        %slice3A_663 = vector.extract_strided_slice %get3A_662 {offsets = [0], sizes = [1], strides = [1]} : vector<16xf32> to vector<1xf32>
        %squeeze3A_664 = vector.extract %slice3A_663[0] : f32 from vector<1xf32>
        %eq3A_665 = arith.constant 3 : i32
        %eq3A_666 = vector.broadcast %eq3A_665 : i32 to vector<16xi32>
        %eq3A_667 = arith.cmpi eq, %iota3A, %eq3A_666 : vector<16xi32>
        %get3A_668 = arith.index_cast %select_n3A_650 : i32 to index
        %get3A_669 = tpu.vector_load %arg16[%get3A_668] {strides = array<i32>} : memref<1296xf32, #tpu.memory_space<vmem>>, vector<16xf32>,
        %get3A_670 = vector.shape_cast %get3A_669 : vector<16xf32> to vector<16xf32>
        %slice3A_671 = vector.extract_strided_slice %get3A_670 {offsets = [0], sizes = [1], strides = [1]} : vector<16xf32> to vector<1xf32>
        %squeeze3A_672 = vector.extract %slice3A_671[0] : f32 from vector<1xf32>
        %eq3A_673 = arith.constant 4 : i32
        %eq3A_674 = vector.broadcast %eq3A_673 : i32 to vector<16xi32>
        %eq3A_675 = arith.cmpi eq, %iota3A, %eq3A_674 : vector<16xi32>
        %get3A_676 = arith.index_cast %select_n3A_650 : i32 to index
        %get3A_677 = tpu.vector_load %arg17[%get3A_676] {strides = array<i32>} : memref<1296xf32, #tpu.memory_space<vmem>>, vector<16xf32>,
        %get3A_678 = vector.shape_cast %get3A_677 : vector<16xf32> to vector<16xf32>
        %slice3A_679 = vector.extract_strided_slice %get3A_678 {offsets = [0], sizes = [1], strides = [1]} : vector<16xf32> to vector<1xf32>
        %squeeze3A_680 = vector.extract %slice3A_679[0] : f32 from vector<1xf32>
        %eq3A_681 = arith.constant 5 : i32
        %eq3A_682 = vector.broadcast %eq3A_681 : i32 to vector<16xi32>
        %eq3A_683 = arith.cmpi eq, %iota3A, %eq3A_682 : vector<16xi32>
        %get3A_684 = arith.index_cast %select_n3A_650 : i32 to index
        %get3A_685 = tpu.vector_load %arg18[%get3A_684] {strides = array<i32>} : memref<1296xf32, #tpu.memory_space<vmem>>, vector<16xf32>,
        %get3A_686 = vector.shape_cast %get3A_685 : vector<16xf32> to vector<16xf32>
        %slice3A_687 = vector.extract_strided_slice %get3A_686 {offsets = [0], sizes = [1], strides = [1]} : vector<16xf32> to vector<1xf32>
        %squeeze3A_688 = vector.extract %slice3A_687[0] : f32 from vector<1xf32>
        %eq3A_689 = arith.constant 6 : i32
        %eq3A_690 = vector.broadcast %eq3A_689 : i32 to vector<16xi32>
        %eq3A_691 = arith.cmpi eq, %iota3A, %eq3A_690 : vector<16xi32>
        %get3A_692 = arith.index_cast %select_n3A_650 : i32 to index
        %get3A_693 = tpu.vector_load %arg19[%get3A_692] {strides = array<i32>} : memref<1296xf32, #tpu.memory_space<vmem>>, vector<16xf32>,
        %get3A_694 = vector.shape_cast %get3A_693 : vector<16xf32> to vector<16xf32>
        %slice3A_695 = vector.extract_strided_slice %get3A_694 {offsets = [0], sizes = [1], strides = [1]} : vector<16xf32> to vector<1xf32>
        %squeeze3A_696 = vector.extract %slice3A_695[0] : f32 from vector<1xf32>
        %eq3A_697 = arith.constant 7 : i32
        %eq3A_698 = vector.broadcast %eq3A_697 : i32 to vector<16xi32>
        %eq3A_699 = arith.cmpi eq, %iota3A, %eq3A_698 : vector<16xi32>
        %get3A_700 = arith.index_cast %select_n3A_650 : i32 to index
        %get3A_701 = tpu.vector_load %arg9[%get3A_700] {strides = array<i32>} : memref<1296xf32, #tpu.memory_space<vmem>>, vector<16xf32>,
        %get3A_702 = vector.shape_cast %get3A_701 : vector<16xf32> to vector<16xf32>
        %slice3A_703 = vector.extract_strided_slice %get3A_702 {offsets = [0], sizes = [1], strides = [1]} : vector<16xf32> to vector<1xf32>
        %squeeze3A_704 = vector.extract %slice3A_703[0] : f32 from vector<1xf32>
        %eq3A_705 = arith.constant 8 : i32
        %eq3A_706 = vector.broadcast %eq3A_705 : i32 to vector<16xi32>
        %eq3A_707 = arith.cmpi eq, %iota3A, %eq3A_706 : vector<16xi32>
        %get3A_708 = arith.index_cast %select_n3A_650 : i32 to index
        %get3A_709 = tpu.vector_load %arg10[%get3A_708] {strides = array<i32>} : memref<1296xf32, #tpu.memory_space<vmem>>, vector<16xf32>,
        %get3A_710 = vector.shape_cast %get3A_709 : vector<16xf32> to vector<16xf32>
        %slice3A_711 = vector.extract_strided_slice %get3A_710 {offsets = [0], sizes = [1], strides = [1]} : vector<16xf32> to vector<1xf32>
        %squeeze3A_712 = vector.extract %slice3A_711[0] : f32 from vector<1xf32>
        %eq3A_713 = arith.constant 9 : i32
        %eq3A_714 = vector.broadcast %eq3A_713 : i32 to vector<16xi32>
        %eq3A_715 = arith.cmpi eq, %iota3A, %eq3A_714 : vector<16xi32>
        %get3A_716 = arith.index_cast %select_n3A_650 : i32 to index
        %get3A_717 = tpu.vector_load %arg11[%get3A_716] {strides = array<i32>} : memref<1296xf32, #tpu.memory_space<vmem>>, vector<16xf32>,
        %get3A_718 = vector.shape_cast %get3A_717 : vector<16xf32> to vector<16xf32>
        %slice3A_719 = vector.extract_strided_slice %get3A_718 {offsets = [0], sizes = [1], strides = [1]} : vector<16xf32> to vector<1xf32>
        %squeeze3A_720 = vector.extract %slice3A_719[0] : f32 from vector<1xf32>
        %eq3A_721 = arith.constant 10 : i32
        %eq3A_722 = vector.broadcast %eq3A_721 : i32 to vector<16xi32>
        %eq3A_723 = arith.cmpi eq, %iota3A, %eq3A_722 : vector<16xi32>
        %get3A_724 = arith.index_cast %select_n3A_650 : i32 to index
        %get3A_725 = tpu.vector_load %arg12[%get3A_724] {strides = array<i32>} : memref<1296xf32, #tpu.memory_space<vmem>>, vector<16xf32>,
        %get3A_726 = vector.shape_cast %get3A_725 : vector<16xf32> to vector<16xf32>
        %slice3A_727 = vector.extract_strided_slice %get3A_726 {offsets = [0], sizes = [1], strides = [1]} : vector<16xf32> to vector<1xf32>
        %squeeze3A_728 = vector.extract %slice3A_727[0] : f32 from vector<1xf32>
        %eq3A_729 = arith.constant 11 : i32
        %eq3A_730 = vector.broadcast %eq3A_729 : i32 to vector<16xi32>
        %eq3A_731 = arith.cmpi eq, %iota3A, %eq3A_730 : vector<16xi32>
        %get3A_732 = arith.index_cast %select_n3A_650 : i32 to index
        %get3A_733 = tpu.vector_load %arg13[%get3A_732] {strides = array<i32>} : memref<1296xf32, #tpu.memory_space<vmem>>, vector<16xf32>,
        %get3A_734 = vector.shape_cast %get3A_733 : vector<16xf32> to vector<16xf32>
        %slice3A_735 = vector.extract_strided_slice %get3A_734 {offsets = [0], sizes = [1], strides = [1]} : vector<16xf32> to vector<1xf32>
        %squeeze3A_736 = vector.extract %slice3A_735[0] : f32 from vector<1xf32>
        %jit3A_737 = arith.constant 0.000000e+00 : f32
        %broadcast_in_dim3A_738 = vector.broadcast %squeeze3A_736 : f32 to vector<16xf32>
        %broadcast_in_dim3A_739 = vector.broadcast %jit3A_737 : f32 to vector<16xf32>
        %select_n3A_740 = arith.select %eq3A_731, %broadcast_in_dim3A_738, %broadcast_in_dim3A_739 : vector<16xi1>, vector<16xf32>
        %broadcast_in_dim3A_741 = vector.broadcast %squeeze3A_728 : f32 to vector<16xf32>
        %select_n3A_742 = arith.select %eq3A_723, %broadcast_in_dim3A_741, %select_n3A_740 : vector<16xi1>, vector<16xf32>
        %broadcast_in_dim3A_743 = vector.broadcast %squeeze3A_720 : f32 to vector<16xf32>
        %select_n3A_744 = arith.select %eq3A_715, %broadcast_in_dim3A_743, %select_n3A_742 : vector<16xi1>, vector<16xf32>
        %broadcast_in_dim3A_745 = vector.broadcast %squeeze3A_712 : f32 to vector<16xf32>
        %select_n3A_746 = arith.select %eq3A_707, %broadcast_in_dim3A_745, %select_n3A_744 : vector<16xi1>, vector<16xf32>
        %broadcast_in_dim3A_747 = vector.broadcast %squeeze3A_704 : f32 to vector<16xf32>
        %select_n3A_748 = arith.select %eq3A_699, %broadcast_in_dim3A_747, %select_n3A_746 : vector<16xi1>, vector<16xf32>
        %broadcast_in_dim3A_749 = vector.broadcast %squeeze3A_696 : f32 to vector<16xf32>
        %select_n3A_750 = arith.select %eq3A_691, %broadcast_in_dim3A_749, %select_n3A_748 : vector<16xi1>, vector<16xf32>
        %broadcast_in_dim3A_751 = vector.broadcast %squeeze3A_688 : f32 to vector<16xf32>
        %select_n3A_752 = arith.select %eq3A_683, %broadcast_in_dim3A_751, %select_n3A_750 : vector<16xi1>, vector<16xf32>
        %broadcast_in_dim3A_753 = vector.broadcast %squeeze3A_680 : f32 to vector<16xf32>
        %select_n3A_754 = arith.select %eq3A_675, %broadcast_in_dim3A_753, %select_n3A_752 : vector<16xi1>, vector<16xf32>
        %broadcast_in_dim3A_755 = vector.broadcast %squeeze3A_672 : f32 to vector<16xf32>
        %select_n3A_756 = arith.select %eq3A_667, %broadcast_in_dim3A_755, %select_n3A_754 : vector<16xi1>, vector<16xf32>
        %broadcast_in_dim3A_757 = vector.broadcast %squeeze3A_664 : f32 to vector<16xf32>
        %select_n3A_758 = arith.select %eq3A_659, %broadcast_in_dim3A_757, %select_n3A_756 : vector<16xi1>, vector<16xf32>
        %select_n3A_759 = arith.select %eq3A_656, %select_n3A_634, %select_n3A_758 : vector<16xi1>, vector<16xf32>
        %select_n3A_760 = arith.select %eq3A_653, %max3A_635, %select_n3A_759 : vector<16xi1>, vector<16xf32>
        %swap3A_761 = arith.constant 0 : index
        %swap3A_762 = tpu.vector_load %arg22[%swap3A_761] {strides = array<i32>} : memref<16xf32, #tpu.memory_space<vmem>>, vector<16xf32>,
        %swap3A_763 = vector.shape_cast %swap3A_762 : vector<16xf32> to vector<16xf32>
        %swap3A_764 = vector.shape_cast %select_n3A_760 : vector<16xf32> to vector<16xf32>
        tpu.vector_store %arg22[%swap3A_761], %swap3A_764 {strides = array<i32>} : memref<16xf32, #tpu.memory_space<vmem>>, vector<16xf32>,
        %mul3A_765 = arith.constant 256 : i32
        %mul3A_766 = arith.muli %rem3A_520, %mul3A_765 : i32
        %mul3A_767 = arith.constant 16 : i32
        %mul3A_768 = arith.muli %arg1, %mul3A_767 : i32
        %add3A_769 = arith.addi %mul3A_766, %mul3A_768 : i32
        "tpu.region"() ({
          %run_scoped3A = tpu.sem_alloc : memref<!tpu.dma_semaphore, #tpu.memory_space<semaphore_mem>>
          %dma_start3A = tpu.memref_slice %arg25[%add3A_769] : memref<512xf32, #tpu.memory_space<vmem_shared>> -> memref<16xf32, #tpu.memory_space<vmem_shared>>
          %dma_start3A_773 = tpu.memref_slice %arg25[%add3A_769] : memref<512xf32, #tpu.memory_space<vmem_shared>> -> memref<16xf32, #tpu.memory_space<vmem_shared>>
          tpu.enqueue_dma source(%arg22 : memref<16xf32, #tpu.memory_space<vmem>>) target(%dma_start3A_773 : memref<16xf32, #tpu.memory_space<vmem_shared>>) target_semaphore(%run_scoped3A : memref<!tpu.dma_semaphore, #tpu.memory_space<semaphore_mem>>)
          %dma_wait3A = tpu.memref_slice %arg25[%add3A_769] : memref<512xf32, #tpu.memory_space<vmem_shared>> -> memref<16xf32, #tpu.memory_space<vmem_shared>>
          %dma_wait3A_774 = tpu.memref_slice %arg25[%add3A_769] : memref<512xf32, #tpu.memory_space<vmem_shared>> -> memref<16xf32, #tpu.memory_space<vmem_shared>>
          tpu.wait_dma2 semaphore(%run_scoped3A : memref<!tpu.dma_semaphore, #tpu.memory_space<semaphore_mem>>) src(%arg22 : memref<16xf32, #tpu.memory_space<vmem>>) dst(%dma_wait3A_774 : memref<16xf32, #tpu.memory_space<vmem_shared>>)
          tpu.yield
        }) : () -> ()
        %barrier3A_770 = arith.constant 0 : index
        tpu.barrier barrier_id(%barrier3A_770)
        %convert_element_type3A_771 = arith.extui %ge3A_533 : i1 to i32
        %add3A_772 = arith.addi %scan3A_515, %convert_element_type3A_771 : i32
        scf.yield %add3A_772 : i32
      }
      %scan3A_508 = arith.constant 15 : i32
      %eq3A_509 = arith.constant 0 : i32
      %eq3A_510 = arith.cmpi eq, %arg1, %eq3A_509 : i32
      %convert_element_type3A_511 = arith.extui %eq3A_510 : i1 to i32
      %cond3A_512 = arith.constant 0 : i32
      %cond3A_513 = arith.cmpi ne, %convert_element_type3A_511, %cond3A_512 : i32
      scf.if %cond3A_513 {
        "tpu.region"() ({
          %run_scoped3A = tpu.sem_alloc : memref<!tpu.dma_semaphore, #tpu.memory_space<semaphore_mem>>
          tpu.enqueue_dma source(%arg24 : memref<512xf32, #tpu.memory_space<vmem>>) target(%arg8 : memref<512xf32, #tpu.memory_space<hbm>>) target_semaphore(%run_scoped3A : memref<!tpu.dma_semaphore, #tpu.memory_space<semaphore_mem>>)
          tpu.wait_dma2 semaphore(%run_scoped3A : memref<!tpu.dma_semaphore, #tpu.memory_space<semaphore_mem>>) src(%arg24 : memref<512xf32, #tpu.memory_space<vmem>>) dst(%arg8 : memref<512xf32, #tpu.memory_space<hbm>>)
          tpu.yield
        }) : () -> ()
      } else {
      }
    } else {
    }
    return
  }
}

</mosaic_0001>

<sc_bundles>
// kernel: kernel.3.cloned.1.call-start
scs
__scs_entry_jumppad:
0x0: {  	(pc) =	sbr.rel $0x88, $3  }
0x1: {  	(tag) =	ssettag $0x0;
	lr =	simm.s32 $0x1  }
0x2: {  	[smem:$0x3F9E] =	sst lr;
	_ =	strace $0xD0000000  }
0x3: {  	_ = 	snop  }
0x4: {  	_ = 	snop  }
0x5: {  	_ = 	snop  }
0x6: {  	_ = 	snop  }
0x7: {  	_ = 	snop  }
__scs_overlays_trampoline_lowered:
0x8: {  	[smem:$0x3FAD] =	sst s0  }
0x9: {  	[smem:$0x3FAE] =	sst s1  }
0xa: {  	[smem:$0x3FAF] =	sst s2  }
0xb: {  	[smem:$0x3FB0] =	sst s3  }
0xc: {  	[smem:$0x3FB1] =	sst s4  }
0xd: {  	[smem:$0x3FB2] =	sst s5  }
0xe: {  	[smem:$0x3FB3] =	sst s6  }
0xf: {  	[smem:$0x3FB4] =	sst s7  }
0x10: {  	[smem:$0x3FB5] =	sst s8  }
0x11: {  	[smem:$0x3FB6] =	sst s9;
	s0 =	simm.s32 @!p0 $0x0  }
0x12: {  	s1 =	sld [smem:$0x3F9C];
	s0 =	simm.s32 @p0 $0x1  }
0x13: {  	[smem:$0x3FB7] =	sst s0;
	s0 =	simm.s32 @!p1 $0x0  }
0x14: {  	s2 =	sld [smem:$0x3F9B];
	s0 =	simm.s32 @p1 $0x1  }
0x15: {  	[smem:$0x3FB8] =	sst s0;
	s0 =	simm.s32 @!p2 $0x0  }
0x16: {  	s3 =	sld [smem:$0x3FDB];
	s0 =	simm.s32 @p2 $0x1  }
0x17: {  	s4 =	simm.s32 $0x1BF5;
	[smem:$0x3FBA] =	sst s0  }
0x18: {  	s0 =	sld [smem:$0x3F9D];
	_ =	swait.ge [sflag:s4], $0x0  }
0x19: {  	s7 =	sld [smem:$0x3F9E]  }
0x1a: {  	s8 =	sadd.s32 $0xFFFFE003, lr  }
0x1b: {  	s9 =	sadd.s32 $0xFFFFFEF7, lr;
	s5 =	simm.s32 $0xFFFFFFFF;
	p2 =	slt.u32 s8, $0xFFFFF086  }
0x1c: {  	p1 =	slt.u32 s9, $0xF7A;
	s5 =	simm.s32 @!p2 $0x0  }
0x1d: {  	s5 =	simm.s32 @p1 $0x1;
	p0 =	seq.s32 s7, s2  }
0x1e: {  	s7 =	smul.u32 @!p0 $0xF7A, s2;
	p2 =	seq.s32 @!p0 s5, $0x0  }
0x1f: {  	s9 =	smul.u32 $0xF7A, s1;
	s8 =	simm.s32 @!p0 $0x1BF5;
	p2 =	por !p2, p0  }
0x20: {  	[sflag:s8] =	ssyncset.s32 @!p0 $0xFFFFF086;
	s6 =	sadd.s32 @!p0 s3, s7;
	s7 =	simm.s32 @!p0 $0x108  }
0x21: {  	s3 =	sadd.s32 s3, s9;
	s6 =	sadd.s32 @!p0 $0x88, s6;
	s7 =	simm.s32 @p2 $0x1082  }
0x22: {  	[simem:s7], [sflag:s8] =	dma.local @!p0 [hbm:s6], $0xF7A  }
0x23: {  	s9 =	sor.u32 $0xD0000000, s2;
	s6 =	simm.s32 $0x108;
	_ =	swait.ge @!p0 [sflag:s8], $0x0  }
0x24: {  	s3 =	sadd.s32 $0x88, s3;
	s6 =	simm.s32 @!p1 $0x1082;
	[sflag:s4] =	ssyncset.s32 $0xFFFFF086  }
0x25: {  	[simem:s6], [sflag:s4] =	dma.local [hbm:s3], $0xF7A  }
0x26: {  	[smem:$0x3F9E] =	sst s1;
	(tag) =	ssettag s2;
	_ =	strace s9  }
0x27: {  	s1 =	sld [smem:$0x3FAE]  }
0x28: {  	s2 =	sld [smem:$0x3FAF]  }
0x29: {  	s4 =	sld [smem:$0x3FB1]  }
0x2a: {  	p0 =	seq.s32 s5, $0x0;
	s5 =	sld [smem:$0x3FB2]  }
0x2b: {  	s6 =	sld [smem:$0x3FB3]  }
0x2c: {  	s7 =	sld [smem:$0x3FB4]  }
0x2d: {  	s3 =	simm.s32 $0x108;
	s8 =	sld [smem:$0x3FB5]  }
0x2e: {  	s3 =	simm.s32 @!p0 $0x1082;
	s9 =	sld [smem:$0x3FB6]  }
0x2f: {  	lr =	sadd.s32 s0, s3;
	s0 =	sld [smem:$0x3FAD]  }
0x30: {  	s3 =	sld [smem:$0x3FB0]  }
0x31: {  	[smem:$0x3FB9] =	sst s10  }
0x32: {  	s10 =	sld [smem:$0x3FB7];
	_ =	sdelay $0x3  }
0x33: {  	p0 =	seq.s32 s10, $0x1;
	s10 =	sld [smem:$0x3FB9];
	_ =	sdelay $0x3  }
0x34: {  	[smem:$0x3FB9] =	sst s10  }
0x35: {  	s10 =	sld [smem:$0x3FB8];
	_ =	sdelay $0x3  }
0x36: {  	p1 =	seq.s32 s10, $0x1;
	s10 =	sld [smem:$0x3FB9];
	_ =	sdelay $0x3  }
0x37: {  	[smem:$0x3FB9] =	sst s10  }
0x38: {  	s10 =	sld [smem:$0x3FBA]  }
0x39: {  	_ = 	snop;
	(pc) =	sbr.ind lr, $3  }
0x3a: {  	_ = 	snop  }
0x3b: {  	_ = 	snop  }
0x3c: {  	p2 =	seq.s32 s10, $0x1;
	s10 =	sld [smem:$0x3FB9]  }
0x3d: {  	_ =	shalt  }
0x3e: {  	_ =	shalt  }
0x3f: {  	_ =	shalt  }
0x40: {  	_ =	shalt  }
0x41: {  	_ =	shalt  }
0x42: {  	_ =	shalt  }
0x43: {  	_ =	shalt  }
0x44: {  	_ =	shalt  }
0x45: {  	_ =	shalt  }
0x46: {  	_ =	shalt  }
0x47: {  	_ =	shalt  }
0x48: {  	_ =	shalt  }
0x49: {  	_ =	shalt  }
0x4a: {  	_ =	shalt  }
0x4b: {  	_ =	shalt  }
0x4c: {  	_ =	shalt  }
0x4d: {  	_ =	shalt  }
0x4e: {  	_ =	shalt  }
0x4f: {  	_ =	shalt  }
0x50: {  	_ =	shalt  }
0x51: {  	_ =	shalt  }
0x52: {  	_ =	shalt  }
0x53: {  	_ =	shalt  }
0x54: {  	_ =	shalt  }
0x55: {  	_ =	shalt  }
0x56: {  	_ =	shalt  }
0x57: {  	_ =	shalt  }
0x58: {  	_ =	shalt  }
0x59: {  	_ =	shalt  }
0x5a: {  	_ =	shalt  }
0x5b: {  	_ =	shalt  }
0x5c: {  	_ =	shalt  }
0x5d: {  	_ =	shalt  }
0x5e: {  	_ =	shalt  }
0x5f: {  	_ =	shalt  }
0x60: {  	_ =	shalt  }
0x61: {  	_ =	shalt  }
0x62: {  	_ =	shalt  }
0x63: {  	_ =	shalt  }
0x64: {  	_ =	shalt  }
0x65: {  	_ =	shalt  }
0x66: {  	_ =	shalt  }
0x67: {  	_ =	shalt  }
0x68: {  	_ =	shalt  }
0x69: {  	_ =	shalt  }
0x6a: {  	_ =	shalt  }
0x6b: {  	_ =	shalt  }
0x6c: {  	_ =	shalt  }
0x6d: {  	_ =	shalt  }
0x6e: {  	_ =	shalt  }
0x6f: {  	_ =	shalt  }
0x70: {  	_ =	shalt  }
0x71: {  	_ =	shalt  }
0x72: {  	_ =	shalt  }
0x73: {  	_ =	shalt  }
0x74: {  	_ =	shalt  }
0x75: {  	_ =	shalt  }
0x76: {  	_ =	shalt  }
0x77: {  	_ =	shalt  }
0x78: {  	_ =	shalt  }
0x79: {  	_ =	shalt  }
0x7a: {  	_ =	shalt  }
0x7b: {  	_ =	shalt  }
0x7c: {  	_ =	shalt  }
0x7d: {  	_ =	shalt  }
0x7e: {  	_ =	shalt  }
0x7f: {  	_ =	shalt  }
0x80: {  	_ =	shalt  }
0x81: {  	_ =	shalt  }
0x82: {  	_ =	shalt  }
0x83: {  	_ =	shalt  }
0x84: {  	_ =	shalt  }
0x85: {  	_ =	shalt  }
0x86: {  	_ =	shalt  }
0x87: {  	_ =	shalt  }
.Lfunc_end0:
.L_simem_size_0:
called_computation_lowered:
.L_overlay_start_0:
0x88: {  	s2 =	sld [smem:$0x3FD9]  }
0x89: {  	s3 =	sld [smem:$0x3FFE];
	_ =	sdelay $0x1  }
0x8a: {  	s1 =	srdreg.scid  }
0x8b: {  	s0 =	sand.u32 $0x1, s1  }
0x8c: {  	s17 =	sshll.u32 s0, $0xA;
	s2 =	sadd.s32 s3, s2  }
0x8d: {  	s2 =	sadd.s32 s2, s17  }
0x8e: {  	[smem:$0x3FC5] =	sst s2  }
0x8f: {  	_ = 	snop  }
0x90: {  	s2 =	sld [smem:$0x3FD0];
	(tm) =	ssettm $0x1  }
0x91: {  	s18 =	sld [smem:$0x3FFB];
	_ =	sdelay $0x3  }
0x92: {  	_ =	strace s18  }
0x93: {  	s3 =	sld [smem:$0x3FFC];
	_ =	sdelay $0x3  }
0x94: {  	_ =	strace s3  }
0x95: {  	s3 =	sld [smem:$0x3FFD];
	_ =	sdelay $0x3  }
0x96: {  	_ =	strace s3  }
0x97: {  	_ =	strace $0x8FFFFFFF  }
0x98: {  	s19 =	sld [smem:$0x3FDB];
	_ =	sdelay $0x1  }
0x99: {  	s4 =	simm.s32 $_scs_section_size  }
0x9a: {  	s5 =	simm.s32 $_size__tile_overlayer_lowered;
	s6 =	simm.s32 $_tile_overlayer_lowered  }
0x9b: {  	s22 =	simm.s32 $0x1BFF;
	s21 =	sshll.u32 s6, $0x1;
	s3 =	sadd.s32 s4, s19  }
0x9c: {  	s7 =	simm.s32 $0x0;
	s20 =	sshll.u32 s5, $0x1;
	s5 =	sadd.s32 s21, s3  }
0x9d: {  	[timem:s7], [sflag:s22] =	dma.local [hbm:s5], s20  }
0x9e: {  	_ =	swait.ge [sflag:s22], s20  }
0x9f: {  	s4 =	ssub.s32 $0x0, s20;
	[sflag:s22] =	ssyncset.done $0x0  }
0xa0: {  	[sflag:s22] =	ssyncadd.s32 s4;
	_ =	sdelay $0x1  }
0xa1: {  	s23 =	simm.s32 $0x1B8B  }
0xa2: {  	_ =	swait.ge [sflag:s23], $0x1  }
0xa3: {  	[sflag:s23] =	ssyncset.done $0x0  }
0xa4: {  	s25 =	simm.s32 $0x1B8E;
	s24 =	sld [smem:$0x3FFE];
	[sflag:s23] =	ssyncadd.s32 $0xFFFFFFFF  }
0xa5: {  	s26 =	simm.s32 $execute0_lowered;
	[smem:$0x3FD2] =	sst s25  }
0xa6: {  	s5 =	sshll.u32 s26, $0x1;
	_ =	strace $0x80000046;
	[dreg:$0x1] =	wrdreg $0xFFFFFFFF  }
0xa7: {  	s28 =	simm.s32 $_size_execute0_lowered;
	s3 =	sadd.s32 s3, s5;
	[dreg:$0x0] =	wrdreg $0x0  }
0xa8: {  	s5 =	sshll.u32 s28, $0x1;
	[dreg:$0x2] =	wrdreg s3  }
0xa9: {  	[dreg:$0x3] =	wrdreg s5  }
0xaa: {  	[dreg:$0x4] =	wrdreg $0xC0  }
0xab: {  	_ =	task [dreg:s7], $0x5FFFF  }
0xac: {  	[dreg:$0x1] =	wrdreg $0xFFFFFFFF  }
0xad: {  	[dreg:$0x0] =	wrdreg $0x60  }
0xae: {  	[dreg:$0x2] =	wrdreg s24  }
0xaf: {  	[dreg:$0x3] =	wrdreg s2  }
0xb0: {  	[dreg:$0x4] =	wrdreg $0x4B000  }
0xb1: {  	[dreg:$0x5] =	wrdreg $0x9  }
0xb2: {  	_ =	task.clear_ibuf [dreg:s7], $0x6FFFF;
	_ =	strace $0x90000046  }
0xb3: {  	s29 =	simm.s32 $0x9;
	_ =	strace $0x80000048  }
0xb4: {  	_ =	swait.ge [sflag:s29], $0x1  }
0xb5: {  	[sflag:s29] =	ssyncadd.s32 $0xFFFFFFFF  }
0xb6: {  	_ =	strace $0x90000048  }
0xb7: {  	_ =	sfence  }
0xb8: {  	s30 =	sld [smem:$0x0];
	_ =	sdelay $0x2  }
0xb9: {  	s31 =	sshll.u32 s1, $0xD;
	s1 =	sshrl.u32 s1, $0x2  }
0xba: {  	s3 =	sand.u32 $0x4000, s31;
	s1 =	sadd.s32 s1, s30  }
0xbb: {  	s0 =	sor.u32 s3, s0;
	s1 =	sshll.u32 s1, $0x11  }
0xbc: {  	s0 =	sor.u32 s1, s0  }
0xbd: {  	s0 =	sadd.s32 $0x8F2B, s0  }
0xbe: {  	[sflag:s0] =	ssyncadd.remote.s32 $0x1  }
0xbf: {  	_ =	sfence.sel $0xFFFF  }
0xc0: {  	[dreg:$0x0] =	wrdreg $0xFFFFFFFF;
	(pc) =	sbr.abs _section_cstart, $3  }
0xc1: {  	[dreg:$0x1] =	wrdreg $0xFFFFFFFF  }
0xc2: {  	_ =	task.clear_ibuf [dreg:s7], $0x2FFFF;
	_ =	strace $0x9FFFFFFF  }
0xc3: {  	(tm) =	ssettm $0x7FFFFFFF  }
tec
execute0_lowered:
.L_overlay_start_1:
0x0: {  	(tag) =	ssettag $0x1  }
0x1: {  	s2 =	srdreg.scid  }
0x2: {  	s2 =	sand.u32 $0x1, s2  }
0x3: {  	p0 =	seq.s32 s2, $0x1  }
.Ltmp0:
0x4: {  	s5 =	rddreg [dreg:$0x0];
	(pc) =	sbr.rel @p0 .LBB2_22-.Ltmp0, $4  }
0x5: {  	s1 =	rddreg [dreg:$0x1]  }
0x6: {  	s3 =	rddreg [dreg:$0x2];
	s6 =	simm.s32 $0x0  }
0x7: {  	[smem:$0x7FF] =	sst s6  }
0x8: {  	s0 =	rddreg [dreg:$0x3];
	_ =	strace $0x80000047;
	s2 =	stileid.u32  }
0x9: {  	s4 =	smul.u32 $0x500, s2;
	_ =	sdelay $0x1  }
0xa: {  	s7 =	sshrl.u32 s4, $0x3  }
0xb: {  	s21 =	simm.s32 $0x1;
	s8 =	sadd.s32 s5, s7  }
0xc: {  	[tilespmem:s6], [sflag:$0x1] =	stream.linear.gather [hbm4b:s8+s6], $0x500, $0x38;
	[tilespmem:$0x4B20] =	vst v63  }
0xd: {  	_ =	swait.ge [sflag:s21], $0x500  }
0xe: {  	s9 =	sadd.s32 $0xA00, s5;
	[sflag:s21] =	ssyncset.done $0x0  }
0xf: {  	s10 =	simm.s32 $0x580;
	s9 =	sadd.s32 s9, s7;
	[sflag:s21] =	ssyncadd.s32 $0xFFFFFB00  }
0x10: {  	[tilespmem:s10], [sflag:$0x1] =	stream.linear.gather [hbm4b:s9+s6], $0x500, $0x38;
	[tilespmem:$0x4B20] =	vst v63  }
0x11: {  	_ =	swait.ge [sflag:s21], $0x500  }
0x12: {  	s22 =	sadd.s32 $0x1400, s5;
	[sflag:s21] =	ssyncset.done $0x0  }
0x13: {  	s23 =	simm.s32 $0xB00;
	s9 =	sadd.s32 s22, s7;
	[sflag:s21] =	ssyncadd.s32 $0xFFFFFB00  }
0x14: {  	[tilespmem:s23], [sflag:$0x1] =	stream.linear.gather [hbm4b:s9+s6], $0x500, $0x38;
	[tilespmem:$0x4B20] =	vst v63  }
0x15: {  	_ =	swait.ge [sflag:s21], $0x500  }
0x16: {  	s24 =	sadd.s32 $0x1E00, s5;
	[sflag:s21] =	ssyncset.done $0x0  }
0x17: {  	s25 =	simm.s32 $0x1080;
	s9 =	sadd.s32 s24, s7;
	[sflag:s21] =	ssyncadd.s32 $0xFFFFFB00  }
0x18: {  	[tilespmem:s25], [sflag:$0x1] =	stream.linear.gather [hbm4b:s9+s6], $0x500, $0x38;
	[tilespmem:$0x4B20] =	vst v63  }
0x19: {  	_ =	swait.ge [sflag:s21], $0x500  }
0x1a: {  	s26 =	sadd.s32 $0x3200, s5;
	[sflag:s21] =	ssyncset.done $0x0  }
0x1b: {  	s28 =	simm.s32 $0x1600;
	s9 =	sadd.s32 s26, s7;
	[sflag:s21] =	ssyncadd.s32 $0xFFFFFB00  }
0x1c: {  	[tilespmem:s28], [sflag:$0x1] =	stream.linear.gather [hbm4b:s9+s6], $0x500, $0x38;
	[tilespmem:$0x4B20] =	vst v63  }
0x1d: {  	_ =	swait.ge [sflag:s21], $0x500  }
0x1e: {  	s29 =	sadd.s32 $0x2800, s5;
	[sflag:s21] =	ssyncset.done $0x0  }
0x1f: {  	s30 =	simm.s32 $0x1B80;
	s5 =	sadd.s32 s29, s7;
	[sflag:s21] =	ssyncadd.s32 $0xFFFFFB00  }
0x20: {  	[tilespmem:s30], [sflag:$0x1] =	stream.linear.gather [hbm4b:s5+s6], $0x500, $0x38;
	[tilespmem:$0x4B20] =	vst v63  }
0x21: {  	_ =	swait.ge [sflag:s21], $0x500  }
0x22: {  	[sflag:s21] =	ssyncset.done $0x0  }
0x23: {  	s12 =	simm.s32 $0x1620;
	[sflag:s21] =	ssyncadd.s32 $0xFFFFFB00  }
0x24: {  	s7 =	simm.s32 $0x20;
	v1 =	vld [tilespmem:s12+$0x0]  }
0x25: {  	s8 =	simm.s32 $0x5A0;
	v0 =	vld [tilespmem:s7+$0x10]  }
0x26: {  	v2 =	vld [tilespmem:s8+$0x10]  }
0x27: {  	v4 =	vld [tilespmem:s12+$0xFFFFFFF0]  }
0x28: {  	v3 =	vld [tilespmem:s7+$0x0]  }
0x29: {  	v5 =	vld [tilespmem:s8+$0x0]  }
0x2a: {  	v8 =	vld [tilespmem:s12+$0xFFFFFFE0]  }
0x2b: {  	v9 =	vld [tilespmem:s7+$0xFFFFFFF0]  }
0x2c: {  	v13 =	vld [tilespmem:s8+$0xFFFFFFF0]  }
0x2d: {  	v6 =	vld [tilespmem:s7+$0xFFFFFFE0]  }
0x2e: {  	s9 =	simm.s32 $0xB20;
	v7 =	vld [tilespmem:s8+$0xFFFFFFE0]  }
0x2f: {  	s10 =	simm.s32 $0x10A0;
	v12 =	vld [tilespmem:s9+$0xFFFFFFE0]  }
0x30: {  	v14 =	vld [tilespmem:s10+$0xFFFFFFE0]  }
0x31: {  	v15 =	vld [tilespmem:s9+$0xFFFFFFF0]  }
0x32: {  	v16 =	vld [tilespmem:s10+$0xFFFFFFF0]  }
0x33: {  	v10 =	vld [tilespmem:s9+$0x0]  }
0x34: {  	v11 =	vld [tilespmem:s10+$0x0]  }
0x35: {  	v17 =	vmax.f32 v6, v7;
	v12 =	vmax.f32 v12, v14;
	v6 =	vld [tilespmem:s9+$0x10]  }
0x36: {  	s31 =	sshll.u32 s2, $0x4;
	s11 =	simm.s32 $0x0;
	v7 =	vimm.f32 $-Inf;
	vm0 =	vge.f32 v8, $2.000000030e-01;
	v8 =	vld [tilespmem:s10+$0x10];
	v12 =	vmax.f32 v17, v12  }
0x37: {  	s5 =	sadd.s32 s31, s3;
	s6 =	sadd.s32 $0x500, s4;
	v13 =	vmax.f32 v9, v13;
	v14 =	vmax.f32 v15, v16;
	v9 =	vld [tilespmem:s12+$0x10];
	s12 =	simm.s32 $0x1660;
	v12 =	vmax.f32 v7, v12  }
.LBB2_2:
0x38: {  	v15 =	vld [tilespmem:s12+$0x0];
	v7 =	vsel vm0, v12, v7;
	v12 =	vmax.f32 v13, v14;
	vm0 =	vge.f32 v4, $2.000000030e-01;
	s7 =	sadd.s32 $0x40, s7  }
0x39: {  	v3 =	vmax.f32 v3, v5;
	s8 =	sadd.s32 $0x40, s8;
	v13 =	vld [tilespmem:s7+$0x10];
	v4 =	vmax.f32 v7, v12;
	v5 =	vmax.f32 v10, v11  }
0x3a: {  	v10 =	vld [tilespmem:s8+$0x10];
	v7 =	vsel vm0, v4, v7;
	v3 =	vmax.f32 v3, v5;
	vm0 =	vge.f32 v1, $2.000000030e-01  }
0x3b: {  	v0 =	vmax.f32 v0, v2;
	v4 =	vld [tilespmem:s12+$0xFFFFFFF0];
	v11 =	vmax.f32 v7, v3;
	v2 =	vmax.f32 v6, v8  }
0x3c: {  	v3 =	vld [tilespmem:s7+$0x0];
	v6 =	vsel vm0, v11, v7;
	v11 =	vmax.f32 v0, v2  }
0x3d: {  	vm0 =	vge.f32 v9, $2.000000030e-01;
	v5 =	vld [tilespmem:s8+$0x0];
	v11 =	vmax.f32 v6, v11;
	v1 =	vmov v15  }
0x3e: {  	v8 =	vld [tilespmem:s12+$0xFFFFFFE0];
	v7 =	vsel vm0, v11, v6;
	v0 =	vmov v13  }
0x3f: {  	v9 =	vld [tilespmem:s7+$0xFFFFFFF0];
	v2 =	vmov v10  }
0x40: {  	v13 =	vld [tilespmem:s8+$0xFFFFFFF0]  }
0x41: {  	v6 =	vld [tilespmem:s7+$0xFFFFFFE0]  }
0x42: {  	s9 =	sadd.s32 $0x40, s9;
	v12 =	vld [tilespmem:s8+$0xFFFFFFE0]  }
0x43: {  	s10 =	sadd.s32 $0x40, s10;
	v14 =	vld [tilespmem:s9+$0xFFFFFFE0]  }
0x44: {  	s11 =	sadd.s32 $0x4, s11;
	v15 =	vld [tilespmem:s10+$0xFFFFFFE0]  }
0x45: {  	p0 =	slt.u32 s11, $0x4C;
	v16 =	vld [tilespmem:s9+$0xFFFFFFF0]  }
0x46: {  	v17 =	vld [tilespmem:s10+$0xFFFFFFF0]  }
.Ltmp1:
0x47: {  	v10 =	vld [tilespmem:s9+$0x0];
	(pc) =	sbr.rel @p0 .LBB2_2-.Ltmp1, $4  }
0x48: {  	v11 =	vld [tilespmem:s10+$0x0]  }
0x49: {  	v12 =	vmax.f32 v6, v12;
	v14 =	vmax.f32 v14, v15;
	v6 =	vld [tilespmem:s9+$0x10]  }
0x4a: {  	vm0 =	vge.f32 v8, $2.000000030e-01;
	v12 =	vmax.f32 v12, v14;
	v8 =	vld [tilespmem:s10+$0x10]  }
0x4b: {  	v13 =	vmax.f32 v9, v13;
	v12 =	vmax.f32 v7, v12;
	v14 =	vmax.f32 v16, v17;
	v9 =	vld [tilespmem:s12+$0x10];
	s12 =	sadd.s32 $0x40, s12  }
0x4c: {  	v7 =	vsel vm0, v12, v7;
	v57 =	vmax.f32 v13, v14;
	vm0 =	vge.f32 v4, $2.000000030e-01  }
0x4d: {  	v3 =	vmax.f32 v3, v5;
	v4 =	vmax.f32 v7, v57;
	v5 =	vmax.f32 v10, v11  }
0x4e: {  	v4 =	vsel vm0, v4, v7;
	v3 =	vmax.f32 v3, v5;
	v5 =	vimm.s32 $0xFEDCBA98  }
0x4f: {  	vm0 =	vge.f32 v1, $2.000000030e-01;
	v1 =	vimm.s32 $0x76543210;
	v5 =	vunpack.c.l.s4.s8 v5  }
0x50: {  	v0 =	vmax.f32 v0, v2;
	v3 =	vmax.f32 v4, v3;
	v1 =	vunpack.c.l.s4.s8 v1  }
0x51: {  	v2 =	vmax.f32 v6, v8;
	v3 =	vsel vm0, v3, v4;
	v4 =	vunpack.c.0.s8.s32 v5  }
0x52: {  	v0 =	vmax.f32 v0, v2;
	vm0 =	vge.f32 v9, $2.000000030e-01;
	v1 =	vunpack.c.0.s8.s32 v1  }
0x53: {  	v0 =	vmax.f32 v3, v0;
	v2 =	vand.u32 $0xF, v4;
	v4 =	vimm.s32 $0xBA98FEDC  }
0x54: {  	v1 =	vcombine.low v2, v1;
	v2 =	vunpack.c.l.s4.s8 v4;
	v4 =	vimm.s32 $0x32107654  }
0x55: {  	v0 =	vsel vm0, v0, v3;
	v3 =	vunpack.c.l.s4.s8 v4  }
0x56: {  	v5 =	vimm.s32 $0x54761032;
	v4 =	vimm.s32 $0xDCFE98BA;
	v1 =	vperm.xlane v0, v1  }
0x57: {  	v2 =	vunpack.c.0.s8.s32 v2;
	v4 =	vunpack.c.l.s4.s8 v4;
	v3 =	vunpack.c.0.s8.s32 v3  }
0x58: {  	v5 =	vunpack.c.l.s4.s8 v5  }
0x59: {  	v0 =	vmax.f32 v0, v1;
	v1 =	vcombine.low v3, v2;
	v2 =	vunpack.c.0.s8.s32 v4  }
0x5a: {  	v3 =	vunpack.c.0.s8.s32 v5;
	v4 =	vimm.s32 $0xEFCDAB89;
	v5 =	vimm.s32 $0x67452301  }
0x5b: {  	v4 =	vunpack.c.l.s4.s8 v4;
	v5 =	vunpack.c.l.s4.s8 v5;
	v1 =	vperm.xlane v0, v1  }
0x5c: {  	v2 =	vcombine.low v3, v2  }
0x5d: {  	v3 =	vunpack.c.0.s8.s32 v5;
	v0 =	vmax.f32 v0, v1;
	v1 =	vunpack.c.0.s8.s32 v4  }
0x5e: {  	v2 =	vperm.xlane v0, v2  }
0x5f: {  	v1 =	vcombine.low v3, v1  }
0x60: {  	v0 =	vmax.f32 v0, v2  }
0x61: {  	v1 =	vperm.xlane v0, v1;
	_ =	sdelay $0x1  }
0x62: {  	vm0 =	vmmov $0x1;
	v0 =	vmax.f32 v0, v1  }
0x63: {  	v0 =	vnsel vm0, $0x0, v0  }
0x64: {  	s7 =	simm.s32 $0x4780;
	s18 =	simm.s32 $0x1;
	[tilespmem:$0x4780] =	vst v0  }
0x65: {  	[spmem:s5] =	stream.linear.scatter [tilespmem:s7], [sflag:$0x1], $0x10, $0x38;
	[tilespmem:$0x4B20] =	vst v63  }
0x66: {  	_ =	swait.ge [sflag:s18], $0x10  }
0x67: {  	[sflag:s18] =	ssyncset.done $0x0  }
0x68: {  	[sflag:s18] =	ssyncadd.s32 $0xFFFFFFF0  }
0x69: {  	s8 =	simm.s32 $0x4800;
	[bflag:$0x0] =	sbarrier.arrive $0xFFFF  }
0x6a: {  	[tilespmem:s8], [sflag:$0x1] =	stream.linear.gather [spmem:s3], $0x100, $0x38;
	[tilespmem:$0x4B20] =	vst v63  }
0x6b: {  	_ =	swait.ge [sflag:s18], $0x100  }
0x6c: {  	[sflag:s18] =	ssyncset.done $0x0  }
0x6d: {  	[sflag:s18] =	ssyncadd.s32 $0xFFFFFF00  }
0x6e: {  	v0 =	vld [tilespmem:$0x4800]  }
0x6f: {  	v1 =	vld [tilespmem:$0x4810]  }
0x70: {  	v2 =	vld [tilespmem:$0x4820]  }
0x71: {  	v3 =	vld [tilespmem:$0x4830]  }
0x72: {  	v4 =	vld [tilespmem:$0x4840]  }
0x73: {  	(v2sf) =	vpush v0, $0x0;
	v0 =	vld [tilespmem:$0x4850]  }
0x74: {  	(v2sf) =	vpush v1, $0x0;
	v1 =	vld [tilespmem:$0x4860]  }
0x75: {  	(v2sf) =	vpush v2, $0x0;
	v2 =	vld [tilespmem:$0x4870]  }
0x76: {  	(v2sf) =	vpush v3, $0x0;
	v3 =	vld [tilespmem:$0x4880]  }
0x77: {  	(v2sf) =	vpush v4, $0x0;
	v4 =	vld [tilespmem:$0x4890]  }
0x78: {  	(v2sf) =	vpush v0, $0x0;
	v0 =	vld [tilespmem:$0x48A0]  }
0x79: {  	(v2sf) =	vpush v1, $0x0;
	v1 =	vld [tilespmem:$0x48B0]  }
0x7a: {  	(v2sf) =	vpush v2, $0x0;
	v2 =	vld [tilespmem:$0x48C0]  }
0x7b: {  	(v2sf) =	vpush v3, $0x0;
	v3 =	vld [tilespmem:$0x48D0]  }
0x7c: {  	(v2sf) =	vpush v4, $0x0;
	v4 =	vld [tilespmem:$0x48E0]  }
0x7d: {  	(v2sf) =	vpush v0, $0x0;
	v0 =	vld [tilespmem:$0x48F0]  }
0x7e: {  	(v2sf) =	vpush v1, $0x0  }
0x7f: {  	(v2sf) =	vpush v2, $0x0  }
0x80: {  	(v2sf) =	vpush v3, $0x0  }
0x81: {  	(v2sf) =	vpush v4, $0x0  }
0x82: {  	s19 =	spop (v2sf);
	(v2sf) =	vpush v0, $0x0  }
0x83: {  	s20 =	spop (v2sf)  }
0x84: {  	s9 =	spop (v2sf)  }
0x85: {  	s10 =	spop (v2sf)  }
0x86: {  	s11 =	spop (v2sf)  }
0x87: {  	s12 =	spop (v2sf)  }
0x88: {  	s7 =	smax.f32 s19, s20;
	s21 =	spop (v2sf)  }
0x89: {  	s7 =	smax.f32 s7, s9;
	s22 =	spop (v2sf)  }
0x8a: {  	s7 =	smax.f32 s7, s10;
	s23 =	spop (v2sf)  }
0x8b: {  	s7 =	smax.f32 s7, s11;
	s24 =	spop (v2sf)  }
0x8c: {  	s7 =	smax.f32 s7, s12;
	s25 =	spop (v2sf)  }
0x8d: {  	s7 =	smax.f32 s7, s21;
	s26 =	spop (v2sf)  }
0x8e: {  	s7 =	smax.f32 s7, s22;
	s28 =	spop (v2sf)  }
0x8f: {  	s7 =	smax.f32 s7, s23;
	s29 =	spop (v2sf)  }
0x90: {  	s7 =	smax.f32 s7, s24;
	s30 =	spop (v2sf)  }
0x91: {  	s7 =	smax.f32 s7, s25;
	s31 =	spop (v2sf)  }
0x92: {  	s8 =	smax.f32 s7, s26;
	s7 =	simm.s32 $0x0;
	[bflag:$0x0] =	sbarrier.arrive $0xFFFF  }
0x93: {  	s8 =	smax.f32 s8, s28;
	v1 =	vld [tilespmem:s7+$0x30]  }
0x94: {  	s8 =	smax.f32 s8, s29;
	v2 =	vld [tilespmem:s7+$0x1BB0]  }
0x95: {  	s8 =	smax.f32 s8, s30;
	v3 =	vld [tilespmem:s7+$0x5B0]  }
0x96: {  	s8 =	smax.f32 s8, s31;
	v4 =	vld [tilespmem:s7+$0xB30]  }
0x97: {  	s8 =	sadd.f32 $1.000000000e+00, s8;
	v5 =	vld [tilespmem:s7+$0x10B0]  }
0x98: {  	v6 =	vld [tilespmem:s7+$0x1B80]  }
0x99: {  	v7 =	vld [tilespmem:s7+$0x1B90];
	v0 =	vmov s8  }
0x9a: {  	v58 =	vld [tilespmem:s7+$0xB00];
	v8 =	vmul.f32 v2, v0  }
0x9b: {  	v10 =	vld [tilespmem:s7+$0x0]  }
0x9c: {  	v59 =	vld [tilespmem:s7+$0x1080];
	v1 =	vadd.f32 v1, v8  }
0x9d: {  	v9 =	vld [tilespmem:s7+$0x1BA0];
	v60 =	vmul.f32 v6, v0;
	v3 =	vadd.f32 v3, v8  }
0x9e: {  	v11 =	vld [tilespmem:s7+$0x580];
	v4 =	vadd.f32 v4, v8;
	v5 =	vadd.f32 v5, v8;
	[tilespmem:s7+$0x2130] =	vst v1  }
0x9f: {  	v61 =	vmul.f32 v7, v0;
	v8 =	vld [tilespmem:s7+$0x10];
	v12 =	vadd.f32 v58, v60;
	[tilespmem:s7+$0x26B0] =	vst v3  }
0xa0: {  	vm2 =	vlt.f32 v2, $0.0e+00;
	[tilespmem:s7+$0x2C30] =	vst v4;
	v1 =	vsub.f32 v4, v1;
	v3 =	vsub.f32 v5, v3;
	v4 =	vld [tilespmem:s7+$0x590]  }
0xa1: {  	vm3 =	vgt.f32 v2, $0.0e+00;
	v13 =	vadd.f32 v59, v60;
	[tilespmem:s7+$0x31B0] =	vst v5;
	v5 =	vadd.f32 v10, v60;
	v10 =	vld [tilespmem:s7+$0x1090]  }
0xa2: {  	vm1 =	veq.f32 v2, $0.0e+00;
	vm4 =	vgt.f32 v6, $0.0e+00;
	[tilespmem:s7+$0x2C00] =	vst v12;
	v1 =	vmul.f32 v3, v1;
	v3 =	vld [tilespmem:s7+$0xB10]  }
0xa3: {  	v15 =	vld [tilespmem:s7+$0x5A0];
	vm5 =	vlt.f32 v7, $0.0e+00;
	vm6 =	vgt.f32 v7, $0.0e+00;
	v63 =	vmul.f32 v9, v0;
	[tilespmem:s7+$0x3180] =	vst v13  }
0xa4: {  	v16 =	vld [tilespmem:s7+$0xB20];
	vm8 =	vlt.f32 v9, $0.0e+00;
	v8 =	vadd.f32 v8, v61;
	[tilespmem:s7+$0x3730] =	vst v1;
	v1 =	vadd.f32 v11, v60  }
0xa5: {  	vm9 =	vgt.f32 v9, $0.0e+00;
	vm2 =	vmor vm3, vm2;
	[tilespmem:s7+$0x2100] =	vst v5;
	v2 =	vsub.f32 v12, v5;
	v11 =	vld [tilespmem:s7+$0x20]  }
0xa6: {  	v17 =	vld [tilespmem:s7+$0x10A0];
	vm3 =	vlt.f32 v6, $0.0e+00;
	v4 =	vadd.f32 v4, v61;
	[tilespmem:s7+$0x2110] =	vst v8;
	v5 =	vsub.f32 v13, v1  }
0xa7: {  	vm7 =	vmor vm6, vm5;
	v10 =	vadd.f32 v10, v61;
	[tilespmem:s7+$0x2680] =	vst v1;
	v1 =	vld [tilespmem:s7+$0x1600];
	v62 =	vadd.f32 v3, v61  }
0xa8: {  	vm6 =	veq.f32 v6, $0.0e+00;
	vm5 =	veq.f32 v9, $0.0e+00;
	[tilespmem:s7+$0x2690] =	vst v4;
	v5 =	vmul.f32 v5, v2;
	v2 =	vld [tilespmem:s7+$0x1610]  }
0xa9: {  	vm11 =	vmor vm4, vm3;
	v3 =	vld [tilespmem:s7+$0x1620];
	[tilespmem:s7+$0x3190] =	vst v10;
	v6 =	vsub.f32 v62, v8;
	v8 =	vsub.f32 v10, v4  }
0xaa: {  	vm3 =	veq.f32 v7, $0.0e+00;
	v11 =	vadd.f32 v11, v63;
	v4 =	vld [tilespmem:s7+$0x1630];
	[tilespmem:s7+$0x3700] =	vst v5;
	v5 =	vadd.f32 v16, v63  }
0xab: {  	v7 =	vadd.f32 v15, v63;
	[tilespmem:s7+$0x2C10] =	vst v62;
	v10 =	vmul.f32 v8, v6;
	v6 =	vadd.f32 v17, v63  }
0xac: {  	vm4 =	vmor vm9, vm8;
	vm10 =	vge.f32 v1, $2.000000030e-01;
	[tilespmem:s7+$0x2120] =	vst v11;
	v8 =	vsub.f32 v5, v11  }
0xad: {  	s9 =	simm.s32 $0x100;
	s8 =	simm.s32 $0x0;
	vm9 =	vmand vm11, vm10;
	[tilespmem:s7+$0x3710] =	vst v10;
	vm8 =	vge.f32 v2, $2.000000030e-01;
	v9 =	vsub.f32 v6, v7  }
.LBB2_4:
0xae: {  	s10 =	sshra.s32 s9, $0x2;
	vm6 =	vmand vm6, vm10;
	vm7 =	vmand vm7, vm8;
	[tilespmem:s7+$0x26A0] =	vst v7;
	vm10 =	vge.f32 v3, $2.000000030e-01  }
0xaf: {  	v7 =	vld [tilespmem:s10+$0x30];
	[tilespmem:s7+$0x2C20] =	vst v5;
	v5 =	vmul.f32 v9, v8;
	vm4 =	vmand vm4, vm10;
	vm11 =	vge.f32 v4, $2.000000030e-01  }
0xb0: {  	s8 =	sadd.s32 $0x4, s8;
	vm3 =	vmand vm3, vm8;
	vm5 =	vmand vm5, vm10;
	v8 =	vld [tilespmem:s10+$0x1BB0];
	[tilespmem:s7+$0x31A0] =	vst v6;
	vm2 =	vmand vm2, vm11  }
0xb1: {  	p0 =	slt.u32 s8, $0x4C;
	v9 =	vnsel vm9, $0xBF800000, v1;
	v10 =	vnsel vm7, $0xBF800000, v2;
	vm1 =	vmand vm1, vm11;
	v6 =	vld [tilespmem:s10+$0x5B0];
	[tilespmem:s7+$0x3720] =	vst v5  }
0xb2: {  	v1 =	vnsel vm6, $0xBF800000, v1;
	v11 =	vnsel vm2, $0xBF800000, v4;
	v5 =	vld [tilespmem:s10+$0xB30];
	[tilespmem:s7+$0x4200] =	vst v9;
	v9 =	vnsel vm4, $0xBF800000, v3  }
0xb3: {  	v2 =	vnsel vm3, $0xBF800000, v2;
	v4 =	vnsel vm1, $0xBF800000, v4;
	v3 =	vnsel vm5, $0xBF800000, v3;
	v12 =	vld [tilespmem:s10+$0x10B0];
	[tilespmem:s7+$0x4210] =	vst v10  }
0xb4: {  	v10 =	vld [tilespmem:s10+$0x1B80];
	[tilespmem:s7+$0x4220] =	vst v9  }
0xb5: {  	v9 =	vld [tilespmem:s10+$0x1B90];
	v13 =	vmul.f32 v8, v0;
	vm2 =	vlt.f32 v8, $0.0e+00;
	vm3 =	vgt.f32 v8, $0.0e+00;
	[tilespmem:s7+$0x4230] =	vst v11  }
0xb6: {  	vm1 =	veq.f32 v8, $0.0e+00;
	v11 =	vld [tilespmem:s10+$0x1BA0];
	vm2 =	vmor vm3, vm2;
	[tilespmem:s7+$0x3C80] =	vst v1  }
0xb7: {  	v1 =	vld [tilespmem:s10+$0x0];
	v7 =	vadd.f32 v7, v13;
	v6 =	vadd.f32 v6, v13;
	[tilespmem:s7+$0x3C90] =	vst v2  }
0xb8: {  	v5 =	vadd.f32 v5, v13;
	v2 =	vld [tilespmem:s10+$0x580];
	v8 =	vadd.f32 v12, v13;
	[tilespmem:s7+$0x3CA0] =	vst v3  }
0xb9: {  	v3 =	vmul.f32 v10, v0;
	v12 =	vld [tilespmem:s10+$0xB00];
	vm3 =	vlt.f32 v10, $0.0e+00;
	vm4 =	vgt.f32 v10, $0.0e+00;
	[tilespmem:s10+$0x2130] =	vst v7  }
0xba: {  	v7 =	vsub.f32 v5, v7;
	v13 =	vld [tilespmem:s10+$0x1080];
	v14 =	vmul.f32 v9, v0;
	[tilespmem:s10+$0x26B0] =	vst v6;
	v6 =	vsub.f32 v8, v6  }
0xbb: {  	vm5 =	vlt.f32 v9, $0.0e+00;
	vm6 =	vgt.f32 v9, $0.0e+00;
	v15 =	vld [tilespmem:s10+$0x10];
	v16 =	vmul.f32 v11, v0;
	[tilespmem:s10+$0x2C30] =	vst v5  }
0xbc: {  	vm9 =	vlt.f32 v11, $0.0e+00;
	v1 =	vadd.f32 v1, v3;
	v5 =	vld [tilespmem:s10+$0x590];
	[tilespmem:s10+$0x31B0] =	vst v8;
	v6 =	vmul.f32 v6, v7  }
0xbd: {  	vm8 =	vmor vm4, vm3;
	vm3 =	vgt.f32 v11, $0.0e+00;
	v2 =	vadd.f32 v2, v3;
	v7 =	vld [tilespmem:s10+$0xB10];
	[tilespmem:s7+$0x3CB0] =	vst v4;
	s7 =	smov.u32 s10  }
0xbe: {  	vm7 =	vmor vm6, vm5;
	vm4 =	vmor vm3, vm9;
	v4 =	vadd.f32 v12, v3;
	v8 =	vld [tilespmem:s7+$0x1090];
	[tilespmem:s7+$0x3730] =	vst v6  }
0xbf: {  	vm6 =	veq.f32 v10, $0.0e+00;
	vm3 =	veq.f32 v9, $0.0e+00;
	v3 =	vadd.f32 v13, v3;
	[tilespmem:s7+$0x2100] =	vst v1;
	v6 =	vld [tilespmem:s7+$0x20]  }
0xc0: {  	vm5 =	veq.f32 v11, $0.0e+00;
	[tilespmem:s7+$0x2680] =	vst v2;
	v9 =	vsub.f32 v4, v1;
	v10 =	vadd.f32 v15, v14;
	v12 =	vld [tilespmem:s7+$0x5A0]  }
0xc1: {  	[tilespmem:s7+$0x2C00] =	vst v4;
	v2 =	vsub.f32 v3, v2;
	v4 =	vadd.f32 v5, v14;
	v5 =	vld [tilespmem:s7+$0xB20]  }
0xc2: {  	[tilespmem:s7+$0x3180] =	vst v3;
	v11 =	vadd.f32 v7, v14;
	v13 =	vld [tilespmem:s7+$0x10A0]  }
0xc3: {  	v1 =	vld [tilespmem:s7+$0x1600];
	v3 =	vmul.f32 v2, v9;
	v8 =	vadd.f32 v8, v14;
	[tilespmem:s7+$0x2110] =	vst v10  }
0xc4: {  	v2 =	vld [tilespmem:s7+$0x1610];
	[tilespmem:s7+$0x2690] =	vst v4;
	v9 =	vsub.f32 v11, v10;
	v10 =	vadd.f32 v6, v16  }
.Ltmp2:
0xc5: {  	[tilespmem:s7+$0x3700] =	vst v3;
	v6 =	vsub.f32 v8, v4;
	v3 =	vld [tilespmem:s7+$0x1620];
	v7 =	vadd.f32 v12, v16;
	(pc) =	sbr.rel @p0 .LBB2_4-.Ltmp2, $4  }
0xc6: {  	[tilespmem:s7+$0x2C10] =	vst v11;
	v5 =	vadd.f32 v5, v16;
	v4 =	vld [tilespmem:s7+$0x1630]  }
0xc7: {  	[tilespmem:s7+$0x3190] =	vst v8;
	v9 =	vmul.f32 v6, v9;
	v6 =	vadd.f32 v13, v16  }
0xc8: {  	vm10 =	vge.f32 v1, $2.000000030e-01;
	[tilespmem:s7+$0x2120] =	vst v10;
	v8 =	vsub.f32 v5, v10  }
0xc9: {  	s9 =	sadd.s32 $0x100, s9;
	vm9 =	vmand vm8, vm10;
	[tilespmem:s7+$0x3710] =	vst v9;
	vm8 =	vge.f32 v2, $2.000000030e-01;
	v9 =	vsub.f32 v6, v7  }
0xca: {  	[tilespmem:s7+$0x26A0] =	vst v7  }
0xcb: {  	[tilespmem:s7+$0x2C20] =	vst v5  }
0xcc: {  	[tilespmem:s7+$0x31A0] =	vst v6;
	v5 =	vnsel vm9, $0xBF800000, v1;
	vm15 =	vmand vm6, vm10  }
0xcd: {  	vm11 =	vge.f32 v3, $2.000000030e-01;
	v0 =	vmul.f32 v9, v8;
	[tilespmem:s7+$0x4200] =	vst v5;
	v1 =	vnsel vm15, $0xBF800000, v1  }
0xce: {  	vm4 =	vmand vm4, vm11;
	[tilespmem:s7+$0x3C80] =	vst v1  }
0xcf: {  	vm7 =	vmand vm7, vm8;
	vm14 =	vge.f32 v4, $2.000000030e-01;
	v5 =	vnsel vm4, $0xBF800000, v3;
	[tilespmem:s7+$0x3720] =	vst v0  }
0xd0: {  	vm2 =	vmand vm2, vm14;
	v0 =	vnsel vm7, $0xBF800000, v2;
	[tilespmem:s7+$0x4220] =	vst v5  }
0xd1: {  	[tilespmem:s7+$0x4210] =	vst v0;
	v0 =	vnsel vm2, $0xBF800000, v4;
	vm2 =	vmand vm3, vm8  }
0xd2: {  	vm3 =	vmand vm5, vm11;
	[tilespmem:s7+$0x4230] =	vst v0;
	v0 =	vnsel vm2, $0xBF800000, v2  }
0xd3: {  	vm1 =	vmand vm1, vm14;
	v1 =	vnsel vm3, $0xBF800000, v3;
	[tilespmem:s7+$0x3C90] =	vst v0  }
0xd4: {  	v0 =	vnsel vm1, $0xBF800000, v4;
	[tilespmem:s7+$0x3CA0] =	vst v1  }
0xd5: {  	[tilespmem:s7+$0x3CB0] =	vst v0;
	v0 =	vimm.f32 $0.0e+00  }
0xd6: {  	[tilespmem:$0x4900] =	vst v0  }
0xd7: {  	[tilespmem:$0x4910] =	vst v0  }
0xd8: {  	[tilespmem:$0x4920] =	vst v0  }
0xd9: {  	[tilespmem:$0x4930] =	vst v0  }
0xda: {  	[tilespmem:$0x4940] =	vst v0  }
0xdb: {  	[tilespmem:$0x4950] =	vst v0  }
0xdc: {  	[tilespmem:$0x4960] =	vst v0  }
0xdd: {  	[tilespmem:$0x4970] =	vst v0  }
0xde: {  	[tilespmem:$0x4980] =	vst v0  }
0xdf: {  	[tilespmem:$0x4990] =	vst v0  }
0xe0: {  	[tilespmem:$0x49A0] =	vst v0  }
0xe1: {  	[tilespmem:$0x49B0] =	vst v0  }
0xe2: {  	[tilespmem:$0x49C0] =	vst v0  }
0xe3: {  	[tilespmem:$0x49D0] =	vst v0  }
0xe4: {  	[tilespmem:$0x49E0] =	vst v0  }
0xe5: {  	[tilespmem:$0x49F0] =	vst v0  }
0xe6: {  	[tilespmem:$0x4A00] =	vst v0  }
0xe7: {  	[tilespmem:$0x4A10] =	vst v0  }
0xe8: {  	[tilespmem:$0x4A20] =	vst v0  }
0xe9: {  	[tilespmem:$0x4A30] =	vst v0  }
0xea: {  	[tilespmem:$0x4A40] =	vst v0  }
0xeb: {  	[tilespmem:$0x4A50] =	vst v0  }
0xec: {  	[tilespmem:$0x4A60] =	vst v0  }
0xed: {  	[tilespmem:$0x4A70] =	vst v0  }
0xee: {  	[tilespmem:$0x4A80] =	vst v0  }
0xef: {  	[tilespmem:$0x4A90] =	vst v0  }
0xf0: {  	[tilespmem:$0x4AA0] =	vst v0  }
0xf1: {  	[tilespmem:$0x4AB0] =	vst v0  }
0xf2: {  	[tilespmem:$0x4AC0] =	vst v0  }
0xf3: {  	[tilespmem:$0x4AD0] =	vst v0  }
0xf4: {  	[tilespmem:$0x4AE0] =	vst v0  }
0xf5: {  	s9 =	simm.s32 $0x3CA0;
	[tilespmem:$0x4AF0] =	vst v0  }
0xf6: {  	v3 =	vld [tilespmem:s9+$0xFFFFFFE0];
	_ =	sdelay $0x1  }
0xf7: {  	v0 =	vlaneseq.u32;
	v2 =	vld [tilespmem:s9+$0xFFFFFFF0]  }
0xf8: {  	v1 =	vor.u32 s4, v0  }
0xf9: {  	v4 =	vimm.f32 $-1.000000000e+00;
	s7 =	sadd.s32 $0x10, s4;
	v6 =	vcvt.s32.f32 v1;
	v1 =	vld [tilespmem:s9+$0x0]  }
0xfa: {  	v7 =	vimm.f32 $1.073741820e+09;
	v8 =	vor.u32 s7, v0;
	vm1 =	vgt.f32 v3, v4  }
0xfb: {  	s8 =	sadd.s32 $0x20, s4;
	v5 =	vsel vm1, v3, v4;
	v4 =	vsel vm1, v6, v7;
	v6 =	vcvt.s32.f32 v8;
	v3 =	vld [tilespmem:s9+$0x10]  }
0xfc: {  	s10 =	simm.s32 $0x0;
	s11 =	simm.s32 $0x3CE0;
	v7 =	vor.u32 s8, v0;
	s9 =	smov.u32 s4;
	vm1 =	vgt.f32 v2, v5  }
.LBB2_6:
0xfd: {  	v8 =	vld [tilespmem:s11+$0xFFFFFFE0];
	s10 =	sadd.s32 $0x4, s10;
	v5 =	vsel vm1, v2, v5;
	v4 =	vsel vm1, v6, v4;
	v6 =	vcvt.s32.f32 v7;
	s12 =	sadd.s32 $0x30, s9  }
0xfe: {  	p0 =	slt.u32 s10, $0x4C;
	vm1 =	vgt.f32 v1, v5;
	v7 =	vor.u32 s12, v0  }
0xff: {  	s9 =	sadd.s32 $0x40, s9;
	v2 =	vld [tilespmem:s11+$0xFFFFFFF0];
	v5 =	vsel vm1, v1, v5;
	v4 =	vsel vm1, v6, v4;
	v6 =	vcvt.s32.f32 v7  }
.Ltmp3:
0x100: {  	v1 =	vor.u32 s9, v0;
	vm1 =	vgt.f32 v3, v5;
	(pc) =	sbr.rel @p0 .LBB2_6-.Ltmp3, $4  }
0x101: {  	s12 =	sadd.s32 $0x10, s9;
	v7 =	vcvt.s32.f32 v1;
	v1 =	vld [tilespmem:s11+$0x0];
	v3 =	vsel vm1, v3, v5;
	v4 =	vsel vm1, v6, v4  }
0x102: {  	v6 =	vor.u32 s12, v0;
	vm1 =	vgt.f32 v8, v3  }
0x103: {  	s12 =	sadd.s32 $0x20, s9;
	v6 =	vcvt.s32.f32 v6;
	v5 =	vsel vm1, v8, v3;
	v4 =	vsel vm1, v7, v4;
	v3 =	vld [tilespmem:s11+$0x10]  }
0x104: {  	v7 =	vor.u32 s12, v0;
	s11 =	sadd.s32 $0x40, s11;
	vm1 =	vgt.f32 v2, v5  }
0x105: {  	v8 =	vimm.s32 $0xFEDCBA98;
	v9 =	vimm.s32 $0x76543210;
	v2 =	vsel vm1, v2, v5  }
0x106: {  	v4 =	vsel vm1, v6, v4;
	v6 =	vcvt.s32.f32 v7;
	s9 =	sadd.s32 $0x30, s9;
	v8 =	vunpack.c.l.s4.s8 v8  }
0x107: {  	v5 =	vunpack.c.l.s4.s8 v9;
	vm1 =	vgt.f32 v1, v2;
	v0 =	vor.u32 s9, v0  }
0x108: {  	v1 =	vsel vm1, v1, v2;
	v2 =	vcvt.s32.f32 v0;
	v7 =	vunpack.c.0.s8.s32 v8  }
0x109: {  	v4 =	vsel vm1, v6, v4;
	v5 =	vunpack.c.0.s8.s32 v5;
	vm1 =	vgt.f32 v3, v1  }
0x10a: {  	v2 =	vsel vm1, v2, v4;
	v0 =	vand.u32 $0xF, v7  }
0x10b: {  	v4 =	vimm.s32 $0xBA98FEDC;
	v0 =	vcombine.low v0, v5;
	v5 =	vimm.s32 $0x32107654  }
0x10c: {  	v1 =	vsel vm1, v3, v1;
	v4 =	vunpack.c.l.s4.s8 v4;
	v5 =	vunpack.c.l.s4.s8 v5  }
0x10d: {  	v3 =	vperm.xlane v1, v0;
	v6 =	vperm.xlane v2, v0  }
0x10e: {  	v4 =	vunpack.c.0.s8.s32 v4;
	v5 =	vunpack.c.0.s8.s32 v5  }
0x10f: {  	vm1 =	veq.f32 v3, v1;
	v7 =	vmin.f32 v2, v6;
	vm2 =	vgt.f32 v3, v1  }
0x110: {  	v3 =	vmax.f32 v1, v3;
	v2 =	vsel vm1, v7, v2;
	v4 =	vcombine.low v5, v4  }
0x111: {  	v5 =	vimm.s32 $0xDCFE98BA;
	v2 =	vsel vm2, v6, v2;
	v6 =	vimm.s32 $0x54761032  }
0x112: {  	v1 =	vand.u32 $0xF, v4;
	v4 =	vunpack.c.l.s4.s8 v5;
	v5 =	vunpack.c.l.s4.s8 v6  }
0x113: {  	v6 =	vperm.xlane v3, v1;
	v7 =	vperm.xlane v2, v1  }
0x114: {  	v4 =	vunpack.c.0.s8.s32 v4;
	v5 =	vunpack.c.0.s8.s32 v5  }
0x115: {  	vm1 =	veq.f32 v6, v3;
	v56 =	vmin.f32 v2, v7  }
0x116: {  	vm2 =	vgt.f32 v6, v3;
	v8 =	vsel vm1, v56, v2;
	v2 =	vcombine.low v5, v4  }
0x117: {  	v3 =	vmax.f32 v3, v6;
	v4 =	vimm.s32 $0xEFCDAB89;
	v5 =	vimm.s32 $0x67452301  }
0x118: {  	v4 =	vunpack.c.l.s4.s8 v4;
	v5 =	vunpack.c.l.s4.s8 v5;
	v2 =	vand.u32 $0xF, v2  }
0x119: {  	v6 =	vsel vm2, v7, v8;
	v7 =	vperm.xlane v3, v2  }
0x11a: {  	v8 =	vperm.xlane v6, v2;
	v4 =	vunpack.c.0.s8.s32 v4;
	v5 =	vunpack.c.0.s8.s32 v5;
	_ =	sdelay $0x1  }
0x11b: {  	vm1 =	veq.f32 v7, v3;
	v57 =	vmin.f32 v6, v8;
	v4 =	vcombine.low v5, v4  }
0x11c: {  	vm2 =	vgt.f32 v7, v3;
	v5 =	vsel vm1, v57, v6  }
0x11d: {  	v6 =	vmax.f32 v3, v7;
	v5 =	vsel vm2, v8, v5;
	v3 =	vand.u32 $0xF, v4  }
0x11e: {  	v4 =	vperm.xlane v6, v3;
	v7 =	vperm.xlane v5, v3;
	_ =	sdelay $0x1  }
0x11f: {  	vm1 =	veq.f32 v4, v6;
	v8 =	vmin.f32 v5, v7  }
0x120: {  	vm2 =	vgt.f32 v4, v6;
	v5 =	vsel vm1, v8, v5  }
0x121: {  	v5 =	vsel vm2, v7, v5  }
0x122: {  	(v2sf) =	vpush v5, $0x0;
	_ =	sdelay $0xe  }
0x123: {  	s31 =	spop (v2sf)  }
0x124: {  	s9 =	scvt.f32.s32 s31;
	_ =	sdelay $0x1  }
0x125: {  	s10 =	ssub.s32 s9, s4;
	p0 =	sgt.s32 s6, s9  }
0x126: {  	p1 =	sge.s32 s9, s4;
	s10 =	simm.s32 @!p0 $0x0  }
0x127: {  	s10 =	simm.s32 @!p1 $0x0  }
0x128: {  	v7 =	vld.msk [tilespmem:s10+$0x1600 ss:$0x0], $0xffff  }
0x129: {  	v58 =	vld.msk [tilespmem:s10+$0x1080 ss:$0x0], $0xffff  }
0x12a: {  	v59 =	vld.msk [tilespmem:s10+$0xB00 ss:$0x0], $0xffff  }
0x12b: {  	v10 =	vld.msk [tilespmem:s10+$0x580 ss:$0x0], $0xffff  }
0x12c: {  	vm1 =	vcmask $0x2F2C;
	v11 =	vld.msk [tilespmem:s10+$0x0 ss:$0x0], $0xffff  }
0x12d: {  	vm2 =	vcmask $0x3F2C;
	v12 =	vld.msk [tilespmem:s10+$0x3700 ss:$0x0], $0xffff;
	v7 =	vnsel vm1, $0x0, v7  }
0x12e: {  	vm3 =	vcmask $0x3F28;
	v60 =	vld.msk [tilespmem:s10+$0x3180 ss:$0x0], $0xffff;
	v7 =	vsel vm2, v7, v58  }
0x12f: {  	vm4 =	vcmask $0x3F24;
	v61 =	vld.msk [tilespmem:s10+$0x2C00 ss:$0x0], $0xffff;
	v7 =	vsel vm3, v7, v59  }
0x130: {  	vm5 =	vcmask $0x3F20;
	v62 =	vld.msk [tilespmem:s10+$0x2680 ss:$0x0], $0xffff;
	v7 =	vsel vm4, v7, v10  }
0x131: {  	vm6 =	vcmask $0x3F1C;
	v63 =	vld.msk [tilespmem:s10+$0x2100 ss:$0x0], $0xffff;
	v7 =	vsel vm5, v7, v11  }
0x132: {  	vm7 =	vcmask $0x3F18;
	v7 =	vsel vm6, v7, v12  }
0x133: {  	vm8 =	vcmask $0x3F14;
	v7 =	vsel vm7, v7, v60  }
0x134: {  	vm9 =	vcmask $0x3F10;
	v7 =	vsel vm8, v7, v61  }
0x135: {  	vm10 =	vcmask $0x3F0C;
	v7 =	vsel vm9, v7, v62  }
0x136: {  	vm11 =	vcmask $0x3F08;
	v7 =	vsel vm10, v7, v63  }
0x137: {  	v4 =	vmax.f32 v6, v4;
	v5 =	vsel vm11, v7, v5  }
0x138: {  	v4 =	vsel vm0, v4, v5  }
0x139: {  	s11 =	simm.s32 $0x4780;
	s12 =	simm.s32 $0x1;
	[tilespmem:$0x4780] =	vst v4  }
0x13a: {  	[spmem:s5] =	stream.linear.scatter [tilespmem:s11], [sflag:$0x1], $0x10, $0x38;
	[tilespmem:$0x4B20] =	vst v63  }
0x13b: {  	_ =	swait.ge [sflag:s12], $0x10  }
0x13c: {  	[sflag:s12] =	ssyncset.done $0x0  }
0x13d: {  	s13 =	simm.s32 $0x4800;
	s14 =	simm.s32 $0x0;
	[sflag:s12] =	ssyncadd.s32 $0xFFFFFFF0  }
0x13e: {  	s9 =	simm.s32 $0x0;
	p0 =	sne.s32 s2, $0x0;
	v4 =	vlaneseq.u32;
	[bflag:$0x0] =	sbarrier.arrive $0xFFFF  }
.LBB2_8:
0x13f: {  	s10 =	sshll.u32 s14, $0x8  }
0x140: {  	s10 =	sand.u32 $0x100, s10  }
0x141: {  	s10 =	sadd.s32 s10, s3  }
0x142: {  	[tilespmem:s13], [sflag:$0x1] =	stream.linear.gather [spmem:s10], $0x100, $0x38;
	[tilespmem:$0x4B20] =	vst v63  }
0x143: {  	_ =	swait.ge [sflag:s12], $0x100  }
0x144: {  	[sflag:s12] =	ssyncset.done $0x0  }
0x145: {  	s29 =	simm.s32 $0x0;
	[sflag:s12] =	ssyncadd.s32 $0xFFFFFF00  }
0x146: {  	v5 =	vld [tilespmem:s29+$0x4800];
	_ =	sdelay $0x4  }
0x147: {  	(v2sf) =	vpush v5, $0x0;
	_ =	sdelay $0x5  }
0x148: {  	s30 =	simm.s32 $0x10  }
0x149: {  	(v2sf) =	vpush v5, $0x1;
	v5 =	vld [tilespmem:s30+$0x4800]  }
0x14a: {  	s31 =	simm.s32 $0x20  }
0x14b: {  	v6 =	vld [tilespmem:s31+$0x4800];
	_ =	sdelay $0x2  }
0x14c: {  	(v2sf) =	vpush v5, $0x0  }
0x14d: {  	(v2sf) =	vpush v5, $0x1  }
0x14e: {  	(v2sf) =	vpush v6, $0x0  }
0x14f: {  	s16 =	spop (v2sf);
	(v2sf) =	vpush v6, $0x1;
	_ =	sdelay $0x3  }
0x150: {  	s18 =	simm.s32 $0x30  }
0x151: {  	v5 =	vld [tilespmem:s18+$0x4800]  }
0x152: {  	s15 =	simm.f32 $-2.000000000e+00;
	s17 =	simm.s32 $0x100  }
0x153: {  	s10 =	simm.f32 $1.073741820e+09;
	p1 =	seq.f32 s16, s15;
	s18 =	spop (v2sf)  }
.LBB2_9:
0x154: {  	s19 =	sshra.s32 s17, $0x2  }
0x155: {  	p3 =	sgt.f32 s16, s15;
	s20 =	smin.f32 s10, s18;
	p2 =	sne.s32 s17, $0x3C0  }
.Ltmp4:
0x156: {  	s17 =	sadd.s32 $0x40, s17;
	(v2sf) =	vpush v5, $0x0;
	s10 =	smov.u32 @p1 s20;
	(pc) =	sbr.rel @p2 .LBB2_9-.Ltmp4, $3  }
0x157: {  	(v2sf) =	vpush v5, $0x1;
	v5 =	vld [tilespmem:s19+$0x4800];
	s10 =	smov.u32 @p3 s18;
	_ =	sdelay $0x1  }
0x158: {  	s15 =	smax.f32 s15, s16;
	s16 =	spop (v2sf)  }
0x159: {  	p1 =	seq.f32 s16, s15;
	s18 =	spop (v2sf)  }
0x15a: {  	_ = 	snop  }
0x15b: {  	(v2sf) =	vpush v5, $0x0  }
0x15c: {  	(v2sf) =	vpush v5, $0x1;
	_ =	sdelay $0x6  }
0x15d: {  	p2 =	sgt.f32 s16, s15;
	s17 =	smin.f32 s10, s18  }
0x15e: {  	s26 =	spop (v2sf);
	s28 =	smax.f32 s15, s16;
	s10 =	smov.u32 @p1 s17  }
0x15f: {  	p1 =	seq.f32 s26, s28;
	s16 =	spop (v2sf);
	s10 =	smov.u32 @p2 s18  }
0x160: {  	p2 =	sgt.f32 s26, s28;
	s18 =	smin.f32 s10, s16  }
0x161: {  	s15 =	smax.f32 s28, s26;
	s10 =	smov.u32 @p1 s18;
	s29 =	spop (v2sf)  }
0x162: {  	s10 =	smov.u32 @p2 s16;
	p1 =	seq.f32 s29, s15;
	s17 =	spop (v2sf)  }
0x163: {  	p2 =	sgt.f32 s29, s15;
	s18 =	smin.f32 s10, s17  }
0x164: {  	s15 =	smax.f32 s15, s29;
	s10 =	smov.u32 @p1 s18;
	s30 =	spop (v2sf)  }
0x165: {  	s10 =	smov.u32 @p2 s17;
	p1 =	seq.f32 s30, s15;
	s16 =	spop (v2sf)  }
0x166: {  	p2 =	sgt.f32 s30, s15;
	s18 =	smin.f32 s10, s16  }
0x167: {  	s10 =	smov.u32 @p1 s18  }
0x168: {  	s10 =	smov.u32 @p2 s16  }
0x169: {  	s10 =	scvt.f32.s32 s10;
	_ =	sdelay $0x1  }
0x16a: {  	s31 =	smulhi.u32 $0x66666667, s10;
	s10 =	sshra.s32 s10, $0x1F  }
0x16b: {  	s10 =	smul.u32 $0x66666667, s10;
	_ =	sdelay $0x1  }
0x16c: {  	s10 =	sadd.s32 s10, s31  }
0x16d: {  	s16 =	sshrl.u32 s10, $0x1F;
	s10 =	sshra.s32 s10, $0x9  }
0x16e: {  	s10 =	sadd.s32 s16, s10  }
0x16f: {  	s10 =	sshll.u32 s10, $0x6  }
0x170: {  	s10 =	sshra.s32 s10, $0x2  }
0x171: {  	v5 =	vld [tilespmem:s10+$0x4800]  }
0x172: {  	s10 =	smax.f32 s15, s30  }
0x173: {  	p1 =	sge.f32 @!p0 s10, $0.0e+00;
	_ =	sdelay $0x1  }
0x174: {  	p1 =	por !p1, p0  }
0x175: {  	vm12 =	vcmask @!p1 $0x1310;
	(v2sf) =	vpush v5, $0x2;
	v6 =	vbroadcast @!p1 v5, $0xB  }
0x176: {  	v7 =	vbroadcast @!p1 v5, $0xA;
	v8 =	vbroadcast @!p1 v5, $0x9;
	(v2sf) =	vpush v5, $0x3  }
0x177: {  	(v2sf) =	vpush v5, $0x4;
	v6 =	vnsel @!p1 vm12, $0x0, v6;
	vm12 =	vcmask @!p1 $0x3F10  }
0x178: {  	v6 =	vsel @!p1 vm12, v6, v7;
	vm12 =	vcmask @!p1 $0x3F0C;
	v7 =	vbroadcast @!p1 v5, $0x8  }
0x179: {  	v6 =	vsel @!p1 vm12, v6, v8;
	vm12 =	vcmask @!p1 $0x3F08;
	v8 =	vbroadcast @!p1 v5, $0x7  }
0x17a: {  	s15 =	sshll.u32 @!p1 s9, $0x6;
	(v2sf) =	vpush v5, $0x5;
	v6 =	vsel @!p1 vm12, v6, v7;
	vm12 =	vcmask @!p1 $0x3F04  }
0x17b: {  	s15 =	sshra.s32 @!p1 s15, $0x2;
	(v2sf) =	vpush v5, $0x6;
	v5 =	vsel @!p1 vm12, v6, v8  }
0x17c: {  	s16 =	simm.s32 $0x0;
	[tilespmem:s15+$0x4900] =	vst @!p1 v5  }
0x17d: {  	v12 =	vld [tilespmem:s16+$0x3720]  }
0x17e: {  	v13 =	vld [tilespmem:s16+$0x3710]  }
0x17f: {  	v14 =	vld [tilespmem:s16+$0x2130]  }
0x180: {  	v15 =	vld [tilespmem:s16+$0x26B0]  }
0x181: {  	v16 =	vld [tilespmem:s16+$0x2C30]  }
0x182: {  	v17 =	vld [tilespmem:s16+$0x31B0]  }
0x183: {  	v18 =	vld [tilespmem:s16+$0x3700]  }
0x184: {  	v19 =	vld [tilespmem:s16+$0x2120]  }
0x185: {  	v20 =	vld [tilespmem:s16+$0x26A0]  }
0x186: {  	v21 =	vld [tilespmem:s16+$0x2C20]  }
0x187: {  	v22 =	vld [tilespmem:s16+$0x2110]  }
0x188: {  	p1 =	sge.f32 s10, $0.0e+00;
	v24 =	vld [tilespmem:s16+$0x2100]  }
0x189: {  	v25 =	vld [tilespmem:s16+$0x2680];
	s10 =	spop (v2sf)  }
0x18a: {  	v23 =	vld [tilespmem:s16+$0x2690];
	s15 =	spop (v2sf);
	s10 =	simm.s32 @!p1 $0x3F800000  }
0x18b: {  	v11 =	vimm.f32 $-1.000000000e+00;
	v6 =	vimm.f32 $1.073741820e+09;
	v26 =	vld [tilespmem:s16+$0x2C00];
	s17 =	spop (v2sf);
	s15 =	simm.s32 @!p1 $0x3F800000;
	v7 =	vmov s10  }
0x18c: {  	v27 =	vld [tilespmem:s16+$0x3180];
	s17 =	simm.s32 @!p1 $0x0;
	v8 =	vmov s15;
	v14 =	vmax.f32 v7, v14;
	v19 =	vmax.f32 v7, v19  }
0x18d: {  	v30 =	vld [tilespmem:s16+$0x31A0];
	s18 =	spop (v2sf);
	v24 =	vmax.f32 v7, v24;
	v22 =	vmax.f32 v7, v22;
	v9 =	vmov s17  }
0x18e: {  	v28 =	vld [tilespmem:s16+$0x2C10];
	s19 =	spop (v2sf);
	s18 =	simm.s32 @!p1 $0x0;
	v15 =	vmax.f32 v8, v15;
	v20 =	vmax.f32 v8, v20;
	v25 =	vmax.f32 v8, v25  }
0x18f: {  	v29 =	vld [tilespmem:s16+$0x3190];
	v23 =	vmax.f32 v8, v23;
	s19 =	simm.s32 @!p1 $0x3F800000;
	v10 =	vmov s18;
	v16 =	vmin.f32 v9, v16  }
0x190: {  	v31 =	vld [tilespmem:s16+$0x3730];
	v21 =	vmin.f32 v9, v21;
	v26 =	vmin.f32 v9, v26;
	v5 =	vmov s19  }
0x191: {  	v42 =	vld [tilespmem:s16+$0x3C80];
	s15 =	simm.s32 $0x40;
	v17 =	vmin.f32 v10, v17;
	v27 =	vmin.f32 v10, v27;
	v24 =	vsub.f32 v26, v24  }
0x192: {  	v32 =	vld [tilespmem:s15+$0x3720];
	v30 =	vmin.f32 v10, v30;
	v14 =	vsub.f32 v16, v14;
	v16 =	vsub.f32 v21, v19  }
0x193: {  	v33 =	vld [tilespmem:s15+$0x2C30];
	v13 =	vadd.f32 v13, v5;
	v25 =	vsub.f32 v27, v25;
	v27 =	vmin.f32 v9, v28  }
0x194: {  	v35 =	vld [tilespmem:s15+$0x2690];
	v12 =	vadd.f32 v12, v5;
	v28 =	vmin.f32 v10, v29;
	v22 =	vsub.f32 v27, v22  }
0x195: {  	v36 =	vld [tilespmem:s15+$0x2C10];
	v24 =	vmax.f32 v24, $0.0e+00;
	v23 =	vsub.f32 v28, v23;
	v25 =	vmax.f32 v25, $0.0e+00  }
0x196: {  	v39 =	vld [tilespmem:s15+$0x2100];
	v18 =	vadd.f32 v18, v5;
	v20 =	vsub.f32 v30, v20;
	v28 =	vmul.f32 v25, v24  }
0x197: {  	v40 =	vld [tilespmem:s15+$0x2680];
	v15 =	vsub.f32 v17, v15;
	v19 =	vmax.f32 v22, $0.0e+00;
	v22 =	vmax.f32 v23, $0.0e+00  }
0x198: {  	v58 =	vld [tilespmem:s15+$0x2C00];
	v14 =	vmax.f32 v14, $0.0e+00;
	v30 =	vmul.f32 v22, v19;
	v18 =	vsub.f32 v18, v28  }
0x199: {  	v43 =	vld [tilespmem:s15+$0x3180];
	v16 =	vmax.f32 v16, $0.0e+00;
	v17 =	vmax.f32 v20, $0.0e+00;
	v15 =	vmax.f32 v15, $0.0e+00  }
0x19a: {  	v26 =	vld [tilespmem:s15+$0x3710];
	v37 =	vmul.f32 v17, v16;
	v13 =	vsub.f32 v13, v30;
	v18 =	vadd.f32 $9.999999710e-10, v18  }
0x19b: {  	v29 =	vld [tilespmem:s15+$0x2130];
	v41 =	vmin.f32 v9, v33;
	v17 =	vadd.f32 v31, v5;
	v15 =	vmul.f32 v15, v14  }
0x19c: {  	v23 =	vld [tilespmem:s15+$0x2120];
	v12 =	vsub.f32 v12, v37;
	v13 =	vadd.f32 $9.999999710e-10, v13;
	(erf) = vrcp.f32 v18  }
0x19d: {  	v44 =	vmin.f32 v9, v36;
	v60 =	vmax.f32 v7, v39;
	v33 =	vmax.f32 v8, v40;
	v25 =	vld [tilespmem:s15+$0x2C20]  }
0x19e: {  	v31 =	vld [tilespmem:s15+$0x2110];
	v17 =	vsub.f32 v17, v15;
	v19 =	vadd.f32 $9.999999710e-10, v12;
	(erf) = vrcp.f32 v13  }
0x19f: {  	v36 =	vmin.f32 v10, v43;
	v16 =	vor.u32 s4, v4;
	v14 =	vor.u32 s8, v4;
	v22 =	vld [tilespmem:s15+$0x26A0]  }
0x1a0: {  	v21 =	vld [tilespmem:s15+$0x3700];
	v16 =	vcvt.s32.f32 v16;
	v20 =	vadd.f32 $9.999999710e-10, v17;
	(erf) = vrcp.f32 v19  }
0x1a1: {  	v27 =	vld [tilespmem:s15+$0x26B0];
	v14 =	vcvt.s32.f32 v14;
	v17 =	vadd.f32 v26, v5;
	v26 =	vmax.f32 v7, v29  }
0x1a2: {  	s10 =	sadd.s32 $0x30, s4;
	v24 =	vld [tilespmem:s15+$0x31B0];
	v23 =	vmax.f32 v7, v23;
	v25 =	vmin.f32 v9, v25;
	(erf) = vrcp.f32 v20  }
0x1a3: {  	v34 =	vld [tilespmem:s15+$0x31A0];
	v31 =	vmax.f32 v7, v31;
	v26 =	vsub.f32 v41, v26;
	v18 =	vor.u32 s10, v4  }
0x1a4: {  	v38 =	vld [tilespmem:s15+$0x3190];
	v22 =	vmax.f32 v8, v22;
	v31 =	vsub.f32 v44, v31;
	v13 =	vor.u32 s7, v4  }
0x1a5: {  	v12 =	vcvt.s32.f32 v18;
	v18 =	vcvt.s32.f32 v13;
	v13 =	vadd.f32 v32, v5;
	v29 =	vpop (erf)  }
0x1a6: {  	v19 =	vmax.f32 v8, v27;
	v27 =	vmax.f32 v8, v35;
	v59 =	vmul.f32 v29, v28;
	v29 =	vld [tilespmem:s16+$0x3C90]  }
0x1a7: {  	v32 =	vmin.f32 v9, v58;
	v20 =	vadd.f32 v21, v5;
	v21 =	vmin.f32 v10, v24;
	v61 =	vpop (erf)  }
0x1a8: {  	v24 =	vmin.f32 v10, v34;
	v62 =	vmul.f32 v61, v30;
	v30 =	vld [tilespmem:s16+$0x3CA0];
	vm12 =	vgt.f32 v59, $5.000000000e-01  }
0x1a9: {  	s14 =	sadd.s32 $0x1, s14;
	v35 =	vsub.f32 v32, v60;
	v28 =	vmin.f32 v10, v38;
	v63 =	vpop (erf);
	v34 =	vsel vm12, $0xBF800000, v42  }
0x1aa: {  	s17 =	smov.u32 s4;
	s18 =	simm.s32 $0x4;
	s19 =	simm.s32 $0x200;
	v32 =	vld [tilespmem:s16+$0x3CB0];
	v37 =	vmul.f32 v63, v37;
	vm13 =	vgt.f32 v62, $5.000000000e-01;
	[tilespmem:s16+$0x3C80] =	vst v34;
	vm12 =	vgt.f32 v34, v11  }
.LBB2_11:
0x1ab: {  	s20 =	sshra.s32 s19, $0x2;
	v38 =	vld [tilespmem:s15+$0x3730];
	v11 =	vsel vm12, v34, v11;
	v6 =	vsel vm12, v16, v6;
	v16 =	vsel vm13, $0xBF800000, v29;
	v29 =	vpop (erf)  }
0x1ac: {  	v34 =	vld [tilespmem:s20+$0x3720];
	[tilespmem:s16+$0x3C90] =	vst v16;
	vm12 =	vgt.f32 v16, v11;
	vm13 =	vgt.f32 v37, $5.000000000e-01;
	v15 =	vmul.f32 v29, v15  }
0x1ad: {  	v29 =	vld [tilespmem:s20+$0x3710];
	v11 =	vsel vm12, v16, v11;
	v6 =	vsel vm12, v18, v6;
	v16 =	vsel vm13, $0xBF800000, v30  }
0x1ae: {  	v18 =	vsub.f32 v36, v33;
	v30 =	vld [tilespmem:s20+$0x2130];
	[tilespmem:s16+$0x3CA0] =	vst v16;
	vm12 =	vgt.f32 v16, v11;
	vm13 =	vgt.f32 v15, $5.000000000e-01  }
0x1af: {  	v33 =	vld [tilespmem:s20+$0x26B0];
	v11 =	vsel vm12, v16, v11;
	v6 =	vsel vm12, v14, v6;
	v14 =	vsel vm13, $0xBF800000, v32  }
0x1b0: {  	v15 =	vmax.f32 v35, $0.0e+00;
	v16 =	vsub.f32 v28, v27;
	v32 =	vld [tilespmem:s20+$0x2C30];
	[tilespmem:s16+$0x3CB0] =	vst v14;
	vm12 =	vgt.f32 v14, v11;
	s16 =	smov.u32 s15;
	s15 =	smov.u32 s20  }
0x1b1: {  	v18 =	vmax.f32 v18, $0.0e+00;
	v27 =	vld [tilespmem:s15+$0x31B0];
	v11 =	vsel vm12, v14, v11;
	v6 =	vsel vm12, v12, v6  }
0x1b2: {  	v35 =	vmul.f32 v18, v15;
	v12 =	vsub.f32 v25, v23;
	v14 =	vsub.f32 v21, v19;
	v28 =	vld [tilespmem:s15+$0x3700]  }
0x1b3: {  	v15 =	vmax.f32 v31, $0.0e+00;
	v18 =	vsub.f32 v24, v22;
	v16 =	vmax.f32 v16, $0.0e+00;
	v21 =	vld [tilespmem:s15+$0x2120]  }
0x1b4: {  	v19 =	vsub.f32 v20, v35;
	v31 =	vmul.f32 v16, v15;
	v15 =	vmax.f32 v26, $0.0e+00;
	v22 =	vld [tilespmem:s15+$0x26A0]  }
0x1b5: {  	v16 =	vmax.f32 v18, $0.0e+00;
	v12 =	vmax.f32 v12, $0.0e+00;
	v14 =	vmax.f32 v14, $0.0e+00;
	v24 =	vld [tilespmem:s15+$0x2C20]  }
0x1b6: {  	s17 =	sadd.s32 $0x40, s17;
	v18 =	vadd.f32 $9.999999710e-10, v19;
	v17 =	vsub.f32 v17, v31;
	v37 =	vmul.f32 v16, v12;
	v26 =	vld [tilespmem:s15+$0x31A0]  }
0x1b7: {  	v12 =	vor.u32 s17, v4;
	v15 =	vmul.f32 v14, v15;
	v14 =	vadd.f32 v38, v5;
	v36 =	vld [tilespmem:s15+$0x2110]  }
0x1b8: {  	s21 =	sadd.s32 $0x30, s17;
	s20 =	sadd.s32 $0x20, s17;
	v17 =	vadd.f32 $9.999999710e-10, v17;
	v13 =	vsub.f32 v13, v37;
	v38 =	vld [tilespmem:s15+$0x2690];
	(erf) = vrcp.f32 v18  }
0x1b9: {  	v16 =	vcvt.s32.f32 v12;
	v12 =	vor.u32 s20, v4;
	v18 =	vor.u32 s21, v4;
	v39 =	vld [tilespmem:s15+$0x2C10]  }
0x1ba: {  	s20 =	sadd.s32 $0x10, s17;
	v19 =	vsub.f32 v14, v15;
	v13 =	vadd.f32 $9.999999710e-10, v13;
	v40 =	vld [tilespmem:s15+$0x3190];
	(erf) = vrcp.f32 v17  }
0x1bb: {  	v14 =	vcvt.s32.f32 v12;
	v12 =	vcvt.s32.f32 v18;
	v17 =	vor.u32 s20, v4;
	v41 =	vld [tilespmem:s15+$0x2100]  }
0x1bc: {  	v20 =	vadd.f32 $9.999999710e-10, v19;
	v18 =	vcvt.s32.f32 v17;
	v42 =	vld [tilespmem:s15+$0x2680];
	(erf) = vrcp.f32 v13  }
0x1bd: {  	v30 =	vmax.f32 v7, v30;
	v17 =	vadd.f32 v29, v5;
	v13 =	vadd.f32 v34, v5;
	v43 =	vld [tilespmem:s15+$0x2C00]  }
0x1be: {  	v32 =	vmin.f32 v9, v32;
	v19 =	vmax.f32 v8, v33;
	v34 =	vld [tilespmem:s15+$0x3180];
	(erf) = vrcp.f32 v20  }
0x1bf: {  	v23 =	vmax.f32 v7, v21;
	v21 =	vmin.f32 v10, v27;
	v20 =	vadd.f32 v28, v5  }
0x1c0: {  	s18 =	sadd.s32 $0x4, s18;
	v22 =	vmax.f32 v8, v22;
	v25 =	vmin.f32 v9, v24;
	v24 =	vmin.f32 v10, v26;
	v44 =	vld [tilespmem:s16+$0x3C80]  }
0x1c1: {  	p2 =	slt.u32 s18, $0x4C;
	v45 =	vmax.f32 v7, v36;
	v27 =	vmax.f32 v8, v38;
	v38 =	vmin.f32 v9, v39;
	v26 =	vpop (erf)  }
.Ltmp5:
0x1c2: {  	v28 =	vmin.f32 v10, v40;
	v39 =	vmax.f32 v7, v41;
	v35 =	vmul.f32 v26, v35;
	v29 =	vld [tilespmem:s16+$0x3C90];
	(pc) =	sbr.rel @p2 .LBB2_11-.Ltmp5, $4  }
0x1c3: {  	v33 =	vmax.f32 v8, v42;
	v40 =	vmin.f32 v9, v43;
	v36 =	vmin.f32 v10, v34;
	v34 =	vpop (erf)  }
0x1c4: {  	v26 =	vsub.f32 v32, v30;
	vm12 =	vgt.f32 v35, $5.000000000e-01;
	v32 =	vmul.f32 v34, v31;
	v30 =	vld [tilespmem:s16+$0x3CA0]  }
0x1c5: {  	v35 =	vsub.f32 v40, v39;
	v31 =	vsub.f32 v38, v45;
	v34 =	vsel vm12, $0xBF800000, v44;
	v38 =	vpop (erf)  }
0x1c6: {  	s19 =	sadd.s32 $0x100, s19;
	[tilespmem:s16+$0x3C80] =	vst v34;
	vm12 =	vgt.f32 v34, v11;
	vm13 =	vgt.f32 v32, $5.000000000e-01;
	v37 =	vmul.f32 v38, v37;
	v32 =	vld [tilespmem:s16+$0x3CB0]  }
0x1c7: {  	v7 =	vsub.f32 v36, v33  }
0x1c8: {  	v8 =	vmax.f32 v35, $0.0e+00  }
0x1c9: {  	v9 =	vsub.f32 v28, v27;
	v10 =	vsub.f32 v25, v23;
	v7 =	vmax.f32 v7, $0.0e+00  }
0x1ca: {  	v27 =	vld [tilespmem:s15+$0x3730];
	v28 =	vmax.f32 v31, $0.0e+00;
	v22 =	vsub.f32 v24, v22;
	v7 =	vmul.f32 v7, v8  }
0x1cb: {  	v19 =	vsub.f32 v21, v19;
	v9 =	vmax.f32 v9, $0.0e+00;
	v10 =	vmax.f32 v10, $0.0e+00  }
0x1cc: {  	v31 =	vmax.f32 v22, $0.0e+00;
	v9 =	vmul.f32 v9, v28;
	v20 =	vsub.f32 v20, v7  }
0x1cd: {  	v33 =	vmax.f32 v26, $0.0e+00;
	v10 =	vmul.f32 v31, v10  }
0x1ce: {  	v19 =	vmax.f32 v19, $0.0e+00;
	v17 =	vsub.f32 v17, v9;
	v20 =	vadd.f32 $9.999999710e-10, v20  }
0x1cf: {  	v19 =	vmul.f32 v19, v33;
	v5 =	vadd.f32 v27, v5;
	v13 =	vsub.f32 v13, v10  }
0x1d0: {  	v17 =	vadd.f32 $9.999999710e-10, v17;
	(erf) = vrcp.f32 v20  }
0x1d1: {  	v13 =	vadd.f32 $9.999999710e-10, v13;
	v5 =	vsub.f32 v5, v19  }
0x1d2: {  	v35 =	vpop (erf);
	(erf) = vrcp.f32 v17  }
0x1d3: {  	v8 =	vmul.f32 v35, v15;
	v5 =	vadd.f32 $9.999999710e-10, v5;
	(erf) = vrcp.f32 v13  }
0x1d4: {  	v11 =	vsel vm12, v34, v11;
	v36 =	vsel vm13, $0xBF800000, v29;
	vm14 =	vgt.f32 v37, $5.000000000e-01  }
0x1d5: {  	[tilespmem:s16+$0x3C90] =	vst v36;
	v37 =	vsel vm14, $0xBF800000, v30;
	vm13 =	vgt.f32 v8, $5.000000000e-01;
	(erf) = vrcp.f32 v5  }
0x1d6: {  	vm14 =	vgt.f32 v36, v11;
	[tilespmem:s16+$0x3CA0] =	vst v37;
	v8 =	vsel vm13, $0xBF800000, v32  }
0x1d7: {  	s29 =	sadd.s32 $0x40, s17;
	v11 =	vsel vm14, v36, v11;
	[tilespmem:s16+$0x3CB0] =	vst v8  }
0x1d8: {  	v6 =	vsel vm12, v16, v6;
	v39 =	vor.u32 s29, v4;
	s18 =	sadd.s32 $0x20, s29;
	vm13 =	vgt.f32 v37, v11;
	v5 =	vld [tilespmem:s15+$0x3C80]  }
0x1d9: {  	v43 =	vor.u32 s18, v4;
	v6 =	vsel vm14, v18, v6;
	v11 =	vsel vm13, v37, v11;
	v38 =	vpop (erf)  }
0x1da: {  	v6 =	vsel vm13, v14, v6;
	vm12 =	vgt.f32 v8, v11;
	v40 =	vld [tilespmem:s15+$0x3C90];
	v7 =	vmul.f32 v38, v7  }
0x1db: {  	v51 =	vcvt.s32.f32 v43;
	v8 =	vsel vm12, v8, v11;
	v6 =	vsel vm12, v12, v6;
	v41 =	vpop (erf)  }
0x1dc: {  	s17 =	sadd.s32 $0x10, s29;
	v42 =	vld [tilespmem:s15+$0x3CA0];
	v11 =	vcvt.s32.f32 v39;
	v9 =	vmul.f32 v41, v9;
	v45 =	vpop (erf);
	vm12 =	vgt.f32 v7, $5.000000000e-01  }
0x1dd: {  	v7 =	vor.u32 s17, v4;
	v46 =	vmul.f32 v45, v10;
	v5 =	vsel vm12, $0xBF800000, v5  }
0x1de: {  	v47 =	vld [tilespmem:s15+$0x3CB0];
	v49 =	vpop (erf);
	v7 =	vcvt.s32.f32 v7;
	vm13 =	vgt.f32 v9, $5.000000000e-01;
	vm12 =	vgt.f32 v5, v8  }
0x1df: {  	v50 =	vmul.f32 v49, v19;
	[tilespmem:s15+$0x3C80] =	vst v5;
	v48 =	vsel vm13, $0xBF800000, v40;
	v5 =	vsel vm12, v5, v8  }
0x1e0: {  	s16 =	sadd.s32 $0x30, s29;
	vm13 =	vgt.f32 v46, $5.000000000e-01;
	v6 =	vsel vm12, v11, v6;
	vm12 =	vgt.f32 v48, v5  }
0x1e1: {  	v44 =	vor.u32 s16, v4;
	v12 =	vsel vm13, $0xBF800000, v42;
	v5 =	vsel vm12, v48, v5  }
0x1e2: {  	vm13 =	vgt.f32 v50, $5.000000000e-01;
	v6 =	vsel vm12, v7, v6;
	vm12 =	vgt.f32 v12, v5  }
0x1e3: {  	v9 =	vsel vm13, $0xBF800000, v47;
	v7 =	vcvt.s32.f32 v44;
	v5 =	vsel vm12, v12, v5  }
0x1e4: {  	v6 =	vsel vm12, v51, v6;
	vm12 =	vgt.f32 v9, v5  }
0x1e5: {  	v5 =	vsel vm12, v9, v5;
	v6 =	vsel vm12, v7, v6  }
0x1e6: {  	v7 =	vperm.xlane v5, v0;
	v52 =	vperm.xlane v6, v0;
	_ =	sdelay $0x1  }
0x1e7: {  	vm12 =	veq.f32 v7, v5;
	v53 =	vmin.f32 v6, v52  }
0x1e8: {  	vm13 =	vgt.f32 v7, v5;
	v6 =	vsel vm12, v53, v6  }
0x1e9: {  	v5 =	vmax.f32 v5, v7;
	v6 =	vsel vm13, v52, v6  }
0x1ea: {  	v7 =	vperm.xlane v5, v1;
	v10 =	vperm.xlane v6, v1;
	_ =	sdelay $0x1  }
0x1eb: {  	vm12 =	veq.f32 v7, v5;
	v54 =	vmin.f32 v6, v10  }
0x1ec: {  	vm13 =	vgt.f32 v7, v5;
	v6 =	vsel vm12, v54, v6  }
0x1ed: {  	v5 =	vmax.f32 v5, v7;
	v6 =	vsel vm13, v10, v6  }
0x1ee: {  	v7 =	vperm.xlane v5, v2;
	v10 =	vperm.xlane v6, v2;
	_ =	sdelay $0x1  }
0x1ef: {  	vm12 =	veq.f32 v7, v5;
	v55 =	vmin.f32 v6, v10  }
0x1f0: {  	vm13 =	vgt.f32 v7, v5;
	v6 =	vsel vm12, v55, v6  }
0x1f1: {  	v5 =	vmax.f32 v5, v7;
	v6 =	vsel vm13, v10, v6  }
0x1f2: {  	v7 =	vperm.xlane v5, v3;
	v10 =	vperm.xlane v6, v3;
	_ =	sdelay $0x1  }
0x1f3: {  	vm12 =	veq.f32 v7, v5;
	v56 =	vmin.f32 v6, v10  }
0x1f4: {  	vm13 =	vgt.f32 v7, v5;
	v6 =	vsel vm12, v56, v6  }
0x1f5: {  	v6 =	vsel vm13, v10, v6  }
0x1f6: {  	(v2sf) =	vpush v6, $0x0;
	_ =	sdelay $0xe  }
0x1f7: {  	s30 =	spop (v2sf)  }
0x1f8: {  	s16 =	scvt.f32.s32 s30;
	_ =	sdelay $0x1  }
0x1f9: {  	[tilespmem:s15+$0x3C90] =	vst v48;
	s17 =	ssub.s32 s16, s4;
	p2 =	sgt.s32 s6, s16  }
0x1fa: {  	[tilespmem:s15+$0x3CA0] =	vst v12;
	p3 =	sge.s32 s16, s4;
	s17 =	simm.s32 @!p2 $0x0  }
0x1fb: {  	[tilespmem:s15+$0x3CB0] =	vst v9;
	s17 =	simm.s32 @!p3 $0x0  }
0x1fc: {  	v8 =	vld.msk [tilespmem:s17+$0x1600 ss:$0x0], $0xffff  }
0x1fd: {  	v9 =	vld.msk [tilespmem:s17+$0x1080 ss:$0x0], $0xffff  }
0x1fe: {  	v57 =	vld.msk [tilespmem:s17+$0xB00 ss:$0x0], $0xffff  }
0x1ff: {  	v58 =	vld.msk [tilespmem:s17+$0x580 ss:$0x0], $0xffff  }
0x200: {  	v12 =	vld.msk [tilespmem:s17+$0x0 ss:$0x0], $0xffff  }
0x201: {  	v59 =	vld.msk [tilespmem:s17+$0x3700 ss:$0x0], $0xffff;
	v8 =	vnsel vm1, $0x0, v8  }
0x202: {  	v60 =	vld.msk [tilespmem:s17+$0x3180 ss:$0x0], $0xffff;
	v8 =	vsel vm2, v8, v9  }
0x203: {  	v61 =	vld.msk [tilespmem:s17+$0x2C00 ss:$0x0], $0xffff;
	v8 =	vsel vm3, v8, v57  }
0x204: {  	v62 =	vld.msk [tilespmem:s17+$0x2680 ss:$0x0], $0xffff;
	v8 =	vsel vm4, v8, v58  }
0x205: {  	v63 =	vld.msk [tilespmem:s17+$0x2100 ss:$0x0], $0xffff;
	v8 =	vsel vm5, v8, v12  }
0x206: {  	v8 =	vsel vm6, v8, v59  }
0x207: {  	v8 =	vsel vm7, v8, v60  }
0x208: {  	v8 =	vsel vm8, v8, v61  }
0x209: {  	v8 =	vsel vm9, v8, v62  }
0x20a: {  	v8 =	vsel vm10, v8, v63  }
0x20b: {  	s31 =	sshll.u32 s14, $0x8;
	v5 =	vmax.f32 v5, v7;
	v6 =	vsel vm11, v8, v6  }
0x20c: {  	s15 =	sand.u32 $0x100, s31;
	v5 =	vsel vm0, v5, v6  }
0x20d: {  	s15 =	sadd.s32 s15, s5;
	[tilespmem:$0x4780] =	vst v5  }
0x20e: {  	[spmem:s15] =	stream.linear.scatter [tilespmem:s11], [sflag:$0x1], $0x10, $0x38;
	[tilespmem:$0x4B20] =	vst v63  }
0x20f: {  	s15 =	simm.s32 $0x1  }
0x210: {  	s15 =	simm.s32 @!p1 $0x0;
	p1 =	sne.s32 s14, $0xF  }
.Ltmp6:
0x211: {  	_ =	swait.ge [sflag:s12], $0x10;
	(pc) =	sbr.rel @p1 .LBB2_8-.Ltmp6, $4  }
0x212: {  	[sflag:s12] =	ssyncset.done $0x0  }
0x213: {  	[sflag:s12] =	ssyncadd.s32 $0xFFFFFFF0  }
0x214: {  	[bflag:$0x0] =	sbarrier.arrive $0xFFFF  }
0x215: {  	s9 =	sadd.s32 s15, s9  }
0x216: {  	s11 =	simm.s32 $0x4220  }
0x217: {  	v2 =	vld [tilespmem:s11+$0xFFFFFFE0];
	_ =	sdelay $0x1  }
0x218: {  	v0 =	vlaneseq.u32;
	v3 =	vld [tilespmem:s11+$0xFFFFFFF0]  }
0x219: {  	v1 =	vor.u32 s4, v0  }
0x21a: {  	v4 =	vimm.f32 $-1.000000000e+00;
	v6 =	vcvt.s32.f32 v1;
	v1 =	vld [tilespmem:s11+$0x0]  }
0x21b: {  	v7 =	vimm.f32 $1.073741820e+09;
	v8 =	vor.u32 s7, v0;
	vm12 =	vgt.f32 v2, v4  }
0x21c: {  	v5 =	vsel vm12, v2, v4;
	v4 =	vsel vm12, v6, v7;
	v6 =	vcvt.s32.f32 v8;
	v2 =	vld [tilespmem:s11+$0x10]  }
0x21d: {  	s12 =	simm.s32 $0x0;
	s13 =	simm.s32 $0x4260;
	v7 =	vor.u32 s8, v0;
	s11 =	smov.u32 s4;
	vm12 =	vgt.f32 v3, v5  }
.LBB2_14:
0x21e: {  	v8 =	vld [tilespmem:s13+$0xFFFFFFE0];
	s12 =	sadd.s32 $0x4, s12;
	v5 =	vsel vm12, v3, v5;
	v4 =	vsel vm12, v6, v4;
	v6 =	vcvt.s32.f32 v7;
	s14 =	sadd.s32 $0x30, s11  }
0x21f: {  	p1 =	slt.u32 s12, $0x4C;
	vm12 =	vgt.f32 v1, v5;
	v7 =	vor.u32 s14, v0  }
0x220: {  	s11 =	sadd.s32 $0x40, s11;
	v3 =	vld [tilespmem:s13+$0xFFFFFFF0];
	v5 =	vsel vm12, v1, v5;
	v4 =	vsel vm12, v6, v4;
	v6 =	vcvt.s32.f32 v7  }
.Ltmp7:
0x221: {  	v1 =	vor.u32 s11, v0;
	vm12 =	vgt.f32 v2, v5;
	(pc) =	sbr.rel @p1 .LBB2_14-.Ltmp7, $4  }
0x222: {  	s14 =	sadd.s32 $0x10, s11;
	v7 =	vcvt.s32.f32 v1;
	v1 =	vld [tilespmem:s13+$0x0];
	v2 =	vsel vm12, v2, v5;
	v4 =	vsel vm12, v6, v4  }
0x223: {  	v6 =	vor.u32 s14, v0;
	vm12 =	vgt.f32 v8, v2  }
0x224: {  	s14 =	sadd.s32 $0x20, s11;
	v6 =	vcvt.s32.f32 v6;
	v5 =	vsel vm12, v8, v2;
	v4 =	vsel vm12, v7, v4;
	v2 =	vld [tilespmem:s13+$0x10]  }
0x225: {  	v7 =	vor.u32 s14, v0;
	s13 =	sadd.s32 $0x40, s13;
	vm12 =	vgt.f32 v3, v5  }
0x226: {  	v8 =	vimm.s32 $0xFEDCBA98;
	v9 =	vimm.s32 $0x76543210;
	v3 =	vsel vm12, v3, v5  }
0x227: {  	v4 =	vsel vm12, v6, v4;
	v6 =	vcvt.s32.f32 v7;
	s11 =	sadd.s32 $0x30, s11;
	v8 =	vunpack.c.l.s4.s8 v8  }
0x228: {  	v5 =	vunpack.c.l.s4.s8 v9;
	vm12 =	vgt.f32 v1, v3;
	v0 =	vor.u32 s11, v0  }
0x229: {  	v1 =	vsel vm12, v1, v3;
	v3 =	vcvt.s32.f32 v0;
	v7 =	vunpack.c.0.s8.s32 v8  }
0x22a: {  	v4 =	vsel vm12, v6, v4;
	v5 =	vunpack.c.0.s8.s32 v5;
	vm12 =	vgt.f32 v2, v1  }
0x22b: {  	v1 =	vsel vm12, v2, v1;
	v2 =	vsel vm12, v3, v4;
	v0 =	vand.u32 $0xF, v7  }
0x22c: {  	v4 =	vimm.s32 $0xBA98FEDC;
	v0 =	vcombine.low v0, v5;
	v5 =	vimm.s32 $0x32107654  }
0x22d: {  	v4 =	vunpack.c.l.s4.s8 v4;
	v5 =	vunpack.c.l.s4.s8 v5  }
0x22e: {  	v3 =	vperm.xlane v1, v0;
	v6 =	vperm.xlane v2, v0  }
0x22f: {  	v4 =	vunpack.c.0.s8.s32 v4;
	v5 =	vunpack.c.0.s8.s32 v5  }
0x230: {  	vm12 =	veq.f32 v3, v1;
	v7 =	vmin.f32 v2, v6;
	vm13 =	vgt.f32 v3, v1  }
0x231: {  	v3 =	vmax.f32 v1, v3;
	v2 =	vsel vm12, v7, v2;
	v4 =	vcombine.low v5, v4  }
0x232: {  	v5 =	vimm.s32 $0xDCFE98BA;
	v2 =	vsel vm13, v6, v2;
	v6 =	vimm.s32 $0x54761032  }
0x233: {  	v1 =	vand.u32 $0xF, v4;
	v4 =	vunpack.c.l.s4.s8 v5;
	v5 =	vunpack.c.l.s4.s8 v6  }
0x234: {  	v6 =	vperm.xlane v3, v1;
	v7 =	vperm.xlane v2, v1  }
0x235: {  	v4 =	vunpack.c.0.s8.s32 v4;
	v5 =	vunpack.c.0.s8.s32 v5  }
0x236: {  	vm12 =	veq.f32 v6, v3;
	v56 =	vmin.f32 v2, v7  }
0x237: {  	vm13 =	vgt.f32 v6, v3;
	v8 =	vsel vm12, v56, v2;
	v2 =	vcombine.low v5, v4  }
0x238: {  	v3 =	vmax.f32 v3, v6;
	v4 =	vimm.s32 $0xEFCDAB89;
	v5 =	vimm.s32 $0x67452301  }
0x239: {  	v4 =	vunpack.c.l.s4.s8 v4;
	v5 =	vunpack.c.l.s4.s8 v5;
	v2 =	vand.u32 $0xF, v2  }
0x23a: {  	v6 =	vsel vm13, v7, v8;
	v7 =	vperm.xlane v3, v2  }
0x23b: {  	v8 =	vperm.xlane v6, v2;
	v4 =	vunpack.c.0.s8.s32 v4;
	v5 =	vunpack.c.0.s8.s32 v5;
	_ =	sdelay $0x1  }
0x23c: {  	vm12 =	veq.f32 v7, v3;
	v57 =	vmin.f32 v6, v8;
	v4 =	vcombine.low v5, v4  }
0x23d: {  	vm13 =	vgt.f32 v7, v3;
	v5 =	vsel vm12, v57, v6  }
0x23e: {  	v6 =	vmax.f32 v3, v7;
	v5 =	vsel vm13, v8, v5;
	v3 =	vand.u32 $0xF, v4  }
0x23f: {  	v4 =	vperm.xlane v6, v3;
	v7 =	vperm.xlane v5, v3;
	_ =	sdelay $0x1  }
0x240: {  	vm12 =	veq.f32 v4, v6;
	v8 =	vmin.f32 v5, v7  }
0x241: {  	vm13 =	vgt.f32 v4, v6;
	v5 =	vsel vm12, v8, v5  }
0x242: {  	v5 =	vsel vm13, v7, v5  }
0x243: {  	(v2sf) =	vpush v5, $0x0;
	_ =	sdelay $0xe  }
0x244: {  	s31 =	spop (v2sf)  }
0x245: {  	s11 =	scvt.f32.s32 s31;
	_ =	sdelay $0x1  }
0x246: {  	s12 =	ssub.s32 s11, s4;
	p1 =	sgt.s32 s6, s11  }
0x247: {  	p2 =	sge.s32 s11, s4;
	s12 =	simm.s32 @!p1 $0x0  }
0x248: {  	s12 =	simm.s32 @!p2 $0x0  }
0x249: {  	v7 =	vld.msk [tilespmem:s12+$0x1600 ss:$0x0], $0xffff  }
0x24a: {  	v58 =	vld.msk [tilespmem:s12+$0x1080 ss:$0x0], $0xffff  }
0x24b: {  	v59 =	vld.msk [tilespmem:s12+$0xB00 ss:$0x0], $0xffff  }
0x24c: {  	v10 =	vld.msk [tilespmem:s12+$0x580 ss:$0x0], $0xffff  }
0x24d: {  	v11 =	vld.msk [tilespmem:s12+$0x0 ss:$0x0], $0xffff  }
0x24e: {  	v12 =	vld.msk [tilespmem:s12+$0x3700 ss:$0x0], $0xffff;
	v7 =	vnsel vm1, $0x0, v7  }
0x24f: {  	v60 =	vld.msk [tilespmem:s12+$0x3180 ss:$0x0], $0xffff;
	v7 =	vsel vm2, v7, v58  }
0x250: {  	v61 =	vld.msk [tilespmem:s12+$0x2C00 ss:$0x0], $0xffff;
	v7 =	vsel vm3, v7, v59  }
0x251: {  	v62 =	vld.msk [tilespmem:s12+$0x2680 ss:$0x0], $0xffff;
	v7 =	vsel vm4, v7, v10  }
0x252: {  	v63 =	vld.msk [tilespmem:s12+$0x2100 ss:$0x0], $0xffff;
	v7 =	vsel vm5, v7, v11  }
0x253: {  	v7 =	vsel vm6, v7, v12  }
0x254: {  	v7 =	vsel vm7, v7, v60  }
0x255: {  	v7 =	vsel vm8, v7, v61  }
0x256: {  	v7 =	vsel vm9, v7, v62  }
0x257: {  	v7 =	vsel vm10, v7, v63  }
0x258: {  	v4 =	vmax.f32 v6, v4;
	v5 =	vsel vm11, v7, v5  }
0x259: {  	v4 =	vsel vm0, v4, v5  }
0x25a: {  	s11 =	simm.s32 $0x4780;
	s12 =	simm.s32 $0x1;
	[tilespmem:$0x4780] =	vst v4  }
0x25b: {  	[spmem:s5] =	stream.linear.scatter [tilespmem:s11], [sflag:$0x1], $0x10, $0x38;
	[tilespmem:$0x4B20] =	vst v63  }
0x25c: {  	_ =	swait.ge [sflag:s12], $0x10  }
0x25d: {  	[sflag:s12] =	ssyncset.done $0x0  }
0x25e: {  	[sflag:s12] =	ssyncadd.s32 $0xFFFFFFF0  }
0x25f: {  	s13 =	simm.s32 $0x0;
	s14 =	simm.s32 $0x4800;
	v4 =	vlaneseq.u32;
	[bflag:$0x0] =	sbarrier.arrive $0xFFFF  }
.LBB2_16:
0x260: {  	s15 =	sshll.u32 s13, $0x8  }
0x261: {  	s15 =	sand.u32 $0x100, s15  }
0x262: {  	s15 =	sadd.s32 s15, s3  }
0x263: {  	[tilespmem:s14], [sflag:$0x1] =	stream.linear.gather [spmem:s15], $0x100, $0x38;
	[tilespmem:$0x4B20] =	vst v63  }
0x264: {  	_ =	swait.ge [sflag:s12], $0x100  }
0x265: {  	[sflag:s12] =	ssyncset.done $0x0  }
0x266: {  	s29 =	simm.s32 $0x0;
	[sflag:s12] =	ssyncadd.s32 $0xFFFFFF00  }
0x267: {  	v5 =	vld [tilespmem:s29+$0x4800];
	_ =	sdelay $0x4  }
0x268: {  	(v2sf) =	vpush v5, $0x0;
	_ =	sdelay $0x5  }
0x269: {  	s30 =	simm.s32 $0x10  }
0x26a: {  	(v2sf) =	vpush v5, $0x1;
	v5 =	vld [tilespmem:s30+$0x4800]  }
0x26b: {  	s31 =	simm.s32 $0x20  }
0x26c: {  	v6 =	vld [tilespmem:s31+$0x4800];
	_ =	sdelay $0x2  }
0x26d: {  	(v2sf) =	vpush v5, $0x0  }
0x26e: {  	(v2sf) =	vpush v5, $0x1  }
0x26f: {  	(v2sf) =	vpush v6, $0x0  }
0x270: {  	s17 =	spop (v2sf);
	(v2sf) =	vpush v6, $0x1;
	_ =	sdelay $0x3  }
0x271: {  	s19 =	simm.s32 $0x30  }
0x272: {  	v5 =	vld [tilespmem:s19+$0x4800]  }
0x273: {  	s16 =	simm.f32 $-2.000000000e+00;
	s18 =	simm.s32 $0x100  }
0x274: {  	s15 =	simm.f32 $1.073741820e+09;
	p1 =	seq.f32 s17, s16;
	s19 =	spop (v2sf)  }
.LBB2_17:
0x275: {  	s20 =	sshra.s32 s18, $0x2  }
0x276: {  	p3 =	sgt.f32 s17, s16;
	s21 =	smin.f32 s15, s19;
	p2 =	sne.s32 s18, $0x3C0  }
.Ltmp8:
0x277: {  	s18 =	sadd.s32 $0x40, s18;
	(v2sf) =	vpush v5, $0x0;
	s15 =	smov.u32 @p1 s21;
	(pc) =	sbr.rel @p2 .LBB2_17-.Ltmp8, $3  }
0x278: {  	(v2sf) =	vpush v5, $0x1;
	v5 =	vld [tilespmem:s20+$0x4800];
	s15 =	smov.u32 @p3 s19;
	_ =	sdelay $0x1  }
0x279: {  	s16 =	smax.f32 s16, s17;
	s17 =	spop (v2sf)  }
0x27a: {  	p1 =	seq.f32 s17, s16;
	s19 =	spop (v2sf)  }
0x27b: {  	_ = 	snop  }
0x27c: {  	(v2sf) =	vpush v5, $0x0  }
0x27d: {  	(v2sf) =	vpush v5, $0x1;
	_ =	sdelay $0x6  }
0x27e: {  	p2 =	sgt.f32 s17, s16;
	s18 =	smin.f32 s15, s19  }
0x27f: {  	s26 =	spop (v2sf);
	s28 =	smax.f32 s16, s17;
	s15 =	smov.u32 @p1 s18  }
0x280: {  	p1 =	seq.f32 s26, s28;
	s17 =	spop (v2sf);
	s15 =	smov.u32 @p2 s19  }
0x281: {  	p2 =	sgt.f32 s26, s28;
	s19 =	smin.f32 s15, s17  }
0x282: {  	s16 =	smax.f32 s28, s26;
	s15 =	smov.u32 @p1 s19;
	s29 =	spop (v2sf)  }
0x283: {  	s15 =	smov.u32 @p2 s17;
	p1 =	seq.f32 s29, s16;
	s18 =	spop (v2sf)  }
0x284: {  	p2 =	sgt.f32 s29, s16;
	s19 =	smin.f32 s15, s18  }
0x285: {  	s16 =	smax.f32 s16, s29;
	s15 =	smov.u32 @p1 s19;
	s30 =	spop (v2sf)  }
0x286: {  	s15 =	smov.u32 @p2 s18;
	p1 =	seq.f32 s30, s16;
	s17 =	spop (v2sf)  }
0x287: {  	p2 =	sgt.f32 s30, s16;
	s19 =	smin.f32 s15, s17  }
0x288: {  	s15 =	smov.u32 @p1 s19  }
0x289: {  	s15 =	smov.u32 @p2 s17  }
0x28a: {  	s15 =	scvt.f32.s32 s15;
	_ =	sdelay $0x1  }
0x28b: {  	s31 =	smulhi.u32 $0x66666667, s15;
	s15 =	sshra.s32 s15, $0x1F  }
0x28c: {  	s15 =	smul.u32 $0x66666667, s15;
	_ =	sdelay $0x1  }
0x28d: {  	s15 =	sadd.s32 s15, s31  }
0x28e: {  	s17 =	sshrl.u32 s15, $0x1F;
	s15 =	sshra.s32 s15, $0x9  }
0x28f: {  	s15 =	sadd.s32 s17, s15  }
0x290: {  	s15 =	sshll.u32 s15, $0x6  }
0x291: {  	s15 =	sshra.s32 s15, $0x2  }
0x292: {  	v5 =	vld [tilespmem:s15+$0x4800]  }
0x293: {  	s15 =	smax.f32 s16, s30  }
0x294: {  	p1 =	sge.f32 @!p0 s15, $0.0e+00;
	_ =	sdelay $0x1  }
0x295: {  	p1 =	por !p1, p0  }
0x296: {  	vm12 =	vcmask @!p1 $0x1310;
	(v2sf) =	vpush v5, $0x2;
	v6 =	vbroadcast @!p1 v5, $0xB  }
0x297: {  	v7 =	vbroadcast @!p1 v5, $0xA;
	v8 =	vbroadcast @!p1 v5, $0x9;
	(v2sf) =	vpush v5, $0x3  }
0x298: {  	(v2sf) =	vpush v5, $0x4;
	v6 =	vnsel @!p1 vm12, $0x0, v6;
	vm12 =	vcmask @!p1 $0x3F10  }
0x299: {  	v6 =	vsel @!p1 vm12, v6, v7;
	vm12 =	vcmask @!p1 $0x3F0C;
	v7 =	vbroadcast @!p1 v5, $0x8  }
0x29a: {  	v6 =	vsel @!p1 vm12, v6, v8;
	vm12 =	vcmask @!p1 $0x3F08;
	v8 =	vbroadcast @!p1 v5, $0x7  }
0x29b: {  	s16 =	sshll.u32 @!p1 s9, $0x6;
	(v2sf) =	vpush v5, $0x5;
	v6 =	vsel @!p1 vm12, v6, v7;
	vm12 =	vcmask @!p1 $0x3F04  }
0x29c: {  	s16 =	sshra.s32 @!p1 s16, $0x2;
	(v2sf) =	vpush v5, $0x6;
	v5 =	vsel @!p1 vm12, v6, v8  }
0x29d: {  	[tilespmem:s16+$0x4900] =	vst @!p1 v5;
	s16 =	simm.s32 $0x0  }
0x29e: {  	v12 =	vld [tilespmem:s16+$0x3720]  }
0x29f: {  	v13 =	vld [tilespmem:s16+$0x3710]  }
0x2a0: {  	v14 =	vld [tilespmem:s16+$0x2130]  }
0x2a1: {  	v15 =	vld [tilespmem:s16+$0x26B0]  }
0x2a2: {  	v16 =	vld [tilespmem:s16+$0x2C30]  }
0x2a3: {  	v17 =	vld [tilespmem:s16+$0x31B0]  }
0x2a4: {  	v18 =	vld [tilespmem:s16+$0x3700]  }
0x2a5: {  	v19 =	vld [tilespmem:s16+$0x2120]  }
0x2a6: {  	v20 =	vld [tilespmem:s16+$0x26A0]  }
0x2a7: {  	v21 =	vld [tilespmem:s16+$0x2C20]  }
0x2a8: {  	v22 =	vld [tilespmem:s16+$0x2110]  }
0x2a9: {  	p1 =	sge.f32 s15, $0.0e+00;
	v24 =	vld [tilespmem:s16+$0x2100]  }
0x2aa: {  	v25 =	vld [tilespmem:s16+$0x2680];
	s15 =	spop (v2sf)  }
0x2ab: {  	v23 =	vld [tilespmem:s16+$0x2690];
	s17 =	spop (v2sf);
	s15 =	simm.s32 @!p1 $0x3F800000  }
0x2ac: {  	v11 =	vimm.f32 $-1.000000000e+00;
	v6 =	vimm.f32 $1.073741820e+09;
	v26 =	vld [tilespmem:s16+$0x2C00];
	s18 =	spop (v2sf);
	s17 =	simm.s32 @!p1 $0x3F800000;
	v7 =	vmov s15  }
0x2ad: {  	v27 =	vld [tilespmem:s16+$0x3180];
	s18 =	simm.s32 @!p1 $0x0;
	v8 =	vmov s17;
	v14 =	vmax.f32 v7, v14;
	v19 =	vmax.f32 v7, v19  }
0x2ae: {  	v30 =	vld [tilespmem:s16+$0x31A0];
	s19 =	spop (v2sf);
	v24 =	vmax.f32 v7, v24;
	v22 =	vmax.f32 v7, v22;
	v9 =	vmov s18  }
0x2af: {  	v28 =	vld [tilespmem:s16+$0x2C10];
	s20 =	spop (v2sf);
	s19 =	simm.s32 @!p1 $0x0;
	v15 =	vmax.f32 v8, v15;
	v20 =	vmax.f32 v8, v20;
	v25 =	vmax.f32 v8, v25  }
0x2b0: {  	v29 =	vld [tilespmem:s16+$0x3190];
	v23 =	vmax.f32 v8, v23;
	s20 =	simm.s32 @!p1 $0x3F800000;
	v10 =	vmov s19;
	v16 =	vmin.f32 v9, v16  }
0x2b1: {  	v31 =	vld [tilespmem:s16+$0x3730];
	v21 =	vmin.f32 v9, v21;
	v26 =	vmin.f32 v9, v26;
	v5 =	vmov s20  }
0x2b2: {  	v42 =	vld [tilespmem:s16+$0x4200];
	s15 =	simm.s32 $0x40;
	v17 =	vmin.f32 v10, v17;
	v27 =	vmin.f32 v10, v27;
	v24 =	vsub.f32 v26, v24  }
0x2b3: {  	v32 =	vld [tilespmem:s15+$0x3720];
	v30 =	vmin.f32 v10, v30;
	v14 =	vsub.f32 v16, v14;
	v16 =	vsub.f32 v21, v19  }
0x2b4: {  	v33 =	vld [tilespmem:s15+$0x2C30];
	v13 =	vadd.f32 v13, v5;
	v25 =	vsub.f32 v27, v25;
	v27 =	vmin.f32 v9, v28  }
0x2b5: {  	v35 =	vld [tilespmem:s15+$0x2690];
	v12 =	vadd.f32 v12, v5;
	v28 =	vmin.f32 v10, v29;
	v22 =	vsub.f32 v27, v22  }
0x2b6: {  	v36 =	vld [tilespmem:s15+$0x2C10];
	v24 =	vmax.f32 v24, $0.0e+00;
	v23 =	vsub.f32 v28, v23;
	v25 =	vmax.f32 v25, $0.0e+00  }
0x2b7: {  	v39 =	vld [tilespmem:s15+$0x2100];
	v18 =	vadd.f32 v18, v5;
	v20 =	vsub.f32 v30, v20;
	v28 =	vmul.f32 v25, v24  }
0x2b8: {  	v40 =	vld [tilespmem:s15+$0x2680];
	v15 =	vsub.f32 v17, v15;
	v19 =	vmax.f32 v22, $0.0e+00;
	v22 =	vmax.f32 v23, $0.0e+00  }
0x2b9: {  	v58 =	vld [tilespmem:s15+$0x2C00];
	v14 =	vmax.f32 v14, $0.0e+00;
	v30 =	vmul.f32 v22, v19;
	v18 =	vsub.f32 v18, v28  }
0x2ba: {  	v43 =	vld [tilespmem:s15+$0x3180];
	v16 =	vmax.f32 v16, $0.0e+00;
	v17 =	vmax.f32 v20, $0.0e+00;
	v15 =	vmax.f32 v15, $0.0e+00  }
0x2bb: {  	v26 =	vld [tilespmem:s15+$0x3710];
	v37 =	vmul.f32 v17, v16;
	v13 =	vsub.f32 v13, v30;
	v18 =	vadd.f32 $9.999999710e-10, v18  }
0x2bc: {  	v29 =	vld [tilespmem:s15+$0x2130];
	v41 =	vmin.f32 v9, v33;
	v17 =	vadd.f32 v31, v5;
	v15 =	vmul.f32 v15, v14  }
0x2bd: {  	v23 =	vld [tilespmem:s15+$0x2120];
	v12 =	vsub.f32 v12, v37;
	v13 =	vadd.f32 $9.999999710e-10, v13;
	(erf) = vrcp.f32 v18  }
0x2be: {  	v44 =	vmin.f32 v9, v36;
	v60 =	vmax.f32 v7, v39;
	v33 =	vmax.f32 v8, v40;
	v25 =	vld [tilespmem:s15+$0x2C20]  }
0x2bf: {  	v31 =	vld [tilespmem:s15+$0x2110];
	v17 =	vsub.f32 v17, v15;
	v19 =	vadd.f32 $9.999999710e-10, v12;
	(erf) = vrcp.f32 v13  }
0x2c0: {  	v36 =	vmin.f32 v10, v43;
	v16 =	vor.u32 s4, v4;
	v14 =	vor.u32 s8, v4;
	v22 =	vld [tilespmem:s15+$0x26A0]  }
0x2c1: {  	v21 =	vld [tilespmem:s15+$0x3700];
	v16 =	vcvt.s32.f32 v16;
	v20 =	vadd.f32 $9.999999710e-10, v17;
	(erf) = vrcp.f32 v19  }
0x2c2: {  	v27 =	vld [tilespmem:s15+$0x26B0];
	v14 =	vcvt.s32.f32 v14;
	v17 =	vadd.f32 v26, v5;
	v26 =	vmax.f32 v7, v29  }
0x2c3: {  	v24 =	vld [tilespmem:s15+$0x31B0];
	v23 =	vmax.f32 v7, v23;
	v25 =	vmin.f32 v9, v25;
	(erf) = vrcp.f32 v20  }
0x2c4: {  	v34 =	vld [tilespmem:s15+$0x31A0];
	v31 =	vmax.f32 v7, v31;
	v26 =	vsub.f32 v41, v26;
	v18 =	vor.u32 s10, v4  }
0x2c5: {  	v38 =	vld [tilespmem:s15+$0x3190];
	v22 =	vmax.f32 v8, v22;
	v31 =	vsub.f32 v44, v31;
	v13 =	vor.u32 s7, v4  }
0x2c6: {  	v12 =	vcvt.s32.f32 v18;
	v18 =	vcvt.s32.f32 v13;
	v13 =	vadd.f32 v32, v5;
	v29 =	vpop (erf)  }
0x2c7: {  	v19 =	vmax.f32 v8, v27;
	v27 =	vmax.f32 v8, v35;
	v59 =	vmul.f32 v29, v28;
	v29 =	vld [tilespmem:s16+$0x4210]  }
0x2c8: {  	v32 =	vmin.f32 v9, v58;
	v20 =	vadd.f32 v21, v5;
	v21 =	vmin.f32 v10, v24;
	v61 =	vpop (erf)  }
0x2c9: {  	v24 =	vmin.f32 v10, v34;
	v62 =	vmul.f32 v61, v30;
	v30 =	vld [tilespmem:s16+$0x4220];
	vm12 =	vgt.f32 v59, $5.000000000e-01  }
0x2ca: {  	s13 =	sadd.s32 $0x1, s13;
	v35 =	vsub.f32 v32, v60;
	v28 =	vmin.f32 v10, v38;
	v63 =	vpop (erf);
	v34 =	vsel vm12, $0xBF800000, v42  }
0x2cb: {  	s17 =	smov.u32 s4;
	s18 =	simm.s32 $0x4;
	s19 =	simm.s32 $0x200;
	v32 =	vld [tilespmem:s16+$0x4230];
	v37 =	vmul.f32 v63, v37;
	vm13 =	vgt.f32 v62, $5.000000000e-01;
	[tilespmem:s16+$0x4200] =	vst v34;
	vm12 =	vgt.f32 v34, v11  }
.LBB2_19:
0x2cc: {  	s20 =	sshra.s32 s19, $0x2;
	v38 =	vld [tilespmem:s15+$0x3730];
	v11 =	vsel vm12, v34, v11;
	v6 =	vsel vm12, v16, v6;
	v16 =	vsel vm13, $0xBF800000, v29;
	v29 =	vpop (erf)  }
0x2cd: {  	v34 =	vld [tilespmem:s20+$0x3720];
	[tilespmem:s16+$0x4210] =	vst v16;
	vm12 =	vgt.f32 v16, v11;
	vm13 =	vgt.f32 v37, $5.000000000e-01;
	v15 =	vmul.f32 v29, v15  }
0x2ce: {  	v29 =	vld [tilespmem:s20+$0x3710];
	v11 =	vsel vm12, v16, v11;
	v6 =	vsel vm12, v18, v6;
	v16 =	vsel vm13, $0xBF800000, v30  }
0x2cf: {  	v18 =	vsub.f32 v36, v33;
	v30 =	vld [tilespmem:s20+$0x2130];
	[tilespmem:s16+$0x4220] =	vst v16;
	vm12 =	vgt.f32 v16, v11;
	vm13 =	vgt.f32 v15, $5.000000000e-01  }
0x2d0: {  	v33 =	vld [tilespmem:s20+$0x26B0];
	v11 =	vsel vm12, v16, v11;
	v6 =	vsel vm12, v14, v6;
	v14 =	vsel vm13, $0xBF800000, v32  }
0x2d1: {  	v15 =	vmax.f32 v35, $0.0e+00;
	v16 =	vsub.f32 v28, v27;
	v32 =	vld [tilespmem:s20+$0x2C30];
	[tilespmem:s16+$0x4230] =	vst v14;
	vm12 =	vgt.f32 v14, v11;
	s16 =	smov.u32 s15;
	s15 =	smov.u32 s20  }
0x2d2: {  	v18 =	vmax.f32 v18, $0.0e+00;
	v27 =	vld [tilespmem:s15+$0x31B0];
	v11 =	vsel vm12, v14, v11;
	v6 =	vsel vm12, v12, v6  }
0x2d3: {  	v35 =	vmul.f32 v18, v15;
	v12 =	vsub.f32 v25, v23;
	v14 =	vsub.f32 v21, v19;
	v28 =	vld [tilespmem:s15+$0x3700]  }
0x2d4: {  	v15 =	vmax.f32 v31, $0.0e+00;
	v18 =	vsub.f32 v24, v22;
	v16 =	vmax.f32 v16, $0.0e+00;
	v21 =	vld [tilespmem:s15+$0x2120]  }
0x2d5: {  	v19 =	vsub.f32 v20, v35;
	v31 =	vmul.f32 v16, v15;
	v15 =	vmax.f32 v26, $0.0e+00;
	v22 =	vld [tilespmem:s15+$0x26A0]  }
0x2d6: {  	v16 =	vmax.f32 v18, $0.0e+00;
	v12 =	vmax.f32 v12, $0.0e+00;
	v14 =	vmax.f32 v14, $0.0e+00;
	v24 =	vld [tilespmem:s15+$0x2C20]  }
0x2d7: {  	s17 =	sadd.s32 $0x40, s17;
	v18 =	vadd.f32 $9.999999710e-10, v19;
	v17 =	vsub.f32 v17, v31;
	v37 =	vmul.f32 v16, v12;
	v26 =	vld [tilespmem:s15+$0x31A0]  }
0x2d8: {  	v12 =	vor.u32 s17, v4;
	v15 =	vmul.f32 v14, v15;
	v14 =	vadd.f32 v38, v5;
	v36 =	vld [tilespmem:s15+$0x2110]  }
0x2d9: {  	s21 =	sadd.s32 $0x30, s17;
	s20 =	sadd.s32 $0x20, s17;
	v17 =	vadd.f32 $9.999999710e-10, v17;
	v13 =	vsub.f32 v13, v37;
	v38 =	vld [tilespmem:s15+$0x2690];
	(erf) = vrcp.f32 v18  }
0x2da: {  	v16 =	vcvt.s32.f32 v12;
	v12 =	vor.u32 s20, v4;
	v18 =	vor.u32 s21, v4;
	v39 =	vld [tilespmem:s15+$0x2C10]  }
0x2db: {  	s20 =	sadd.s32 $0x10, s17;
	v19 =	vsub.f32 v14, v15;
	v13 =	vadd.f32 $9.999999710e-10, v13;
	v40 =	vld [tilespmem:s15+$0x3190];
	(erf) = vrcp.f32 v17  }
0x2dc: {  	v14 =	vcvt.s32.f32 v12;
	v12 =	vcvt.s32.f32 v18;
	v17 =	vor.u32 s20, v4;
	v41 =	vld [tilespmem:s15+$0x2100]  }
0x2dd: {  	v20 =	vadd.f32 $9.999999710e-10, v19;
	v18 =	vcvt.s32.f32 v17;
	v42 =	vld [tilespmem:s15+$0x2680];
	(erf) = vrcp.f32 v13  }
0x2de: {  	v30 =	vmax.f32 v7, v30;
	v17 =	vadd.f32 v29, v5;
	v13 =	vadd.f32 v34, v5;
	v43 =	vld [tilespmem:s15+$0x2C00]  }
0x2df: {  	v32 =	vmin.f32 v9, v32;
	v19 =	vmax.f32 v8, v33;
	v34 =	vld [tilespmem:s15+$0x3180];
	(erf) = vrcp.f32 v20  }
0x2e0: {  	v23 =	vmax.f32 v7, v21;
	v21 =	vmin.f32 v10, v27;
	v20 =	vadd.f32 v28, v5  }
0x2e1: {  	s18 =	sadd.s32 $0x4, s18;
	v22 =	vmax.f32 v8, v22;
	v25 =	vmin.f32 v9, v24;
	v24 =	vmin.f32 v10, v26;
	v44 =	vld [tilespmem:s16+$0x4200]  }
0x2e2: {  	p2 =	slt.u32 s18, $0x4C;
	v45 =	vmax.f32 v7, v36;
	v27 =	vmax.f32 v8, v38;
	v38 =	vmin.f32 v9, v39;
	v26 =	vpop (erf)  }
.Ltmp9:
0x2e3: {  	v28 =	vmin.f32 v10, v40;
	v39 =	vmax.f32 v7, v41;
	v35 =	vmul.f32 v26, v35;
	v29 =	vld [tilespmem:s16+$0x4210];
	(pc) =	sbr.rel @p2 .LBB2_19-.Ltmp9, $4  }
0x2e4: {  	v33 =	vmax.f32 v8, v42;
	v40 =	vmin.f32 v9, v43;
	v36 =	vmin.f32 v10, v34;
	v34 =	vpop (erf)  }
0x2e5: {  	v26 =	vsub.f32 v32, v30;
	vm12 =	vgt.f32 v35, $5.000000000e-01;
	v32 =	vmul.f32 v34, v31;
	v30 =	vld [tilespmem:s16+$0x4220]  }
0x2e6: {  	v35 =	vsub.f32 v40, v39;
	v31 =	vsub.f32 v38, v45;
	v34 =	vsel vm12, $0xBF800000, v44;
	v38 =	vpop (erf)  }
0x2e7: {  	s19 =	sadd.s32 $0x100, s19;
	[tilespmem:s16+$0x4200] =	vst v34;
	vm12 =	vgt.f32 v34, v11;
	vm13 =	vgt.f32 v32, $5.000000000e-01;
	v37 =	vmul.f32 v38, v37;
	v32 =	vld [tilespmem:s16+$0x4230]  }
0x2e8: {  	v7 =	vsub.f32 v36, v33  }
0x2e9: {  	v8 =	vmax.f32 v35, $0.0e+00  }
0x2ea: {  	v9 =	vsub.f32 v28, v27;
	v10 =	vsub.f32 v25, v23;
	v7 =	vmax.f32 v7, $0.0e+00  }
0x2eb: {  	v27 =	vld [tilespmem:s15+$0x3730];
	v28 =	vmax.f32 v31, $0.0e+00;
	v22 =	vsub.f32 v24, v22;
	v7 =	vmul.f32 v7, v8  }
0x2ec: {  	v19 =	vsub.f32 v21, v19;
	v9 =	vmax.f32 v9, $0.0e+00;
	v10 =	vmax.f32 v10, $0.0e+00  }
0x2ed: {  	v31 =	vmax.f32 v22, $0.0e+00;
	v9 =	vmul.f32 v9, v28;
	v20 =	vsub.f32 v20, v7  }
0x2ee: {  	v33 =	vmax.f32 v26, $0.0e+00;
	v10 =	vmul.f32 v31, v10  }
0x2ef: {  	v19 =	vmax.f32 v19, $0.0e+00;
	v17 =	vsub.f32 v17, v9;
	v20 =	vadd.f32 $9.999999710e-10, v20  }
0x2f0: {  	v19 =	vmul.f32 v19, v33;
	v5 =	vadd.f32 v27, v5;
	v13 =	vsub.f32 v13, v10  }
0x2f1: {  	v17 =	vadd.f32 $9.999999710e-10, v17;
	(erf) = vrcp.f32 v20  }
0x2f2: {  	v13 =	vadd.f32 $9.999999710e-10, v13;
	v5 =	vsub.f32 v5, v19  }
0x2f3: {  	v35 =	vpop (erf);
	(erf) = vrcp.f32 v17  }
0x2f4: {  	v8 =	vmul.f32 v35, v15;
	v5 =	vadd.f32 $9.999999710e-10, v5;
	(erf) = vrcp.f32 v13  }
0x2f5: {  	v11 =	vsel vm12, v34, v11;
	v36 =	vsel vm13, $0xBF800000, v29;
	vm14 =	vgt.f32 v37, $5.000000000e-01  }
0x2f6: {  	[tilespmem:s16+$0x4210] =	vst v36;
	v37 =	vsel vm14, $0xBF800000, v30;
	vm13 =	vgt.f32 v8, $5.000000000e-01;
	(erf) = vrcp.f32 v5  }
0x2f7: {  	vm14 =	vgt.f32 v36, v11;
	[tilespmem:s16+$0x4220] =	vst v37;
	v8 =	vsel vm13, $0xBF800000, v32  }
0x2f8: {  	s29 =	sadd.s32 $0x40, s17;
	v11 =	vsel vm14, v36, v11;
	[tilespmem:s16+$0x4230] =	vst v8  }
0x2f9: {  	v6 =	vsel vm12, v16, v6;
	v39 =	vor.u32 s29, v4;
	s18 =	sadd.s32 $0x20, s29;
	vm13 =	vgt.f32 v37, v11;
	v5 =	vld [tilespmem:s15+$0x4200]  }
0x2fa: {  	v43 =	vor.u32 s18, v4;
	v6 =	vsel vm14, v18, v6;
	v11 =	vsel vm13, v37, v11;
	v38 =	vpop (erf)  }
0x2fb: {  	v6 =	vsel vm13, v14, v6;
	vm12 =	vgt.f32 v8, v11;
	v40 =	vld [tilespmem:s15+$0x4210];
	v7 =	vmul.f32 v38, v7  }
0x2fc: {  	v51 =	vcvt.s32.f32 v43;
	v8 =	vsel vm12, v8, v11;
	v6 =	vsel vm12, v12, v6;
	v41 =	vpop (erf)  }
0x2fd: {  	s17 =	sadd.s32 $0x10, s29;
	v42 =	vld [tilespmem:s15+$0x4220];
	v11 =	vcvt.s32.f32 v39;
	v9 =	vmul.f32 v41, v9;
	v45 =	vpop (erf);
	vm12 =	vgt.f32 v7, $5.000000000e-01  }
0x2fe: {  	v7 =	vor.u32 s17, v4;
	v46 =	vmul.f32 v45, v10;
	v5 =	vsel vm12, $0xBF800000, v5  }
0x2ff: {  	v47 =	vld [tilespmem:s15+$0x4230];
	v49 =	vpop (erf);
	v7 =	vcvt.s32.f32 v7;
	vm13 =	vgt.f32 v9, $5.000000000e-01;
	vm12 =	vgt.f32 v5, v8  }
0x300: {  	v50 =	vmul.f32 v49, v19;
	[tilespmem:s15+$0x4200] =	vst v5;
	v48 =	vsel vm13, $0xBF800000, v40;
	v5 =	vsel vm12, v5, v8  }
0x301: {  	s16 =	sadd.s32 $0x30, s29;
	vm13 =	vgt.f32 v46, $5.000000000e-01;
	v6 =	vsel vm12, v11, v6;
	vm12 =	vgt.f32 v48, v5  }
0x302: {  	v44 =	vor.u32 s16, v4;
	v12 =	vsel vm13, $0xBF800000, v42;
	v5 =	vsel vm12, v48, v5  }
0x303: {  	vm13 =	vgt.f32 v50, $5.000000000e-01;
	v6 =	vsel vm12, v7, v6;
	vm12 =	vgt.f32 v12, v5  }
0x304: {  	v9 =	vsel vm13, $0xBF800000, v47;
	v7 =	vcvt.s32.f32 v44;
	v5 =	vsel vm12, v12, v5  }
0x305: {  	v6 =	vsel vm12, v51, v6;
	vm12 =	vgt.f32 v9, v5  }
0x306: {  	v5 =	vsel vm12, v9, v5;
	v6 =	vsel vm12, v7, v6  }
0x307: {  	v7 =	vperm.xlane v5, v0;
	v52 =	vperm.xlane v6, v0;
	_ =	sdelay $0x1  }
0x308: {  	vm12 =	veq.f32 v7, v5;
	v53 =	vmin.f32 v6, v52  }
0x309: {  	vm13 =	vgt.f32 v7, v5;
	v6 =	vsel vm12, v53, v6  }
0x30a: {  	v5 =	vmax.f32 v5, v7;
	v6 =	vsel vm13, v52, v6  }
0x30b: {  	v7 =	vperm.xlane v5, v1;
	v10 =	vperm.xlane v6, v1;
	_ =	sdelay $0x1  }
0x30c: {  	vm12 =	veq.f32 v7, v5;
	v54 =	vmin.f32 v6, v10  }
0x30d: {  	vm13 =	vgt.f32 v7, v5;
	v6 =	vsel vm12, v54, v6  }
0x30e: {  	v5 =	vmax.f32 v5, v7;
	v6 =	vsel vm13, v10, v6  }
0x30f: {  	v7 =	vperm.xlane v5, v2;
	v10 =	vperm.xlane v6, v2;
	_ =	sdelay $0x1  }
0x310: {  	vm12 =	veq.f32 v7, v5;
	v55 =	vmin.f32 v6, v10  }
0x311: {  	vm13 =	vgt.f32 v7, v5;
	v6 =	vsel vm12, v55, v6  }
0x312: {  	v5 =	vmax.f32 v5, v7;
	v6 =	vsel vm13, v10, v6  }
0x313: {  	v7 =	vperm.xlane v5, v3;
	v10 =	vperm.xlane v6, v3;
	_ =	sdelay $0x1  }
0x314: {  	vm12 =	veq.f32 v7, v5;
	v56 =	vmin.f32 v6, v10  }
0x315: {  	vm13 =	vgt.f32 v7, v5;
	v6 =	vsel vm12, v56, v6  }
0x316: {  	v6 =	vsel vm13, v10, v6  }
0x317: {  	(v2sf) =	vpush v6, $0x0;
	_ =	sdelay $0xe  }
0x318: {  	s30 =	spop (v2sf)  }
0x319: {  	s16 =	scvt.f32.s32 s30;
	_ =	sdelay $0x1  }
0x31a: {  	[tilespmem:s15+$0x4210] =	vst v48;
	s17 =	ssub.s32 s16, s4;
	p2 =	sgt.s32 s6, s16  }
0x31b: {  	[tilespmem:s15+$0x4220] =	vst v12;
	p3 =	sge.s32 s16, s4;
	s17 =	simm.s32 @!p2 $0x0  }
0x31c: {  	[tilespmem:s15+$0x4230] =	vst v9;
	s17 =	simm.s32 @!p3 $0x0  }
0x31d: {  	v8 =	vld.msk [tilespmem:s17+$0x1600 ss:$0x0], $0xffff  }
0x31e: {  	v9 =	vld.msk [tilespmem:s17+$0x1080 ss:$0x0], $0xffff  }
0x31f: {  	v57 =	vld.msk [tilespmem:s17+$0xB00 ss:$0x0], $0xffff  }
0x320: {  	v58 =	vld.msk [tilespmem:s17+$0x580 ss:$0x0], $0xffff  }
0x321: {  	v12 =	vld.msk [tilespmem:s17+$0x0 ss:$0x0], $0xffff  }
0x322: {  	v59 =	vld.msk [tilespmem:s17+$0x3700 ss:$0x0], $0xffff;
	v8 =	vnsel vm1, $0x0, v8  }
0x323: {  	v60 =	vld.msk [tilespmem:s17+$0x3180 ss:$0x0], $0xffff;
	v8 =	vsel vm2, v8, v9  }
0x324: {  	v61 =	vld.msk [tilespmem:s17+$0x2C00 ss:$0x0], $0xffff;
	v8 =	vsel vm3, v8, v57  }
0x325: {  	v62 =	vld.msk [tilespmem:s17+$0x2680 ss:$0x0], $0xffff;
	v8 =	vsel vm4, v8, v58  }
0x326: {  	v63 =	vld.msk [tilespmem:s17+$0x2100 ss:$0x0], $0xffff;
	v8 =	vsel vm5, v8, v12  }
0x327: {  	v8 =	vsel vm6, v8, v59  }
0x328: {  	v8 =	vsel vm7, v8, v60  }
0x329: {  	v8 =	vsel vm8, v8, v61  }
0x32a: {  	v8 =	vsel vm9, v8, v62  }
0x32b: {  	v8 =	vsel vm10, v8, v63  }
0x32c: {  	s31 =	sshll.u32 s13, $0x8;
	v5 =	vmax.f32 v5, v7;
	v6 =	vsel vm11, v8, v6  }
0x32d: {  	s15 =	sand.u32 $0x100, s31;
	v5 =	vsel vm0, v5, v6  }
0x32e: {  	s15 =	sadd.s32 s15, s5;
	[tilespmem:$0x4780] =	vst v5  }
0x32f: {  	[spmem:s15] =	stream.linear.scatter [tilespmem:s11], [sflag:$0x1], $0x10, $0x38;
	[tilespmem:$0x4B20] =	vst v63  }
0x330: {  	s15 =	simm.s32 $0x1  }
0x331: {  	s15 =	simm.s32 @!p1 $0x0;
	p1 =	sne.s32 s13, $0xF  }
.Ltmp10:
0x332: {  	_ =	swait.ge [sflag:s12], $0x10;
	(pc) =	sbr.rel @p1 .LBB2_16-.Ltmp10, $4  }
0x333: {  	[sflag:s12] =	ssyncset.done $0x0  }
0x334: {  	[sflag:s12] =	ssyncadd.s32 $0xFFFFFFF0  }
0x335: {  	[bflag:$0x0] =	sbarrier.arrive $0xFFFF  }
0x336: {  	s9 =	sadd.s32 s15, s9  }
0x337: {  	s3 =	simm.s32 @!p0 $0x0;
	s4 =	simm.s32 @!p0 $0x4900  }
0x338: {  	[hbm4b:s1+s3] =	stream.linear.scatter @!p0 [tilespmem:s4], [sflag:$0x1], $0x200, $0x38;
	[tilespmem:$0x4B20] =	vst v63  }
0x339: {  	s1 =	simm.s32 @!p0 $0x1  }
0x33a: {  	_ =	swait.ge @!p0 [sflag:s1], $0x200  }
0x33b: {  	[sflag:s1] =	ssyncset.done @!p0 $0x0  }
0x33c: {  	[sflag:s1] =	ssyncadd.s32 @!p0 $0xFFFFFE00  }
.LBB2_22:
0x33d: {  	_ =	sfence.sel $0x180000  }
0x33e: {  	[bflag:$0x0] =	sbarrier.arrive $0xFFFF  }
0x33f: {  	p0 =	sne.s32 s2, $0x0;
	_ =	strace $0x90000047  }
0x340: {  	s0 =	sadd.s32 @!p0 $0x100000, s0;
	[bflag:$0x2] =	sbarrier.arrive $0xFFFF  }
0x341: {  	[sflag:s0] =	ssyncadd.tile.s32 @!p0 $0x1;
	_ =	shalt  }
.Lfunc_end2:
_tile_overlayer_lowered:
.L_overlay_start_2:
0x342: {  	(tag) =	ssettag $0x2  }
0x343: {  	s0 =	rddreg [dreg:$0x0];
	s2 =	stileid.u32  }
0x344: {  	s1 =	rddreg [dreg:$0x1];
	p0 =	sne.s32 s2, $0x0  }
0x345: {  	s3 =	rddreg [dreg:$0x2];
	[bflag:$0x3] =	sbarrier.arrive $0xFFFF;
	s2 =	simm.s32 @!p0 $0x1C01  }
0x346: {  	[timem:s3], [sflag:s2] =	dma.local @!p0 [hbm:s0], s1  }
0x347: {  	s0 =	simm.s32 @!p0 $0x1  }
0x348: {  	_ =	swait.ge @!p0 [sflag:s0], s1  }
0x349: {  	s1 =	ssub.s32 @!p0 $0x0, s1;
	[sflag:s0] =	ssyncset.done @!p0 $0x0  }
0x34a: {  	[sflag:s0] =	ssyncadd.s32 @!p0 s1  }
0x34b: {  	[bflag:$0x3] =	sbarrier.arrive $0xFFFF  }
0x34c: {  	_ =	shalt  }

</sc_bundles>
